<compile_context>
chip_gen: v7x
topology: tpu7x:2x2x1
jax: 0.10.2.dev20260603
libtpu: 0.0.44.dev20260713+nightly
codegen_flags: <defaults>
</compile_context>

<pallas_src>
import dataclasses
import functools

import jax
import jax.numpy as jnp
from jax import lax
from jax.experimental import pallas as pl
from jax.experimental.pallas import tpu as pltpu
from jax.experimental.pallas import tpu_sc as plsc

_SMOOTHING = 0.1


def _sc_gather_sums(xt, t):
    n = t.shape[0]
    n_cols = xt.shape[1]
    mesh = plsc.VectorSubcoreMesh(core_axis_name="c", subcore_axis_name="s")
    n_sub = 16
    per = n // (2 * n_sub)
    lanes = 16

    cp = pltpu.CompilerParams()
    if "needs_layout_passes" in pltpu.CompilerParams.__dataclass_fields__:
        cp = dataclasses.replace(cp, needs_layout_passes=False)

    @functools.partial(
        pl.kernel,
        out_type=jax.ShapeDtypeStruct((2 * n_sub, lanes), jnp.float32),
        mesh=mesh,
        compiler_params=cp,
        scratch_types=[
            pltpu.VMEM((per,), jnp.int32),
            pltpu.VMEM((per, n_cols), jnp.float32),
            pltpu.VMEM((lanes,), jnp.float32),
        ],
    )
    def gather_kernel(xt_hbm, t_hbm, o_hbm, t_v, rows_v, acc_v):
        cid = lax.axis_index("c")
        sid = lax.axis_index("s")
        wid = cid * n_sub + sid
        base = wid * per
        pltpu.sync_copy(t_hbm.at[pl.ds(base, per)], t_v)
        pltpu.sync_copy(xt_hbm.at[t_v], rows_v)
        iota = lax.iota(jnp.int32, lanes)
        acc = jnp.zeros((lanes,), jnp.float32)
        for g in range(per // lanes):
            j_idx = iota + g * lanes
            col_idx = j_idx + base
            acc = acc + plsc.load_gather(rows_v, [j_idx, col_idx])
        acc_v[...] = jnp.full((lanes,), jnp.sum(acc), jnp.float32)
        pltpu.sync_copy(acc_v, o_hbm.at[wid])

    return gather_kernel(xt, t)


def _tc_sum(xt):
    n_cols, n_rows = xt.shape
    br = 1000
    steps = n_cols // br
    nb = 8

    def body(x_hbm, o_ref, bufs, sems):
        def mk(i, b):
            return pltpu.make_async_copy(
                x_hbm.at[pl.ds(i * br, br), :], bufs.at[b], sems.at[b]
            )

        for b in range(nb):
            mk(b, b).start()
        s = jnp.float32(0.0)
        for i in range(steps):
            b = i % nb
            mk(i, b).wait()
            s = s + jnp.sum(bufs[b])
            if i + nb < steps:
                mk(i + nb, b).start()
        o_ref[0] = s

    return pl.pallas_call(
        body,
        in_specs=[pl.BlockSpec(memory_space=pl.ANY)],
        out_specs=pl.BlockSpec(memory_space=pltpu.SMEM),
        out_shape=jax.ShapeDtypeStruct((1,), jnp.float32),
        scratch_shapes=[
            pltpu.VMEM((nb, br, n_rows), jnp.float32),
            pltpu.SemaphoreType.DMA((nb,)),
        ],
        compiler_params=pltpu.CompilerParams(vmem_limit_bytes=50 * 1024 * 1024),
    )(xt)


def kernel(input, target):
    n_rows, n_cols = input.shape
    t32 = target.astype(jnp.int32)
    xt = input.T
    tsums = _tc_sum(xt)
    lsums = _sc_gather_sums(xt, t32)
    l_sum = jnp.sum(lsums[:, 0])
    total = tsums[0]
    return (_SMOOTHING - 1.0) * l_sum - _SMOOTHING * total / (n_rows * n_cols)

# --- scband reference (transcript-rebuilt; emitter-appended) ---
"""Pipeline reference for scband-label-smoothing-88630945120912 (READ-ONLY COPY).

The authoritative reference and input builder live on the scoring server;
editing this copy changes nothing except your own understanding.
"""

import jax, jax.numpy as jnp
import numpy as np

SMOOTHING = 0.1

def setup_inputs(seed: int = 0) -> dict:
    key = jax.random.key(seed)
    k1, k2 = jax.random.split(key)
    inp = jax.random.normal(k1, (1024, 100000), dtype=jnp.float32)
    target = jax.random.randint(k2, (1024,), 0, 100000, dtype=jnp.int64 if jax.config.jax_enable_x64 else jnp.int32).astype(jnp.int32)
    return {"input": inp, "target": target}

def reference(input, target):
    # l = gather(input, dim=-1, index=target.unsqueeze(-1))
    l = jnp.take_along_axis(input, target[:, None].astype(jnp.int32), axis=-1)
    return (SMOOTHING - 1.0) * l.sum() - SMOOTHING * input.mean()

if __name__ == "__main__":
    import jax
    _d = setup_inputs()
    print(jax.jit(kernel)(*tuple(_d.values())))

</pallas_src>

<mosaic_0001>
#map = affine_map<(d0, d1) -> (0, 0)>
#map1 = affine_map<(d0, d1) -> (0)>
module attributes {stable_mosaic.version = 14 : i64} {
  func.func @gather_kernel(%arg0: i32, %arg1: i32, %arg2: memref<100000x1024xf32, #tpu.memory_space<hbm>>, %arg3: memref<1024xi32, #tpu.memory_space<hbm>>, %arg4: memref<32x16xf32, #tpu.memory_space<hbm>>, %arg5: memref<32xi32, #tpu.memory_space<vmem>>, %arg6: memref<32x1024xf32, #tpu.memory_space<vmem>>, %arg7: memref<16xf32, #tpu.memory_space<vmem>>) attributes {dimension_semantics = [#tpu.dimension_semantics<core_parallel>, #tpu.dimension_semantics<subcore_parallel>], iteration_bounds = array<i64: 2, 16>, scalar_prefetch = 0 : i64, scratch_operands = 3 : i64, tpu.core_type = #tpu.core_type<sc_vector_subcore>, window_params = [{transform_indices = #map}, {transform_indices = #map1}, {transform_indices = #map}]} {
    %mul3A = arith.constant 16 : i32
    %mul3A_0 = arith.muli %arg0, %mul3A : i32
    %add3A = arith.addi %mul3A_0, %arg1 : i32
    %mul3A_1 = arith.constant 32 : i32
    %mul3A_2 = arith.muli %add3A, %mul3A_1 : i32
    "tpu.region"() ({
      %run_scoped3A = tpu.sem_alloc : memref<!tpu.dma_semaphore, #tpu.memory_space<semaphore_mem>>
      %dma_start3A = tpu.memref_slice %arg3[%mul3A_2] : memref<1024xi32, #tpu.memory_space<hbm>> -> memref<32xi32, #tpu.memory_space<hbm>>
      %dma_start3A_22 = tpu.memref_slice %arg3[%mul3A_2] : memref<1024xi32, #tpu.memory_space<hbm>> -> memref<32xi32, #tpu.memory_space<hbm>>
      tpu.enqueue_dma source(%dma_start3A_22 : memref<32xi32, #tpu.memory_space<hbm>>) target(%arg5 : memref<32xi32, #tpu.memory_space<vmem>>) target_semaphore(%run_scoped3A : memref<!tpu.dma_semaphore, #tpu.memory_space<semaphore_mem>>)
      %dma_wait3A = tpu.memref_slice %arg3[%mul3A_2] : memref<1024xi32, #tpu.memory_space<hbm>> -> memref<32xi32, #tpu.memory_space<hbm>>
      %dma_wait3A_23 = tpu.memref_slice %arg3[%mul3A_2] : memref<1024xi32, #tpu.memory_space<hbm>> -> memref<32xi32, #tpu.memory_space<hbm>>
      tpu.wait_dma2 semaphore(%run_scoped3A : memref<!tpu.dma_semaphore, #tpu.memory_space<semaphore_mem>>) src(%dma_wait3A_23 : memref<32xi32, #tpu.memory_space<hbm>>) dst(%arg5 : memref<32xi32, #tpu.memory_space<vmem>>)
      tpu.yield
    }) : () -> ()
    "tpu.region"() ({
      %run_scoped3A = tpu.sem_alloc : memref<!tpu.dma_semaphore, #tpu.memory_space<semaphore_mem>>
      %dma_start3A = arith.constant 0 : i32
      %dma_start3A_22 = arith.constant 0 : i32
      %dma_start3A_23 = tpu.memref_slice %arg2[%dma_start3A, %dma_start3A_22] : memref<100000x1024xf32, #tpu.memory_space<hbm>> -> memref<100000x1024xf32, #tpu.memory_space<hbm>>
      tpu.enqueue_indirect_dma source(%dma_start3A_23 : memref<100000x1024xf32, #tpu.memory_space<hbm>>) target(%arg6 : memref<32x1024xf32, #tpu.memory_space<vmem>>) offsets(%arg5 : memref<32xi32, #tpu.memory_space<vmem>>) semaphore(%run_scoped3A : memref<!tpu.dma_semaphore, #tpu.memory_space<semaphore_mem>>)
      %dma_wait3A = arith.constant 0 : i32
      %dma_wait3A_24 = arith.constant 0 : i32
      %dma_wait3A_25 = tpu.memref_slice %arg2[%dma_wait3A, %dma_wait3A_24] : memref<100000x1024xf32, #tpu.memory_space<hbm>> -> memref<100000x1024xf32, #tpu.memory_space<hbm>>
      tpu.wait_indirect_dma semaphore(%run_scoped3A : memref<!tpu.dma_semaphore, #tpu.memory_space<semaphore_mem>>) src(%dma_wait3A_25 : memref<100000x1024xf32, #tpu.memory_space<hbm>>) dst(%arg6 : memref<32x1024xf32, #tpu.memory_space<vmem>>)
      tpu.yield
    }) : () -> ()
    %iota3A = tpu.iota {dimensions = array<i32: 0>} : vector<16xi32>
    %broadcast_in_dim3A = arith.constant 0.000000e+00 : f32
    %broadcast_in_dim3A_3 = vector.broadcast %broadcast_in_dim3A : f32 to vector<16xf32>
    %add3A_4 = arith.constant 0 : i32
    %add3A_5 = vector.broadcast %add3A_4 : i32 to vector<16xi32>
    %add3A_6 = arith.addi %iota3A, %add3A_5 : vector<16xi32>
    %add3A_7 = vector.broadcast %mul3A_2 : i32 to vector<16xi32>
    %add3A_8 = arith.addi %add3A_6, %add3A_7 : vector<16xi32>
    %gather3A = tpu.vector_load_idx %arg6[%add3A_6, %add3A_8] : memref<32x1024xf32, #tpu.memory_space<vmem>>[vector<16xi32>, vector<16xi32>], vector<16xf32>,
    %add3A_9 = arith.addf %broadcast_in_dim3A_3, %gather3A : vector<16xf32>
    %add3A_10 = arith.constant 16 : i32
    %add3A_11 = vector.broadcast %add3A_10 : i32 to vector<16xi32>
    %add3A_12 = arith.addi %iota3A, %add3A_11 : vector<16xi32>
    %add3A_13 = vector.broadcast %mul3A_2 : i32 to vector<16xi32>
    %add3A_14 = arith.addi %add3A_12, %add3A_13 : vector<16xi32>
    %gather3A_15 = tpu.vector_load_idx %arg6[%add3A_12, %add3A_14] : memref<32x1024xf32, #tpu.memory_space<vmem>>[vector<16xi32>, vector<16xi32>], vector<16xf32>,
    %add3A_16 = arith.addf %add3A_9, %gather3A_15 : vector<16xf32>
    %reduce_sum3A = arith.constant true
    %reduce_sum3A_17 = vector.broadcast %reduce_sum3A : i1 to vector<16xi1>
    %reduce_sum3A_18 = tpu.scan <sum>, %add3A_16 masked %reduce_sum3A_17 : vector<16xf32>, vector<16xi1> -> vector<16xf32>
    %reduce_sum3A_19 = vector.extract %reduce_sum3A_18[15] : f32 from vector<16xf32>
    %broadcast_in_dim3A_20 = vector.broadcast %reduce_sum3A_19 : f32 to vector<16xf32>
    %swap3A = arith.constant 0 : index
    %swap3A_21 = tpu.vector_load %arg7[%swap3A] {strides = array<i32>} : memref<16xf32, #tpu.memory_space<vmem>>, vector<16xf32>,
    tpu.vector_store %arg7[%swap3A], %broadcast_in_dim3A_20 {strides = array<i32>} : memref<16xf32, #tpu.memory_space<vmem>>, vector<16xf32>,
    "tpu.region"() ({
      %run_scoped3A = tpu.sem_alloc : memref<!tpu.dma_semaphore, #tpu.memory_space<semaphore_mem>>
      %dma_start3A = arith.constant 0 : i32
      %dma_start3A_22 = tpu.memref_slice %arg4[%add3A, %dma_start3A] : memref<32x16xf32, #tpu.memory_space<hbm>> -> memref<1x16xf32, #tpu.memory_space<hbm>>
      %dma_start3A_23 = tpu.memref_squeeze %dma_start3A_22 : memref<1x16xf32, #tpu.memory_space<hbm>> -> memref<16xf32, #tpu.memory_space<hbm>>
      %dma_start3A_24 = arith.constant 0 : i32
      %dma_start3A_25 = tpu.memref_slice %arg4[%add3A, %dma_start3A_24] : memref<32x16xf32, #tpu.memory_space<hbm>> -> memref<1x16xf32, #tpu.memory_space<hbm>>
      %dma_start3A_26 = tpu.memref_squeeze %dma_start3A_25 : memref<1x16xf32, #tpu.memory_space<hbm>> -> memref<16xf32, #tpu.memory_space<hbm>>
      tpu.enqueue_dma source(%arg7 : memref<16xf32, #tpu.memory_space<vmem>>) target(%dma_start3A_26 : memref<16xf32, #tpu.memory_space<hbm>>) target_semaphore(%run_scoped3A : memref<!tpu.dma_semaphore, #tpu.memory_space<semaphore_mem>>)
      %dma_wait3A = arith.constant 0 : i32
      %dma_wait3A_27 = tpu.memref_slice %arg4[%add3A, %dma_wait3A] : memref<32x16xf32, #tpu.memory_space<hbm>> -> memref<1x16xf32, #tpu.memory_space<hbm>>
      %dma_wait3A_28 = tpu.memref_squeeze %dma_wait3A_27 : memref<1x16xf32, #tpu.memory_space<hbm>> -> memref<16xf32, #tpu.memory_space<hbm>>
      %dma_wait3A_29 = arith.constant 0 : i32
      %dma_wait3A_30 = tpu.memref_slice %arg4[%add3A, %dma_wait3A_29] : memref<32x16xf32, #tpu.memory_space<hbm>> -> memref<1x16xf32, #tpu.memory_space<hbm>>
      %dma_wait3A_31 = tpu.memref_squeeze %dma_wait3A_30 : memref<1x16xf32, #tpu.memory_space<hbm>> -> memref<16xf32, #tpu.memory_space<hbm>>
      tpu.wait_dma2 semaphore(%run_scoped3A : memref<!tpu.dma_semaphore, #tpu.memory_space<semaphore_mem>>) src(%arg7 : memref<16xf32, #tpu.memory_space<vmem>>) dst(%dma_wait3A_31 : memref<16xf32, #tpu.memory_space<hbm>>)
      tpu.yield
    }) : () -> ()
    return
  }
}

module attributes {stable_mosaic.version = 14 : i64} {
  func.func @body(%arg0: memref<100000x1024xf32, #tpu.memory_space<any>>, %arg1: memref<1xf32, #tpu.memory_space<smem>>, %arg2: memref<8x1000x1024xf32, #tpu.memory_space<vmem>>, %arg3: memref<8x!tpu.dma_semaphore, #tpu.memory_space<semaphore_mem>>) attributes {dimension_semantics = [], scalar_prefetch = 0 : i64, scratch_operands = 2 : i64, tpu.core_type = #tpu.core_type<tc>} {
    %dma_start3A = arith.constant 0 : i32
    %dma_start3A_0 = arith.constant 0 : i32
    %dma_start3A_1 = tpu.memref_slice %arg3[%dma_start3A_0] : memref<8x!tpu.dma_semaphore, #tpu.memory_space<semaphore_mem>> -> memref<1x!tpu.dma_semaphore, #tpu.memory_space<semaphore_mem>>
    %dma_start3A_2 = tpu.memref_squeeze %dma_start3A_1 : memref<1x!tpu.dma_semaphore, #tpu.memory_space<semaphore_mem>> -> memref<!tpu.dma_semaphore, #tpu.memory_space<semaphore_mem>>
    %dma_start3A_3 = arith.constant 0 : i32
    %dma_start3A_4 = arith.constant 0 : i32
    %dma_start3A_5 = tpu.memref_slice %arg2[%dma_start3A, %dma_start3A_3, %dma_start3A_4] : memref<8x1000x1024xf32, #tpu.memory_space<vmem>> -> memref<1x1000x1024xf32, #tpu.memory_space<vmem>>
    %dma_start3A_6 = tpu.memref_squeeze %dma_start3A_5 : memref<1x1000x1024xf32, #tpu.memory_space<vmem>> -> memref<1000x1024xf32, #tpu.memory_space<vmem>>
    %dma_start3A_7 = arith.constant 0 : i32
    %dma_start3A_8 = arith.constant 0 : i32
    %dma_start3A_9 = tpu.memref_slice %arg0[%dma_start3A_7, %dma_start3A_8] : memref<100000x1024xf32, #tpu.memory_space<any>> -> memref<1000x1024xf32, #tpu.memory_space<any>>
    tpu.enqueue_dma source(%dma_start3A_9 : memref<1000x1024xf32, #tpu.memory_space<any>>) target(%dma_start3A_6 : memref<1000x1024xf32, #tpu.memory_space<vmem>>) target_semaphore(%dma_start3A_2 : memref<!tpu.dma_semaphore, #tpu.memory_space<semaphore_mem>>)
    %dma_start3A_10 = arith.constant 1 : i32
    %dma_start3A_11 = arith.constant 1 : i32
    %dma_start3A_12 = tpu.memref_slice %arg3[%dma_start3A_11] : memref<8x!tpu.dma_semaphore, #tpu.memory_space<semaphore_mem>> -> memref<1x!tpu.dma_semaphore, #tpu.memory_space<semaphore_mem>>
    %dma_start3A_13 = tpu.memref_squeeze %dma_start3A_12 : memref<1x!tpu.dma_semaphore, #tpu.memory_space<semaphore_mem>> -> memref<!tpu.dma_semaphore, #tpu.memory_space<semaphore_mem>>
    %dma_start3A_14 = arith.constant 0 : i32
    %dma_start3A_15 = arith.constant 0 : i32
    %dma_start3A_16 = tpu.memref_slice %arg2[%dma_start3A_10, %dma_start3A_14, %dma_start3A_15] : memref<8x1000x1024xf32, #tpu.memory_space<vmem>> -> memref<1x1000x1024xf32, #tpu.memory_space<vmem>>
    %dma_start3A_17 = tpu.memref_squeeze %dma_start3A_16 : memref<1x1000x1024xf32, #tpu.memory_space<vmem>> -> memref<1000x1024xf32, #tpu.memory_space<vmem>>
    %dma_start3A_18 = arith.constant 1000 : i32
    %dma_start3A_19 = arith.constant 0 : i32
    %dma_start3A_20 = tpu.memref_slice %arg0[%dma_start3A_18, %dma_start3A_19] : memref<100000x1024xf32, #tpu.memory_space<any>> -> memref<1000x1024xf32, #tpu.memory_space<any>>
    tpu.enqueue_dma source(%dma_start3A_20 : memref<1000x1024xf32, #tpu.memory_space<any>>) target(%dma_start3A_17 : memref<1000x1024xf32, #tpu.memory_space<vmem>>) target_semaphore(%dma_start3A_13 : memref<!tpu.dma_semaphore, #tpu.memory_space<semaphore_mem>>)
    %dma_start3A_21 = arith.constant 2 : i32
    %dma_start3A_22 = arith.constant 2 : i32
    %dma_start3A_23 = tpu.memref_slice %arg3[%dma_start3A_22] : memref<8x!tpu.dma_semaphore, #tpu.memory_space<semaphore_mem>> -> memref<1x!tpu.dma_semaphore, #tpu.memory_space<semaphore_mem>>
    %dma_start3A_24 = tpu.memref_squeeze %dma_start3A_23 : memref<1x!tpu.dma_semaphore, #tpu.memory_space<semaphore_mem>> -> memref<!tpu.dma_semaphore, #tpu.memory_space<semaphore_mem>>
    %dma_start3A_25 = arith.constant 0 : i32
    %dma_start3A_26 = arith.constant 0 : i32
    %dma_start3A_27 = tpu.memref_slice %arg2[%dma_start3A_21, %dma_start3A_25, %dma_start3A_26] : memref<8x1000x1024xf32, #tpu.memory_space<vmem>> -> memref<1x1000x1024xf32, #tpu.memory_space<vmem>>
    %dma_start3A_28 = tpu.memref_squeeze %dma_start3A_27 : memref<1x1000x1024xf32, #tpu.memory_space<vmem>> -> memref<1000x1024xf32, #tpu.memory_space<vmem>>
    %dma_start3A_29 = arith.constant 2000 : i32
    %dma_start3A_30 = arith.constant 0 : i32
    %dma_start3A_31 = tpu.memref_slice %arg0[%dma_start3A_29, %dma_start3A_30] : memref<100000x1024xf32, #tpu.memory_space<any>> -> memref<1000x1024xf32, #tpu.memory_space<any>>
    tpu.enqueue_dma source(%dma_start3A_31 : memref<1000x1024xf32, #tpu.memory_space<any>>) target(%dma_start3A_28 : memref<1000x1024xf32, #tpu.memory_space<vmem>>) target_semaphore(%dma_start3A_24 : memref<!tpu.dma_semaphore, #tpu.memory_space<semaphore_mem>>)
    %dma_start3A_32 = arith.constant 3 : i32
    %dma_start3A_33 = arith.constant 3 : i32
    %dma_start3A_34 = tpu.memref_slice %arg3[%dma_start3A_33] : memref<8x!tpu.dma_semaphore, #tpu.memory_space<semaphore_mem>> -> memref<1x!tpu.dma_semaphore, #tpu.memory_space<semaphore_mem>>
    %dma_start3A_35 = tpu.memref_squeeze %dma_start3A_34 : memref<1x!tpu.dma_semaphore, #tpu.memory_space<semaphore_mem>> -> memref<!tpu.dma_semaphore, #tpu.memory_space<semaphore_mem>>
    %dma_start3A_36 = arith.constant 0 : i32
    %dma_start3A_37 = arith.constant 0 : i32
    %dma_start3A_38 = tpu.memref_slice %arg2[%dma_start3A_32, %dma_start3A_36, %dma_start3A_37] : memref<8x1000x1024xf32, #tpu.memory_space<vmem>> -> memref<1x1000x1024xf32, #tpu.memory_space<vmem>>
    %dma_start3A_39 = tpu.memref_squeeze %dma_start3A_38 : memref<1x1000x1024xf32, #tpu.memory_space<vmem>> -> memref<1000x1024xf32, #tpu.memory_space<vmem>>
    %dma_start3A_40 = arith.constant 3000 : i32
    %dma_start3A_41 = arith.constant 0 : i32
    %dma_start3A_42 = tpu.memref_slice %arg0[%dma_start3A_40, %dma_start3A_41] : memref<100000x1024xf32, #tpu.memory_space<any>> -> memref<1000x1024xf32, #tpu.memory_space<any>>
    tpu.enqueue_dma source(%dma_start3A_42 : memref<1000x1024xf32, #tpu.memory_space<any>>) target(%dma_start3A_39 : memref<1000x1024xf32, #tpu.memory_space<vmem>>) target_semaphore(%dma_start3A_35 : memref<!tpu.dma_semaphore, #tpu.memory_space<semaphore_mem>>)
    %dma_start3A_43 = arith.constant 4 : i32
    %dma_start3A_44 = arith.constant 4 : i32
    %dma_start3A_45 = tpu.memref_slice %arg3[%dma_start3A_44] : memref<8x!tpu.dma_semaphore, #tpu.memory_space<semaphore_mem>> -> memref<1x!tpu.dma_semaphore, #tpu.memory_space<semaphore_mem>>
    %dma_start3A_46 = tpu.memref_squeeze %dma_start3A_45 : memref<1x!tpu.dma_semaphore, #tpu.memory_space<semaphore_mem>> -> memref<!tpu.dma_semaphore, #tpu.memory_space<semaphore_mem>>
    %dma_start3A_47 = arith.constant 0 : i32
    %dma_start3A_48 = arith.constant 0 : i32
    %dma_start3A_49 = tpu.memref_slice %arg2[%dma_start3A_43, %dma_start3A_47, %dma_start3A_48] : memref<8x1000x1024xf32, #tpu.memory_space<vmem>> -> memref<1x1000x1024xf32, #tpu.memory_space<vmem>>
    %dma_start3A_50 = tpu.memref_squeeze %dma_start3A_49 : memref<1x1000x1024xf32, #tpu.memory_space<vmem>> -> memref<1000x1024xf32, #tpu.memory_space<vmem>>
    %dma_start3A_51 = arith.constant 4000 : i32
    %dma_start3A_52 = arith.constant 0 : i32
    %dma_start3A_53 = tpu.memref_slice %arg0[%dma_start3A_51, %dma_start3A_52] : memref<100000x1024xf32, #tpu.memory_space<any>> -> memref<1000x1024xf32, #tpu.memory_space<any>>
    tpu.enqueue_dma source(%dma_start3A_53 : memref<1000x1024xf32, #tpu.memory_space<any>>) target(%dma_start3A_50 : memref<1000x1024xf32, #tpu.memory_space<vmem>>) target_semaphore(%dma_start3A_46 : memref<!tpu.dma_semaphore, #tpu.memory_space<semaphore_mem>>)
    %dma_start3A_54 = arith.constant 5 : i32
    %dma_start3A_55 = arith.constant 5 : i32
    %dma_start3A_56 = tpu.memref_slice %arg3[%dma_start3A_55] : memref<8x!tpu.dma_semaphore, #tpu.memory_space<semaphore_mem>> -> memref<1x!tpu.dma_semaphore, #tpu.memory_space<semaphore_mem>>
    %dma_start3A_57 = tpu.memref_squeeze %dma_start3A_56 : memref<1x!tpu.dma_semaphore, #tpu.memory_space<semaphore_mem>> -> memref<!tpu.dma_semaphore, #tpu.memory_space<semaphore_mem>>
    %dma_start3A_58 = arith.constant 0 : i32
    %dma_start3A_59 = arith.constant 0 : i32
    %dma_start3A_60 = tpu.memref_slice %arg2[%dma_start3A_54, %dma_start3A_58, %dma_start3A_59] : memref<8x1000x1024xf32, #tpu.memory_space<vmem>> -> memref<1x1000x1024xf32, #tpu.memory_space<vmem>>
    %dma_start3A_61 = tpu.memref_squeeze %dma_start3A_60 : memref<1x1000x1024xf32, #tpu.memory_space<vmem>> -> memref<1000x1024xf32, #tpu.memory_space<vmem>>
    %dma_start3A_62 = arith.constant 5000 : i32
    %dma_start3A_63 = arith.constant 0 : i32
    %dma_start3A_64 = tpu.memref_slice %arg0[%dma_start3A_62, %dma_start3A_63] : memref<100000x1024xf32, #tpu.memory_space<any>> -> memref<1000x1024xf32, #tpu.memory_space<any>>
    tpu.enqueue_dma source(%dma_start3A_64 : memref<1000x1024xf32, #tpu.memory_space<any>>) target(%dma_start3A_61 : memref<1000x1024xf32, #tpu.memory_space<vmem>>) target_semaphore(%dma_start3A_57 : memref<!tpu.dma_semaphore, #tpu.memory_space<semaphore_mem>>)
    %dma_start3A_65 = arith.constant 6 : i32
    %dma_start3A_66 = arith.constant 6 : i32
    %dma_start3A_67 = tpu.memref_slice %arg3[%dma_start3A_66] : memref<8x!tpu.dma_semaphore, #tpu.memory_space<semaphore_mem>> -> memref<1x!tpu.dma_semaphore, #tpu.memory_space<semaphore_mem>>
    %dma_start3A_68 = tpu.memref_squeeze %dma_start3A_67 : memref<1x!tpu.dma_semaphore, #tpu.memory_space<semaphore_mem>> -> memref<!tpu.dma_semaphore, #tpu.memory_space<semaphore_mem>>
    %dma_start3A_69 = arith.constant 0 : i32
    %dma_start3A_70 = arith.constant 0 : i32
    %dma_start3A_71 = tpu.memref_slice %arg2[%dma_start3A_65, %dma_start3A_69, %dma_start3A_70] : memref<8x1000x1024xf32, #tpu.memory_space<vmem>> -> memref<1x1000x1024xf32, #tpu.memory_space<vmem>>
    %dma_start3A_72 = tpu.memref_squeeze %dma_start3A_71 : memref<1x1000x1024xf32, #tpu.memory_space<vmem>> -> memref<1000x1024xf32, #tpu.memory_space<vmem>>
    %dma_start3A_73 = arith.constant 6000 : i32
    %dma_start3A_74 = arith.constant 0 : i32
    %dma_start3A_75 = tpu.memref_slice %arg0[%dma_start3A_73, %dma_start3A_74] : memref<100000x1024xf32, #tpu.memory_space<any>> -> memref<1000x1024xf32, #tpu.memory_space<any>>
    tpu.enqueue_dma source(%dma_start3A_75 : memref<1000x1024xf32, #tpu.memory_space<any>>) target(%dma_start3A_72 : memref<1000x1024xf32, #tpu.memory_space<vmem>>) target_semaphore(%dma_start3A_68 : memref<!tpu.dma_semaphore, #tpu.memory_space<semaphore_mem>>)
    %dma_start3A_76 = arith.constant 7 : i32
    %dma_start3A_77 = arith.constant 7 : i32
    %dma_start3A_78 = tpu.memref_slice %arg3[%dma_start3A_77] : memref<8x!tpu.dma_semaphore, #tpu.memory_space<semaphore_mem>> -> memref<1x!tpu.dma_semaphore, #tpu.memory_space<semaphore_mem>>
    %dma_start3A_79 = tpu.memref_squeeze %dma_start3A_78 : memref<1x!tpu.dma_semaphore, #tpu.memory_space<semaphore_mem>> -> memref<!tpu.dma_semaphore, #tpu.memory_space<semaphore_mem>>
    %dma_start3A_80 = arith.constant 0 : i32
    %dma_start3A_81 = arith.constant 0 : i32
    %dma_start3A_82 = tpu.memref_slice %arg2[%dma_start3A_76, %dma_start3A_80, %dma_start3A_81] : memref<8x1000x1024xf32, #tpu.memory_space<vmem>> -> memref<1x1000x1024xf32, #tpu.memory_space<vmem>>
    %dma_start3A_83 = tpu.memref_squeeze %dma_start3A_82 : memref<1x1000x1024xf32, #tpu.memory_space<vmem>> -> memref<1000x1024xf32, #tpu.memory_space<vmem>>
    %dma_start3A_84 = arith.constant 7000 : i32
    %dma_start3A_85 = arith.constant 0 : i32
    %dma_start3A_86 = tpu.memref_slice %arg0[%dma_start3A_84, %dma_start3A_85] : memref<100000x1024xf32, #tpu.memory_space<any>> -> memref<1000x1024xf32, #tpu.memory_space<any>>
    tpu.enqueue_dma source(%dma_start3A_86 : memref<1000x1024xf32, #tpu.memory_space<any>>) target(%dma_start3A_83 : memref<1000x1024xf32, #tpu.memory_space<vmem>>) target_semaphore(%dma_start3A_79 : memref<!tpu.dma_semaphore, #tpu.memory_space<semaphore_mem>>)
    %dma_wait3A = arith.constant 0 : i32
    %dma_wait3A_87 = arith.constant 0 : i32
    %dma_wait3A_88 = tpu.memref_slice %arg3[%dma_wait3A_87] : memref<8x!tpu.dma_semaphore, #tpu.memory_space<semaphore_mem>> -> memref<1x!tpu.dma_semaphore, #tpu.memory_space<semaphore_mem>>
    %dma_wait3A_89 = tpu.memref_squeeze %dma_wait3A_88 : memref<1x!tpu.dma_semaphore, #tpu.memory_space<semaphore_mem>> -> memref<!tpu.dma_semaphore, #tpu.memory_space<semaphore_mem>>
    %dma_wait3A_90 = arith.constant 0 : i32
    %dma_wait3A_91 = arith.constant 0 : i32
    %dma_wait3A_92 = tpu.memref_slice %arg2[%dma_wait3A, %dma_wait3A_90, %dma_wait3A_91] : memref<8x1000x1024xf32, #tpu.memory_space<vmem>> -> memref<1x1000x1024xf32, #tpu.memory_space<vmem>>
    %dma_wait3A_93 = tpu.memref_squeeze %dma_wait3A_92 : memref<1x1000x1024xf32, #tpu.memory_space<vmem>> -> memref<1000x1024xf32, #tpu.memory_space<vmem>>
    %dma_wait3A_94 = arith.constant 0 : i32
    %dma_wait3A_95 = arith.constant 0 : i32
    %dma_wait3A_96 = tpu.memref_slice %arg0[%dma_wait3A_94, %dma_wait3A_95] : memref<100000x1024xf32, #tpu.memory_space<any>> -> memref<1000x1024xf32, #tpu.memory_space<any>>
    tpu.wait_dma2 semaphore(%dma_wait3A_89 : memref<!tpu.dma_semaphore, #tpu.memory_space<semaphore_mem>>) src(%dma_wait3A_96 : memref<1000x1024xf32, #tpu.memory_space<any>>) dst(%dma_wait3A_93 : memref<1000x1024xf32, #tpu.memory_space<vmem>>)
    %get3A = arith.constant 0 : index
    %get3A_97 = arith.constant 0 : index
    %get3A_98 = arith.constant 0 : index
    %get3A_99 = vector.load %arg2[%get3A, %get3A_97, %get3A_98] : memref<8x1000x1024xf32, #tpu.memory_space<vmem>>, vector<1x1000x1024xf32>
    %get3A_100 = vector.shape_cast %get3A_99 : vector<1x1000x1024xf32> to vector<1000x1024xf32>
    %reduce_sum3A = vector.shape_cast %get3A_100 : vector<1000x1024xf32> to vector<1x1000x1024xf32>
    %reduce_sum3A_101 = arith.constant dense<0.000000e+00> : vector<1xf32>
    %reduce_sum3A_102 = vector.multi_reduction <add>, %reduce_sum3A, %reduce_sum3A_101 [1, 2] : vector<1x1000x1024xf32> to vector<1xf32>
    %reduce_sum3A_103 = vector.shape_cast %reduce_sum3A_102 : vector<1xf32> to vector<1x1x1xf32>
    %reduce_sum3A_104 = vector.extract %reduce_sum3A_103[0, 0, 0] : f32 from vector<1x1x1xf32>
    %add3A = arith.constant 0.000000e+00 : f32
    %add3A_105 = arith.addf %add3A, %reduce_sum3A_104 : f32
    %dma_start3A_106 = arith.constant 0 : i32
    %dma_start3A_107 = arith.constant 0 : i32
    %dma_start3A_108 = tpu.memref_slice %arg3[%dma_start3A_107] : memref<8x!tpu.dma_semaphore, #tpu.memory_space<semaphore_mem>> -> memref<1x!tpu.dma_semaphore, #tpu.memory_space<semaphore_mem>>
    %dma_start3A_109 = tpu.memref_squeeze %dma_start3A_108 : memref<1x!tpu.dma_semaphore, #tpu.memory_space<semaphore_mem>> -> memref<!tpu.dma_semaphore, #tpu.memory_space<semaphore_mem>>
    %dma_start3A_110 = arith.constant 0 : i32
    %dma_start3A_111 = arith.constant 0 : i32
    %dma_start3A_112 = tpu.memref_slice %arg2[%dma_start3A_106, %dma_start3A_110, %dma_start3A_111] : memref<8x1000x1024xf32, #tpu.memory_space<vmem>> -> memref<1x1000x1024xf32, #tpu.memory_space<vmem>>
    %dma_start3A_113 = tpu.memref_squeeze %dma_start3A_112 : memref<1x1000x1024xf32, #tpu.memory_space<vmem>> -> memref<1000x1024xf32, #tpu.memory_space<vmem>>
    %dma_start3A_114 = arith.constant 8000 : i32
    %dma_start3A_115 = arith.constant 0 : i32
    %dma_start3A_116 = tpu.memref_slice %arg0[%dma_start3A_114, %dma_start3A_115] : memref<100000x1024xf32, #tpu.memory_space<any>> -> memref<1000x1024xf32, #tpu.memory_space<any>>
    tpu.enqueue_dma source(%dma_start3A_116 : memref<1000x1024xf32, #tpu.memory_space<any>>) target(%dma_start3A_113 : memref<1000x1024xf32, #tpu.memory_space<vmem>>) target_semaphore(%dma_start3A_109 : memref<!tpu.dma_semaphore, #tpu.memory_space<semaphore_mem>>)
    %dma_wait3A_117 = arith.constant 1 : i32
    %dma_wait3A_118 = arith.constant 1 : i32
    %dma_wait3A_119 = tpu.memref_slice %arg3[%dma_wait3A_118] : memref<8x!tpu.dma_semaphore, #tpu.memory_space<semaphore_mem>> -> memref<1x!tpu.dma_semaphore, #tpu.memory_space<semaphore_mem>>
    %dma_wait3A_120 = tpu.memref_squeeze %dma_wait3A_119 : memref<1x!tpu.dma_semaphore, #tpu.memory_space<semaphore_mem>> -> memref<!tpu.dma_semaphore, #tpu.memory_space<semaphore_mem>>
    %dma_wait3A_121 = arith.constant 0 : i32
    %dma_wait3A_122 = arith.constant 0 : i32
    %dma_wait3A_123 = tpu.memref_slice %arg2[%dma_wait3A_117, %dma_wait3A_121, %dma_wait3A_122] : memref<8x1000x1024xf32, #tpu.memory_space<vmem>> -> memref<1x1000x1024xf32, #tpu.memory_space<vmem>>
    %dma_wait3A_124 = tpu.memref_squeeze %dma_wait3A_123 : memref<1x1000x1024xf32, #tpu.memory_space<vmem>> -> memref<1000x1024xf32, #tpu.memory_space<vmem>>
    %dma_wait3A_125 = arith.constant 1000 : i32
    %dma_wait3A_126 = arith.constant 0 : i32
    %dma_wait3A_127 = tpu.memref_slice %arg0[%dma_wait3A_125, %dma_wait3A_126] : memref<100000x1024xf32, #tpu.memory_space<any>> -> memref<1000x1024xf32, #tpu.memory_space<any>>
    tpu.wait_dma2 semaphore(%dma_wait3A_120 : memref<!tpu.dma_semaphore, #tpu.memory_space<semaphore_mem>>) src(%dma_wait3A_127 : memref<1000x1024xf32, #tpu.memory_space<any>>) dst(%dma_wait3A_124 : memref<1000x1024xf32, #tpu.memory_space<vmem>>)
    %get3A_128 = arith.constant 1 : index
    %get3A_129 = arith.constant 0 : index
    %get3A_130 = arith.constant 0 : index
    %get3A_131 = vector.load %arg2[%get3A_128, %get3A_129, %get3A_130] : memref<8x1000x1024xf32, #tpu.memory_space<vmem>>, vector<1x1000x1024xf32>
    %get3A_132 = vector.shape_cast %get3A_131 : vector<1x1000x1024xf32> to vector<1000x1024xf32>
    %reduce_sum3A_133 = vector.shape_cast %get3A_132 : vector<1000x1024xf32> to vector<1x1000x1024xf32>
    %reduce_sum3A_134 = arith.constant dense<0.000000e+00> : vector<1xf32>
    %reduce_sum3A_135 = vector.multi_reduction <add>, %reduce_sum3A_133, %reduce_sum3A_134 [1, 2] : vector<1x1000x1024xf32> to vector<1xf32>
    %reduce_sum3A_136 = vector.shape_cast %reduce_sum3A_135 : vector<1xf32> to vector<1x1x1xf32>
    %reduce_sum3A_137 = vector.extract %reduce_sum3A_136[0, 0, 0] : f32 from vector<1x1x1xf32>
    %add3A_138 = arith.addf %add3A_105, %reduce_sum3A_137 : f32
    %dma_start3A_139 = arith.constant 1 : i32
    %dma_start3A_140 = arith.constant 1 : i32
    %dma_start3A_141 = tpu.memref_slice %arg3[%dma_start3A_140] : memref<8x!tpu.dma_semaphore, #tpu.memory_space<semaphore_mem>> -> memref<1x!tpu.dma_semaphore, #tpu.memory_space<semaphore_mem>>
    %dma_start3A_142 = tpu.memref_squeeze %dma_start3A_141 : memref<1x!tpu.dma_semaphore, #tpu.memory_space<semaphore_mem>> -> memref<!tpu.dma_semaphore, #tpu.memory_space<semaphore_mem>>
    %dma_start3A_143 = arith.constant 0 : i32
    %dma_start3A_144 = arith.constant 0 : i32
    %dma_start3A_145 = tpu.memref_slice %arg2[%dma_start3A_139, %dma_start3A_143, %dma_start3A_144] : memref<8x1000x1024xf32, #tpu.memory_space<vmem>> -> memref<1x1000x1024xf32, #tpu.memory_space<vmem>>
    %dma_start3A_146 = tpu.memref_squeeze %dma_start3A_145 : memref<1x1000x1024xf32, #tpu.memory_space<vmem>> -> memref<1000x1024xf32, #tpu.memory_space<vmem>>
    %dma_start3A_147 = arith.constant 9000 : i32
    %dma_start3A_148 = arith.constant 0 : i32
    %dma_start3A_149 = tpu.memref_slice %arg0[%dma_start3A_147, %dma_start3A_148] : memref<100000x1024xf32, #tpu.memory_space<any>> -> memref<1000x1024xf32, #tpu.memory_space<any>>
    tpu.enqueue_dma source(%dma_start3A_149 : memref<1000x1024xf32, #tpu.memory_space<any>>) target(%dma_start3A_146 : memref<1000x1024xf32, #tpu.memory_space<vmem>>) target_semaphore(%dma_start3A_142 : memref<!tpu.dma_semaphore, #tpu.memory_space<semaphore_mem>>)
    %dma_wait3A_150 = arith.constant 2 : i32
    %dma_wait3A_151 = arith.constant 2 : i32
    %dma_wait3A_152 = tpu.memref_slice %arg3[%dma_wait3A_151] : memref<8x!tpu.dma_semaphore, #tpu.memory_space<semaphore_mem>> -> memref<1x!tpu.dma_semaphore, #tpu.memory_space<semaphore_mem>>
    %dma_wait3A_153 = tpu.memref_squeeze %dma_wait3A_152 : memref<1x!tpu.dma_semaphore, #tpu.memory_space<semaphore_mem>> -> memref<!tpu.dma_semaphore, #tpu.memory_space<semaphore_mem>>
    %dma_wait3A_154 = arith.constant 0 : i32
    %dma_wait3A_155 = arith.constant 0 : i32
    %dma_wait3A_156 = tpu.memref_slice %arg2[%dma_wait3A_150, %dma_wait3A_154, %dma_wait3A_155] : memref<8x1000x1024xf32, #tpu.memory_space<vmem>> -> memref<1x1000x1024xf32, #tpu.memory_space<vmem>>
    %dma_wait3A_157 = tpu.memref_squeeze %dma_wait3A_156 : memref<1x1000x1024xf32, #tpu.memory_space<vmem>> -> memref<1000x1024xf32, #tpu.memory_space<vmem>>
    %dma_wait3A_158 = arith.constant 2000 : i32
    %dma_wait3A_159 = arith.constant 0 : i32
    %dma_wait3A_160 = tpu.memref_slice %arg0[%dma_wait3A_158, %dma_wait3A_159] : memref<100000x1024xf32, #tpu.memory_space<any>> -> memref<1000x1024xf32, #tpu.memory_space<any>>
    tpu.wait_dma2 semaphore(%dma_wait3A_153 : memref<!tpu.dma_semaphore, #tpu.memory_space<semaphore_mem>>) src(%dma_wait3A_160 : memref<1000x1024xf32, #tpu.memory_space<any>>) dst(%dma_wait3A_157 : memref<1000x1024xf32, #tpu.memory_space<vmem>>)
    %get3A_161 = arith.constant 2 : index
    %get3A_162 = arith.constant 0 : index
    %get3A_163 = arith.constant 0 : index
    %get3A_164 = vector.load %arg2[%get3A_161, %get3A_162, %get3A_163] : memref<8x1000x1024xf32, #tpu.memory_space<vmem>>, vector<1x1000x1024xf32>
    %get3A_165 = vector.shape_cast %get3A_164 : vector<1x1000x1024xf32> to vector<1000x1024xf32>
    %reduce_sum3A_166 = vector.shape_cast %get3A_165 : vector<1000x1024xf32> to vector<1x1000x1024xf32>
    %reduce_sum3A_167 = arith.constant dense<0.000000e+00> : vector<1xf32>
    %reduce_sum3A_168 = vector.multi_reduction <add>, %reduce_sum3A_166, %reduce_sum3A_167 [1, 2] : vector<1x1000x1024xf32> to vector<1xf32>
    %reduce_sum3A_169 = vector.shape_cast %reduce_sum3A_168 : vector<1xf32> to vector<1x1x1xf32>
    %reduce_sum3A_170 = vector.extract %reduce_sum3A_169[0, 0, 0] : f32 from vector<1x1x1xf32>
    %add3A_171 = arith.addf %add3A_138, %reduce_sum3A_170 : f32
    %dma_start3A_172 = arith.constant 2 : i32
    %dma_start3A_173 = arith.constant 2 : i32
    %dma_start3A_174 = tpu.memref_slice %arg3[%dma_start3A_173] : memref<8x!tpu.dma_semaphore, #tpu.memory_space<semaphore_mem>> -> memref<1x!tpu.dma_semaphore, #tpu.memory_space<semaphore_mem>>
    %dma_start3A_175 = tpu.memref_squeeze %dma_start3A_174 : memref<1x!tpu.dma_semaphore, #tpu.memory_space<semaphore_mem>> -> memref<!tpu.dma_semaphore, #tpu.memory_space<semaphore_mem>>
    %dma_start3A_176 = arith.constant 0 : i32
    %dma_start3A_177 = arith.constant 0 : i32
    %dma_start3A_178 = tpu.memref_slice %arg2[%dma_start3A_172, %dma_start3A_176, %dma_start3A_177] : memref<8x1000x1024xf32, #tpu.memory_space<vmem>> -> memref<1x1000x1024xf32, #tpu.memory_space<vmem>>
    %dma_start3A_179 = tpu.memref_squeeze %dma_start3A_178 : memref<1x1000x1024xf32, #tpu.memory_space<vmem>> -> memref<1000x1024xf32, #tpu.memory_space<vmem>>
    %dma_start3A_180 = arith.constant 10000 : i32
    %dma_start3A_181 = arith.constant 0 : i32
    %dma_start3A_182 = tpu.memref_slice %arg0[%dma_start3A_180, %dma_start3A_181] : memref<100000x1024xf32, #tpu.memory_space<any>> -> memref<1000x1024xf32, #tpu.memory_space<any>>
    tpu.enqueue_dma source(%dma_start3A_182 : memref<1000x1024xf32, #tpu.memory_space<any>>) target(%dma_start3A_179 : memref<1000x1024xf32, #tpu.memory_space<vmem>>) target_semaphore(%dma_start3A_175 : memref<!tpu.dma_semaphore, #tpu.memory_space<semaphore_mem>>)
    %dma_wait3A_183 = arith.constant 3 : i32
    %dma_wait3A_184 = arith.constant 3 : i32
    %dma_wait3A_185 = tpu.memref_slice %arg3[%dma_wait3A_184] : memref<8x!tpu.dma_semaphore, #tpu.memory_space<semaphore_mem>> -> memref<1x!tpu.dma_semaphore, #tpu.memory_space<semaphore_mem>>
    %dma_wait3A_186 = tpu.memref_squeeze %dma_wait3A_185 : memref<1x!tpu.dma_semaphore, #tpu.memory_space<semaphore_mem>> -> memref<!tpu.dma_semaphore, #tpu.memory_space<semaphore_mem>>
    %dma_wait3A_187 = arith.constant 0 : i32
    %dma_wait3A_188 = arith.constant 0 : i32
    %dma_wait3A_189 = tpu.memref_slice %arg2[%dma_wait3A_183, %dma_wait3A_187, %dma_wait3A_188] : memref<8x1000x1024xf32, #tpu.memory_space<vmem>> -> memref<1x1000x1024xf32, #tpu.memory_space<vmem>>
    %dma_wait3A_190 = tpu.memref_squeeze %dma_wait3A_189 : memref<1x1000x1024xf32, #tpu.memory_space<vmem>> -> memref<1000x1024xf32, #tpu.memory_space<vmem>>
    %dma_wait3A_191 = arith.constant 3000 : i32
    %dma_wait3A_192 = arith.constant 0 : i32
    %dma_wait3A_193 = tpu.memref_slice %arg0[%dma_wait3A_191, %dma_wait3A_192] : memref<100000x1024xf32, #tpu.memory_space<any>> -> memref<1000x1024xf32, #tpu.memory_space<any>>
    tpu.wait_dma2 semaphore(%dma_wait3A_186 : memref<!tpu.dma_semaphore, #tpu.memory_space<semaphore_mem>>) src(%dma_wait3A_193 : memref<1000x1024xf32, #tpu.memory_space<any>>) dst(%dma_wait3A_190 : memref<1000x1024xf32, #tpu.memory_space<vmem>>)
    %get3A_194 = arith.constant 3 : index
    %get3A_195 = arith.constant 0 : index
    %get3A_196 = arith.constant 0 : index
    %get3A_197 = vector.load %arg2[%get3A_194, %get3A_195, %get3A_196] : memref<8x1000x1024xf32, #tpu.memory_space<vmem>>, vector<1x1000x1024xf32>
    %get3A_198 = vector.shape_cast %get3A_197 : vector<1x1000x1024xf32> to vector<1000x1024xf32>
    %reduce_sum3A_199 = vector.shape_cast %get3A_198 : vector<1000x1024xf32> to vector<1x1000x1024xf32>
    %reduce_sum3A_200 = arith.constant dense<0.000000e+00> : vector<1xf32>
    %reduce_sum3A_201 = vector.multi_reduction <add>, %reduce_sum3A_199, %reduce_sum3A_200 [1, 2] : vector<1x1000x1024xf32> to vector<1xf32>
    %reduce_sum3A_202 = vector.shape_cast %reduce_sum3A_201 : vector<1xf32> to vector<1x1x1xf32>
    %reduce_sum3A_203 = vector.extract %reduce_sum3A_202[0, 0, 0] : f32 from vector<1x1x1xf32>
    %add3A_204 = arith.addf %add3A_171, %reduce_sum3A_203 : f32
    %dma_start3A_205 = arith.constant 3 : i32
    %dma_start3A_206 = arith.constant 3 : i32
    %dma_start3A_207 = tpu.memref_slice %arg3[%dma_start3A_206] : memref<8x!tpu.dma_semaphore, #tpu.memory_space<semaphore_mem>> -> memref<1x!tpu.dma_semaphore, #tpu.memory_space<semaphore_mem>>
    %dma_start3A_208 = tpu.memref_squeeze %dma_start3A_207 : memref<1x!tpu.dma_semaphore, #tpu.memory_space<semaphore_mem>> -> memref<!tpu.dma_semaphore, #tpu.memory_space<semaphore_mem>>
    %dma_start3A_209 = arith.constant 0 : i32
    %dma_start3A_210 = arith.constant 0 : i32
    %dma_start3A_211 = tpu.memref_slice %arg2[%dma_start3A_205, %dma_start3A_209, %dma_start3A_210] : memref<8x1000x1024xf32, #tpu.memory_space<vmem>> -> memref<1x1000x1024xf32, #tpu.memory_space<vmem>>
    %dma_start3A_212 = tpu.memref_squeeze %dma_start3A_211 : memref<1x1000x1024xf32, #tpu.memory_space<vmem>> -> memref<1000x1024xf32, #tpu.memory_space<vmem>>
    %dma_start3A_213 = arith.constant 11000 : i32
    %dma_start3A_214 = arith.constant 0 : i32
    %dma_start3A_215 = tpu.memref_slice %arg0[%dma_start3A_213, %dma_start3A_214] : memref<100000x1024xf32, #tpu.memory_space<any>> -> memref<1000x1024xf32, #tpu.memory_space<any>>
    tpu.enqueue_dma source(%dma_start3A_215 : memref<1000x1024xf32, #tpu.memory_space<any>>) target(%dma_start3A_212 : memref<1000x1024xf32, #tpu.memory_space<vmem>>) target_semaphore(%dma_start3A_208 : memref<!tpu.dma_semaphore, #tpu.memory_space<semaphore_mem>>)
    %dma_wait3A_216 = arith.constant 4 : i32
    %dma_wait3A_217 = arith.constant 4 : i32
    %dma_wait3A_218 = tpu.memref_slice %arg3[%dma_wait3A_217] : memref<8x!tpu.dma_semaphore, #tpu.memory_space<semaphore_mem>> -> memref<1x!tpu.dma_semaphore, #tpu.memory_space<semaphore_mem>>
    %dma_wait3A_219 = tpu.memref_squeeze %dma_wait3A_218 : memref<1x!tpu.dma_semaphore, #tpu.memory_space<semaphore_mem>> -> memref<!tpu.dma_semaphore, #tpu.memory_space<semaphore_mem>>
    %dma_wait3A_220 = arith.constant 0 : i32
    %dma_wait3A_221 = arith.constant 0 : i32
    %dma_wait3A_222 = tpu.memref_slice %arg2[%dma_wait3A_216, %dma_wait3A_220, %dma_wait3A_221] : memref<8x1000x1024xf32, #tpu.memory_space<vmem>> -> memref<1x1000x1024xf32, #tpu.memory_space<vmem>>
    %dma_wait3A_223 = tpu.memref_squeeze %dma_wait3A_222 : memref<1x1000x1024xf32, #tpu.memory_space<vmem>> -> memref<1000x1024xf32, #tpu.memory_space<vmem>>
    %dma_wait3A_224 = arith.constant 4000 : i32
    %dma_wait3A_225 = arith.constant 0 : i32
    %dma_wait3A_226 = tpu.memref_slice %arg0[%dma_wait3A_224, %dma_wait3A_225] : memref<100000x1024xf32, #tpu.memory_space<any>> -> memref<1000x1024xf32, #tpu.memory_space<any>>
    tpu.wait_dma2 semaphore(%dma_wait3A_219 : memref<!tpu.dma_semaphore, #tpu.memory_space<semaphore_mem>>) src(%dma_wait3A_226 : memref<1000x1024xf32, #tpu.memory_space<any>>) dst(%dma_wait3A_223 : memref<1000x1024xf32, #tpu.memory_space<vmem>>)
    %get3A_227 = arith.constant 4 : index
    %get3A_228 = arith.constant 0 : index
    %get3A_229 = arith.constant 0 : index
    %get3A_230 = vector.load %arg2[%get3A_227, %get3A_228, %get3A_229] : memref<8x1000x1024xf32, #tpu.memory_space<vmem>>, vector<1x1000x1024xf32>
    %get3A_231 = vector.shape_cast %get3A_230 : vector<1x1000x1024xf32> to vector<1000x1024xf32>
    %reduce_sum3A_232 = vector.shape_cast %get3A_231 : vector<1000x1024xf32> to vector<1x1000x1024xf32>
    %reduce_sum3A_233 = arith.constant dense<0.000000e+00> : vector<1xf32>
    %reduce_sum3A_234 = vector.multi_reduction <add>, %reduce_sum3A_232, %reduce_sum3A_233 [1, 2] : vector<1x1000x1024xf32> to vector<1xf32>
    %reduce_sum3A_235 = vector.shape_cast %reduce_sum3A_234 : vector<1xf32> to vector<1x1x1xf32>
    %reduce_sum3A_236 = vector.extract %reduce_sum3A_235[0, 0, 0] : f32 from vector<1x1x1xf32>
    %add3A_237 = arith.addf %add3A_204, %reduce_sum3A_236 : f32
    %dma_start3A_238 = arith.constant 4 : i32
    %dma_start3A_239 = arith.constant 4 : i32
    %dma_start3A_240 = tpu.memref_slice %arg3[%dma_start3A_239] : memref<8x!tpu.dma_semaphore, #tpu.memory_space<semaphore_mem>> -> memref<1x!tpu.dma_semaphore, #tpu.memory_space<semaphore_mem>>
    %dma_start3A_241 = tpu.memref_squeeze %dma_start3A_240 : memref<1x!tpu.dma_semaphore, #tpu.memory_space<semaphore_mem>> -> memref<!tpu.dma_semaphore, #tpu.memory_space<semaphore_mem>>
    %dma_start3A_242 = arith.constant 0 : i32
    %dma_start3A_243 = arith.constant 0 : i32
    %dma_start3A_244 = tpu.memref_slice %arg2[%dma_start3A_238, %dma_start3A_242, %dma_start3A_243] : memref<8x1000x1024xf32, #tpu.memory_space<vmem>> -> memref<1x1000x1024xf32, #tpu.memory_space<vmem>>
    %dma_start3A_245 = tpu.memref_squeeze %dma_start3A_244 : memref<1x1000x1024xf32, #tpu.memory_space<vmem>> -> memref<1000x1024xf32, #tpu.memory_space<vmem>>
    %dma_start3A_246 = arith.constant 12000 : i32
    %dma_start3A_247 = arith.constant 0 : i32
    %dma_start3A_248 = tpu.memref_slice %arg0[%dma_start3A_246, %dma_start3A_247] : memref<100000x1024xf32, #tpu.memory_space<any>> -> memref<1000x1024xf32, #tpu.memory_space<any>>
    tpu.enqueue_dma source(%dma_start3A_248 : memref<1000x1024xf32, #tpu.memory_space<any>>) target(%dma_start3A_245 : memref<1000x1024xf32, #tpu.memory_space<vmem>>) target_semaphore(%dma_start3A_241 : memref<!tpu.dma_semaphore, #tpu.memory_space<semaphore_mem>>)
    %dma_wait3A_249 = arith.constant 5 : i32
    %dma_wait3A_250 = arith.constant 5 : i32
    %dma_wait3A_251 = tpu.memref_slice %arg3[%dma_wait3A_250] : memref<8x!tpu.dma_semaphore, #tpu.memory_space<semaphore_mem>> -> memref<1x!tpu.dma_semaphore, #tpu.memory_space<semaphore_mem>>
    %dma_wait3A_252 = tpu.memref_squeeze %dma_wait3A_251 : memref<1x!tpu.dma_semaphore, #tpu.memory_space<semaphore_mem>> -> memref<!tpu.dma_semaphore, #tpu.memory_space<semaphore_mem>>
    %dma_wait3A_253 = arith.constant 0 : i32
    %dma_wait3A_254 = arith.constant 0 : i32
    %dma_wait3A_255 = tpu.memref_slice %arg2[%dma_wait3A_249, %dma_wait3A_253, %dma_wait3A_254] : memref<8x1000x1024xf32, #tpu.memory_space<vmem>> -> memref<1x1000x1024xf32, #tpu.memory_space<vmem>>
    %dma_wait3A_256 = tpu.memref_squeeze %dma_wait3A_255 : memref<1x1000x1024xf32, #tpu.memory_space<vmem>> -> memref<1000x1024xf32, #tpu.memory_space<vmem>>
    %dma_wait3A_257 = arith.constant 5000 : i32
    %dma_wait3A_258 = arith.constant 0 : i32
    %dma_wait3A_259 = tpu.memref_slice %arg0[%dma_wait3A_257, %dma_wait3A_258] : memref<100000x1024xf32, #tpu.memory_space<any>> -> memref<1000x1024xf32, #tpu.memory_space<any>>
    tpu.wait_dma2 semaphore(%dma_wait3A_252 : memref<!tpu.dma_semaphore, #tpu.memory_space<semaphore_mem>>) src(%dma_wait3A_259 : memref<1000x1024xf32, #tpu.memory_space<any>>) dst(%dma_wait3A_256 : memref<1000x1024xf32, #tpu.memory_space<vmem>>)
    %get3A_260 = arith.constant 5 : index
    %get3A_261 = arith.constant 0 : index
    %get3A_262 = arith.constant 0 : index
    %get3A_263 = vector.load %arg2[%get3A_260, %get3A_261, %get3A_262] : memref<8x1000x1024xf32, #tpu.memory_space<vmem>>, vector<1x1000x1024xf32>
    %get3A_264 = vector.shape_cast %get3A_263 : vector<1x1000x1024xf32> to vector<1000x1024xf32>
    %reduce_sum3A_265 = vector.shape_cast %get3A_264 : vector<1000x1024xf32> to vector<1x1000x1024xf32>
    %reduce_sum3A_266 = arith.constant dense<0.000000e+00> : vector<1xf32>
    %reduce_sum3A_267 = vector.multi_reduction <add>, %reduce_sum3A_265, %reduce_sum3A_266 [1, 2] : vector<1x1000x1024xf32> to vector<1xf32>
    %reduce_sum3A_268 = vector.shape_cast %reduce_sum3A_267 : vector<1xf32> to vector<1x1x1xf32>
    %reduce_sum3A_269 = vector.extract %reduce_sum3A_268[0, 0, 0] : f32 from vector<1x1x1xf32>
    %add3A_270 = arith.addf %add3A_237, %reduce_sum3A_269 : f32
    %dma_start3A_271 = arith.constant 5 : i32
    %dma_start3A_272 = arith.constant 5 : i32
    %dma_start3A_273 = tpu.memref_slice %arg3[%dma_start3A_272] : memref<8x!tpu.dma_semaphore, #tpu.memory_space<semaphore_mem>> -> memref<1x!tpu.dma_semaphore, #tpu.memory_space<semaphore_mem>>
    %dma_start3A_274 = tpu.memref_squeeze %dma_start3A_273 : memref<1x!tpu.dma_semaphore, #tpu.memory_space<semaphore_mem>> -> memref<!tpu.dma_semaphore, #tpu.memory_space<semaphore_mem>>
    %dma_start3A_275 = arith.constant 0 : i32
    %dma_start3A_276 = arith.constant 0 : i32
    %dma_start3A_277 = tpu.memref_slice %arg2[%dma_start3A_271, %dma_start3A_275, %dma_start3A_276] : memref<8x1000x1024xf32, #tpu.memory_space<vmem>> -> memref<1x1000x1024xf32, #tpu.memory_space<vmem>>
    %dma_start3A_278 = tpu.memref_squeeze %dma_start3A_277 : memref<1x1000x1024xf32, #tpu.memory_space<vmem>> -> memref<1000x1024xf32, #tpu.memory_space<vmem>>
    %dma_start3A_279 = arith.constant 13000 : i32
    %dma_start3A_280 = arith.constant 0 : i32
    %dma_start3A_281 = tpu.memref_slice %arg0[%dma_start3A_279, %dma_start3A_280] : memref<100000x1024xf32, #tpu.memory_space<any>> -> memref<1000x1024xf32, #tpu.memory_space<any>>
    tpu.enqueue_dma source(%dma_start3A_281 : memref<1000x1024xf32, #tpu.memory_space<any>>) target(%dma_start3A_278 : memref<1000x1024xf32, #tpu.memory_space<vmem>>) target_semaphore(%dma_start3A_274 : memref<!tpu.dma_semaphore, #tpu.memory_space<semaphore_mem>>)
    %dma_wait3A_282 = arith.constant 6 : i32
    %dma_wait3A_283 = arith.constant 6 : i32
    %dma_wait3A_284 = tpu.memref_slice %arg3[%dma_wait3A_283] : memref<8x!tpu.dma_semaphore, #tpu.memory_space<semaphore_mem>> -> memref<1x!tpu.dma_semaphore, #tpu.memory_space<semaphore_mem>>
    %dma_wait3A_285 = tpu.memref_squeeze %dma_wait3A_284 : memref<1x!tpu.dma_semaphore, #tpu.memory_space<semaphore_mem>> -> memref<!tpu.dma_semaphore, #tpu.memory_space<semaphore_mem>>
    %dma_wait3A_286 = arith.constant 0 : i32
    %dma_wait3A_287 = arith.constant 0 : i32
    %dma_wait3A_288 = tpu.memref_slice %arg2[%dma_wait3A_282, %dma_wait3A_286, %dma_wait3A_287] : memref<8x1000x1024xf32, #tpu.memory_space<vmem>> -> memref<1x1000x1024xf32, #tpu.memory_space<vmem>>
    %dma_wait3A_289 = tpu.memref_squeeze %dma_wait3A_288 : memref<1x1000x1024xf32, #tpu.memory_space<vmem>> -> memref<1000x1024xf32, #tpu.memory_space<vmem>>
    %dma_wait3A_290 = arith.constant 6000 : i32
    %dma_wait3A_291 = arith.constant 0 : i32
    %dma_wait3A_292 = tpu.memref_slice %arg0[%dma_wait3A_290, %dma_wait3A_291] : memref<100000x1024xf32, #tpu.memory_space<any>> -> memref<1000x1024xf32, #tpu.memory_space<any>>
    tpu.wait_dma2 semaphore(%dma_wait3A_285 : memref<!tpu.dma_semaphore, #tpu.memory_space<semaphore_mem>>) src(%dma_wait3A_292 : memref<1000x1024xf32, #tpu.memory_space<any>>) dst(%dma_wait3A_289 : memref<1000x1024xf32, #tpu.memory_space<vmem>>)
    %get3A_293 = arith.constant 6 : index
    %get3A_294 = arith.constant 0 : index
    %get3A_295 = arith.constant 0 : index
    %get3A_296 = vector.load %arg2[%get3A_293, %get3A_294, %get3A_295] : memref<8x1000x1024xf32, #tpu.memory_space<vmem>>, vector<1x1000x1024xf32>
    %get3A_297 = vector.shape_cast %get3A_296 : vector<1x1000x1024xf32> to vector<1000x1024xf32>
    %reduce_sum3A_298 = vector.shape_cast %get3A_297 : vector<1000x1024xf32> to vector<1x1000x1024xf32>
    %reduce_sum3A_299 = arith.constant dense<0.000000e+00> : vector<1xf32>
    %reduce_sum3A_300 = vector.multi_reduction <add>, %reduce_sum3A_298, %reduce_sum3A_299 [1, 2] : vector<1x1000x1024xf32> to vector<1xf32>
    %reduce_sum3A_301 = vector.shape_cast %reduce_sum3A_300 : vector<1xf32> to vector<1x1x1xf32>
    %reduce_sum3A_302 = vector.extract %reduce_sum3A_301[0, 0, 0] : f32 from vector<1x1x1xf32>
    %add3A_303 = arith.addf %add3A_270, %reduce_sum3A_302 : f32
    %dma_start3A_304 = arith.constant 6 : i32
    %dma_start3A_305 = arith.constant 6 : i32
    %dma_start3A_306 = tpu.memref_slice %arg3[%dma_start3A_305] : memref<8x!tpu.dma_semaphore, #tpu.memory_space<semaphore_mem>> -> memref<1x!tpu.dma_semaphore, #tpu.memory_space<semaphore_mem>>
    %dma_start3A_307 = tpu.memref_squeeze %dma_start3A_306 : memref<1x!tpu.dma_semaphore, #tpu.memory_space<semaphore_mem>> -> memref<!tpu.dma_semaphore, #tpu.memory_space<semaphore_mem>>
    %dma_start3A_308 = arith.constant 0 : i32
    %dma_start3A_309 = arith.constant 0 : i32
    %dma_start3A_310 = tpu.memref_slice %arg2[%dma_start3A_304, %dma_start3A_308, %dma_start3A_309] : memref<8x1000x1024xf32, #tpu.memory_space<vmem>> -> memref<1x1000x1024xf32, #tpu.memory_space<vmem>>
    %dma_start3A_311 = tpu.memref_squeeze %dma_start3A_310 : memref<1x1000x1024xf32, #tpu.memory_space<vmem>> -> memref<1000x1024xf32, #tpu.memory_space<vmem>>
    %dma_start3A_312 = arith.constant 14000 : i32
    %dma_start3A_313 = arith.constant 0 : i32
    %dma_start3A_314 = tpu.memref_slice %arg0[%dma_start3A_312, %dma_start3A_313] : memref<100000x1024xf32, #tpu.memory_space<any>> -> memref<1000x1024xf32, #tpu.memory_space<any>>
    tpu.enqueue_dma source(%dma_start3A_314 : memref<1000x1024xf32, #tpu.memory_space<any>>) target(%dma_start3A_311 : memref<1000x1024xf32, #tpu.memory_space<vmem>>) target_semaphore(%dma_start3A_307 : memref<!tpu.dma_semaphore, #tpu.memory_space<semaphore_mem>>)
    %dma_wait3A_315 = arith.constant 7 : i32
    %dma_wait3A_316 = arith.constant 7 : i32
    %dma_wait3A_317 = tpu.memref_slice %arg3[%dma_wait3A_316] : memref<8x!tpu.dma_semaphore, #tpu.memory_space<semaphore_mem>> -> memref<1x!tpu.dma_semaphore, #tpu.memory_space<semaphore_mem>>
    %dma_wait3A_318 = tpu.memref_squeeze %dma_wait3A_317 : memref<1x!tpu.dma_semaphore, #tpu.memory_space<semaphore_mem>> -> memref<!tpu.dma_semaphore, #tpu.memory_space<semaphore_mem>>
    %dma_wait3A_319 = arith.constant 0 : i32
    %dma_wait3A_320 = arith.constant 0 : i32
    %dma_wait3A_321 = tpu.memref_slice %arg2[%dma_wait3A_315, %dma_wait3A_319, %dma_wait3A_320] : memref<8x1000x1024xf32, #tpu.memory_space<vmem>> -> memref<1x1000x1024xf32, #tpu.memory_space<vmem>>
    %dma_wait3A_322 = tpu.memref_squeeze %dma_wait3A_321 : memref<1x1000x1024xf32, #tpu.memory_space<vmem>> -> memref<1000x1024xf32, #tpu.memory_space<vmem>>
    %dma_wait3A_323 = arith.constant 7000 : i32
    %dma_wait3A_324 = arith.constant 0 : i32
    %dma_wait3A_325 = tpu.memref_slice %arg0[%dma_wait3A_323, %dma_wait3A_324] : memref<100000x1024xf32, #tpu.memory_space<any>> -> memref<1000x1024xf32, #tpu.memory_space<any>>
    tpu.wait_dma2 semaphore(%dma_wait3A_318 : memref<!tpu.dma_semaphore, #tpu.memory_space<semaphore_mem>>) src(%dma_wait3A_325 : memref<1000x1024xf32, #tpu.memory_space<any>>) dst(%dma_wait3A_322 : memref<1000x1024xf32, #tpu.memory_space<vmem>>)
    %get3A_326 = arith.constant 7 : index
    %get3A_327 = arith.constant 0 : index
    %get3A_328 = arith.constant 0 : index
    %get3A_329 = vector.load %arg2[%get3A_326, %get3A_327, %get3A_328] : memref<8x1000x1024xf32, #tpu.memory_space<vmem>>, vector<1x1000x1024xf32>
    %get3A_330 = vector.shape_cast %get3A_329 : vector<1x1000x1024xf32> to vector<1000x1024xf32>
    %reduce_sum3A_331 = vector.shape_cast %get3A_330 : vector<1000x1024xf32> to vector<1x1000x1024xf32>
    %reduce_sum3A_332 = arith.constant dense<0.000000e+00> : vector<1xf32>
    %reduce_sum3A_333 = vector.multi_reduction <add>, %reduce_sum3A_331, %reduce_sum3A_332 [1, 2] : vector<1x1000x1024xf32> to vector<1xf32>
    %reduce_sum3A_334 = vector.shape_cast %reduce_sum3A_333 : vector<1xf32> to vector<1x1x1xf32>
    %reduce_sum3A_335 = vector.extract %reduce_sum3A_334[0, 0, 0] : f32 from vector<1x1x1xf32>
    %add3A_336 = arith.addf %add3A_303, %reduce_sum3A_335 : f32
    %dma_start3A_337 = arith.constant 7 : i32
    %dma_start3A_338 = arith.constant 7 : i32
    %dma_start3A_339 = tpu.memref_slice %arg3[%dma_start3A_338] : memref<8x!tpu.dma_semaphore, #tpu.memory_space<semaphore_mem>> -> memref<1x!tpu.dma_semaphore, #tpu.memory_space<semaphore_mem>>
    %dma_start3A_340 = tpu.memref_squeeze %dma_start3A_339 : memref<1x!tpu.dma_semaphore, #tpu.memory_space<semaphore_mem>> -> memref<!tpu.dma_semaphore, #tpu.memory_space<semaphore_mem>>
    %dma_start3A_341 = arith.constant 0 : i32
    %dma_start3A_342 = arith.constant 0 : i32
    %dma_start3A_343 = tpu.memref_slice %arg2[%dma_start3A_337, %dma_start3A_341, %dma_start3A_342] : memref<8x1000x1024xf32, #tpu.memory_space<vmem>> -> memref<1x1000x1024xf32, #tpu.memory_space<vmem>>
    %dma_start3A_344 = tpu.memref_squeeze %dma_start3A_343 : memref<1x1000x1024xf32, #tpu.memory_space<vmem>> -> memref<1000x1024xf32, #tpu.memory_space<vmem>>
    %dma_start3A_345 = arith.constant 15000 : i32
    %dma_start3A_346 = arith.constant 0 : i32
    %dma_start3A_347 = tpu.memref_slice %arg0[%dma_start3A_345, %dma_start3A_346] : memref<100000x1024xf32, #tpu.memory_space<any>> -> memref<1000x1024xf32, #tpu.memory_space<any>>
    tpu.enqueue_dma source(%dma_start3A_347 : memref<1000x1024xf32, #tpu.memory_space<any>>) target(%dma_start3A_344 : memref<1000x1024xf32, #tpu.memory_space<vmem>>) target_semaphore(%dma_start3A_340 : memref<!tpu.dma_semaphore, #tpu.memory_space<semaphore_mem>>)
    %dma_wait3A_348 = arith.constant 0 : i32
    %dma_wait3A_349 = arith.constant 0 : i32
    %dma_wait3A_350 = tpu.memref_slice %arg3[%dma_wait3A_349] : memref<8x!tpu.dma_semaphore, #tpu.memory_space<semaphore_mem>> -> memref<1x!tpu.dma_semaphore, #tpu.memory_space<semaphore_mem>>
    %dma_wait3A_351 = tpu.memref_squeeze %dma_wait3A_350 : memref<1x!tpu.dma_semaphore, #tpu.memory_space<semaphore_mem>> -> memref<!tpu.dma_semaphore, #tpu.memory_space<semaphore_mem>>
    %dma_wait3A_352 = arith.constant 0 : i32
    %dma_wait3A_353 = arith.constant 0 : i32
    %dma_wait3A_354 = tpu.memref_slice %arg2[%dma_wait3A_348, %dma_wait3A_352, %dma_wait3A_353] : memref<8x1000x1024xf32, #tpu.memory_space<vmem>> -> memref<1x1000x1024xf32, #tpu.memory_space<vmem>>
    %dma_wait3A_355 = tpu.memref_squeeze %dma_wait3A_354 : memref<1x1000x1024xf32, #tpu.memory_space<vmem>> -> memref<1000x1024xf32, #tpu.memory_space<vmem>>
    %dma_wait3A_356 = arith.constant 8000 : i32
    %dma_wait3A_357 = arith.constant 0 : i32
    %dma_wait3A_358 = tpu.memref_slice %arg0[%dma_wait3A_356, %dma_wait3A_357] : memref<100000x1024xf32, #tpu.memory_space<any>> -> memref<1000x1024xf32, #tpu.memory_space<any>>
    tpu.wait_dma2 semaphore(%dma_wait3A_351 : memref<!tpu.dma_semaphore, #tpu.memory_space<semaphore_mem>>) src(%dma_wait3A_358 : memref<1000x1024xf32, #tpu.memory_space<any>>) dst(%dma_wait3A_355 : memref<1000x1024xf32, #tpu.memory_space<vmem>>)
    %get3A_359 = arith.constant 0 : index
    %get3A_360 = arith.constant 0 : index
    %get3A_361 = arith.constant 0 : index
    %get3A_362 = vector.load %arg2[%get3A_359, %get3A_360, %get3A_361] : memref<8x1000x1024xf32, #tpu.memory_space<vmem>>, vector<1x1000x1024xf32>
    %get3A_363 = vector.shape_cast %get3A_362 : vector<1x1000x1024xf32> to vector<1000x1024xf32>
    %reduce_sum3A_364 = vector.shape_cast %get3A_363 : vector<1000x1024xf32> to vector<1x1000x1024xf32>
    %reduce_sum3A_365 = arith.constant dense<0.000000e+00> : vector<1xf32>
    %reduce_sum3A_366 = vector.multi_reduction <add>, %reduce_sum3A_364, %reduce_sum3A_365 [1, 2] : vector<1x1000x1024xf32> to vector<1xf32>
    %reduce_sum3A_367 = vector.shape_cast %reduce_sum3A_366 : vector<1xf32> to vector<1x1x1xf32>
    %reduce_sum3A_368 = vector.extract %reduce_sum3A_367[0, 0, 0] : f32 from vector<1x1x1xf32>
    %add3A_369 = arith.addf %add3A_336, %reduce_sum3A_368 : f32
    %dma_start3A_370 = arith.constant 0 : i32
    %dma_start3A_371 = arith.constant 0 : i32
    %dma_start3A_372 = tpu.memref_slice %arg3[%dma_start3A_371] : memref<8x!tpu.dma_semaphore, #tpu.memory_space<semaphore_mem>> -> memref<1x!tpu.dma_semaphore, #tpu.memory_space<semaphore_mem>>
    %dma_start3A_373 = tpu.memref_squeeze %dma_start3A_372 : memref<1x!tpu.dma_semaphore, #tpu.memory_space<semaphore_mem>> -> memref<!tpu.dma_semaphore, #tpu.memory_space<semaphore_mem>>
    %dma_start3A_374 = arith.constant 0 : i32
    %dma_start3A_375 = arith.constant 0 : i32
    %dma_start3A_376 = tpu.memref_slice %arg2[%dma_start3A_370, %dma_start3A_374, %dma_start3A_375] : memref<8x1000x1024xf32, #tpu.memory_space<vmem>> -> memref<1x1000x1024xf32, #tpu.memory_space<vmem>>
    %dma_start3A_377 = tpu.memref_squeeze %dma_start3A_376 : memref<1x1000x1024xf32, #tpu.memory_space<vmem>> -> memref<1000x1024xf32, #tpu.memory_space<vmem>>
    %dma_start3A_378 = arith.constant 16000 : i32
    %dma_start3A_379 = arith.constant 0 : i32
    %dma_start3A_380 = tpu.memref_slice %arg0[%dma_start3A_378, %dma_start3A_379] : memref<100000x1024xf32, #tpu.memory_space<any>> -> memref<1000x1024xf32, #tpu.memory_space<any>>
    tpu.enqueue_dma source(%dma_start3A_380 : memref<1000x1024xf32, #tpu.memory_space<any>>) target(%dma_start3A_377 : memref<1000x1024xf32, #tpu.memory_space<vmem>>) target_semaphore(%dma_start3A_373 : memref<!tpu.dma_semaphore, #tpu.memory_space<semaphore_mem>>)
    %dma_wait3A_381 = arith.constant 1 : i32
    %dma_wait3A_382 = arith.constant 1 : i32
    %dma_wait3A_383 = tpu.memref_slice %arg3[%dma_wait3A_382] : memref<8x!tpu.dma_semaphore, #tpu.memory_space<semaphore_mem>> -> memref<1x!tpu.dma_semaphore, #tpu.memory_space<semaphore_mem>>
    %dma_wait3A_384 = tpu.memref_squeeze %dma_wait3A_383 : memref<1x!tpu.dma_semaphore, #tpu.memory_space<semaphore_mem>> -> memref<!tpu.dma_semaphore, #tpu.memory_space<semaphore_mem>>
    %dma_wait3A_385 = arith.constant 0 : i32
    %dma_wait3A_386 = arith.constant 0 : i32
    %dma_wait3A_387 = tpu.memref_slice %arg2[%dma_wait3A_381, %dma_wait3A_385, %dma_wait3A_386] : memref<8x1000x1024xf32, #tpu.memory_space<vmem>> -> memref<1x1000x1024xf32, #tpu.memory_space<vmem>>
    %dma_wait3A_388 = tpu.memref_squeeze %dma_wait3A_387 : memref<1x1000x1024xf32, #tpu.memory_space<vmem>> -> memref<1000x1024xf32, #tpu.memory_space<vmem>>
    %dma_wait3A_389 = arith.constant 9000 : i32
    %dma_wait3A_390 = arith.constant 0 : i32
    %dma_wait3A_391 = tpu.memref_slice %arg0[%dma_wait3A_389, %dma_wait3A_390] : memref<100000x1024xf32, #tpu.memory_space<any>> -> memref<1000x1024xf32, #tpu.memory_space<any>>
    tpu.wait_dma2 semaphore(%dma_wait3A_384 : memref<!tpu.dma_semaphore, #tpu.memory_space<semaphore_mem>>) src(%dma_wait3A_391 : memref<1000x1024xf32, #tpu.memory_space<any>>) dst(%dma_wait3A_388 : memref<1000x1024xf32, #tpu.memory_space<vmem>>)
    %get3A_392 = arith.constant 1 : index
    %get3A_393 = arith.constant 0 : index
    %get3A_394 = arith.constant 0 : index
    %get3A_395 = vector.load %arg2[%get3A_392, %get3A_393, %get3A_394] : memref<8x1000x1024xf32, #tpu.memory_space<vmem>>, vector<1x1000x1024xf32>
    %get3A_396 = vector.shape_cast %get3A_395 : vector<1x1000x1024xf32> to vector<1000x1024xf32>
    %reduce_sum3A_397 = vector.shape_cast %get3A_396 : vector<1000x1024xf32> to vector<1x1000x1024xf32>
    %reduce_sum3A_398 = arith.constant dense<0.000000e+00> : vector<1xf32>
    %reduce_sum3A_399 = vector.multi_reduction <add>, %reduce_sum3A_397, %reduce_sum3A_398 [1, 2] : vector<1x1000x1024xf32> to vector<1xf32>
    %reduce_sum3A_400 = vector.shape_cast %reduce_sum3A_399 : vector<1xf32> to vector<1x1x1xf32>
    %reduce_sum3A_401 = vector.extract %reduce_sum3A_400[0, 0, 0] : f32 from vector<1x1x1xf32>
    %add3A_402 = arith.addf %add3A_369, %reduce_sum3A_401 : f32
    %dma_start3A_403 = arith.constant 1 : i32
    %dma_start3A_404 = arith.constant 1 : i32
    %dma_start3A_405 = tpu.memref_slice %arg3[%dma_start3A_404] : memref<8x!tpu.dma_semaphore, #tpu.memory_space<semaphore_mem>> -> memref<1x!tpu.dma_semaphore, #tpu.memory_space<semaphore_mem>>
    %dma_start3A_406 = tpu.memref_squeeze %dma_start3A_405 : memref<1x!tpu.dma_semaphore, #tpu.memory_space<semaphore_mem>> -> memref<!tpu.dma_semaphore, #tpu.memory_space<semaphore_mem>>
    %dma_start3A_407 = arith.constant 0 : i32
    %dma_start3A_408 = arith.constant 0 : i32
    %dma_start3A_409 = tpu.memref_slice %arg2[%dma_start3A_403, %dma_start3A_407, %dma_start3A_408] : memref<8x1000x1024xf32, #tpu.memory_space<vmem>> -> memref<1x1000x1024xf32, #tpu.memory_space<vmem>>
    %dma_start3A_410 = tpu.memref_squeeze %dma_start3A_409 : memref<1x1000x1024xf32, #tpu.memory_space<vmem>> -> memref<1000x1024xf32, #tpu.memory_space<vmem>>
    %dma_start3A_411 = arith.constant 17000 : i32
    %dma_start3A_412 = arith.constant 0 : i32
    %dma_start3A_413 = tpu.memref_slice %arg0[%dma_start3A_411, %dma_start3A_412] : memref<100000x1024xf32, #tpu.memory_space<any>> -> memref<1000x1024xf32, #tpu.memory_space<any>>
    tpu.enqueue_dma source(%dma_start3A_413 : memref<1000x1024xf32, #tpu.memory_space<any>>) target(%dma_start3A_410 : memref<1000x1024xf32, #tpu.memory_space<vmem>>) target_semaphore(%dma_start3A_406 : memref<!tpu.dma_semaphore, #tpu.memory_space<semaphore_mem>>)
    %dma_wait3A_414 = arith.constant 2 : i32
    %dma_wait3A_415 = arith.constant 2 : i32
    %dma_wait3A_416 = tpu.memref_slice %arg3[%dma_wait3A_415] : memref<8x!tpu.dma_semaphore, #tpu.memory_space<semaphore_mem>> -> memref<1x!tpu.dma_semaphore, #tpu.memory_space<semaphore_mem>>
    %dma_wait3A_417 = tpu.memref_squeeze %dma_wait3A_416 : memref<1x!tpu.dma_semaphore, #tpu.memory_space<semaphore_mem>> -> memref<!tpu.dma_semaphore, #tpu.memory_space<semaphore_mem>>
    %dma_wait3A_418 = arith.constant 0 : i32
    %dma_wait3A_419 = arith.constant 0 : i32
    %dma_wait3A_420 = tpu.memref_slice %arg2[%dma_wait3A_414, %dma_wait3A_418, %dma_wait3A_419] : memref<8x1000x1024xf32, #tpu.memory_space<vmem>> -> memref<1x1000x1024xf32, #tpu.memory_space<vmem>>
    %dma_wait3A_421 = tpu.memref_squeeze %dma_wait3A_420 : memref<1x1000x1024xf32, #tpu.memory_space<vmem>> -> memref<1000x1024xf32, #tpu.memory_space<vmem>>
    %dma_wait3A_422 = arith.constant 10000 : i32
    %dma_wait3A_423 = arith.constant 0 : i32
    %dma_wait3A_424 = tpu.memref_slice %arg0[%dma_wait3A_422, %dma_wait3A_423] : memref<100000x1024xf32, #tpu.memory_space<any>> -> memref<1000x1024xf32, #tpu.memory_space<any>>
    tpu.wait_dma2 semaphore(%dma_wait3A_417 : memref<!tpu.dma_semaphore, #tpu.memory_space<semaphore_mem>>) src(%dma_wait3A_424 : memref<1000x1024xf32, #tpu.memory_space<any>>) dst(%dma_wait3A_421 : memref<1000x1024xf32, #tpu.memory_space<vmem>>)
    %get3A_425 = arith.constant 2 : index
    %get3A_426 = arith.constant 0 : index
    %get3A_427 = arith.constant 0 : index
    %get3A_428 = vector.load %arg2[%get3A_425, %get3A_426, %get3A_427] : memref<8x1000x1024xf32, #tpu.memory_space<vmem>>, vector<1x1000x1024xf32>
    %get3A_429 = vector.shape_cast %get3A_428 : vector<1x1000x1024xf32> to vector<1000x1024xf32>
    %reduce_sum3A_430 = vector.shape_cast %get3A_429 : vector<1000x1024xf32> to vector<1x1000x1024xf32>
    %reduce_sum3A_431 = arith.constant dense<0.000000e+00> : vector<1xf32>
    %reduce_sum3A_432 = vector.multi_reduction <add>, %reduce_sum3A_430, %reduce_sum3A_431 [1, 2] : vector<1x1000x1024xf32> to vector<1xf32>
    %reduce_sum3A_433 = vector.shape_cast %reduce_sum3A_432 : vector<1xf32> to vector<1x1x1xf32>
    %reduce_sum3A_434 = vector.extract %reduce_sum3A_433[0, 0, 0] : f32 from vector<1x1x1xf32>
    %add3A_435 = arith.addf %add3A_402, %reduce_sum3A_434 : f32
    %dma_start3A_436 = arith.constant 2 : i32
    %dma_start3A_437 = arith.constant 2 : i32
    %dma_start3A_438 = tpu.memref_slice %arg3[%dma_start3A_437] : memref<8x!tpu.dma_semaphore, #tpu.memory_space<semaphore_mem>> -> memref<1x!tpu.dma_semaphore, #tpu.memory_space<semaphore_mem>>
    %dma_start3A_439 = tpu.memref_squeeze %dma_start3A_438 : memref<1x!tpu.dma_semaphore, #tpu.memory_space<semaphore_mem>> -> memref<!tpu.dma_semaphore, #tpu.memory_space<semaphore_mem>>
    %dma_start3A_440 = arith.constant 0 : i32
    %dma_start3A_441 = arith.constant 0 : i32
    %dma_start3A_442 = tpu.memref_slice %arg2[%dma_start3A_436, %dma_start3A_440, %dma_start3A_441] : memref<8x1000x1024xf32, #tpu.memory_space<vmem>> -> memref<1x1000x1024xf32, #tpu.memory_space<vmem>>
    %dma_start3A_443 = tpu.memref_squeeze %dma_start3A_442 : memref<1x1000x1024xf32, #tpu.memory_space<vmem>> -> memref<1000x1024xf32, #tpu.memory_space<vmem>>
    %dma_start3A_444 = arith.constant 18000 : i32
    %dma_start3A_445 = arith.constant 0 : i32
    %dma_start3A_446 = tpu.memref_slice %arg0[%dma_start3A_444, %dma_start3A_445] : memref<100000x1024xf32, #tpu.memory_space<any>> -> memref<1000x1024xf32, #tpu.memory_space<any>>
    tpu.enqueue_dma source(%dma_start3A_446 : memref<1000x1024xf32, #tpu.memory_space<any>>) target(%dma_start3A_443 : memref<1000x1024xf32, #tpu.memory_space<vmem>>) target_semaphore(%dma_start3A_439 : memref<!tpu.dma_semaphore, #tpu.memory_space<semaphore_mem>>)
    %dma_wait3A_447 = arith.constant 3 : i32
    %dma_wait3A_448 = arith.constant 3 : i32
    %dma_wait3A_449 = tpu.memref_slice %arg3[%dma_wait3A_448] : memref<8x!tpu.dma_semaphore, #tpu.memory_space<semaphore_mem>> -> memref<1x!tpu.dma_semaphore, #tpu.memory_space<semaphore_mem>>
    %dma_wait3A_450 = tpu.memref_squeeze %dma_wait3A_449 : memref<1x!tpu.dma_semaphore, #tpu.memory_space<semaphore_mem>> -> memref<!tpu.dma_semaphore, #tpu.memory_space<semaphore_mem>>
    %dma_wait3A_451 = arith.constant 0 : i32
    %dma_wait3A_452 = arith.constant 0 : i32
    %dma_wait3A_453 = tpu.memref_slice %arg2[%dma_wait3A_447, %dma_wait3A_451, %dma_wait3A_452] : memref<8x1000x1024xf32, #tpu.memory_space<vmem>> -> memref<1x1000x1024xf32, #tpu.memory_space<vmem>>
    %dma_wait3A_454 = tpu.memref_squeeze %dma_wait3A_453 : memref<1x1000x1024xf32, #tpu.memory_space<vmem>> -> memref<1000x1024xf32, #tpu.memory_space<vmem>>
    %dma_wait3A_455 = arith.constant 11000 : i32
    %dma_wait3A_456 = arith.constant 0 : i32
    %dma_wait3A_457 = tpu.memref_slice %arg0[%dma_wait3A_455, %dma_wait3A_456] : memref<100000x1024xf32, #tpu.memory_space<any>> -> memref<1000x1024xf32, #tpu.memory_space<any>>
    tpu.wait_dma2 semaphore(%dma_wait3A_450 : memref<!tpu.dma_semaphore, #tpu.memory_space<semaphore_mem>>) src(%dma_wait3A_457 : memref<1000x1024xf32, #tpu.memory_space<any>>) dst(%dma_wait3A_454 : memref<1000x1024xf32, #tpu.memory_space<vmem>>)
    %get3A_458 = arith.constant 3 : index
    %get3A_459 = arith.constant 0 : index
    %get3A_460 = arith.constant 0 : index
    %get3A_461 = vector.load %arg2[%get3A_458, %get3A_459, %get3A_460] : memref<8x1000x1024xf32, #tpu.memory_space<vmem>>, vector<1x1000x1024xf32>
    %get3A_462 = vector.shape_cast %get3A_461 : vector<1x1000x1024xf32> to vector<1000x1024xf32>
    %reduce_sum3A_463 = vector.shape_cast %get3A_462 : vector<1000x1024xf32> to vector<1x1000x1024xf32>
    %reduce_sum3A_464 = arith.constant dense<0.000000e+00> : vector<1xf32>
    %reduce_sum3A_465 = vector.multi_reduction <add>, %reduce_sum3A_463, %reduce_sum3A_464 [1, 2] : vector<1x1000x1024xf32> to vector<1xf32>
    %reduce_sum3A_466 = vector.shape_cast %reduce_sum3A_465 : vector<1xf32> to vector<1x1x1xf32>
    %reduce_sum3A_467 = vector.extract %reduce_sum3A_466[0, 0, 0] : f32 from vector<1x1x1xf32>
    %add3A_468 = arith.addf %add3A_435, %reduce_sum3A_467 : f32
    %dma_start3A_469 = arith.constant 3 : i32
    %dma_start3A_470 = arith.constant 3 : i32
    %dma_start3A_471 = tpu.memref_slice %arg3[%dma_start3A_470] : memref<8x!tpu.dma_semaphore, #tpu.memory_space<semaphore_mem>> -> memref<1x!tpu.dma_semaphore, #tpu.memory_space<semaphore_mem>>
    %dma_start3A_472 = tpu.memref_squeeze %dma_start3A_471 : memref<1x!tpu.dma_semaphore, #tpu.memory_space<semaphore_mem>> -> memref<!tpu.dma_semaphore, #tpu.memory_space<semaphore_mem>>
    %dma_start3A_473 = arith.constant 0 : i32
    %dma_start3A_474 = arith.constant 0 : i32
    %dma_start3A_475 = tpu.memref_slice %arg2[%dma_start3A_469, %dma_start3A_473, %dma_start3A_474] : memref<8x1000x1024xf32, #tpu.memory_space<vmem>> -> memref<1x1000x1024xf32, #tpu.memory_space<vmem>>
    %dma_start3A_476 = tpu.memref_squeeze %dma_start3A_475 : memref<1x1000x1024xf32, #tpu.memory_space<vmem>> -> memref<1000x1024xf32, #tpu.memory_space<vmem>>
    %dma_start3A_477 = arith.constant 19000 : i32
    %dma_start3A_478 = arith.constant 0 : i32
    %dma_start3A_479 = tpu.memref_slice %arg0[%dma_start3A_477, %dma_start3A_478] : memref<100000x1024xf32, #tpu.memory_space<any>> -> memref<1000x1024xf32, #tpu.memory_space<any>>
    tpu.enqueue_dma source(%dma_start3A_479 : memref<1000x1024xf32, #tpu.memory_space<any>>) target(%dma_start3A_476 : memref<1000x1024xf32, #tpu.memory_space<vmem>>) target_semaphore(%dma_start3A_472 : memref<!tpu.dma_semaphore, #tpu.memory_space<semaphore_mem>>)
    %dma_wait3A_480 = arith.constant 4 : i32
    %dma_wait3A_481 = arith.constant 4 : i32
    %dma_wait3A_482 = tpu.memref_slice %arg3[%dma_wait3A_481] : memref<8x!tpu.dma_semaphore, #tpu.memory_space<semaphore_mem>> -> memref<1x!tpu.dma_semaphore, #tpu.memory_space<semaphore_mem>>
    %dma_wait3A_483 = tpu.memref_squeeze %dma_wait3A_482 : memref<1x!tpu.dma_semaphore, #tpu.memory_space<semaphore_mem>> -> memref<!tpu.dma_semaphore, #tpu.memory_space<semaphore_mem>>
    %dma_wait3A_484 = arith.constant 0 : i32
    %dma_wait3A_485 = arith.constant 0 : i32
    %dma_wait3A_486 = tpu.memref_slice %arg2[%dma_wait3A_480, %dma_wait3A_484, %dma_wait3A_485] : memref<8x1000x1024xf32, #tpu.memory_space<vmem>> -> memref<1x1000x1024xf32, #tpu.memory_space<vmem>>
    %dma_wait3A_487 = tpu.memref_squeeze %dma_wait3A_486 : memref<1x1000x1024xf32, #tpu.memory_space<vmem>> -> memref<1000x1024xf32, #tpu.memory_space<vmem>>
    %dma_wait3A_488 = arith.constant 12000 : i32
    %dma_wait3A_489 = arith.constant 0 : i32
    %dma_wait3A_490 = tpu.memref_slice %arg0[%dma_wait3A_488, %dma_wait3A_489] : memref<100000x1024xf32, #tpu.memory_space<any>> -> memref<1000x1024xf32, #tpu.memory_space<any>>
    tpu.wait_dma2 semaphore(%dma_wait3A_483 : memref<!tpu.dma_semaphore, #tpu.memory_space<semaphore_mem>>) src(%dma_wait3A_490 : memref<1000x1024xf32, #tpu.memory_space<any>>) dst(%dma_wait3A_487 : memref<1000x1024xf32, #tpu.memory_space<vmem>>)
    %get3A_491 = arith.constant 4 : index
    %get3A_492 = arith.constant 0 : index
    %get3A_493 = arith.constant 0 : index
    %get3A_494 = vector.load %arg2[%get3A_491, %get3A_492, %get3A_493] : memref<8x1000x1024xf32, #tpu.memory_space<vmem>>, vector<1x1000x1024xf32>
    %get3A_495 = vector.shape_cast %get3A_494 : vector<1x1000x1024xf32> to vector<1000x1024xf32>
    %reduce_sum3A_496 = vector.shape_cast %get3A_495 : vector<1000x1024xf32> to vector<1x1000x1024xf32>
    %reduce_sum3A_497 = arith.constant dense<0.000000e+00> : vector<1xf32>
    %reduce_sum3A_498 = vector.multi_reduction <add>, %reduce_sum3A_496, %reduce_sum3A_497 [1, 2] : vector<1x1000x1024xf32> to vector<1xf32>
    %reduce_sum3A_499 = vector.shape_cast %reduce_sum3A_498 : vector<1xf32> to vector<1x1x1xf32>
    %reduce_sum3A_500 = vector.extract %reduce_sum3A_499[0, 0, 0] : f32 from vector<1x1x1xf32>
    %add3A_501 = arith.addf %add3A_468, %reduce_sum3A_500 : f32
    %dma_start3A_502 = arith.constant 4 : i32
    %dma_start3A_503 = arith.constant 4 : i32
    %dma_start3A_504 = tpu.memref_slice %arg3[%dma_start3A_503] : memref<8x!tpu.dma_semaphore, #tpu.memory_space<semaphore_mem>> -> memref<1x!tpu.dma_semaphore, #tpu.memory_space<semaphore_mem>>
    %dma_start3A_505 = tpu.memref_squeeze %dma_start3A_504 : memref<1x!tpu.dma_semaphore, #tpu.memory_space<semaphore_mem>> -> memref<!tpu.dma_semaphore, #tpu.memory_space<semaphore_mem>>
    %dma_start3A_506 = arith.constant 0 : i32
    %dma_start3A_507 = arith.constant 0 : i32
    %dma_start3A_508 = tpu.memref_slice %arg2[%dma_start3A_502, %dma_start3A_506, %dma_start3A_507] : memref<8x1000x1024xf32, #tpu.memory_space<vmem>> -> memref<1x1000x1024xf32, #tpu.memory_space<vmem>>
    %dma_start3A_509 = tpu.memref_squeeze %dma_start3A_508 : memref<1x1000x1024xf32, #tpu.memory_space<vmem>> -> memref<1000x1024xf32, #tpu.memory_space<vmem>>
    %dma_start3A_510 = arith.constant 20000 : i32
    %dma_start3A_511 = arith.constant 0 : i32
    %dma_start3A_512 = tpu.memref_slice %arg0[%dma_start3A_510, %dma_start3A_511] : memref<100000x1024xf32, #tpu.memory_space<any>> -> memref<1000x1024xf32, #tpu.memory_space<any>>
    tpu.enqueue_dma source(%dma_start3A_512 : memref<1000x1024xf32, #tpu.memory_space<any>>) target(%dma_start3A_509 : memref<1000x1024xf32, #tpu.memory_space<vmem>>) target_semaphore(%dma_start3A_505 : memref<!tpu.dma_semaphore, #tpu.memory_space<semaphore_mem>>)
    %dma_wait3A_513 = arith.constant 5 : i32
    %dma_wait3A_514 = arith.constant 5 : i32
    %dma_wait3A_515 = tpu.memref_slice %arg3[%dma_wait3A_514] : memref<8x!tpu.dma_semaphore, #tpu.memory_space<semaphore_mem>> -> memref<1x!tpu.dma_semaphore, #tpu.memory_space<semaphore_mem>>
    %dma_wait3A_516 = tpu.memref_squeeze %dma_wait3A_515 : memref<1x!tpu.dma_semaphore, #tpu.memory_space<semaphore_mem>> -> memref<!tpu.dma_semaphore, #tpu.memory_space<semaphore_mem>>
    %dma_wait3A_517 = arith.constant 0 : i32
    %dma_wait3A_518 = arith.constant 0 : i32
    %dma_wait3A_519 = tpu.memref_slice %arg2[%dma_wait3A_513, %dma_wait3A_517, %dma_wait3A_518] : memref<8x1000x1024xf32, #tpu.memory_space<vmem>> -> memref<1x1000x1024xf32, #tpu.memory_space<vmem>>
    %dma_wait3A_520 = tpu.memref_squeeze %dma_wait3A_519 : memref<1x1000x1024xf32, #tpu.memory_space<vmem>> -> memref<1000x1024xf32, #tpu.memory_space<vmem>>
    %dma_wait3A_521 = arith.constant 13000 : i32
    %dma_wait3A_522 = arith.constant 0 : i32
    %dma_wait3A_523 = tpu.memref_slice %arg0[%dma_wait3A_521, %dma_wait3A_522] : memref<100000x1024xf32, #tpu.memory_space<any>> -> memref<1000x1024xf32, #tpu.memory_space<any>>
    tpu.wait_dma2 semaphore(%dma_wait3A_516 : memref<!tpu.dma_semaphore, #tpu.memory_space<semaphore_mem>>) src(%dma_wait3A_523 : memref<1000x1024xf32, #tpu.memory_space<any>>) dst(%dma_wait3A_520 : memref<1000x1024xf32, #tpu.memory_space<vmem>>)
    %get3A_524 = arith.constant 5 : index
    %get3A_525 = arith.constant 0 : index
    %get3A_526 = arith.constant 0 : index
    %get3A_527 = vector.load %arg2[%get3A_524, %get3A_525, %get3A_526] : memref<8x1000x1024xf32, #tpu.memory_space<vmem>>, vector<1x1000x1024xf32>
    %get3A_528 = vector.shape_cast %get3A_527 : vector<1x1000x1024xf32> to vector<1000x1024xf32>
    %reduce_sum3A_529 = vector.shape_cast %get3A_528 : vector<1000x1024xf32> to vector<1x1000x1024xf32>
    %reduce_sum3A_530 = arith.constant dense<0.000000e+00> : vector<1xf32>
    %reduce_sum3A_531 = vector.multi_reduction <add>, %reduce_sum3A_529, %reduce_sum3A_530 [1, 2] : vector<1x1000x1024xf32> to vector<1xf32>
    %reduce_sum3A_532 = vector.shape_cast %reduce_sum3A_531 : vector<1xf32> to vector<1x1x1xf32>
    %reduce_sum3A_533 = vector.extract %reduce_sum3A_532[0, 0, 0] : f32 from vector<1x1x1xf32>
    %add3A_534 = arith.addf %add3A_501, %reduce_sum3A_533 : f32
    %dma_start3A_535 = arith.constant 5 : i32
    %dma_start3A_536 = arith.constant 5 : i32
    %dma_start3A_537 = tpu.memref_slice %arg3[%dma_start3A_536] : memref<8x!tpu.dma_semaphore, #tpu.memory_space<semaphore_mem>> -> memref<1x!tpu.dma_semaphore, #tpu.memory_space<semaphore_mem>>
    %dma_start3A_538 = tpu.memref_squeeze %dma_start3A_537 : memref<1x!tpu.dma_semaphore, #tpu.memory_space<semaphore_mem>> -> memref<!tpu.dma_semaphore, #tpu.memory_space<semaphore_mem>>
    %dma_start3A_539 = arith.constant 0 : i32
    %dma_start3A_540 = arith.constant 0 : i32
    %dma_start3A_541 = tpu.memref_slice %arg2[%dma_start3A_535, %dma_start3A_539, %dma_start3A_540] : memref<8x1000x1024xf32, #tpu.memory_space<vmem>> -> memref<1x1000x1024xf32, #tpu.memory_space<vmem>>
    %dma_start3A_542 = tpu.memref_squeeze %dma_start3A_541 : memref<1x1000x1024xf32, #tpu.memory_space<vmem>> -> memref<1000x1024xf32, #tpu.memory_space<vmem>>
    %dma_start3A_543 = arith.constant 21000 : i32
    %dma_start3A_544 = arith.constant 0 : i32
    %dma_start3A_545 = tpu.memref_slice %arg0[%dma_start3A_543, %dma_start3A_544] : memref<100000x1024xf32, #tpu.memory_space<any>> -> memref<1000x1024xf32, #tpu.memory_space<any>>
    tpu.enqueue_dma source(%dma_start3A_545 : memref<1000x1024xf32, #tpu.memory_space<any>>) target(%dma_start3A_542 : memref<1000x1024xf32, #tpu.memory_space<vmem>>) target_semaphore(%dma_start3A_538 : memref<!tpu.dma_semaphore, #tpu.memory_space<semaphore_mem>>)
    %dma_wait3A_546 = arith.constant 6 : i32
    %dma_wait3A_547 = arith.constant 6 : i32
    %dma_wait3A_548 = tpu.memref_slice %arg3[%dma_wait3A_547] : memref<8x!tpu.dma_semaphore, #tpu.memory_space<semaphore_mem>> -> memref<1x!tpu.dma_semaphore, #tpu.memory_space<semaphore_mem>>
    %dma_wait3A_549 = tpu.memref_squeeze %dma_wait3A_548 : memref<1x!tpu.dma_semaphore, #tpu.memory_space<semaphore_mem>> -> memref<!tpu.dma_semaphore, #tpu.memory_space<semaphore_mem>>
    %dma_wait3A_550 = arith.constant 0 : i32
    %dma_wait3A_551 = arith.constant 0 : i32
    %dma_wait3A_552 = tpu.memref_slice %arg2[%dma_wait3A_546, %dma_wait3A_550, %dma_wait3A_551] : memref<8x1000x1024xf32, #tpu.memory_space<vmem>> -> memref<1x1000x1024xf32, #tpu.memory_space<vmem>>
    %dma_wait3A_553 = tpu.memref_squeeze %dma_wait3A_552 : memref<1x1000x1024xf32, #tpu.memory_space<vmem>> -> memref<1000x1024xf32, #tpu.memory_space<vmem>>
    %dma_wait3A_554 = arith.constant 14000 : i32
    %dma_wait3A_555 = arith.constant 0 : i32
    %dma_wait3A_556 = tpu.memref_slice %arg0[%dma_wait3A_554, %dma_wait3A_555] : memref<100000x1024xf32, #tpu.memory_space<any>> -> memref<1000x1024xf32, #tpu.memory_space<any>>
    tpu.wait_dma2 semaphore(%dma_wait3A_549 : memref<!tpu.dma_semaphore, #tpu.memory_space<semaphore_mem>>) src(%dma_wait3A_556 : memref<1000x1024xf32, #tpu.memory_space<any>>) dst(%dma_wait3A_553 : memref<1000x1024xf32, #tpu.memory_space<vmem>>)
    %get3A_557 = arith.constant 6 : index
    %get3A_558 = arith.constant 0 : index
    %get3A_559 = arith.constant 0 : index
    %get3A_560 = vector.load %arg2[%get3A_557, %get3A_558, %get3A_559] : memref<8x1000x1024xf32, #tpu.memory_space<vmem>>, vector<1x1000x1024xf32>
    %get3A_561 = vector.shape_cast %get3A_560 : vector<1x1000x1024xf32> to vector<1000x1024xf32>
    %reduce_sum3A_562 = vector.shape_cast %get3A_561 : vector<1000x1024xf32> to vector<1x1000x1024xf32>
    %reduce_sum3A_563 = arith.constant dense<0.000000e+00> : vector<1xf32>
    %reduce_sum3A_564 = vector.multi_reduction <add>, %reduce_sum3A_562, %reduce_sum3A_563 [1, 2] : vector<1x1000x1024xf32> to vector<1xf32>
    %reduce_sum3A_565 = vector.shape_cast %reduce_sum3A_564 : vector<1xf32> to vector<1x1x1xf32>
    %reduce_sum3A_566 = vector.extract %reduce_sum3A_565[0, 0, 0] : f32 from vector<1x1x1xf32>
    %add3A_567 = arith.addf %add3A_534, %reduce_sum3A_566 : f32
    %dma_start3A_568 = arith.constant 6 : i32
    %dma_start3A_569 = arith.constant 6 : i32
    %dma_start3A_570 = tpu.memref_slice %arg3[%dma_start3A_569] : memref<8x!tpu.dma_semaphore, #tpu.memory_space<semaphore_mem>> -> memref<1x!tpu.dma_semaphore, #tpu.memory_space<semaphore_mem>>
    %dma_start3A_571 = tpu.memref_squeeze %dma_start3A_570 : memref<1x!tpu.dma_semaphore, #tpu.memory_space<semaphore_mem>> -> memref<!tpu.dma_semaphore, #tpu.memory_space<semaphore_mem>>
    %dma_start3A_572 = arith.constant 0 : i32
    %dma_start3A_573 = arith.constant 0 : i32
    %dma_start3A_574 = tpu.memref_slice %arg2[%dma_start3A_568, %dma_start3A_572, %dma_start3A_573] : memref<8x1000x1024xf32, #tpu.memory_space<vmem>> -> memref<1x1000x1024xf32, #tpu.memory_space<vmem>>
    %dma_start3A_575 = tpu.memref_squeeze %dma_start3A_574 : memref<1x1000x1024xf32, #tpu.memory_space<vmem>> -> memref<1000x1024xf32, #tpu.memory_space<vmem>>
    %dma_start3A_576 = arith.constant 22000 : i32
    %dma_start3A_577 = arith.constant 0 : i32
    %dma_start3A_578 = tpu.memref_slice %arg0[%dma_start3A_576, %dma_start3A_577] : memref<100000x1024xf32, #tpu.memory_space<any>> -> memref<1000x1024xf32, #tpu.memory_space<any>>
    tpu.enqueue_dma source(%dma_start3A_578 : memref<1000x1024xf32, #tpu.memory_space<any>>) target(%dma_start3A_575 : memref<1000x1024xf32, #tpu.memory_space<vmem>>) target_semaphore(%dma_start3A_571 : memref<!tpu.dma_semaphore, #tpu.memory_space<semaphore_mem>>)
    %dma_wait3A_579 = arith.constant 7 : i32
    %dma_wait3A_580 = arith.constant 7 : i32
    %dma_wait3A_581 = tpu.memref_slice %arg3[%dma_wait3A_580] : memref<8x!tpu.dma_semaphore, #tpu.memory_space<semaphore_mem>> -> memref<1x!tpu.dma_semaphore, #tpu.memory_space<semaphore_mem>>
    %dma_wait3A_582 = tpu.memref_squeeze %dma_wait3A_581 : memref<1x!tpu.dma_semaphore, #tpu.memory_space<semaphore_mem>> -> memref<!tpu.dma_semaphore, #tpu.memory_space<semaphore_mem>>
    %dma_wait3A_583 = arith.constant 0 : i32
    %dma_wait3A_584 = arith.constant 0 : i32
    %dma_wait3A_585 = tpu.memref_slice %arg2[%dma_wait3A_579, %dma_wait3A_583, %dma_wait3A_584] : memref<8x1000x1024xf32, #tpu.memory_space<vmem>> -> memref<1x1000x1024xf32, #tpu.memory_space<vmem>>
    %dma_wait3A_586 = tpu.memref_squeeze %dma_wait3A_585 : memref<1x1000x1024xf32, #tpu.memory_space<vmem>> -> memref<1000x1024xf32, #tpu.memory_space<vmem>>
    %dma_wait3A_587 = arith.constant 15000 : i32
    %dma_wait3A_588 = arith.constant 0 : i32
    %dma_wait3A_589 = tpu.memref_slice %arg0[%dma_wait3A_587, %dma_wait3A_588] : memref<100000x1024xf32, #tpu.memory_space<any>> -> memref<1000x1024xf32, #tpu.memory_space<any>>
    tpu.wait_dma2 semaphore(%dma_wait3A_582 : memref<!tpu.dma_semaphore, #tpu.memory_space<semaphore_mem>>) src(%dma_wait3A_589 : memref<1000x1024xf32, #tpu.memory_space<any>>) dst(%dma_wait3A_586 : memref<1000x1024xf32, #tpu.memory_space<vmem>>)
    %get3A_590 = arith.constant 7 : index
    %get3A_591 = arith.constant 0 : index
    %get3A_592 = arith.constant 0 : index
    %get3A_593 = vector.load %arg2[%get3A_590, %get3A_591, %get3A_592] : memref<8x1000x1024xf32, #tpu.memory_space<vmem>>, vector<1x1000x1024xf32>
    %get3A_594 = vector.shape_cast %get3A_593 : vector<1x1000x1024xf32> to vector<1000x1024xf32>
    %reduce_sum3A_595 = vector.shape_cast %get3A_594 : vector<1000x1024xf32> to vector<1x1000x1024xf32>
    %reduce_sum3A_596 = arith.constant dense<0.000000e+00> : vector<1xf32>
    %reduce_sum3A_597 = vector.multi_reduction <add>, %reduce_sum3A_595, %reduce_sum3A_596 [1, 2] : vector<1x1000x1024xf32> to vector<1xf32>
    %reduce_sum3A_598 = vector.shape_cast %reduce_sum3A_597 : vector<1xf32> to vector<1x1x1xf32>
    %reduce_sum3A_599 = vector.extract %reduce_sum3A_598[0, 0, 0] : f32 from vector<1x1x1xf32>
    %add3A_600 = arith.addf %add3A_567, %reduce_sum3A_599 : f32
    %dma_start3A_601 = arith.constant 7 : i32
    %dma_start3A_602 = arith.constant 7 : i32
    %dma_start3A_603 = tpu.memref_slice %arg3[%dma_start3A_602] : memref<8x!tpu.dma_semaphore, #tpu.memory_space<semaphore_mem>> -> memref<1x!tpu.dma_semaphore, #tpu.memory_space<semaphore_mem>>
    %dma_start3A_604 = tpu.memref_squeeze %dma_start3A_603 : memref<1x!tpu.dma_semaphore, #tpu.memory_space<semaphore_mem>> -> memref<!tpu.dma_semaphore, #tpu.memory_space<semaphore_mem>>
    %dma_start3A_605 = arith.constant 0 : i32
    %dma_start3A_606 = arith.constant 0 : i32
    %dma_start3A_607 = tpu.memref_slice %arg2[%dma_start3A_601, %dma_start3A_605, %dma_start3A_606] : memref<8x1000x1024xf32, #tpu.memory_space<vmem>> -> memref<1x1000x1024xf32, #tpu.memory_space<vmem>>
    %dma_start3A_608 = tpu.memref_squeeze %dma_start3A_607 : memref<1x1000x1024xf32, #tpu.memory_space<vmem>> -> memref<1000x1024xf32, #tpu.memory_space<vmem>>
    %dma_start3A_609 = arith.constant 23000 : i32
    %dma_start3A_610 = arith.constant 0 : i32
    %dma_start3A_611 = tpu.memref_slice %arg0[%dma_start3A_609, %dma_start3A_610] : memref<100000x1024xf32, #tpu.memory_space<any>> -> memref<1000x1024xf32, #tpu.memory_space<any>>
    tpu.enqueue_dma source(%dma_start3A_611 : memref<1000x1024xf32, #tpu.memory_space<any>>) target(%dma_start3A_608 : memref<1000x1024xf32, #tpu.memory_space<vmem>>) target_semaphore(%dma_start3A_604 : memref<!tpu.dma_semaphore, #tpu.memory_space<semaphore_mem>>)
    %dma_wait3A_612 = arith.constant 0 : i32
    %dma_wait3A_613 = arith.constant 0 : i32
    %dma_wait3A_614 = tpu.memref_slice %arg3[%dma_wait3A_613] : memref<8x!tpu.dma_semaphore, #tpu.memory_space<semaphore_mem>> -> memref<1x!tpu.dma_semaphore, #tpu.memory_space<semaphore_mem>>
    %dma_wait3A_615 = tpu.memref_squeeze %dma_wait3A_614 : memref<1x!tpu.dma_semaphore, #tpu.memory_space<semaphore_mem>> -> memref<!tpu.dma_semaphore, #tpu.memory_space<semaphore_mem>>
    %dma_wait3A_616 = arith.constant 0 : i32
    %dma_wait3A_617 = arith.constant 0 : i32
    %dma_wait3A_618 = tpu.memref_slice %arg2[%dma_wait3A_612, %dma_wait3A_616, %dma_wait3A_617] : memref<8x1000x1024xf32, #tpu.memory_space<vmem>> -> memref<1x1000x1024xf32, #tpu.memory_space<vmem>>
    %dma_wait3A_619 = tpu.memref_squeeze %dma_wait3A_618 : memref<1x1000x1024xf32, #tpu.memory_space<vmem>> -> memref<1000x1024xf32, #tpu.memory_space<vmem>>
    %dma_wait3A_620 = arith.constant 16000 : i32
    %dma_wait3A_621 = arith.constant 0 : i32
    %dma_wait3A_622 = tpu.memref_slice %arg0[%dma_wait3A_620, %dma_wait3A_621] : memref<100000x1024xf32, #tpu.memory_space<any>> -> memref<1000x1024xf32, #tpu.memory_space<any>>
    tpu.wait_dma2 semaphore(%dma_wait3A_615 : memref<!tpu.dma_semaphore, #tpu.memory_space<semaphore_mem>>) src(%dma_wait3A_622 : memref<1000x1024xf32, #tpu.memory_space<any>>) dst(%dma_wait3A_619 : memref<1000x1024xf32, #tpu.memory_space<vmem>>)
    %get3A_623 = arith.constant 0 : index
    %get3A_624 = arith.constant 0 : index
    %get3A_625 = arith.constant 0 : index
    %get3A_626 = vector.load %arg2[%get3A_623, %get3A_624, %get3A_625] : memref<8x1000x1024xf32, #tpu.memory_space<vmem>>, vector<1x1000x1024xf32>
    %get3A_627 = vector.shape_cast %get3A_626 : vector<1x1000x1024xf32> to vector<1000x1024xf32>
    %reduce_sum3A_628 = vector.shape_cast %get3A_627 : vector<1000x1024xf32> to vector<1x1000x1024xf32>
    %reduce_sum3A_629 = arith.constant dense<0.000000e+00> : vector<1xf32>
    %reduce_sum3A_630 = vector.multi_reduction <add>, %reduce_sum3A_628, %reduce_sum3A_629 [1, 2] : vector<1x1000x1024xf32> to vector<1xf32>
    %reduce_sum3A_631 = vector.shape_cast %reduce_sum3A_630 : vector<1xf32> to vector<1x1x1xf32>
    %reduce_sum3A_632 = vector.extract %reduce_sum3A_631[0, 0, 0] : f32 from vector<1x1x1xf32>
    %add3A_633 = arith.addf %add3A_600, %reduce_sum3A_632 : f32
    %dma_start3A_634 = arith.constant 0 : i32
    %dma_start3A_635 = arith.constant 0 : i32
    %dma_start3A_636 = tpu.memref_slice %arg3[%dma_start3A_635] : memref<8x!tpu.dma_semaphore, #tpu.memory_space<semaphore_mem>> -> memref<1x!tpu.dma_semaphore, #tpu.memory_space<semaphore_mem>>
    %dma_start3A_637 = tpu.memref_squeeze %dma_start3A_636 : memref<1x!tpu.dma_semaphore, #tpu.memory_space<semaphore_mem>> -> memref<!tpu.dma_semaphore, #tpu.memory_space<semaphore_mem>>
    %dma_start3A_638 = arith.constant 0 : i32
    %dma_start3A_639 = arith.constant 0 : i32
    %dma_start3A_640 = tpu.memref_slice %arg2[%dma_start3A_634, %dma_start3A_638, %dma_start3A_639] : memref<8x1000x1024xf32, #tpu.memory_space<vmem>> -> memref<1x1000x1024xf32, #tpu.memory_space<vmem>>
    %dma_start3A_641 = tpu.memref_squeeze %dma_start3A_640 : memref<1x1000x1024xf32, #tpu.memory_space<vmem>> -> memref<1000x1024xf32, #tpu.memory_space<vmem>>
    %dma_start3A_642 = arith.constant 24000 : i32
    %dma_start3A_643 = arith.constant 0 : i32
    %dma_start3A_644 = tpu.memref_slice %arg0[%dma_start3A_642, %dma_start3A_643] : memref<100000x1024xf32, #tpu.memory_space<any>> -> memref<1000x1024xf32, #tpu.memory_space<any>>
    tpu.enqueue_dma source(%dma_start3A_644 : memref<1000x1024xf32, #tpu.memory_space<any>>) target(%dma_start3A_641 : memref<1000x1024xf32, #tpu.memory_space<vmem>>) target_semaphore(%dma_start3A_637 : memref<!tpu.dma_semaphore, #tpu.memory_space<semaphore_mem>>)
    %dma_wait3A_645 = arith.constant 1 : i32
    %dma_wait3A_646 = arith.constant 1 : i32
    %dma_wait3A_647 = tpu.memref_slice %arg3[%dma_wait3A_646] : memref<8x!tpu.dma_semaphore, #tpu.memory_space<semaphore_mem>> -> memref<1x!tpu.dma_semaphore, #tpu.memory_space<semaphore_mem>>
    %dma_wait3A_648 = tpu.memref_squeeze %dma_wait3A_647 : memref<1x!tpu.dma_semaphore, #tpu.memory_space<semaphore_mem>> -> memref<!tpu.dma_semaphore, #tpu.memory_space<semaphore_mem>>
    %dma_wait3A_649 = arith.constant 0 : i32
    %dma_wait3A_650 = arith.constant 0 : i32
    %dma_wait3A_651 = tpu.memref_slice %arg2[%dma_wait3A_645, %dma_wait3A_649, %dma_wait3A_650] : memref<8x1000x1024xf32, #tpu.memory_space<vmem>> -> memref<1x1000x1024xf32, #tpu.memory_space<vmem>>
    %dma_wait3A_652 = tpu.memref_squeeze %dma_wait3A_651 : memref<1x1000x1024xf32, #tpu.memory_space<vmem>> -> memref<1000x1024xf32, #tpu.memory_space<vmem>>
    %dma_wait3A_653 = arith.constant 17000 : i32
    %dma_wait3A_654 = arith.constant 0 : i32
    %dma_wait3A_655 = tpu.memref_slice %arg0[%dma_wait3A_653, %dma_wait3A_654] : memref<100000x1024xf32, #tpu.memory_space<any>> -> memref<1000x1024xf32, #tpu.memory_space<any>>
    tpu.wait_dma2 semaphore(%dma_wait3A_648 : memref<!tpu.dma_semaphore, #tpu.memory_space<semaphore_mem>>) src(%dma_wait3A_655 : memref<1000x1024xf32, #tpu.memory_space<any>>) dst(%dma_wait3A_652 : memref<1000x1024xf32, #tpu.memory_space<vmem>>)
    %get3A_656 = arith.constant 1 : index
    %get3A_657 = arith.constant 0 : index
    %get3A_658 = arith.constant 0 : index
    %get3A_659 = vector.load %arg2[%get3A_656, %get3A_657, %get3A_658] : memref<8x1000x1024xf32, #tpu.memory_space<vmem>>, vector<1x1000x1024xf32>
    %get3A_660 = vector.shape_cast %get3A_659 : vector<1x1000x1024xf32> to vector<1000x1024xf32>
    %reduce_sum3A_661 = vector.shape_cast %get3A_660 : vector<1000x1024xf32> to vector<1x1000x1024xf32>
    %reduce_sum3A_662 = arith.constant dense<0.000000e+00> : vector<1xf32>
    %reduce_sum3A_663 = vector.multi_reduction <add>, %reduce_sum3A_661, %reduce_sum3A_662 [1, 2] : vector<1x1000x1024xf32> to vector<1xf32>
    %reduce_sum3A_664 = vector.shape_cast %reduce_sum3A_663 : vector<1xf32> to vector<1x1x1xf32>
    %reduce_sum3A_665 = vector.extract %reduce_sum3A_664[0, 0, 0] : f32 from vector<1x1x1xf32>
    %add3A_666 = arith.addf %add3A_633, %reduce_sum3A_665 : f32
    %dma_start3A_667 = arith.constant 1 : i32
    %dma_start3A_668 = arith.constant 1 : i32
    %dma_start3A_669 = tpu.memref_slice %arg3[%dma_start3A_668] : memref<8x!tpu.dma_semaphore, #tpu.memory_space<semaphore_mem>> -> memref<1x!tpu.dma_semaphore, #tpu.memory_space<semaphore_mem>>
    %dma_start3A_670 = tpu.memref_squeeze %dma_start3A_669 : memref<1x!tpu.dma_semaphore, #tpu.memory_space<semaphore_mem>> -> memref<!tpu.dma_semaphore, #tpu.memory_space<semaphore_mem>>
    %dma_start3A_671 = arith.constant 0 : i32
    %dma_start3A_672 = arith.constant 0 : i32
    %dma_start3A_673 = tpu.memref_slice %arg2[%dma_start3A_667, %dma_start3A_671, %dma_start3A_672] : memref<8x1000x1024xf32, #tpu.memory_space<vmem>> -> memref<1x1000x1024xf32, #tpu.memory_space<vmem>>
    %dma_start3A_674 = tpu.memref_squeeze %dma_start3A_673 : memref<1x1000x1024xf32, #tpu.memory_space<vmem>> -> memref<1000x1024xf32, #tpu.memory_space<vmem>>
    %dma_start3A_675 = arith.constant 25000 : i32
    %dma_start3A_676 = arith.constant 0 : i32
    %dma_start3A_677 = tpu.memref_slice %arg0[%dma_start3A_675, %dma_start3A_676] : memref<100000x1024xf32, #tpu.memory_space<any>> -> memref<1000x1024xf32, #tpu.memory_space<any>>
    tpu.enqueue_dma source(%dma_start3A_677 : memref<1000x1024xf32, #tpu.memory_space<any>>) target(%dma_start3A_674 : memref<1000x1024xf32, #tpu.memory_space<vmem>>) target_semaphore(%dma_start3A_670 : memref<!tpu.dma_semaphore, #tpu.memory_space<semaphore_mem>>)
    %dma_wait3A_678 = arith.constant 2 : i32
    %dma_wait3A_679 = arith.constant 2 : i32
    %dma_wait3A_680 = tpu.memref_slice %arg3[%dma_wait3A_679] : memref<8x!tpu.dma_semaphore, #tpu.memory_space<semaphore_mem>> -> memref<1x!tpu.dma_semaphore, #tpu.memory_space<semaphore_mem>>
    %dma_wait3A_681 = tpu.memref_squeeze %dma_wait3A_680 : memref<1x!tpu.dma_semaphore, #tpu.memory_space<semaphore_mem>> -> memref<!tpu.dma_semaphore, #tpu.memory_space<semaphore_mem>>
    %dma_wait3A_682 = arith.constant 0 : i32
    %dma_wait3A_683 = arith.constant 0 : i32
    %dma_wait3A_684 = tpu.memref_slice %arg2[%dma_wait3A_678, %dma_wait3A_682, %dma_wait3A_683] : memref<8x1000x1024xf32, #tpu.memory_space<vmem>> -> memref<1x1000x1024xf32, #tpu.memory_space<vmem>>
    %dma_wait3A_685 = tpu.memref_squeeze %dma_wait3A_684 : memref<1x1000x1024xf32, #tpu.memory_space<vmem>> -> memref<1000x1024xf32, #tpu.memory_space<vmem>>
    %dma_wait3A_686 = arith.constant 18000 : i32
    %dma_wait3A_687 = arith.constant 0 : i32
    %dma_wait3A_688 = tpu.memref_slice %arg0[%dma_wait3A_686, %dma_wait3A_687] : memref<100000x1024xf32, #tpu.memory_space<any>> -> memref<1000x1024xf32, #tpu.memory_space<any>>
    tpu.wait_dma2 semaphore(%dma_wait3A_681 : memref<!tpu.dma_semaphore, #tpu.memory_space<semaphore_mem>>) src(%dma_wait3A_688 : memref<1000x1024xf32, #tpu.memory_space<any>>) dst(%dma_wait3A_685 : memref<1000x1024xf32, #tpu.memory_space<vmem>>)
    %get3A_689 = arith.constant 2 : index
    %get3A_690 = arith.constant 0 : index
    %get3A_691 = arith.constant 0 : index
    %get3A_692 = vector.load %arg2[%get3A_689, %get3A_690, %get3A_691] : memref<8x1000x1024xf32, #tpu.memory_space<vmem>>, vector<1x1000x1024xf32>
    %get3A_693 = vector.shape_cast %get3A_692 : vector<1x1000x1024xf32> to vector<1000x1024xf32>
    %reduce_sum3A_694 = vector.shape_cast %get3A_693 : vector<1000x1024xf32> to vector<1x1000x1024xf32>
    %reduce_sum3A_695 = arith.constant dense<0.000000e+00> : vector<1xf32>
    %reduce_sum3A_696 = vector.multi_reduction <add>, %reduce_sum3A_694, %reduce_sum3A_695 [1, 2] : vector<1x1000x1024xf32> to vector<1xf32>
    %reduce_sum3A_697 = vector.shape_cast %reduce_sum3A_696 : vector<1xf32> to vector<1x1x1xf32>
    %reduce_sum3A_698 = vector.extract %reduce_sum3A_697[0, 0, 0] : f32 from vector<1x1x1xf32>
    %add3A_699 = arith.addf %add3A_666, %reduce_sum3A_698 : f32
    %dma_start3A_700 = arith.constant 2 : i32
    %dma_start3A_701 = arith.constant 2 : i32
    %dma_start3A_702 = tpu.memref_slice %arg3[%dma_start3A_701] : memref<8x!tpu.dma_semaphore, #tpu.memory_space<semaphore_mem>> -> memref<1x!tpu.dma_semaphore, #tpu.memory_space<semaphore_mem>>
    %dma_start3A_703 = tpu.memref_squeeze %dma_start3A_702 : memref<1x!tpu.dma_semaphore, #tpu.memory_space<semaphore_mem>> -> memref<!tpu.dma_semaphore, #tpu.memory_space<semaphore_mem>>
    %dma_start3A_704 = arith.constant 0 : i32
    %dma_start3A_705 = arith.constant 0 : i32
    %dma_start3A_706 = tpu.memref_slice %arg2[%dma_start3A_700, %dma_start3A_704, %dma_start3A_705] : memref<8x1000x1024xf32, #tpu.memory_space<vmem>> -> memref<1x1000x1024xf32, #tpu.memory_space<vmem>>
    %dma_start3A_707 = tpu.memref_squeeze %dma_start3A_706 : memref<1x1000x1024xf32, #tpu.memory_space<vmem>> -> memref<1000x1024xf32, #tpu.memory_space<vmem>>
    %dma_start3A_708 = arith.constant 26000 : i32
    %dma_start3A_709 = arith.constant 0 : i32
    %dma_start3A_710 = tpu.memref_slice %arg0[%dma_start3A_708, %dma_start3A_709] : memref<100000x1024xf32, #tpu.memory_space<any>> -> memref<1000x1024xf32, #tpu.memory_space<any>>
    tpu.enqueue_dma source(%dma_start3A_710 : memref<1000x1024xf32, #tpu.memory_space<any>>) target(%dma_start3A_707 : memref<1000x1024xf32, #tpu.memory_space<vmem>>) target_semaphore(%dma_start3A_703 : memref<!tpu.dma_semaphore, #tpu.memory_space<semaphore_mem>>)
    %dma_wait3A_711 = arith.constant 3 : i32
    %dma_wait3A_712 = arith.constant 3 : i32
    %dma_wait3A_713 = tpu.memref_slice %arg3[%dma_wait3A_712] : memref<8x!tpu.dma_semaphore, #tpu.memory_space<semaphore_mem>> -> memref<1x!tpu.dma_semaphore, #tpu.memory_space<semaphore_mem>>
    %dma_wait3A_714 = tpu.memref_squeeze %dma_wait3A_713 : memref<1x!tpu.dma_semaphore, #tpu.memory_space<semaphore_mem>> -> memref<!tpu.dma_semaphore, #tpu.memory_space<semaphore_mem>>
    %dma_wait3A_715 = arith.constant 0 : i32
    %dma_wait3A_716 = arith.constant 0 : i32
    %dma_wait3A_717 = tpu.memref_slice %arg2[%dma_wait3A_711, %dma_wait3A_715, %dma_wait3A_716] : memref<8x1000x1024xf32, #tpu.memory_space<vmem>> -> memref<1x1000x1024xf32, #tpu.memory_space<vmem>>
    %dma_wait3A_718 = tpu.memref_squeeze %dma_wait3A_717 : memref<1x1000x1024xf32, #tpu.memory_space<vmem>> -> memref<1000x1024xf32, #tpu.memory_space<vmem>>
    %dma_wait3A_719 = arith.constant 19000 : i32
    %dma_wait3A_720 = arith.constant 0 : i32
    %dma_wait3A_721 = tpu.memref_slice %arg0[%dma_wait3A_719, %dma_wait3A_720] : memref<100000x1024xf32, #tpu.memory_space<any>> -> memref<1000x1024xf32, #tpu.memory_space<any>>
    tpu.wait_dma2 semaphore(%dma_wait3A_714 : memref<!tpu.dma_semaphore, #tpu.memory_space<semaphore_mem>>) src(%dma_wait3A_721 : memref<1000x1024xf32, #tpu.memory_space<any>>) dst(%dma_wait3A_718 : memref<1000x1024xf32, #tpu.memory_space<vmem>>)
    %get3A_722 = arith.constant 3 : index
    %get3A_723 = arith.constant 0 : index
    %get3A_724 = arith.constant 0 : index
    %get3A_725 = vector.load %arg2[%get3A_722, %get3A_723, %get3A_724] : memref<8x1000x1024xf32, #tpu.memory_space<vmem>>, vector<1x1000x1024xf32>
    %get3A_726 = vector.shape_cast %get3A_725 : vector<1x1000x1024xf32> to vector<1000x1024xf32>
    %reduce_sum3A_727 = vector.shape_cast %get3A_726 : vector<1000x1024xf32> to vector<1x1000x1024xf32>
    %reduce_sum3A_728 = arith.constant dense<0.000000e+00> : vector<1xf32>
    %reduce_sum3A_729 = vector.multi_reduction <add>, %reduce_sum3A_727, %reduce_sum3A_728 [1, 2] : vector<1x1000x1024xf32> to vector<1xf32>
    %reduce_sum3A_730 = vector.shape_cast %reduce_sum3A_729 : vector<1xf32> to vector<1x1x1xf32>
    %reduce_sum3A_731 = vector.extract %reduce_sum3A_730[0, 0, 0] : f32 from vector<1x1x1xf32>
    %add3A_732 = arith.addf %add3A_699, %reduce_sum3A_731 : f32
    %dma_start3A_733 = arith.constant 3 : i32
    %dma_start3A_734 = arith.constant 3 : i32
    %dma_start3A_735 = tpu.memref_slice %arg3[%dma_start3A_734] : memref<8x!tpu.dma_semaphore, #tpu.memory_space<semaphore_mem>> -> memref<1x!tpu.dma_semaphore, #tpu.memory_space<semaphore_mem>>
    %dma_start3A_736 = tpu.memref_squeeze %dma_start3A_735 : memref<1x!tpu.dma_semaphore, #tpu.memory_space<semaphore_mem>> -> memref<!tpu.dma_semaphore, #tpu.memory_space<semaphore_mem>>
    %dma_start3A_737 = arith.constant 0 : i32
    %dma_start3A_738 = arith.constant 0 : i32
    %dma_start3A_739 = tpu.memref_slice %arg2[%dma_start3A_733, %dma_start3A_737, %dma_start3A_738] : memref<8x1000x1024xf32, #tpu.memory_space<vmem>> -> memref<1x1000x1024xf32, #tpu.memory_space<vmem>>
    %dma_start3A_740 = tpu.memref_squeeze %dma_start3A_739 : memref<1x1000x1024xf32, #tpu.memory_space<vmem>> -> memref<1000x1024xf32, #tpu.memory_space<vmem>>
    %dma_start3A_741 = arith.constant 27000 : i32
    %dma_start3A_742 = arith.constant 0 : i32
    %dma_start3A_743 = tpu.memref_slice %arg0[%dma_start3A_741, %dma_start3A_742] : memref<100000x1024xf32, #tpu.memory_space<any>> -> memref<1000x1024xf32, #tpu.memory_space<any>>
    tpu.enqueue_dma source(%dma_start3A_743 : memref<1000x1024xf32, #tpu.memory_space<any>>) target(%dma_start3A_740 : memref<1000x1024xf32, #tpu.memory_space<vmem>>) target_semaphore(%dma_start3A_736 : memref<!tpu.dma_semaphore, #tpu.memory_space<semaphore_mem>>)
    %dma_wait3A_744 = arith.constant 4 : i32
    %dma_wait3A_745 = arith.constant 4 : i32
    %dma_wait3A_746 = tpu.memref_slice %arg3[%dma_wait3A_745] : memref<8x!tpu.dma_semaphore, #tpu.memory_space<semaphore_mem>> -> memref<1x!tpu.dma_semaphore, #tpu.memory_space<semaphore_mem>>
    %dma_wait3A_747 = tpu.memref_squeeze %dma_wait3A_746 : memref<1x!tpu.dma_semaphore, #tpu.memory_space<semaphore_mem>> -> memref<!tpu.dma_semaphore, #tpu.memory_space<semaphore_mem>>
    %dma_wait3A_748 = arith.constant 0 : i32
    %dma_wait3A_749 = arith.constant 0 : i32
    %dma_wait3A_750 = tpu.memref_slice %arg2[%dma_wait3A_744, %dma_wait3A_748, %dma_wait3A_749] : memref<8x1000x1024xf32, #tpu.memory_space<vmem>> -> memref<1x1000x1024xf32, #tpu.memory_space<vmem>>
    %dma_wait3A_751 = tpu.memref_squeeze %dma_wait3A_750 : memref<1x1000x1024xf32, #tpu.memory_space<vmem>> -> memref<1000x1024xf32, #tpu.memory_space<vmem>>
    %dma_wait3A_752 = arith.constant 20000 : i32
    %dma_wait3A_753 = arith.constant 0 : i32
    %dma_wait3A_754 = tpu.memref_slice %arg0[%dma_wait3A_752, %dma_wait3A_753] : memref<100000x1024xf32, #tpu.memory_space<any>> -> memref<1000x1024xf32, #tpu.memory_space<any>>
    tpu.wait_dma2 semaphore(%dma_wait3A_747 : memref<!tpu.dma_semaphore, #tpu.memory_space<semaphore_mem>>) src(%dma_wait3A_754 : memref<1000x1024xf32, #tpu.memory_space<any>>) dst(%dma_wait3A_751 : memref<1000x1024xf32, #tpu.memory_space<vmem>>)
    %get3A_755 = arith.constant 4 : index
    %get3A_756 = arith.constant 0 : index
    %get3A_757 = arith.constant 0 : index
    %get3A_758 = vector.load %arg2[%get3A_755, %get3A_756, %get3A_757] : memref<8x1000x1024xf32, #tpu.memory_space<vmem>>, vector<1x1000x1024xf32>
    %get3A_759 = vector.shape_cast %get3A_758 : vector<1x1000x1024xf32> to vector<1000x1024xf32>
    %reduce_sum3A_760 = vector.shape_cast %get3A_759 : vector<1000x1024xf32> to vector<1x1000x1024xf32>
    %reduce_sum3A_761 = arith.constant dense<0.000000e+00> : vector<1xf32>
    %reduce_sum3A_762 = vector.multi_reduction <add>, %reduce_sum3A_760, %reduce_sum3A_761 [1, 2] : vector<1x1000x1024xf32> to vector<1xf32>
    %reduce_sum3A_763 = vector.shape_cast %reduce_sum3A_762 : vector<1xf32> to vector<1x1x1xf32>
    %reduce_sum3A_764 = vector.extract %reduce_sum3A_763[0, 0, 0] : f32 from vector<1x1x1xf32>
    %add3A_765 = arith.addf %add3A_732, %reduce_sum3A_764 : f32
    %dma_start3A_766 = arith.constant 4 : i32
    %dma_start3A_767 = arith.constant 4 : i32
    %dma_start3A_768 = tpu.memref_slice %arg3[%dma_start3A_767] : memref<8x!tpu.dma_semaphore, #tpu.memory_space<semaphore_mem>> -> memref<1x!tpu.dma_semaphore, #tpu.memory_space<semaphore_mem>>
    %dma_start3A_769 = tpu.memref_squeeze %dma_start3A_768 : memref<1x!tpu.dma_semaphore, #tpu.memory_space<semaphore_mem>> -> memref<!tpu.dma_semaphore, #tpu.memory_space<semaphore_mem>>
    %dma_start3A_770 = arith.constant 0 : i32
    %dma_start3A_771 = arith.constant 0 : i32
    %dma_start3A_772 = tpu.memref_slice %arg2[%dma_start3A_766, %dma_start3A_770, %dma_start3A_771] : memref<8x1000x1024xf32, #tpu.memory_space<vmem>> -> memref<1x1000x1024xf32, #tpu.memory_space<vmem>>
    %dma_start3A_773 = tpu.memref_squeeze %dma_start3A_772 : memref<1x1000x1024xf32, #tpu.memory_space<vmem>> -> memref<1000x1024xf32, #tpu.memory_space<vmem>>
    %dma_start3A_774 = arith.constant 28000 : i32
    %dma_start3A_775 = arith.constant 0 : i32
    %dma_start3A_776 = tpu.memref_slice %arg0[%dma_start3A_774, %dma_start3A_775] : memref<100000x1024xf32, #tpu.memory_space<any>> -> memref<1000x1024xf32, #tpu.memory_space<any>>
    tpu.enqueue_dma source(%dma_start3A_776 : memref<1000x1024xf32, #tpu.memory_space<any>>) target(%dma_start3A_773 : memref<1000x1024xf32, #tpu.memory_space<vmem>>) target_semaphore(%dma_start3A_769 : memref<!tpu.dma_semaphore, #tpu.memory_space<semaphore_mem>>)
    %dma_wait3A_777 = arith.constant 5 : i32
    %dma_wait3A_778 = arith.constant 5 : i32
    %dma_wait3A_779 = tpu.memref_slice %arg3[%dma_wait3A_778] : memref<8x!tpu.dma_semaphore, #tpu.memory_space<semaphore_mem>> -> memref<1x!tpu.dma_semaphore, #tpu.memory_space<semaphore_mem>>
    %dma_wait3A_780 = tpu.memref_squeeze %dma_wait3A_779 : memref<1x!tpu.dma_semaphore, #tpu.memory_space<semaphore_mem>> -> memref<!tpu.dma_semaphore, #tpu.memory_space<semaphore_mem>>
    %dma_wait3A_781 = arith.constant 0 : i32
    %dma_wait3A_782 = arith.constant 0 : i32
    %dma_wait3A_783 = tpu.memref_slice %arg2[%dma_wait3A_777, %dma_wait3A_781, %dma_wait3A_782] : memref<8x1000x1024xf32, #tpu.memory_space<vmem>> -> memref<1x1000x1024xf32, #tpu.memory_space<vmem>>
    %dma_wait3A_784 = tpu.memref_squeeze %dma_wait3A_783 : memref<1x1000x1024xf32, #tpu.memory_space<vmem>> -> memref<1000x1024xf32, #tpu.memory_space<vmem>>
    %dma_wait3A_785 = arith.constant 21000 : i32
    %dma_wait3A_786 = arith.constant 0 : i32
    %dma_wait3A_787 = tpu.memref_slice %arg0[%dma_wait3A_785, %dma_wait3A_786] : memref<100000x1024xf32, #tpu.memory_space<any>> -> memref<1000x1024xf32, #tpu.memory_space<any>>
    tpu.wait_dma2 semaphore(%dma_wait3A_780 : memref<!tpu.dma_semaphore, #tpu.memory_space<semaphore_mem>>) src(%dma_wait3A_787 : memref<1000x1024xf32, #tpu.memory_space<any>>) dst(%dma_wait3A_784 : memref<1000x1024xf32, #tpu.memory_space<vmem>>)
    %get3A_788 = arith.constant 5 : index
    %get3A_789 = arith.constant 0 : index
    %get3A_790 = arith.constant 0 : index
    %get3A_791 = vector.load %arg2[%get3A_788, %get3A_789, %get3A_790] : memref<8x1000x1024xf32, #tpu.memory_space<vmem>>, vector<1x1000x1024xf32>
    %get3A_792 = vector.shape_cast %get3A_791 : vector<1x1000x1024xf32> to vector<1000x1024xf32>
    %reduce_sum3A_793 = vector.shape_cast %get3A_792 : vector<1000x1024xf32> to vector<1x1000x1024xf32>
    %reduce_sum3A_794 = arith.constant dense<0.000000e+00> : vector<1xf32>
    %reduce_sum3A_795 = vector.multi_reduction <add>, %reduce_sum3A_793, %reduce_sum3A_794 [1, 2] : vector<1x1000x1024xf32> to vector<1xf32>
    %reduce_sum3A_796 = vector.shape_cast %reduce_sum3A_795 : vector<1xf32> to vector<1x1x1xf32>
    %reduce_sum3A_797 = vector.extract %reduce_sum3A_796[0, 0, 0] : f32 from vector<1x1x1xf32>
    %add3A_798 = arith.addf %add3A_765, %reduce_sum3A_797 : f32
    %dma_start3A_799 = arith.constant 5 : i32
    %dma_start3A_800 = arith.constant 5 : i32
    %dma_start3A_801 = tpu.memref_slice %arg3[%dma_start3A_800] : memref<8x!tpu.dma_semaphore, #tpu.memory_space<semaphore_mem>> -> memref<1x!tpu.dma_semaphore, #tpu.memory_space<semaphore_mem>>
    %dma_start3A_802 = tpu.memref_squeeze %dma_start3A_801 : memref<1x!tpu.dma_semaphore, #tpu.memory_space<semaphore_mem>> -> memref<!tpu.dma_semaphore, #tpu.memory_space<semaphore_mem>>
    %dma_start3A_803 = arith.constant 0 : i32
    %dma_start3A_804 = arith.constant 0 : i32
    %dma_start3A_805 = tpu.memref_slice %arg2[%dma_start3A_799, %dma_start3A_803, %dma_start3A_804] : memref<8x1000x1024xf32, #tpu.memory_space<vmem>> -> memref<1x1000x1024xf32, #tpu.memory_space<vmem>>
    %dma_start3A_806 = tpu.memref_squeeze %dma_start3A_805 : memref<1x1000x1024xf32, #tpu.memory_space<vmem>> -> memref<1000x1024xf32, #tpu.memory_space<vmem>>
    %dma_start3A_807 = arith.constant 29000 : i32
    %dma_start3A_808 = arith.constant 0 : i32
    %dma_start3A_809 = tpu.memref_slice %arg0[%dma_start3A_807, %dma_start3A_808] : memref<100000x1024xf32, #tpu.memory_space<any>> -> memref<1000x1024xf32, #tpu.memory_space<any>>
    tpu.enqueue_dma source(%dma_start3A_809 : memref<1000x1024xf32, #tpu.memory_space<any>>) target(%dma_start3A_806 : memref<1000x1024xf32, #tpu.memory_space<vmem>>) target_semaphore(%dma_start3A_802 : memref<!tpu.dma_semaphore, #tpu.memory_space<semaphore_mem>>)
    %dma_wait3A_810 = arith.constant 6 : i32
    %dma_wait3A_811 = arith.constant 6 : i32
    %dma_wait3A_812 = tpu.memref_slice %arg3[%dma_wait3A_811] : memref<8x!tpu.dma_semaphore, #tpu.memory_space<semaphore_mem>> -> memref<1x!tpu.dma_semaphore, #tpu.memory_space<semaphore_mem>>
    %dma_wait3A_813 = tpu.memref_squeeze %dma_wait3A_812 : memref<1x!tpu.dma_semaphore, #tpu.memory_space<semaphore_mem>> -> memref<!tpu.dma_semaphore, #tpu.memory_space<semaphore_mem>>
    %dma_wait3A_814 = arith.constant 0 : i32
    %dma_wait3A_815 = arith.constant 0 : i32
    %dma_wait3A_816 = tpu.memref_slice %arg2[%dma_wait3A_810, %dma_wait3A_814, %dma_wait3A_815] : memref<8x1000x1024xf32, #tpu.memory_space<vmem>> -> memref<1x1000x1024xf32, #tpu.memory_space<vmem>>
    %dma_wait3A_817 = tpu.memref_squeeze %dma_wait3A_816 : memref<1x1000x1024xf32, #tpu.memory_space<vmem>> -> memref<1000x1024xf32, #tpu.memory_space<vmem>>
    %dma_wait3A_818 = arith.constant 22000 : i32
    %dma_wait3A_819 = arith.constant 0 : i32
    %dma_wait3A_820 = tpu.memref_slice %arg0[%dma_wait3A_818, %dma_wait3A_819] : memref<100000x1024xf32, #tpu.memory_space<any>> -> memref<1000x1024xf32, #tpu.memory_space<any>>
    tpu.wait_dma2 semaphore(%dma_wait3A_813 : memref<!tpu.dma_semaphore, #tpu.memory_space<semaphore_mem>>) src(%dma_wait3A_820 : memref<1000x1024xf32, #tpu.memory_space<any>>) dst(%dma_wait3A_817 : memref<1000x1024xf32, #tpu.memory_space<vmem>>)
    %get3A_821 = arith.constant 6 : index
    %get3A_822 = arith.constant 0 : index
    %get3A_823 = arith.constant 0 : index
    %get3A_824 = vector.load %arg2[%get3A_821, %get3A_822, %get3A_823] : memref<8x1000x1024xf32, #tpu.memory_space<vmem>>, vector<1x1000x1024xf32>
    %get3A_825 = vector.shape_cast %get3A_824 : vector<1x1000x1024xf32> to vector<1000x1024xf32>
    %reduce_sum3A_826 = vector.shape_cast %get3A_825 : vector<1000x1024xf32> to vector<1x1000x1024xf32>
    %reduce_sum3A_827 = arith.constant dense<0.000000e+00> : vector<1xf32>
    %reduce_sum3A_828 = vector.multi_reduction <add>, %reduce_sum3A_826, %reduce_sum3A_827 [1, 2] : vector<1x1000x1024xf32> to vector<1xf32>
    %reduce_sum3A_829 = vector.shape_cast %reduce_sum3A_828 : vector<1xf32> to vector<1x1x1xf32>
    %reduce_sum3A_830 = vector.extract %reduce_sum3A_829[0, 0, 0] : f32 from vector<1x1x1xf32>
    %add3A_831 = arith.addf %add3A_798, %reduce_sum3A_830 : f32
    %dma_start3A_832 = arith.constant 6 : i32
    %dma_start3A_833 = arith.constant 6 : i32
    %dma_start3A_834 = tpu.memref_slice %arg3[%dma_start3A_833] : memref<8x!tpu.dma_semaphore, #tpu.memory_space<semaphore_mem>> -> memref<1x!tpu.dma_semaphore, #tpu.memory_space<semaphore_mem>>
    %dma_start3A_835 = tpu.memref_squeeze %dma_start3A_834 : memref<1x!tpu.dma_semaphore, #tpu.memory_space<semaphore_mem>> -> memref<!tpu.dma_semaphore, #tpu.memory_space<semaphore_mem>>
    %dma_start3A_836 = arith.constant 0 : i32
    %dma_start3A_837 = arith.constant 0 : i32
    %dma_start3A_838 = tpu.memref_slice %arg2[%dma_start3A_832, %dma_start3A_836, %dma_start3A_837] : memref<8x1000x1024xf32, #tpu.memory_space<vmem>> -> memref<1x1000x1024xf32, #tpu.memory_space<vmem>>
    %dma_start3A_839 = tpu.memref_squeeze %dma_start3A_838 : memref<1x1000x1024xf32, #tpu.memory_space<vmem>> -> memref<1000x1024xf32, #tpu.memory_space<vmem>>
    %dma_start3A_840 = arith.constant 30000 : i32
    %dma_start3A_841 = arith.constant 0 : i32
    %dma_start3A_842 = tpu.memref_slice %arg0[%dma_start3A_840, %dma_start3A_841] : memref<100000x1024xf32, #tpu.memory_space<any>> -> memref<1000x1024xf32, #tpu.memory_space<any>>
    tpu.enqueue_dma source(%dma_start3A_842 : memref<1000x1024xf32, #tpu.memory_space<any>>) target(%dma_start3A_839 : memref<1000x1024xf32, #tpu.memory_space<vmem>>) target_semaphore(%dma_start3A_835 : memref<!tpu.dma_semaphore, #tpu.memory_space<semaphore_mem>>)
    %dma_wait3A_843 = arith.constant 7 : i32
    %dma_wait3A_844 = arith.constant 7 : i32
    %dma_wait3A_845 = tpu.memref_slice %arg3[%dma_wait3A_844] : memref<8x!tpu.dma_semaphore, #tpu.memory_space<semaphore_mem>> -> memref<1x!tpu.dma_semaphore, #tpu.memory_space<semaphore_mem>>
    %dma_wait3A_846 = tpu.memref_squeeze %dma_wait3A_845 : memref<1x!tpu.dma_semaphore, #tpu.memory_space<semaphore_mem>> -> memref<!tpu.dma_semaphore, #tpu.memory_space<semaphore_mem>>
    %dma_wait3A_847 = arith.constant 0 : i32
    %dma_wait3A_848 = arith.constant 0 : i32
    %dma_wait3A_849 = tpu.memref_slice %arg2[%dma_wait3A_843, %dma_wait3A_847, %dma_wait3A_848] : memref<8x1000x1024xf32, #tpu.memory_space<vmem>> -> memref<1x1000x1024xf32, #tpu.memory_space<vmem>>
    %dma_wait3A_850 = tpu.memref_squeeze %dma_wait3A_849 : memref<1x1000x1024xf32, #tpu.memory_space<vmem>> -> memref<1000x1024xf32, #tpu.memory_space<vmem>>
    %dma_wait3A_851 = arith.constant 23000 : i32
    %dma_wait3A_852 = arith.constant 0 : i32
    %dma_wait3A_853 = tpu.memref_slice %arg0[%dma_wait3A_851, %dma_wait3A_852] : memref<100000x1024xf32, #tpu.memory_space<any>> -> memref<1000x1024xf32, #tpu.memory_space<any>>
    tpu.wait_dma2 semaphore(%dma_wait3A_846 : memref<!tpu.dma_semaphore, #tpu.memory_space<semaphore_mem>>) src(%dma_wait3A_853 : memref<1000x1024xf32, #tpu.memory_space<any>>) dst(%dma_wait3A_850 : memref<1000x1024xf32, #tpu.memory_space<vmem>>)
    %get3A_854 = arith.constant 7 : index
    %get3A_855 = arith.constant 0 : index
    %get3A_856 = arith.constant 0 : index
    %get3A_857 = vector.load %arg2[%get3A_854, %get3A_855, %get3A_856] : memref<8x1000x1024xf32, #tpu.memory_space<vmem>>, vector<1x1000x1024xf32>
    %get3A_858 = vector.shape_cast %get3A_857 : vector<1x1000x1024xf32> to vector<1000x1024xf32>
    %reduce_sum3A_859 = vector.shape_cast %get3A_858 : vector<1000x1024xf32> to vector<1x1000x1024xf32>
    %reduce_sum3A_860 = arith.constant dense<0.000000e+00> : vector<1xf32>
    %reduce_sum3A_861 = vector.multi_reduction <add>, %reduce_sum3A_859, %reduce_sum3A_860 [1, 2] : vector<1x1000x1024xf32> to vector<1xf32>
    %reduce_sum3A_862 = vector.shape_cast %reduce_sum3A_861 : vector<1xf32> to vector<1x1x1xf32>
    %reduce_sum3A_863 = vector.extract %reduce_sum3A_862[0, 0, 0] : f32 from vector<1x1x1xf32>
    %add3A_864 = arith.addf %add3A_831, %reduce_sum3A_863 : f32
    %dma_start3A_865 = arith.constant 7 : i32
    %dma_start3A_866 = arith.constant 7 : i32
    %dma_start3A_867 = tpu.memref_slice %arg3[%dma_start3A_866] : memref<8x!tpu.dma_semaphore, #tpu.memory_space<semaphore_mem>> -> memref<1x!tpu.dma_semaphore, #tpu.memory_space<semaphore_mem>>
    %dma_start3A_868 = tpu.memref_squeeze %dma_start3A_867 : memref<1x!tpu.dma_semaphore, #tpu.memory_space<semaphore_mem>> -> memref<!tpu.dma_semaphore, #tpu.memory_space<semaphore_mem>>
    %dma_start3A_869 = arith.constant 0 : i32
    %dma_start3A_870 = arith.constant 0 : i32
    %dma_start3A_871 = tpu.memref_slice %arg2[%dma_start3A_865, %dma_start3A_869, %dma_start3A_870] : memref<8x1000x1024xf32, #tpu.memory_space<vmem>> -> memref<1x1000x1024xf32, #tpu.memory_space<vmem>>
    %dma_start3A_872 = tpu.memref_squeeze %dma_start3A_871 : memref<1x1000x1024xf32, #tpu.memory_space<vmem>> -> memref<1000x1024xf32, #tpu.memory_space<vmem>>
    %dma_start3A_873 = arith.constant 31000 : i32
    %dma_start3A_874 = arith.constant 0 : i32
    %dma_start3A_875 = tpu.memref_slice %arg0[%dma_start3A_873, %dma_start3A_874] : memref<100000x1024xf32, #tpu.memory_space<any>> -> memref<1000x1024xf32, #tpu.memory_space<any>>
    tpu.enqueue_dma source(%dma_start3A_875 : memref<1000x1024xf32, #tpu.memory_space<any>>) target(%dma_start3A_872 : memref<1000x1024xf32, #tpu.memory_space<vmem>>) target_semaphore(%dma_start3A_868 : memref<!tpu.dma_semaphore, #tpu.memory_space<semaphore_mem>>)
    %dma_wait3A_876 = arith.constant 0 : i32
    %dma_wait3A_877 = arith.constant 0 : i32
    %dma_wait3A_878 = tpu.memref_slice %arg3[%dma_wait3A_877] : memref<8x!tpu.dma_semaphore, #tpu.memory_space<semaphore_mem>> -> memref<1x!tpu.dma_semaphore, #tpu.memory_space<semaphore_mem>>
    %dma_wait3A_879 = tpu.memref_squeeze %dma_wait3A_878 : memref<1x!tpu.dma_semaphore, #tpu.memory_space<semaphore_mem>> -> memref<!tpu.dma_semaphore, #tpu.memory_space<semaphore_mem>>
    %dma_wait3A_880 = arith.constant 0 : i32
    %dma_wait3A_881 = arith.constant 0 : i32
    %dma_wait3A_882 = tpu.memref_slice %arg2[%dma_wait3A_876, %dma_wait3A_880, %dma_wait3A_881] : memref<8x1000x1024xf32, #tpu.memory_space<vmem>> -> memref<1x1000x1024xf32, #tpu.memory_space<vmem>>
    %dma_wait3A_883 = tpu.memref_squeeze %dma_wait3A_882 : memref<1x1000x1024xf32, #tpu.memory_space<vmem>> -> memref<1000x1024xf32, #tpu.memory_space<vmem>>
    %dma_wait3A_884 = arith.constant 24000 : i32
    %dma_wait3A_885 = arith.constant 0 : i32
    %dma_wait3A_886 = tpu.memref_slice %arg0[%dma_wait3A_884, %dma_wait3A_885] : memref<100000x1024xf32, #tpu.memory_space<any>> -> memref<1000x1024xf32, #tpu.memory_space<any>>
    tpu.wait_dma2 semaphore(%dma_wait3A_879 : memref<!tpu.dma_semaphore, #tpu.memory_space<semaphore_mem>>) src(%dma_wait3A_886 : memref<1000x1024xf32, #tpu.memory_space<any>>) dst(%dma_wait3A_883 : memref<1000x1024xf32, #tpu.memory_space<vmem>>)
    %get3A_887 = arith.constant 0 : index
    %get3A_888 = arith.constant 0 : index
    %get3A_889 = arith.constant 0 : index
    %get3A_890 = vector.load %arg2[%get3A_887, %get3A_888, %get3A_889] : memref<8x1000x1024xf32, #tpu.memory_space<vmem>>, vector<1x1000x1024xf32>
    %get3A_891 = vector.shape_cast %get3A_890 : vector<1x1000x1024xf32> to vector<1000x1024xf32>
    %reduce_sum3A_892 = vector.shape_cast %get3A_891 : vector<1000x1024xf32> to vector<1x1000x1024xf32>
    %reduce_sum3A_893 = arith.constant dense<0.000000e+00> : vector<1xf32>
    %reduce_sum3A_894 = vector.multi_reduction <add>, %reduce_sum3A_892, %reduce_sum3A_893 [1, 2] : vector<1x1000x1024xf32> to vector<1xf32>
    %reduce_sum3A_895 = vector.shape_cast %reduce_sum3A_894 : vector<1xf32> to vector<1x1x1xf32>
    %reduce_sum3A_896 = vector.extract %reduce_sum3A_895[0, 0, 0] : f32 from vector<1x1x1xf32>
    %add3A_897 = arith.addf %add3A_864, %reduce_sum3A_896 : f32
    %dma_start3A_898 = arith.constant 0 : i32
    %dma_start3A_899 = arith.constant 0 : i32
    %dma_start3A_900 = tpu.memref_slice %arg3[%dma_start3A_899] : memref<8x!tpu.dma_semaphore, #tpu.memory_space<semaphore_mem>> -> memref<1x!tpu.dma_semaphore, #tpu.memory_space<semaphore_mem>>
    %dma_start3A_901 = tpu.memref_squeeze %dma_start3A_900 : memref<1x!tpu.dma_semaphore, #tpu.memory_space<semaphore_mem>> -> memref<!tpu.dma_semaphore, #tpu.memory_space<semaphore_mem>>
    %dma_start3A_902 = arith.constant 0 : i32
    %dma_start3A_903 = arith.constant 0 : i32
    %dma_start3A_904 = tpu.memref_slice %arg2[%dma_start3A_898, %dma_start3A_902, %dma_start3A_903] : memref<8x1000x1024xf32, #tpu.memory_space<vmem>> -> memref<1x1000x1024xf32, #tpu.memory_space<vmem>>
    %dma_start3A_905 = tpu.memref_squeeze %dma_start3A_904 : memref<1x1000x1024xf32, #tpu.memory_space<vmem>> -> memref<1000x1024xf32, #tpu.memory_space<vmem>>
    %dma_start3A_906 = arith.constant 32000 : i32
    %dma_start3A_907 = arith.constant 0 : i32
    %dma_start3A_908 = tpu.memref_slice %arg0[%dma_start3A_906, %dma_start3A_907] : memref<100000x1024xf32, #tpu.memory_space<any>> -> memref<1000x1024xf32, #tpu.memory_space<any>>
    tpu.enqueue_dma source(%dma_start3A_908 : memref<1000x1024xf32, #tpu.memory_space<any>>) target(%dma_start3A_905 : memref<1000x1024xf32, #tpu.memory_space<vmem>>) target_semaphore(%dma_start3A_901 : memref<!tpu.dma_semaphore, #tpu.memory_space<semaphore_mem>>)
    %dma_wait3A_909 = arith.constant 1 : i32
    %dma_wait3A_910 = arith.constant 1 : i32
    %dma_wait3A_911 = tpu.memref_slice %arg3[%dma_wait3A_910] : memref<8x!tpu.dma_semaphore, #tpu.memory_space<semaphore_mem>> -> memref<1x!tpu.dma_semaphore, #tpu.memory_space<semaphore_mem>>
    %dma_wait3A_912 = tpu.memref_squeeze %dma_wait3A_911 : memref<1x!tpu.dma_semaphore, #tpu.memory_space<semaphore_mem>> -> memref<!tpu.dma_semaphore, #tpu.memory_space<semaphore_mem>>
    %dma_wait3A_913 = arith.constant 0 : i32
    %dma_wait3A_914 = arith.constant 0 : i32
    %dma_wait3A_915 = tpu.memref_slice %arg2[%dma_wait3A_909, %dma_wait3A_913, %dma_wait3A_914] : memref<8x1000x1024xf32, #tpu.memory_space<vmem>> -> memref<1x1000x1024xf32, #tpu.memory_space<vmem>>
    %dma_wait3A_916 = tpu.memref_squeeze %dma_wait3A_915 : memref<1x1000x1024xf32, #tpu.memory_space<vmem>> -> memref<1000x1024xf32, #tpu.memory_space<vmem>>
    %dma_wait3A_917 = arith.constant 25000 : i32
    %dma_wait3A_918 = arith.constant 0 : i32
    %dma_wait3A_919 = tpu.memref_slice %arg0[%dma_wait3A_917, %dma_wait3A_918] : memref<100000x1024xf32, #tpu.memory_space<any>> -> memref<1000x1024xf32, #tpu.memory_space<any>>
    tpu.wait_dma2 semaphore(%dma_wait3A_912 : memref<!tpu.dma_semaphore, #tpu.memory_space<semaphore_mem>>) src(%dma_wait3A_919 : memref<1000x1024xf32, #tpu.memory_space<any>>) dst(%dma_wait3A_916 : memref<1000x1024xf32, #tpu.memory_space<vmem>>)
    %get3A_920 = arith.constant 1 : index
    %get3A_921 = arith.constant 0 : index
    %get3A_922 = arith.constant 0 : index
    %get3A_923 = vector.load %arg2[%get3A_920, %get3A_921, %get3A_922] : memref<8x1000x1024xf32, #tpu.memory_space<vmem>>, vector<1x1000x1024xf32>
    %get3A_924 = vector.shape_cast %get3A_923 : vector<1x1000x1024xf32> to vector<1000x1024xf32>
    %reduce_sum3A_925 = vector.shape_cast %get3A_924 : vector<1000x1024xf32> to vector<1x1000x1024xf32>
    %reduce_sum3A_926 = arith.constant dense<0.000000e+00> : vector<1xf32>
    %reduce_sum3A_927 = vector.multi_reduction <add>, %reduce_sum3A_925, %reduce_sum3A_926 [1, 2] : vector<1x1000x1024xf32> to vector<1xf32>
    %reduce_sum3A_928 = vector.shape_cast %reduce_sum3A_927 : vector<1xf32> to vector<1x1x1xf32>
    %reduce_sum3A_929 = vector.extract %reduce_sum3A_928[0, 0, 0] : f32 from vector<1x1x1xf32>
    %add3A_930 = arith.addf %add3A_897, %reduce_sum3A_929 : f32
    %dma_start3A_931 = arith.constant 1 : i32
    %dma_start3A_932 = arith.constant 1 : i32
    %dma_start3A_933 = tpu.memref_slice %arg3[%dma_start3A_932] : memref<8x!tpu.dma_semaphore, #tpu.memory_space<semaphore_mem>> -> memref<1x!tpu.dma_semaphore, #tpu.memory_space<semaphore_mem>>
    %dma_start3A_934 = tpu.memref_squeeze %dma_start3A_933 : memref<1x!tpu.dma_semaphore, #tpu.memory_space<semaphore_mem>> -> memref<!tpu.dma_semaphore, #tpu.memory_space<semaphore_mem>>
    %dma_start3A_935 = arith.constant 0 : i32
    %dma_start3A_936 = arith.constant 0 : i32
    %dma_start3A_937 = tpu.memref_slice %arg2[%dma_start3A_931, %dma_start3A_935, %dma_start3A_936] : memref<8x1000x1024xf32, #tpu.memory_space<vmem>> -> memref<1x1000x1024xf32, #tpu.memory_space<vmem>>
    %dma_start3A_938 = tpu.memref_squeeze %dma_start3A_937 : memref<1x1000x1024xf32, #tpu.memory_space<vmem>> -> memref<1000x1024xf32, #tpu.memory_space<vmem>>
    %dma_start3A_939 = arith.constant 33000 : i32
    %dma_start3A_940 = arith.constant 0 : i32
    %dma_start3A_941 = tpu.memref_slice %arg0[%dma_start3A_939, %dma_start3A_940] : memref<100000x1024xf32, #tpu.memory_space<any>> -> memref<1000x1024xf32, #tpu.memory_space<any>>
    tpu.enqueue_dma source(%dma_start3A_941 : memref<1000x1024xf32, #tpu.memory_space<any>>) target(%dma_start3A_938 : memref<1000x1024xf32, #tpu.memory_space<vmem>>) target_semaphore(%dma_start3A_934 : memref<!tpu.dma_semaphore, #tpu.memory_space<semaphore_mem>>)
    %dma_wait3A_942 = arith.constant 2 : i32
    %dma_wait3A_943 = arith.constant 2 : i32
    %dma_wait3A_944 = tpu.memref_slice %arg3[%dma_wait3A_943] : memref<8x!tpu.dma_semaphore, #tpu.memory_space<semaphore_mem>> -> memref<1x!tpu.dma_semaphore, #tpu.memory_space<semaphore_mem>>
    %dma_wait3A_945 = tpu.memref_squeeze %dma_wait3A_944 : memref<1x!tpu.dma_semaphore, #tpu.memory_space<semaphore_mem>> -> memref<!tpu.dma_semaphore, #tpu.memory_space<semaphore_mem>>
    %dma_wait3A_946 = arith.constant 0 : i32
    %dma_wait3A_947 = arith.constant 0 : i32
    %dma_wait3A_948 = tpu.memref_slice %arg2[%dma_wait3A_942, %dma_wait3A_946, %dma_wait3A_947] : memref<8x1000x1024xf32, #tpu.memory_space<vmem>> -> memref<1x1000x1024xf32, #tpu.memory_space<vmem>>
    %dma_wait3A_949 = tpu.memref_squeeze %dma_wait3A_948 : memref<1x1000x1024xf32, #tpu.memory_space<vmem>> -> memref<1000x1024xf32, #tpu.memory_space<vmem>>
    %dma_wait3A_950 = arith.constant 26000 : i32
    %dma_wait3A_951 = arith.constant 0 : i32
    %dma_wait3A_952 = tpu.memref_slice %arg0[%dma_wait3A_950, %dma_wait3A_951] : memref<100000x1024xf32, #tpu.memory_space<any>> -> memref<1000x1024xf32, #tpu.memory_space<any>>
    tpu.wait_dma2 semaphore(%dma_wait3A_945 : memref<!tpu.dma_semaphore, #tpu.memory_space<semaphore_mem>>) src(%dma_wait3A_952 : memref<1000x1024xf32, #tpu.memory_space<any>>) dst(%dma_wait3A_949 : memref<1000x1024xf32, #tpu.memory_space<vmem>>)
    %get3A_953 = arith.constant 2 : index
    %get3A_954 = arith.constant 0 : index
    %get3A_955 = arith.constant 0 : index
    %get3A_956 = vector.load %arg2[%get3A_953, %get3A_954, %get3A_955] : memref<8x1000x1024xf32, #tpu.memory_space<vmem>>, vector<1x1000x1024xf32>
    %get3A_957 = vector.shape_cast %get3A_956 : vector<1x1000x1024xf32> to vector<1000x1024xf32>
    %reduce_sum3A_958 = vector.shape_cast %get3A_957 : vector<1000x1024xf32> to vector<1x1000x1024xf32>
    %reduce_sum3A_959 = arith.constant dense<0.000000e+00> : vector<1xf32>
    %reduce_sum3A_960 = vector.multi_reduction <add>, %reduce_sum3A_958, %reduce_sum3A_959 [1, 2] : vector<1x1000x1024xf32> to vector<1xf32>
    %reduce_sum3A_961 = vector.shape_cast %reduce_sum3A_960 : vector<1xf32> to vector<1x1x1xf32>
    %reduce_sum3A_962 = vector.extract %reduce_sum3A_961[0, 0, 0] : f32 from vector<1x1x1xf32>
    %add3A_963 = arith.addf %add3A_930, %reduce_sum3A_962 : f32
    %dma_start3A_964 = arith.constant 2 : i32
    %dma_start3A_965 = arith.constant 2 : i32
    %dma_start3A_966 = tpu.memref_slice %arg3[%dma_start3A_965] : memref<8x!tpu.dma_semaphore, #tpu.memory_space<semaphore_mem>> -> memref<1x!tpu.dma_semaphore, #tpu.memory_space<semaphore_mem>>
    %dma_start3A_967 = tpu.memref_squeeze %dma_start3A_966 : memref<1x!tpu.dma_semaphore, #tpu.memory_space<semaphore_mem>> -> memref<!tpu.dma_semaphore, #tpu.memory_space<semaphore_mem>>
    %dma_start3A_968 = arith.constant 0 : i32
    %dma_start3A_969 = arith.constant 0 : i32
    %dma_start3A_970 = tpu.memref_slice %arg2[%dma_start3A_964, %dma_start3A_968, %dma_start3A_969] : memref<8x1000x1024xf32, #tpu.memory_space<vmem>> -> memref<1x1000x1024xf32, #tpu.memory_space<vmem>>
    %dma_start3A_971 = tpu.memref_squeeze %dma_start3A_970 : memref<1x1000x1024xf32, #tpu.memory_space<vmem>> -> memref<1000x1024xf32, #tpu.memory_space<vmem>>
    %dma_start3A_972 = arith.constant 34000 : i32
    %dma_start3A_973 = arith.constant 0 : i32
    %dma_start3A_974 = tpu.memref_slice %arg0[%dma_start3A_972, %dma_start3A_973] : memref<100000x1024xf32, #tpu.memory_space<any>> -> memref<1000x1024xf32, #tpu.memory_space<any>>
    tpu.enqueue_dma source(%dma_start3A_974 : memref<1000x1024xf32, #tpu.memory_space<any>>) target(%dma_start3A_971 : memref<1000x1024xf32, #tpu.memory_space<vmem>>) target_semaphore(%dma_start3A_967 : memref<!tpu.dma_semaphore, #tpu.memory_space<semaphore_mem>>)
    %dma_wait3A_975 = arith.constant 3 : i32
    %dma_wait3A_976 = arith.constant 3 : i32
    %dma_wait3A_977 = tpu.memref_slice %arg3[%dma_wait3A_976] : memref<8x!tpu.dma_semaphore, #tpu.memory_space<semaphore_mem>> -> memref<1x!tpu.dma_semaphore, #tpu.memory_space<semaphore_mem>>
    %dma_wait3A_978 = tpu.memref_squeeze %dma_wait3A_977 : memref<1x!tpu.dma_semaphore, #tpu.memory_space<semaphore_mem>> -> memref<!tpu.dma_semaphore, #tpu.memory_space<semaphore_mem>>
    %dma_wait3A_979 = arith.constant 0 : i32
    %dma_wait3A_980 = arith.constant 0 : i32
    %dma_wait3A_981 = tpu.memref_slice %arg2[%dma_wait3A_975, %dma_wait3A_979, %dma_wait3A_980] : memref<8x1000x1024xf32, #tpu.memory_space<vmem>> -> memref<1x1000x1024xf32, #tpu.memory_space<vmem>>
    %dma_wait3A_982 = tpu.memref_squeeze %dma_wait3A_981 : memref<1x1000x1024xf32, #tpu.memory_space<vmem>> -> memref<1000x1024xf32, #tpu.memory_space<vmem>>
    %dma_wait3A_983 = arith.constant 27000 : i32
    %dma_wait3A_984 = arith.constant 0 : i32
    %dma_wait3A_985 = tpu.memref_slice %arg0[%dma_wait3A_983, %dma_wait3A_984] : memref<100000x1024xf32, #tpu.memory_space<any>> -> memref<1000x1024xf32, #tpu.memory_space<any>>
    tpu.wait_dma2 semaphore(%dma_wait3A_978 : memref<!tpu.dma_semaphore, #tpu.memory_space<semaphore_mem>>) src(%dma_wait3A_985 : memref<1000x1024xf32, #tpu.memory_space<any>>) dst(%dma_wait3A_982 : memref<1000x1024xf32, #tpu.memory_space<vmem>>)
    %get3A_986 = arith.constant 3 : index
    %get3A_987 = arith.constant 0 : index
    %get3A_988 = arith.constant 0 : index
    %get3A_989 = vector.load %arg2[%get3A_986, %get3A_987, %get3A_988] : memref<8x1000x1024xf32, #tpu.memory_space<vmem>>, vector<1x1000x1024xf32>
    %get3A_990 = vector.shape_cast %get3A_989 : vector<1x1000x1024xf32> to vector<1000x1024xf32>
    %reduce_sum3A_991 = vector.shape_cast %get3A_990 : vector<1000x1024xf32> to vector<1x1000x1024xf32>
    %reduce_sum3A_992 = arith.constant dense<0.000000e+00> : vector<1xf32>
    %reduce_sum3A_993 = vector.multi_reduction <add>, %reduce_sum3A_991, %reduce_sum3A_992 [1, 2] : vector<1x1000x1024xf32> to vector<1xf32>
    %reduce_sum3A_994 = vector.shape_cast %reduce_sum3A_993 : vector<1xf32> to vector<1x1x1xf32>
    %reduce_sum3A_995 = vector.extract %reduce_sum3A_994[0, 0, 0] : f32 from vector<1x1x1xf32>
    %add3A_996 = arith.addf %add3A_963, %reduce_sum3A_995 : f32
    %dma_start3A_997 = arith.constant 3 : i32
    %dma_start3A_998 = arith.constant 3 : i32
    %dma_start3A_999 = tpu.memref_slice %arg3[%dma_start3A_998] : memref<8x!tpu.dma_semaphore, #tpu.memory_space<semaphore_mem>> -> memref<1x!tpu.dma_semaphore, #tpu.memory_space<semaphore_mem>>
    %dma_start3A_1000 = tpu.memref_squeeze %dma_start3A_999 : memref<1x!tpu.dma_semaphore, #tpu.memory_space<semaphore_mem>> -> memref<!tpu.dma_semaphore, #tpu.memory_space<semaphore_mem>>
    %dma_start3A_1001 = arith.constant 0 : i32
    %dma_start3A_1002 = arith.constant 0 : i32
    %dma_start3A_1003 = tpu.memref_slice %arg2[%dma_start3A_997, %dma_start3A_1001, %dma_start3A_1002] : memref<8x1000x1024xf32, #tpu.memory_space<vmem>> -> memref<1x1000x1024xf32, #tpu.memory_space<vmem>>
    %dma_start3A_1004 = tpu.memref_squeeze %dma_start3A_1003 : memref<1x1000x1024xf32, #tpu.memory_space<vmem>> -> memref<1000x1024xf32, #tpu.memory_space<vmem>>
    %dma_start3A_1005 = arith.constant 35000 : i32
    %dma_start3A_1006 = arith.constant 0 : i32
    %dma_start3A_1007 = tpu.memref_slice %arg0[%dma_start3A_1005, %dma_start3A_1006] : memref<100000x1024xf32, #tpu.memory_space<any>> -> memref<1000x1024xf32, #tpu.memory_space<any>>
    tpu.enqueue_dma source(%dma_start3A_1007 : memref<1000x1024xf32, #tpu.memory_space<any>>) target(%dma_start3A_1004 : memref<1000x1024xf32, #tpu.memory_space<vmem>>) target_semaphore(%dma_start3A_1000 : memref<!tpu.dma_semaphore, #tpu.memory_space<semaphore_mem>>)
    %dma_wait3A_1008 = arith.constant 4 : i32
    %dma_wait3A_1009 = arith.constant 4 : i32
    %dma_wait3A_1010 = tpu.memref_slice %arg3[%dma_wait3A_1009] : memref<8x!tpu.dma_semaphore, #tpu.memory_space<semaphore_mem>> -> memref<1x!tpu.dma_semaphore, #tpu.memory_space<semaphore_mem>>
    %dma_wait3A_1011 = tpu.memref_squeeze %dma_wait3A_1010 : memref<1x!tpu.dma_semaphore, #tpu.memory_space<semaphore_mem>> -> memref<!tpu.dma_semaphore, #tpu.memory_space<semaphore_mem>>
    %dma_wait3A_1012 = arith.constant 0 : i32
    %dma_wait3A_1013 = arith.constant 0 : i32
    %dma_wait3A_1014 = tpu.memref_slice %arg2[%dma_wait3A_1008, %dma_wait3A_1012, %dma_wait3A_1013] : memref<8x1000x1024xf32, #tpu.memory_space<vmem>> -> memref<1x1000x1024xf32, #tpu.memory_space<vmem>>
    %dma_wait3A_1015 = tpu.memref_squeeze %dma_wait3A_1014 : memref<1x1000x1024xf32, #tpu.memory_space<vmem>> -> memref<1000x1024xf32, #tpu.memory_space<vmem>>
    %dma_wait3A_1016 = arith.constant 28000 : i32
    %dma_wait3A_1017 = arith.constant 0 : i32
    %dma_wait3A_1018 = tpu.memref_slice %arg0[%dma_wait3A_1016, %dma_wait3A_1017] : memref<100000x1024xf32, #tpu.memory_space<any>> -> memref<1000x1024xf32, #tpu.memory_space<any>>
    tpu.wait_dma2 semaphore(%dma_wait3A_1011 : memref<!tpu.dma_semaphore, #tpu.memory_space<semaphore_mem>>) src(%dma_wait3A_1018 : memref<1000x1024xf32, #tpu.memory_space<any>>) dst(%dma_wait3A_1015 : memref<1000x1024xf32, #tpu.memory_space<vmem>>)
    %get3A_1019 = arith.constant 4 : index
    %get3A_1020 = arith.constant 0 : index
    %get3A_1021 = arith.constant 0 : index
    %get3A_1022 = vector.load %arg2[%get3A_1019, %get3A_1020, %get3A_1021] : memref<8x1000x1024xf32, #tpu.memory_space<vmem>>, vector<1x1000x1024xf32>
    %get3A_1023 = vector.shape_cast %get3A_1022 : vector<1x1000x1024xf32> to vector<1000x1024xf32>
    %reduce_sum3A_1024 = vector.shape_cast %get3A_1023 : vector<1000x1024xf32> to vector<1x1000x1024xf32>
    %reduce_sum3A_1025 = arith.constant dense<0.000000e+00> : vector<1xf32>
    %reduce_sum3A_1026 = vector.multi_reduction <add>, %reduce_sum3A_1024, %reduce_sum3A_1025 [1, 2] : vector<1x1000x1024xf32> to vector<1xf32>
    %reduce_sum3A_1027 = vector.shape_cast %reduce_sum3A_1026 : vector<1xf32> to vector<1x1x1xf32>
    %reduce_sum3A_1028 = vector.extract %reduce_sum3A_1027[0, 0, 0] : f32 from vector<1x1x1xf32>
    %add3A_1029 = arith.addf %add3A_996, %reduce_sum3A_1028 : f32
    %dma_start3A_1030 = arith.constant 4 : i32
    %dma_start3A_1031 = arith.constant 4 : i32
    %dma_start3A_1032 = tpu.memref_slice %arg3[%dma_start3A_1031] : memref<8x!tpu.dma_semaphore, #tpu.memory_space<semaphore_mem>> -> memref<1x!tpu.dma_semaphore, #tpu.memory_space<semaphore_mem>>
    %dma_start3A_1033 = tpu.memref_squeeze %dma_start3A_1032 : memref<1x!tpu.dma_semaphore, #tpu.memory_space<semaphore_mem>> -> memref<!tpu.dma_semaphore, #tpu.memory_space<semaphore_mem>>
    %dma_start3A_1034 = arith.constant 0 : i32
    %dma_start3A_1035 = arith.constant 0 : i32
    %dma_start3A_1036 = tpu.memref_slice %arg2[%dma_start3A_1030, %dma_start3A_1034, %dma_start3A_1035] : memref<8x1000x1024xf32, #tpu.memory_space<vmem>> -> memref<1x1000x1024xf32, #tpu.memory_space<vmem>>
    %dma_start3A_1037 = tpu.memref_squeeze %dma_start3A_1036 : memref<1x1000x1024xf32, #tpu.memory_space<vmem>> -> memref<1000x1024xf32, #tpu.memory_space<vmem>>
    %dma_start3A_1038 = arith.constant 36000 : i32
    %dma_start3A_1039 = arith.constant 0 : i32
    %dma_start3A_1040 = tpu.memref_slice %arg0[%dma_start3A_1038, %dma_start3A_1039] : memref<100000x1024xf32, #tpu.memory_space<any>> -> memref<1000x1024xf32, #tpu.memory_space<any>>
    tpu.enqueue_dma source(%dma_start3A_1040 : memref<1000x1024xf32, #tpu.memory_space<any>>) target(%dma_start3A_1037 : memref<1000x1024xf32, #tpu.memory_space<vmem>>) target_semaphore(%dma_start3A_1033 : memref<!tpu.dma_semaphore, #tpu.memory_space<semaphore_mem>>)
    %dma_wait3A_1041 = arith.constant 5 : i32
    %dma_wait3A_1042 = arith.constant 5 : i32
    %dma_wait3A_1043 = tpu.memref_slice %arg3[%dma_wait3A_1042] : memref<8x!tpu.dma_semaphore, #tpu.memory_space<semaphore_mem>> -> memref<1x!tpu.dma_semaphore, #tpu.memory_space<semaphore_mem>>
    %dma_wait3A_1044 = tpu.memref_squeeze %dma_wait3A_1043 : memref<1x!tpu.dma_semaphore, #tpu.memory_space<semaphore_mem>> -> memref<!tpu.dma_semaphore, #tpu.memory_space<semaphore_mem>>
    %dma_wait3A_1045 = arith.constant 0 : i32
    %dma_wait3A_1046 = arith.constant 0 : i32
    %dma_wait3A_1047 = tpu.memref_slice %arg2[%dma_wait3A_1041, %dma_wait3A_1045, %dma_wait3A_1046] : memref<8x1000x1024xf32, #tpu.memory_space<vmem>> -> memref<1x1000x1024xf32, #tpu.memory_space<vmem>>
    %dma_wait3A_1048 = tpu.memref_squeeze %dma_wait3A_1047 : memref<1x1000x1024xf32, #tpu.memory_space<vmem>> -> memref<1000x1024xf32, #tpu.memory_space<vmem>>
    %dma_wait3A_1049 = arith.constant 29000 : i32
    %dma_wait3A_1050 = arith.constant 0 : i32
    %dma_wait3A_1051 = tpu.memref_slice %arg0[%dma_wait3A_1049, %dma_wait3A_1050] : memref<100000x1024xf32, #tpu.memory_space<any>> -> memref<1000x1024xf32, #tpu.memory_space<any>>
    tpu.wait_dma2 semaphore(%dma_wait3A_1044 : memref<!tpu.dma_semaphore, #tpu.memory_space<semaphore_mem>>) src(%dma_wait3A_1051 : memref<1000x1024xf32, #tpu.memory_space<any>>) dst(%dma_wait3A_1048 : memref<1000x1024xf32, #tpu.memory_space<vmem>>)
    %get3A_1052 = arith.constant 5 : index
    %get3A_1053 = arith.constant 0 : index
    %get3A_1054 = arith.constant 0 : index
    %get3A_1055 = vector.load %arg2[%get3A_1052, %get3A_1053, %get3A_1054] : memref<8x1000x1024xf32, #tpu.memory_space<vmem>>, vector<1x1000x1024xf32>
    %get3A_1056 = vector.shape_cast %get3A_1055 : vector<1x1000x1024xf32> to vector<1000x1024xf32>
    %reduce_sum3A_1057 = vector.shape_cast %get3A_1056 : vector<1000x1024xf32> to vector<1x1000x1024xf32>
    %reduce_sum3A_1058 = arith.constant dense<0.000000e+00> : vector<1xf32>
    %reduce_sum3A_1059 = vector.multi_reduction <add>, %reduce_sum3A_1057, %reduce_sum3A_1058 [1, 2] : vector<1x1000x1024xf32> to vector<1xf32>
    %reduce_sum3A_1060 = vector.shape_cast %reduce_sum3A_1059 : vector<1xf32> to vector<1x1x1xf32>
    %reduce_sum3A_1061 = vector.extract %reduce_sum3A_1060[0, 0, 0] : f32 from vector<1x1x1xf32>
    %add3A_1062 = arith.addf %add3A_1029, %reduce_sum3A_1061 : f32
    %dma_start3A_1063 = arith.constant 5 : i32
    %dma_start3A_1064 = arith.constant 5 : i32
    %dma_start3A_1065 = tpu.memref_slice %arg3[%dma_start3A_1064] : memref<8x!tpu.dma_semaphore, #tpu.memory_space<semaphore_mem>> -> memref<1x!tpu.dma_semaphore, #tpu.memory_space<semaphore_mem>>
    %dma_start3A_1066 = tpu.memref_squeeze %dma_start3A_1065 : memref<1x!tpu.dma_semaphore, #tpu.memory_space<semaphore_mem>> -> memref<!tpu.dma_semaphore, #tpu.memory_space<semaphore_mem>>
    %dma_start3A_1067 = arith.constant 0 : i32
    %dma_start3A_1068 = arith.constant 0 : i32
    %dma_start3A_1069 = tpu.memref_slice %arg2[%dma_start3A_1063, %dma_start3A_1067, %dma_start3A_1068] : memref<8x1000x1024xf32, #tpu.memory_space<vmem>> -> memref<1x1000x1024xf32, #tpu.memory_space<vmem>>
    %dma_start3A_1070 = tpu.memref_squeeze %dma_start3A_1069 : memref<1x1000x1024xf32, #tpu.memory_space<vmem>> -> memref<1000x1024xf32, #tpu.memory_space<vmem>>
    %dma_start3A_1071 = arith.constant 37000 : i32
    %dma_start3A_1072 = arith.constant 0 : i32
    %dma_start3A_1073 = tpu.memref_slice %arg0[%dma_start3A_1071, %dma_start3A_1072] : memref<100000x1024xf32, #tpu.memory_space<any>> -> memref<1000x1024xf32, #tpu.memory_space<any>>
    tpu.enqueue_dma source(%dma_start3A_1073 : memref<1000x1024xf32, #tpu.memory_space<any>>) target(%dma_start3A_1070 : memref<1000x1024xf32, #tpu.memory_space<vmem>>) target_semaphore(%dma_start3A_1066 : memref<!tpu.dma_semaphore, #tpu.memory_space<semaphore_mem>>)
    %dma_wait3A_1074 = arith.constant 6 : i32
    %dma_wait3A_1075 = arith.constant 6 : i32
    %dma_wait3A_1076 = tpu.memref_slice %arg3[%dma_wait3A_1075] : memref<8x!tpu.dma_semaphore, #tpu.memory_space<semaphore_mem>> -> memref<1x!tpu.dma_semaphore, #tpu.memory_space<semaphore_mem>>
    %dma_wait3A_1077 = tpu.memref_squeeze %dma_wait3A_1076 : memref<1x!tpu.dma_semaphore, #tpu.memory_space<semaphore_mem>> -> memref<!tpu.dma_semaphore, #tpu.memory_space<semaphore_mem>>
    %dma_wait3A_1078 = arith.constant 0 : i32
    %dma_wait3A_1079 = arith.constant 0 : i32
    %dma_wait3A_1080 = tpu.memref_slice %arg2[%dma_wait3A_1074, %dma_wait3A_1078, %dma_wait3A_1079] : memref<8x1000x1024xf32, #tpu.memory_space<vmem>> -> memref<1x1000x1024xf32, #tpu.memory_space<vmem>>
    %dma_wait3A_1081 = tpu.memref_squeeze %dma_wait3A_1080 : memref<1x1000x1024xf32, #tpu.memory_space<vmem>> -> memref<1000x1024xf32, #tpu.memory_space<vmem>>
    %dma_wait3A_1082 = arith.constant 30000 : i32
    %dma_wait3A_1083 = arith.constant 0 : i32
    %dma_wait3A_1084 = tpu.memref_slice %arg0[%dma_wait3A_1082, %dma_wait3A_1083] : memref<100000x1024xf32, #tpu.memory_space<any>> -> memref<1000x1024xf32, #tpu.memory_space<any>>
    tpu.wait_dma2 semaphore(%dma_wait3A_1077 : memref<!tpu.dma_semaphore, #tpu.memory_space<semaphore_mem>>) src(%dma_wait3A_1084 : memref<1000x1024xf32, #tpu.memory_space<any>>) dst(%dma_wait3A_1081 : memref<1000x1024xf32, #tpu.memory_space<vmem>>)
    %get3A_1085 = arith.constant 6 : index
    %get3A_1086 = arith.constant 0 : index
    %get3A_1087 = arith.constant 0 : index
    %get3A_1088 = vector.load %arg2[%get3A_1085, %get3A_1086, %get3A_1087] : memref<8x1000x1024xf32, #tpu.memory_space<vmem>>, vector<1x1000x1024xf32>
    %get3A_1089 = vector.shape_cast %get3A_1088 : vector<1x1000x1024xf32> to vector<1000x1024xf32>
    %reduce_sum3A_1090 = vector.shape_cast %get3A_1089 : vector<1000x1024xf32> to vector<1x1000x1024xf32>
    %reduce_sum3A_1091 = arith.constant dense<0.000000e+00> : vector<1xf32>
    %reduce_sum3A_1092 = vector.multi_reduction <add>, %reduce_sum3A_1090, %reduce_sum3A_1091 [1, 2] : vector<1x1000x1024xf32> to vector<1xf32>
    %reduce_sum3A_1093 = vector.shape_cast %reduce_sum3A_1092 : vector<1xf32> to vector<1x1x1xf32>
    %reduce_sum3A_1094 = vector.extract %reduce_sum3A_1093[0, 0, 0] : f32 from vector<1x1x1xf32>
    %add3A_1095 = arith.addf %add3A_1062, %reduce_sum3A_1094 : f32
    %dma_start3A_1096 = arith.constant 6 : i32
    %dma_start3A_1097 = arith.constant 6 : i32
    %dma_start3A_1098 = tpu.memref_slice %arg3[%dma_start3A_1097] : memref<8x!tpu.dma_semaphore, #tpu.memory_space<semaphore_mem>> -> memref<1x!tpu.dma_semaphore, #tpu.memory_space<semaphore_mem>>
    %dma_start3A_1099 = tpu.memref_squeeze %dma_start3A_1098 : memref<1x!tpu.dma_semaphore, #tpu.memory_space<semaphore_mem>> -> memref<!tpu.dma_semaphore, #tpu.memory_space<semaphore_mem>>
    %dma_start3A_1100 = arith.constant 0 : i32
    %dma_start3A_1101 = arith.constant 0 : i32
    %dma_start3A_1102 = tpu.memref_slice %arg2[%dma_start3A_1096, %dma_start3A_1100, %dma_start3A_1101] : memref<8x1000x1024xf32, #tpu.memory_space<vmem>> -> memref<1x1000x1024xf32, #tpu.memory_space<vmem>>
    %dma_start3A_1103 = tpu.memref_squeeze %dma_start3A_1102 : memref<1x1000x1024xf32, #tpu.memory_space<vmem>> -> memref<1000x1024xf32, #tpu.memory_space<vmem>>
    %dma_start3A_1104 = arith.constant 38000 : i32
    %dma_start3A_1105 = arith.constant 0 : i32
    %dma_start3A_1106 = tpu.memref_slice %arg0[%dma_start3A_1104, %dma_start3A_1105] : memref<100000x1024xf32, #tpu.memory_space<any>> -> memref<1000x1024xf32, #tpu.memory_space<any>>
    tpu.enqueue_dma source(%dma_start3A_1106 : memref<1000x1024xf32, #tpu.memory_space<any>>) target(%dma_start3A_1103 : memref<1000x1024xf32, #tpu.memory_space<vmem>>) target_semaphore(%dma_start3A_1099 : memref<!tpu.dma_semaphore, #tpu.memory_space<semaphore_mem>>)
    %dma_wait3A_1107 = arith.constant 7 : i32
    %dma_wait3A_1108 = arith.constant 7 : i32
    %dma_wait3A_1109 = tpu.memref_slice %arg3[%dma_wait3A_1108] : memref<8x!tpu.dma_semaphore, #tpu.memory_space<semaphore_mem>> -> memref<1x!tpu.dma_semaphore, #tpu.memory_space<semaphore_mem>>
    %dma_wait3A_1110 = tpu.memref_squeeze %dma_wait3A_1109 : memref<1x!tpu.dma_semaphore, #tpu.memory_space<semaphore_mem>> -> memref<!tpu.dma_semaphore, #tpu.memory_space<semaphore_mem>>
    %dma_wait3A_1111 = arith.constant 0 : i32
    %dma_wait3A_1112 = arith.constant 0 : i32
    %dma_wait3A_1113 = tpu.memref_slice %arg2[%dma_wait3A_1107, %dma_wait3A_1111, %dma_wait3A_1112] : memref<8x1000x1024xf32, #tpu.memory_space<vmem>> -> memref<1x1000x1024xf32, #tpu.memory_space<vmem>>
    %dma_wait3A_1114 = tpu.memref_squeeze %dma_wait3A_1113 : memref<1x1000x1024xf32, #tpu.memory_space<vmem>> -> memref<1000x1024xf32, #tpu.memory_space<vmem>>
    %dma_wait3A_1115 = arith.constant 31000 : i32
    %dma_wait3A_1116 = arith.constant 0 : i32
    %dma_wait3A_1117 = tpu.memref_slice %arg0[%dma_wait3A_1115, %dma_wait3A_1116] : memref<100000x1024xf32, #tpu.memory_space<any>> -> memref<1000x1024xf32, #tpu.memory_space<any>>
    tpu.wait_dma2 semaphore(%dma_wait3A_1110 : memref<!tpu.dma_semaphore, #tpu.memory_space<semaphore_mem>>) src(%dma_wait3A_1117 : memref<1000x1024xf32, #tpu.memory_space<any>>) dst(%dma_wait3A_1114 : memref<1000x1024xf32, #tpu.memory_space<vmem>>)
    %get3A_1118 = arith.constant 7 : index
    %get3A_1119 = arith.constant 0 : index
    %get3A_1120 = arith.constant 0 : index
    %get3A_1121 = vector.load %arg2[%get3A_1118, %get3A_1119, %get3A_1120] : memref<8x1000x1024xf32, #tpu.memory_space<vmem>>, vector<1x1000x1024xf32>
    %get3A_1122 = vector.shape_cast %get3A_1121 : vector<1x1000x1024xf32> to vector<1000x1024xf32>
    %reduce_sum3A_1123 = vector.shape_cast %get3A_1122 : vector<1000x1024xf32> to vector<1x1000x1024xf32>
    %reduce_sum3A_1124 = arith.constant dense<0.000000e+00> : vector<1xf32>
    %reduce_sum3A_1125 = vector.multi_reduction <add>, %reduce_sum3A_1123, %reduce_sum3A_1124 [1, 2] : vector<1x1000x1024xf32> to vector<1xf32>
    %reduce_sum3A_1126 = vector.shape_cast %reduce_sum3A_1125 : vector<1xf32> to vector<1x1x1xf32>
    %reduce_sum3A_1127 = vector.extract %reduce_sum3A_1126[0, 0, 0] : f32 from vector<1x1x1xf32>
    %add3A_1128 = arith.addf %add3A_1095, %reduce_sum3A_1127 : f32
    %dma_start3A_1129 = arith.constant 7 : i32
    %dma_start3A_1130 = arith.constant 7 : i32
    %dma_start3A_1131 = tpu.memref_slice %arg3[%dma_start3A_1130] : memref<8x!tpu.dma_semaphore, #tpu.memory_space<semaphore_mem>> -> memref<1x!tpu.dma_semaphore, #tpu.memory_space<semaphore_mem>>
    %dma_start3A_1132 = tpu.memref_squeeze %dma_start3A_1131 : memref<1x!tpu.dma_semaphore, #tpu.memory_space<semaphore_mem>> -> memref<!tpu.dma_semaphore, #tpu.memory_space<semaphore_mem>>
    %dma_start3A_1133 = arith.constant 0 : i32
    %dma_start3A_1134 = arith.constant 0 : i32
    %dma_start3A_1135 = tpu.memref_slice %arg2[%dma_start3A_1129, %dma_start3A_1133, %dma_start3A_1134] : memref<8x1000x1024xf32, #tpu.memory_space<vmem>> -> memref<1x1000x1024xf32, #tpu.memory_space<vmem>>
    %dma_start3A_1136 = tpu.memref_squeeze %dma_start3A_1135 : memref<1x1000x1024xf32, #tpu.memory_space<vmem>> -> memref<1000x1024xf32, #tpu.memory_space<vmem>>
    %dma_start3A_1137 = arith.constant 39000 : i32
    %dma_start3A_1138 = arith.constant 0 : i32
    %dma_start3A_1139 = tpu.memref_slice %arg0[%dma_start3A_1137, %dma_start3A_1138] : memref<100000x1024xf32, #tpu.memory_space<any>> -> memref<1000x1024xf32, #tpu.memory_space<any>>
    tpu.enqueue_dma source(%dma_start3A_1139 : memref<1000x1024xf32, #tpu.memory_space<any>>) target(%dma_start3A_1136 : memref<1000x1024xf32, #tpu.memory_space<vmem>>) target_semaphore(%dma_start3A_1132 : memref<!tpu.dma_semaphore, #tpu.memory_space<semaphore_mem>>)
    %dma_wait3A_1140 = arith.constant 0 : i32
    %dma_wait3A_1141 = arith.constant 0 : i32
    %dma_wait3A_1142 = tpu.memref_slice %arg3[%dma_wait3A_1141] : memref<8x!tpu.dma_semaphore, #tpu.memory_space<semaphore_mem>> -> memref<1x!tpu.dma_semaphore, #tpu.memory_space<semaphore_mem>>
    %dma_wait3A_1143 = tpu.memref_squeeze %dma_wait3A_1142 : memref<1x!tpu.dma_semaphore, #tpu.memory_space<semaphore_mem>> -> memref<!tpu.dma_semaphore, #tpu.memory_space<semaphore_mem>>
    %dma_wait3A_1144 = arith.constant 0 : i32
    %dma_wait3A_1145 = arith.constant 0 : i32
    %dma_wait3A_1146 = tpu.memref_slice %arg2[%dma_wait3A_1140, %dma_wait3A_1144, %dma_wait3A_1145] : memref<8x1000x1024xf32, #tpu.memory_space<vmem>> -> memref<1x1000x1024xf32, #tpu.memory_space<vmem>>
    %dma_wait3A_1147 = tpu.memref_squeeze %dma_wait3A_1146 : memref<1x1000x1024xf32, #tpu.memory_space<vmem>> -> memref<1000x1024xf32, #tpu.memory_space<vmem>>
    %dma_wait3A_1148 = arith.constant 32000 : i32
    %dma_wait3A_1149 = arith.constant 0 : i32
    %dma_wait3A_1150 = tpu.memref_slice %arg0[%dma_wait3A_1148, %dma_wait3A_1149] : memref<100000x1024xf32, #tpu.memory_space<any>> -> memref<1000x1024xf32, #tpu.memory_space<any>>
    tpu.wait_dma2 semaphore(%dma_wait3A_1143 : memref<!tpu.dma_semaphore, #tpu.memory_space<semaphore_mem>>) src(%dma_wait3A_1150 : memref<1000x1024xf32, #tpu.memory_space<any>>) dst(%dma_wait3A_1147 : memref<1000x1024xf32, #tpu.memory_space<vmem>>)
    %get3A_1151 = arith.constant 0 : index
    %get3A_1152 = arith.constant 0 : index
    %get3A_1153 = arith.constant 0 : index
    %get3A_1154 = vector.load %arg2[%get3A_1151, %get3A_1152, %get3A_1153] : memref<8x1000x1024xf32, #tpu.memory_space<vmem>>, vector<1x1000x1024xf32>
    %get3A_1155 = vector.shape_cast %get3A_1154 : vector<1x1000x1024xf32> to vector<1000x1024xf32>
    %reduce_sum3A_1156 = vector.shape_cast %get3A_1155 : vector<1000x1024xf32> to vector<1x1000x1024xf32>
    %reduce_sum3A_1157 = arith.constant dense<0.000000e+00> : vector<1xf32>
    %reduce_sum3A_1158 = vector.multi_reduction <add>, %reduce_sum3A_1156, %reduce_sum3A_1157 [1, 2] : vector<1x1000x1024xf32> to vector<1xf32>
    %reduce_sum3A_1159 = vector.shape_cast %reduce_sum3A_1158 : vector<1xf32> to vector<1x1x1xf32>
    %reduce_sum3A_1160 = vector.extract %reduce_sum3A_1159[0, 0, 0] : f32 from vector<1x1x1xf32>
    %add3A_1161 = arith.addf %add3A_1128, %reduce_sum3A_1160 : f32
    %dma_start3A_1162 = arith.constant 0 : i32
    %dma_start3A_1163 = arith.constant 0 : i32
    %dma_start3A_1164 = tpu.memref_slice %arg3[%dma_start3A_1163] : memref<8x!tpu.dma_semaphore, #tpu.memory_space<semaphore_mem>> -> memref<1x!tpu.dma_semaphore, #tpu.memory_space<semaphore_mem>>
    %dma_start3A_1165 = tpu.memref_squeeze %dma_start3A_1164 : memref<1x!tpu.dma_semaphore, #tpu.memory_space<semaphore_mem>> -> memref<!tpu.dma_semaphore, #tpu.memory_space<semaphore_mem>>
    %dma_start3A_1166 = arith.constant 0 : i32
    %dma_start3A_1167 = arith.constant 0 : i32
    %dma_start3A_1168 = tpu.memref_slice %arg2[%dma_start3A_1162, %dma_start3A_1166, %dma_start3A_1167] : memref<8x1000x1024xf32, #tpu.memory_space<vmem>> -> memref<1x1000x1024xf32, #tpu.memory_space<vmem>>
    %dma_start3A_1169 = tpu.memref_squeeze %dma_start3A_1168 : memref<1x1000x1024xf32, #tpu.memory_space<vmem>> -> memref<1000x1024xf32, #tpu.memory_space<vmem>>
    %dma_start3A_1170 = arith.constant 40000 : i32
    %dma_start3A_1171 = arith.constant 0 : i32
    %dma_start3A_1172 = tpu.memref_slice %arg0[%dma_start3A_1170, %dma_start3A_1171] : memref<100000x1024xf32, #tpu.memory_space<any>> -> memref<1000x1024xf32, #tpu.memory_space<any>>
    tpu.enqueue_dma source(%dma_start3A_1172 : memref<1000x1024xf32, #tpu.memory_space<any>>) target(%dma_start3A_1169 : memref<1000x1024xf32, #tpu.memory_space<vmem>>) target_semaphore(%dma_start3A_1165 : memref<!tpu.dma_semaphore, #tpu.memory_space<semaphore_mem>>)
    %dma_wait3A_1173 = arith.constant 1 : i32
    %dma_wait3A_1174 = arith.constant 1 : i32
    %dma_wait3A_1175 = tpu.memref_slice %arg3[%dma_wait3A_1174] : memref<8x!tpu.dma_semaphore, #tpu.memory_space<semaphore_mem>> -> memref<1x!tpu.dma_semaphore, #tpu.memory_space<semaphore_mem>>
    %dma_wait3A_1176 = tpu.memref_squeeze %dma_wait3A_1175 : memref<1x!tpu.dma_semaphore, #tpu.memory_space<semaphore_mem>> -> memref<!tpu.dma_semaphore, #tpu.memory_space<semaphore_mem>>
    %dma_wait3A_1177 = arith.constant 0 : i32
    %dma_wait3A_1178 = arith.constant 0 : i32
    %dma_wait3A_1179 = tpu.memref_slice %arg2[%dma_wait3A_1173, %dma_wait3A_1177, %dma_wait3A_1178] : memref<8x1000x1024xf32, #tpu.memory_space<vmem>> -> memref<1x1000x1024xf32, #tpu.memory_space<vmem>>
    %dma_wait3A_1180 = tpu.memref_squeeze %dma_wait3A_1179 : memref<1x1000x1024xf32, #tpu.memory_space<vmem>> -> memref<1000x1024xf32, #tpu.memory_space<vmem>>
    %dma_wait3A_1181 = arith.constant 33000 : i32
    %dma_wait3A_1182 = arith.constant 0 : i32
    %dma_wait3A_1183 = tpu.memref_slice %arg0[%dma_wait3A_1181, %dma_wait3A_1182] : memref<100000x1024xf32, #tpu.memory_space<any>> -> memref<1000x1024xf32, #tpu.memory_space<any>>
    tpu.wait_dma2 semaphore(%dma_wait3A_1176 : memref<!tpu.dma_semaphore, #tpu.memory_space<semaphore_mem>>) src(%dma_wait3A_1183 : memref<1000x1024xf32, #tpu.memory_space<any>>) dst(%dma_wait3A_1180 : memref<1000x1024xf32, #tpu.memory_space<vmem>>)
    %get3A_1184 = arith.constant 1 : index
    %get3A_1185 = arith.constant 0 : index
    %get3A_1186 = arith.constant 0 : index
    %get3A_1187 = vector.load %arg2[%get3A_1184, %get3A_1185, %get3A_1186] : memref<8x1000x1024xf32, #tpu.memory_space<vmem>>, vector<1x1000x1024xf32>
    %get3A_1188 = vector.shape_cast %get3A_1187 : vector<1x1000x1024xf32> to vector<1000x1024xf32>
    %reduce_sum3A_1189 = vector.shape_cast %get3A_1188 : vector<1000x1024xf32> to vector<1x1000x1024xf32>
    %reduce_sum3A_1190 = arith.constant dense<0.000000e+00> : vector<1xf32>
    %reduce_sum3A_1191 = vector.multi_reduction <add>, %reduce_sum3A_1189, %reduce_sum3A_1190 [1, 2] : vector<1x1000x1024xf32> to vector<1xf32>
    %reduce_sum3A_1192 = vector.shape_cast %reduce_sum3A_1191 : vector<1xf32> to vector<1x1x1xf32>
    %reduce_sum3A_1193 = vector.extract %reduce_sum3A_1192[0, 0, 0] : f32 from vector<1x1x1xf32>
    %add3A_1194 = arith.addf %add3A_1161, %reduce_sum3A_1193 : f32
    %dma_start3A_1195 = arith.constant 1 : i32
    %dma_start3A_1196 = arith.constant 1 : i32
    %dma_start3A_1197 = tpu.memref_slice %arg3[%dma_start3A_1196] : memref<8x!tpu.dma_semaphore, #tpu.memory_space<semaphore_mem>> -> memref<1x!tpu.dma_semaphore, #tpu.memory_space<semaphore_mem>>
    %dma_start3A_1198 = tpu.memref_squeeze %dma_start3A_1197 : memref<1x!tpu.dma_semaphore, #tpu.memory_space<semaphore_mem>> -> memref<!tpu.dma_semaphore, #tpu.memory_space<semaphore_mem>>
    %dma_start3A_1199 = arith.constant 0 : i32
    %dma_start3A_1200 = arith.constant 0 : i32
    %dma_start3A_1201 = tpu.memref_slice %arg2[%dma_start3A_1195, %dma_start3A_1199, %dma_start3A_1200] : memref<8x1000x1024xf32, #tpu.memory_space<vmem>> -> memref<1x1000x1024xf32, #tpu.memory_space<vmem>>
    %dma_start3A_1202 = tpu.memref_squeeze %dma_start3A_1201 : memref<1x1000x1024xf32, #tpu.memory_space<vmem>> -> memref<1000x1024xf32, #tpu.memory_space<vmem>>
    %dma_start3A_1203 = arith.constant 41000 : i32
    %dma_start3A_1204 = arith.constant 0 : i32
    %dma_start3A_1205 = tpu.memref_slice %arg0[%dma_start3A_1203, %dma_start3A_1204] : memref<100000x1024xf32, #tpu.memory_space<any>> -> memref<1000x1024xf32, #tpu.memory_space<any>>
    tpu.enqueue_dma source(%dma_start3A_1205 : memref<1000x1024xf32, #tpu.memory_space<any>>) target(%dma_start3A_1202 : memref<1000x1024xf32, #tpu.memory_space<vmem>>) target_semaphore(%dma_start3A_1198 : memref<!tpu.dma_semaphore, #tpu.memory_space<semaphore_mem>>)
    %dma_wait3A_1206 = arith.constant 2 : i32
    %dma_wait3A_1207 = arith.constant 2 : i32
    %dma_wait3A_1208 = tpu.memref_slice %arg3[%dma_wait3A_1207] : memref<8x!tpu.dma_semaphore, #tpu.memory_space<semaphore_mem>> -> memref<1x!tpu.dma_semaphore, #tpu.memory_space<semaphore_mem>>
    %dma_wait3A_1209 = tpu.memref_squeeze %dma_wait3A_1208 : memref<1x!tpu.dma_semaphore, #tpu.memory_space<semaphore_mem>> -> memref<!tpu.dma_semaphore, #tpu.memory_space<semaphore_mem>>
    %dma_wait3A_1210 = arith.constant 0 : i32
    %dma_wait3A_1211 = arith.constant 0 : i32
    %dma_wait3A_1212 = tpu.memref_slice %arg2[%dma_wait3A_1206, %dma_wait3A_1210, %dma_wait3A_1211] : memref<8x1000x1024xf32, #tpu.memory_space<vmem>> -> memref<1x1000x1024xf32, #tpu.memory_space<vmem>>
    %dma_wait3A_1213 = tpu.memref_squeeze %dma_wait3A_1212 : memref<1x1000x1024xf32, #tpu.memory_space<vmem>> -> memref<1000x1024xf32, #tpu.memory_space<vmem>>
    %dma_wait3A_1214 = arith.constant 34000 : i32
    %dma_wait3A_1215 = arith.constant 0 : i32
    %dma_wait3A_1216 = tpu.memref_slice %arg0[%dma_wait3A_1214, %dma_wait3A_1215] : memref<100000x1024xf32, #tpu.memory_space<any>> -> memref<1000x1024xf32, #tpu.memory_space<any>>
    tpu.wait_dma2 semaphore(%dma_wait3A_1209 : memref<!tpu.dma_semaphore, #tpu.memory_space<semaphore_mem>>) src(%dma_wait3A_1216 : memref<1000x1024xf32, #tpu.memory_space<any>>) dst(%dma_wait3A_1213 : memref<1000x1024xf32, #tpu.memory_space<vmem>>)
    %get3A_1217 = arith.constant 2 : index
    %get3A_1218 = arith.constant 0 : index
    %get3A_1219 = arith.constant 0 : index
    %get3A_1220 = vector.load %arg2[%get3A_1217, %get3A_1218, %get3A_1219] : memref<8x1000x1024xf32, #tpu.memory_space<vmem>>, vector<1x1000x1024xf32>
    %get3A_1221 = vector.shape_cast %get3A_1220 : vector<1x1000x1024xf32> to vector<1000x1024xf32>
    %reduce_sum3A_1222 = vector.shape_cast %get3A_1221 : vector<1000x1024xf32> to vector<1x1000x1024xf32>
    %reduce_sum3A_1223 = arith.constant dense<0.000000e+00> : vector<1xf32>
    %reduce_sum3A_1224 = vector.multi_reduction <add>, %reduce_sum3A_1222, %reduce_sum3A_1223 [1, 2] : vector<1x1000x1024xf32> to vector<1xf32>
    %reduce_sum3A_1225 = vector.shape_cast %reduce_sum3A_1224 : vector<1xf32> to vector<1x1x1xf32>
    %reduce_sum3A_1226 = vector.extract %reduce_sum3A_1225[0, 0, 0] : f32 from vector<1x1x1xf32>
    %add3A_1227 = arith.addf %add3A_1194, %reduce_sum3A_1226 : f32
    %dma_start3A_1228 = arith.constant 2 : i32
    %dma_start3A_1229 = arith.constant 2 : i32
    %dma_start3A_1230 = tpu.memref_slice %arg3[%dma_start3A_1229] : memref<8x!tpu.dma_semaphore, #tpu.memory_space<semaphore_mem>> -> memref<1x!tpu.dma_semaphore, #tpu.memory_space<semaphore_mem>>
    %dma_start3A_1231 = tpu.memref_squeeze %dma_start3A_1230 : memref<1x!tpu.dma_semaphore, #tpu.memory_space<semaphore_mem>> -> memref<!tpu.dma_semaphore, #tpu.memory_space<semaphore_mem>>
    %dma_start3A_1232 = arith.constant 0 : i32
    %dma_start3A_1233 = arith.constant 0 : i32
    %dma_start3A_1234 = tpu.memref_slice %arg2[%dma_start3A_1228, %dma_start3A_1232, %dma_start3A_1233] : memref<8x1000x1024xf32, #tpu.memory_space<vmem>> -> memref<1x1000x1024xf32, #tpu.memory_space<vmem>>
    %dma_start3A_1235 = tpu.memref_squeeze %dma_start3A_1234 : memref<1x1000x1024xf32, #tpu.memory_space<vmem>> -> memref<1000x1024xf32, #tpu.memory_space<vmem>>
    %dma_start3A_1236 = arith.constant 42000 : i32
    %dma_start3A_1237 = arith.constant 0 : i32
    %dma_start3A_1238 = tpu.memref_slice %arg0[%dma_start3A_1236, %dma_start3A_1237] : memref<100000x1024xf32, #tpu.memory_space<any>> -> memref<1000x1024xf32, #tpu.memory_space<any>>
    tpu.enqueue_dma source(%dma_start3A_1238 : memref<1000x1024xf32, #tpu.memory_space<any>>) target(%dma_start3A_1235 : memref<1000x1024xf32, #tpu.memory_space<vmem>>) target_semaphore(%dma_start3A_1231 : memref<!tpu.dma_semaphore, #tpu.memory_space<semaphore_mem>>)
    %dma_wait3A_1239 = arith.constant 3 : i32
    %dma_wait3A_1240 = arith.constant 3 : i32
    %dma_wait3A_1241 = tpu.memref_slice %arg3[%dma_wait3A_1240] : memref<8x!tpu.dma_semaphore, #tpu.memory_space<semaphore_mem>> -> memref<1x!tpu.dma_semaphore, #tpu.memory_space<semaphore_mem>>
    %dma_wait3A_1242 = tpu.memref_squeeze %dma_wait3A_1241 : memref<1x!tpu.dma_semaphore, #tpu.memory_space<semaphore_mem>> -> memref<!tpu.dma_semaphore, #tpu.memory_space<semaphore_mem>>
    %dma_wait3A_1243 = arith.constant 0 : i32
    %dma_wait3A_1244 = arith.constant 0 : i32
    %dma_wait3A_1245 = tpu.memref_slice %arg2[%dma_wait3A_1239, %dma_wait3A_1243, %dma_wait3A_1244] : memref<8x1000x1024xf32, #tpu.memory_space<vmem>> -> memref<1x1000x1024xf32, #tpu.memory_space<vmem>>
    %dma_wait3A_1246 = tpu.memref_squeeze %dma_wait3A_1245 : memref<1x1000x1024xf32, #tpu.memory_space<vmem>> -> memref<1000x1024xf32, #tpu.memory_space<vmem>>
    %dma_wait3A_1247 = arith.constant 35000 : i32
    %dma_wait3A_1248 = arith.constant 0 : i32
    %dma_wait3A_1249 = tpu.memref_slice %arg0[%dma_wait3A_1247, %dma_wait3A_1248] : memref<100000x1024xf32, #tpu.memory_space<any>> -> memref<1000x1024xf32, #tpu.memory_space<any>>
    tpu.wait_dma2 semaphore(%dma_wait3A_1242 : memref<!tpu.dma_semaphore, #tpu.memory_space<semaphore_mem>>) src(%dma_wait3A_1249 : memref<1000x1024xf32, #tpu.memory_space<any>>) dst(%dma_wait3A_1246 : memref<1000x1024xf32, #tpu.memory_space<vmem>>)
    %get3A_1250 = arith.constant 3 : index
    %get3A_1251 = arith.constant 0 : index
    %get3A_1252 = arith.constant 0 : index
    %get3A_1253 = vector.load %arg2[%get3A_1250, %get3A_1251, %get3A_1252] : memref<8x1000x1024xf32, #tpu.memory_space<vmem>>, vector<1x1000x1024xf32>
    %get3A_1254 = vector.shape_cast %get3A_1253 : vector<1x1000x1024xf32> to vector<1000x1024xf32>
    %reduce_sum3A_1255 = vector.shape_cast %get3A_1254 : vector<1000x1024xf32> to vector<1x1000x1024xf32>
    %reduce_sum3A_1256 = arith.constant dense<0.000000e+00> : vector<1xf32>
    %reduce_sum3A_1257 = vector.multi_reduction <add>, %reduce_sum3A_1255, %reduce_sum3A_1256 [1, 2] : vector<1x1000x1024xf32> to vector<1xf32>
    %reduce_sum3A_1258 = vector.shape_cast %reduce_sum3A_1257 : vector<1xf32> to vector<1x1x1xf32>
    %reduce_sum3A_1259 = vector.extract %reduce_sum3A_1258[0, 0, 0] : f32 from vector<1x1x1xf32>
    %add3A_1260 = arith.addf %add3A_1227, %reduce_sum3A_1259 : f32
    %dma_start3A_1261 = arith.constant 3 : i32
    %dma_start3A_1262 = arith.constant 3 : i32
    %dma_start3A_1263 = tpu.memref_slice %arg3[%dma_start3A_1262] : memref<8x!tpu.dma_semaphore, #tpu.memory_space<semaphore_mem>> -> memref<1x!tpu.dma_semaphore, #tpu.memory_space<semaphore_mem>>
    %dma_start3A_1264 = tpu.memref_squeeze %dma_start3A_1263 : memref<1x!tpu.dma_semaphore, #tpu.memory_space<semaphore_mem>> -> memref<!tpu.dma_semaphore, #tpu.memory_space<semaphore_mem>>
    %dma_start3A_1265 = arith.constant 0 : i32
    %dma_start3A_1266 = arith.constant 0 : i32
    %dma_start3A_1267 = tpu.memref_slice %arg2[%dma_start3A_1261, %dma_start3A_1265, %dma_start3A_1266] : memref<8x1000x1024xf32, #tpu.memory_space<vmem>> -> memref<1x1000x1024xf32, #tpu.memory_space<vmem>>
    %dma_start3A_1268 = tpu.memref_squeeze %dma_start3A_1267 : memref<1x1000x1024xf32, #tpu.memory_space<vmem>> -> memref<1000x1024xf32, #tpu.memory_space<vmem>>
    %dma_start3A_1269 = arith.constant 43000 : i32
    %dma_start3A_1270 = arith.constant 0 : i32
    %dma_start3A_1271 = tpu.memref_slice %arg0[%dma_start3A_1269, %dma_start3A_1270] : memref<100000x1024xf32, #tpu.memory_space<any>> -> memref<1000x1024xf32, #tpu.memory_space<any>>
    tpu.enqueue_dma source(%dma_start3A_1271 : memref<1000x1024xf32, #tpu.memory_space<any>>) target(%dma_start3A_1268 : memref<1000x1024xf32, #tpu.memory_space<vmem>>) target_semaphore(%dma_start3A_1264 : memref<!tpu.dma_semaphore, #tpu.memory_space<semaphore_mem>>)
    %dma_wait3A_1272 = arith.constant 4 : i32
    %dma_wait3A_1273 = arith.constant 4 : i32
    %dma_wait3A_1274 = tpu.memref_slice %arg3[%dma_wait3A_1273] : memref<8x!tpu.dma_semaphore, #tpu.memory_space<semaphore_mem>> -> memref<1x!tpu.dma_semaphore, #tpu.memory_space<semaphore_mem>>
    %dma_wait3A_1275 = tpu.memref_squeeze %dma_wait3A_1274 : memref<1x!tpu.dma_semaphore, #tpu.memory_space<semaphore_mem>> -> memref<!tpu.dma_semaphore, #tpu.memory_space<semaphore_mem>>
    %dma_wait3A_1276 = arith.constant 0 : i32
    %dma_wait3A_1277 = arith.constant 0 : i32
    %dma_wait3A_1278 = tpu.memref_slice %arg2[%dma_wait3A_1272, %dma_wait3A_1276, %dma_wait3A_1277] : memref<8x1000x1024xf32, #tpu.memory_space<vmem>> -> memref<1x1000x1024xf32, #tpu.memory_space<vmem>>
    %dma_wait3A_1279 = tpu.memref_squeeze %dma_wait3A_1278 : memref<1x1000x1024xf32, #tpu.memory_space<vmem>> -> memref<1000x1024xf32, #tpu.memory_space<vmem>>
    %dma_wait3A_1280 = arith.constant 36000 : i32
    %dma_wait3A_1281 = arith.constant 0 : i32
    %dma_wait3A_1282 = tpu.memref_slice %arg0[%dma_wait3A_1280, %dma_wait3A_1281] : memref<100000x1024xf32, #tpu.memory_space<any>> -> memref<1000x1024xf32, #tpu.memory_space<any>>
    tpu.wait_dma2 semaphore(%dma_wait3A_1275 : memref<!tpu.dma_semaphore, #tpu.memory_space<semaphore_mem>>) src(%dma_wait3A_1282 : memref<1000x1024xf32, #tpu.memory_space<any>>) dst(%dma_wait3A_1279 : memref<1000x1024xf32, #tpu.memory_space<vmem>>)
    %get3A_1283 = arith.constant 4 : index
    %get3A_1284 = arith.constant 0 : index
    %get3A_1285 = arith.constant 0 : index
    %get3A_1286 = vector.load %arg2[%get3A_1283, %get3A_1284, %get3A_1285] : memref<8x1000x1024xf32, #tpu.memory_space<vmem>>, vector<1x1000x1024xf32>
    %get3A_1287 = vector.shape_cast %get3A_1286 : vector<1x1000x1024xf32> to vector<1000x1024xf32>
    %reduce_sum3A_1288 = vector.shape_cast %get3A_1287 : vector<1000x1024xf32> to vector<1x1000x1024xf32>
    %reduce_sum3A_1289 = arith.constant dense<0.000000e+00> : vector<1xf32>
    %reduce_sum3A_1290 = vector.multi_reduction <add>, %reduce_sum3A_1288, %reduce_sum3A_1289 [1, 2] : vector<1x1000x1024xf32> to vector<1xf32>
    %reduce_sum3A_1291 = vector.shape_cast %reduce_sum3A_1290 : vector<1xf32> to vector<1x1x1xf32>
    %reduce_sum3A_1292 = vector.extract %reduce_sum3A_1291[0, 0, 0] : f32 from vector<1x1x1xf32>
    %add3A_1293 = arith.addf %add3A_1260, %reduce_sum3A_1292 : f32
    %dma_start3A_1294 = arith.constant 4 : i32
    %dma_start3A_1295 = arith.constant 4 : i32
    %dma_start3A_1296 = tpu.memref_slice %arg3[%dma_start3A_1295] : memref<8x!tpu.dma_semaphore, #tpu.memory_space<semaphore_mem>> -> memref<1x!tpu.dma_semaphore, #tpu.memory_space<semaphore_mem>>
    %dma_start3A_1297 = tpu.memref_squeeze %dma_start3A_1296 : memref<1x!tpu.dma_semaphore, #tpu.memory_space<semaphore_mem>> -> memref<!tpu.dma_semaphore, #tpu.memory_space<semaphore_mem>>
    %dma_start3A_1298 = arith.constant 0 : i32
    %dma_start3A_1299 = arith.constant 0 : i32
    %dma_start3A_1300 = tpu.memref_slice %arg2[%dma_start3A_1294, %dma_start3A_1298, %dma_start3A_1299] : memref<8x1000x1024xf32, #tpu.memory_space<vmem>> -> memref<1x1000x1024xf32, #tpu.memory_space<vmem>>
    %dma_start3A_1301 = tpu.memref_squeeze %dma_start3A_1300 : memref<1x1000x1024xf32, #tpu.memory_space<vmem>> -> memref<1000x1024xf32, #tpu.memory_space<vmem>>
    %dma_start3A_1302 = arith.constant 44000 : i32
    %dma_start3A_1303 = arith.constant 0 : i32
    %dma_start3A_1304 = tpu.memref_slice %arg0[%dma_start3A_1302, %dma_start3A_1303] : memref<100000x1024xf32, #tpu.memory_space<any>> -> memref<1000x1024xf32, #tpu.memory_space<any>>
    tpu.enqueue_dma source(%dma_start3A_1304 : memref<1000x1024xf32, #tpu.memory_space<any>>) target(%dma_start3A_1301 : memref<1000x1024xf32, #tpu.memory_space<vmem>>) target_semaphore(%dma_start3A_1297 : memref<!tpu.dma_semaphore, #tpu.memory_space<semaphore_mem>>)
    %dma_wait3A_1305 = arith.constant 5 : i32
    %dma_wait3A_1306 = arith.constant 5 : i32
    %dma_wait3A_1307 = tpu.memref_slice %arg3[%dma_wait3A_1306] : memref<8x!tpu.dma_semaphore, #tpu.memory_space<semaphore_mem>> -> memref<1x!tpu.dma_semaphore, #tpu.memory_space<semaphore_mem>>
    %dma_wait3A_1308 = tpu.memref_squeeze %dma_wait3A_1307 : memref<1x!tpu.dma_semaphore, #tpu.memory_space<semaphore_mem>> -> memref<!tpu.dma_semaphore, #tpu.memory_space<semaphore_mem>>
    %dma_wait3A_1309 = arith.constant 0 : i32
    %dma_wait3A_1310 = arith.constant 0 : i32
    %dma_wait3A_1311 = tpu.memref_slice %arg2[%dma_wait3A_1305, %dma_wait3A_1309, %dma_wait3A_1310] : memref<8x1000x1024xf32, #tpu.memory_space<vmem>> -> memref<1x1000x1024xf32, #tpu.memory_space<vmem>>
    %dma_wait3A_1312 = tpu.memref_squeeze %dma_wait3A_1311 : memref<1x1000x1024xf32, #tpu.memory_space<vmem>> -> memref<1000x1024xf32, #tpu.memory_space<vmem>>
    %dma_wait3A_1313 = arith.constant 37000 : i32
    %dma_wait3A_1314 = arith.constant 0 : i32
    %dma_wait3A_1315 = tpu.memref_slice %arg0[%dma_wait3A_1313, %dma_wait3A_1314] : memref<100000x1024xf32, #tpu.memory_space<any>> -> memref<1000x1024xf32, #tpu.memory_space<any>>
    tpu.wait_dma2 semaphore(%dma_wait3A_1308 : memref<!tpu.dma_semaphore, #tpu.memory_space<semaphore_mem>>) src(%dma_wait3A_1315 : memref<1000x1024xf32, #tpu.memory_space<any>>) dst(%dma_wait3A_1312 : memref<1000x1024xf32, #tpu.memory_space<vmem>>)
    %get3A_1316 = arith.constant 5 : index
    %get3A_1317 = arith.constant 0 : index
    %get3A_1318 = arith.constant 0 : index
    %get3A_1319 = vector.load %arg2[%get3A_1316, %get3A_1317, %get3A_1318] : memref<8x1000x1024xf32, #tpu.memory_space<vmem>>, vector<1x1000x1024xf32>
    %get3A_1320 = vector.shape_cast %get3A_1319 : vector<1x1000x1024xf32> to vector<1000x1024xf32>
    %reduce_sum3A_1321 = vector.shape_cast %get3A_1320 : vector<1000x1024xf32> to vector<1x1000x1024xf32>
    %reduce_sum3A_1322 = arith.constant dense<0.000000e+00> : vector<1xf32>
    %reduce_sum3A_1323 = vector.multi_reduction <add>, %reduce_sum3A_1321, %reduce_sum3A_1322 [1, 2] : vector<1x1000x1024xf32> to vector<1xf32>
    %reduce_sum3A_1324 = vector.shape_cast %reduce_sum3A_1323 : vector<1xf32> to vector<1x1x1xf32>
    %reduce_sum3A_1325 = vector.extract %reduce_sum3A_1324[0, 0, 0] : f32 from vector<1x1x1xf32>
    %add3A_1326 = arith.addf %add3A_1293, %reduce_sum3A_1325 : f32
    %dma_start3A_1327 = arith.constant 5 : i32
    %dma_start3A_1328 = arith.constant 5 : i32
    %dma_start3A_1329 = tpu.memref_slice %arg3[%dma_start3A_1328] : memref<8x!tpu.dma_semaphore, #tpu.memory_space<semaphore_mem>> -> memref<1x!tpu.dma_semaphore, #tpu.memory_space<semaphore_mem>>
    %dma_start3A_1330 = tpu.memref_squeeze %dma_start3A_1329 : memref<1x!tpu.dma_semaphore, #tpu.memory_space<semaphore_mem>> -> memref<!tpu.dma_semaphore, #tpu.memory_space<semaphore_mem>>
    %dma_start3A_1331 = arith.constant 0 : i32
    %dma_start3A_1332 = arith.constant 0 : i32
    %dma_start3A_1333 = tpu.memref_slice %arg2[%dma_start3A_1327, %dma_start3A_1331, %dma_start3A_1332] : memref<8x1000x1024xf32, #tpu.memory_space<vmem>> -> memref<1x1000x1024xf32, #tpu.memory_space<vmem>>
    %dma_start3A_1334 = tpu.memref_squeeze %dma_start3A_1333 : memref<1x1000x1024xf32, #tpu.memory_space<vmem>> -> memref<1000x1024xf32, #tpu.memory_space<vmem>>
    %dma_start3A_1335 = arith.constant 45000 : i32
    %dma_start3A_1336 = arith.constant 0 : i32
    %dma_start3A_1337 = tpu.memref_slice %arg0[%dma_start3A_1335, %dma_start3A_1336] : memref<100000x1024xf32, #tpu.memory_space<any>> -> memref<1000x1024xf32, #tpu.memory_space<any>>
    tpu.enqueue_dma source(%dma_start3A_1337 : memref<1000x1024xf32, #tpu.memory_space<any>>) target(%dma_start3A_1334 : memref<1000x1024xf32, #tpu.memory_space<vmem>>) target_semaphore(%dma_start3A_1330 : memref<!tpu.dma_semaphore, #tpu.memory_space<semaphore_mem>>)
    %dma_wait3A_1338 = arith.constant 6 : i32
    %dma_wait3A_1339 = arith.constant 6 : i32
    %dma_wait3A_1340 = tpu.memref_slice %arg3[%dma_wait3A_1339] : memref<8x!tpu.dma_semaphore, #tpu.memory_space<semaphore_mem>> -> memref<1x!tpu.dma_semaphore, #tpu.memory_space<semaphore_mem>>
    %dma_wait3A_1341 = tpu.memref_squeeze %dma_wait3A_1340 : memref<1x!tpu.dma_semaphore, #tpu.memory_space<semaphore_mem>> -> memref<!tpu.dma_semaphore, #tpu.memory_space<semaphore_mem>>
    %dma_wait3A_1342 = arith.constant 0 : i32
    %dma_wait3A_1343 = arith.constant 0 : i32
    %dma_wait3A_1344 = tpu.memref_slice %arg2[%dma_wait3A_1338, %dma_wait3A_1342, %dma_wait3A_1343] : memref<8x1000x1024xf32, #tpu.memory_space<vmem>> -> memref<1x1000x1024xf32, #tpu.memory_space<vmem>>
    %dma_wait3A_1345 = tpu.memref_squeeze %dma_wait3A_1344 : memref<1x1000x1024xf32, #tpu.memory_space<vmem>> -> memref<1000x1024xf32, #tpu.memory_space<vmem>>
    %dma_wait3A_1346 = arith.constant 38000 : i32
    %dma_wait3A_1347 = arith.constant 0 : i32
    %dma_wait3A_1348 = tpu.memref_slice %arg0[%dma_wait3A_1346, %dma_wait3A_1347] : memref<100000x1024xf32, #tpu.memory_space<any>> -> memref<1000x1024xf32, #tpu.memory_space<any>>
    tpu.wait_dma2 semaphore(%dma_wait3A_1341 : memref<!tpu.dma_semaphore, #tpu.memory_space<semaphore_mem>>) src(%dma_wait3A_1348 : memref<1000x1024xf32, #tpu.memory_space<any>>) dst(%dma_wait3A_1345 : memref<1000x1024xf32, #tpu.memory_space<vmem>>)
    %get3A_1349 = arith.constant 6 : index
    %get3A_1350 = arith.constant 0 : index
    %get3A_1351 = arith.constant 0 : index
    %get3A_1352 = vector.load %arg2[%get3A_1349, %get3A_1350, %get3A_1351] : memref<8x1000x1024xf32, #tpu.memory_space<vmem>>, vector<1x1000x1024xf32>
    %get3A_1353 = vector.shape_cast %get3A_1352 : vector<1x1000x1024xf32> to vector<1000x1024xf32>
    %reduce_sum3A_1354 = vector.shape_cast %get3A_1353 : vector<1000x1024xf32> to vector<1x1000x1024xf32>
    %reduce_sum3A_1355 = arith.constant dense<0.000000e+00> : vector<1xf32>
    %reduce_sum3A_1356 = vector.multi_reduction <add>, %reduce_sum3A_1354, %reduce_sum3A_1355 [1, 2] : vector<1x1000x1024xf32> to vector<1xf32>
    %reduce_sum3A_1357 = vector.shape_cast %reduce_sum3A_1356 : vector<1xf32> to vector<1x1x1xf32>
    %reduce_sum3A_1358 = vector.extract %reduce_sum3A_1357[0, 0, 0] : f32 from vector<1x1x1xf32>
    %add3A_1359 = arith.addf %add3A_1326, %reduce_sum3A_1358 : f32
    %dma_start3A_1360 = arith.constant 6 : i32
    %dma_start3A_1361 = arith.constant 6 : i32
    %dma_start3A_1362 = tpu.memref_slice %arg3[%dma_start3A_1361] : memref<8x!tpu.dma_semaphore, #tpu.memory_space<semaphore_mem>> -> memref<1x!tpu.dma_semaphore, #tpu.memory_space<semaphore_mem>>
    %dma_start3A_1363 = tpu.memref_squeeze %dma_start3A_1362 : memref<1x!tpu.dma_semaphore, #tpu.memory_space<semaphore_mem>> -> memref<!tpu.dma_semaphore, #tpu.memory_space<semaphore_mem>>
    %dma_start3A_1364 = arith.constant 0 : i32
    %dma_start3A_1365 = arith.constant 0 : i32
    %dma_start3A_1366 = tpu.memref_slice %arg2[%dma_start3A_1360, %dma_start3A_1364, %dma_start3A_1365] : memref<8x1000x1024xf32, #tpu.memory_space<vmem>> -> memref<1x1000x1024xf32, #tpu.memory_space<vmem>>
    %dma_start3A_1367 = tpu.memref_squeeze %dma_start3A_1366 : memref<1x1000x1024xf32, #tpu.memory_space<vmem>> -> memref<1000x1024xf32, #tpu.memory_space<vmem>>
    %dma_start3A_1368 = arith.constant 46000 : i32
    %dma_start3A_1369 = arith.constant 0 : i32
    %dma_start3A_1370 = tpu.memref_slice %arg0[%dma_start3A_1368, %dma_start3A_1369] : memref<100000x1024xf32, #tpu.memory_space<any>> -> memref<1000x1024xf32, #tpu.memory_space<any>>
    tpu.enqueue_dma source(%dma_start3A_1370 : memref<1000x1024xf32, #tpu.memory_space<any>>) target(%dma_start3A_1367 : memref<1000x1024xf32, #tpu.memory_space<vmem>>) target_semaphore(%dma_start3A_1363 : memref<!tpu.dma_semaphore, #tpu.memory_space<semaphore_mem>>)
    %dma_wait3A_1371 = arith.constant 7 : i32
    %dma_wait3A_1372 = arith.constant 7 : i32
    %dma_wait3A_1373 = tpu.memref_slice %arg3[%dma_wait3A_1372] : memref<8x!tpu.dma_semaphore, #tpu.memory_space<semaphore_mem>> -> memref<1x!tpu.dma_semaphore, #tpu.memory_space<semaphore_mem>>
    %dma_wait3A_1374 = tpu.memref_squeeze %dma_wait3A_1373 : memref<1x!tpu.dma_semaphore, #tpu.memory_space<semaphore_mem>> -> memref<!tpu.dma_semaphore, #tpu.memory_space<semaphore_mem>>
    %dma_wait3A_1375 = arith.constant 0 : i32
    %dma_wait3A_1376 = arith.constant 0 : i32
    %dma_wait3A_1377 = tpu.memref_slice %arg2[%dma_wait3A_1371, %dma_wait3A_1375, %dma_wait3A_1376] : memref<8x1000x1024xf32, #tpu.memory_space<vmem>> -> memref<1x1000x1024xf32, #tpu.memory_space<vmem>>
    %dma_wait3A_1378 = tpu.memref_squeeze %dma_wait3A_1377 : memref<1x1000x1024xf32, #tpu.memory_space<vmem>> -> memref<1000x1024xf32, #tpu.memory_space<vmem>>
    %dma_wait3A_1379 = arith.constant 39000 : i32
    %dma_wait3A_1380 = arith.constant 0 : i32
    %dma_wait3A_1381 = tpu.memref_slice %arg0[%dma_wait3A_1379, %dma_wait3A_1380] : memref<100000x1024xf32, #tpu.memory_space<any>> -> memref<1000x1024xf32, #tpu.memory_space<any>>
    tpu.wait_dma2 semaphore(%dma_wait3A_1374 : memref<!tpu.dma_semaphore, #tpu.memory_space<semaphore_mem>>) src(%dma_wait3A_1381 : memref<1000x1024xf32, #tpu.memory_space<any>>) dst(%dma_wait3A_1378 : memref<1000x1024xf32, #tpu.memory_space<vmem>>)
    %get3A_1382 = arith.constant 7 : index
    %get3A_1383 = arith.constant 0 : index
    %get3A_1384 = arith.constant 0 : index
    %get3A_1385 = vector.load %arg2[%get3A_1382, %get3A_1383, %get3A_1384] : memref<8x1000x1024xf32, #tpu.memory_space<vmem>>, vector<1x1000x1024xf32>
    %get3A_1386 = vector.shape_cast %get3A_1385 : vector<1x1000x1024xf32> to vector<1000x1024xf32>
    %reduce_sum3A_1387 = vector.shape_cast %get3A_1386 : vector<1000x1024xf32> to vector<1x1000x1024xf32>
    %reduce_sum3A_1388 = arith.constant dense<0.000000e+00> : vector<1xf32>
    %reduce_sum3A_1389 = vector.multi_reduction <add>, %reduce_sum3A_1387, %reduce_sum3A_1388 [1, 2] : vector<1x1000x1024xf32> to vector<1xf32>
    %reduce_sum3A_1390 = vector.shape_cast %reduce_sum3A_1389 : vector<1xf32> to vector<1x1x1xf32>
    %reduce_sum3A_1391 = vector.extract %reduce_sum3A_1390[0, 0, 0] : f32 from vector<1x1x1xf32>
    %add3A_1392 = arith.addf %add3A_1359, %reduce_sum3A_1391 : f32
    %dma_start3A_1393 = arith.constant 7 : i32
    %dma_start3A_1394 = arith.constant 7 : i32
    %dma_start3A_1395 = tpu.memref_slice %arg3[%dma_start3A_1394] : memref<8x!tpu.dma_semaphore, #tpu.memory_space<semaphore_mem>> -> memref<1x!tpu.dma_semaphore, #tpu.memory_space<semaphore_mem>>
    %dma_start3A_1396 = tpu.memref_squeeze %dma_start3A_1395 : memref<1x!tpu.dma_semaphore, #tpu.memory_space<semaphore_mem>> -> memref<!tpu.dma_semaphore, #tpu.memory_space<semaphore_mem>>
    %dma_start3A_1397 = arith.constant 0 : i32
    %dma_start3A_1398 = arith.constant 0 : i32
    %dma_start3A_1399 = tpu.memref_slice %arg2[%dma_start3A_1393, %dma_start3A_1397, %dma_start3A_1398] : memref<8x1000x1024xf32, #tpu.memory_space<vmem>> -> memref<1x1000x1024xf32, #tpu.memory_space<vmem>>
    %dma_start3A_1400 = tpu.memref_squeeze %dma_start3A_1399 : memref<1x1000x1024xf32, #tpu.memory_space<vmem>> -> memref<1000x1024xf32, #tpu.memory_space<vmem>>
    %dma_start3A_1401 = arith.constant 47000 : i32
    %dma_start3A_1402 = arith.constant 0 : i32
    %dma_start3A_1403 = tpu.memref_slice %arg0[%dma_start3A_1401, %dma_start3A_1402] : memref<100000x1024xf32, #tpu.memory_space<any>> -> memref<1000x1024xf32, #tpu.memory_space<any>>
    tpu.enqueue_dma source(%dma_start3A_1403 : memref<1000x1024xf32, #tpu.memory_space<any>>) target(%dma_start3A_1400 : memref<1000x1024xf32, #tpu.memory_space<vmem>>) target_semaphore(%dma_start3A_1396 : memref<!tpu.dma_semaphore, #tpu.memory_space<semaphore_mem>>)
    %dma_wait3A_1404 = arith.constant 0 : i32
    %dma_wait3A_1405 = arith.constant 0 : i32
    %dma_wait3A_1406 = tpu.memref_slice %arg3[%dma_wait3A_1405] : memref<8x!tpu.dma_semaphore, #tpu.memory_space<semaphore_mem>> -> memref<1x!tpu.dma_semaphore, #tpu.memory_space<semaphore_mem>>
    %dma_wait3A_1407 = tpu.memref_squeeze %dma_wait3A_1406 : memref<1x!tpu.dma_semaphore, #tpu.memory_space<semaphore_mem>> -> memref<!tpu.dma_semaphore, #tpu.memory_space<semaphore_mem>>
    %dma_wait3A_1408 = arith.constant 0 : i32
    %dma_wait3A_1409 = arith.constant 0 : i32
    %dma_wait3A_1410 = tpu.memref_slice %arg2[%dma_wait3A_1404, %dma_wait3A_1408, %dma_wait3A_1409] : memref<8x1000x1024xf32, #tpu.memory_space<vmem>> -> memref<1x1000x1024xf32, #tpu.memory_space<vmem>>
    %dma_wait3A_1411 = tpu.memref_squeeze %dma_wait3A_1410 : memref<1x1000x1024xf32, #tpu.memory_space<vmem>> -> memref<1000x1024xf32, #tpu.memory_space<vmem>>
    %dma_wait3A_1412 = arith.constant 40000 : i32
    %dma_wait3A_1413 = arith.constant 0 : i32
    %dma_wait3A_1414 = tpu.memref_slice %arg0[%dma_wait3A_1412, %dma_wait3A_1413] : memref<100000x1024xf32, #tpu.memory_space<any>> -> memref<1000x1024xf32, #tpu.memory_space<any>>
    tpu.wait_dma2 semaphore(%dma_wait3A_1407 : memref<!tpu.dma_semaphore, #tpu.memory_space<semaphore_mem>>) src(%dma_wait3A_1414 : memref<1000x1024xf32, #tpu.memory_space<any>>) dst(%dma_wait3A_1411 : memref<1000x1024xf32, #tpu.memory_space<vmem>>)
    %get3A_1415 = arith.constant 0 : index
    %get3A_1416 = arith.constant 0 : index
    %get3A_1417 = arith.constant 0 : index
    %get3A_1418 = vector.load %arg2[%get3A_1415, %get3A_1416, %get3A_1417] : memref<8x1000x1024xf32, #tpu.memory_space<vmem>>, vector<1x1000x1024xf32>
    %get3A_1419 = vector.shape_cast %get3A_1418 : vector<1x1000x1024xf32> to vector<1000x1024xf32>
    %reduce_sum3A_1420 = vector.shape_cast %get3A_1419 : vector<1000x1024xf32> to vector<1x1000x1024xf32>
    %reduce_sum3A_1421 = arith.constant dense<0.000000e+00> : vector<1xf32>
    %reduce_sum3A_1422 = vector.multi_reduction <add>, %reduce_sum3A_1420, %reduce_sum3A_1421 [1, 2] : vector<1x1000x1024xf32> to vector<1xf32>
    %reduce_sum3A_1423 = vector.shape_cast %reduce_sum3A_1422 : vector<1xf32> to vector<1x1x1xf32>
    %reduce_sum3A_1424 = vector.extract %reduce_sum3A_1423[0, 0, 0] : f32 from vector<1x1x1xf32>
    %add3A_1425 = arith.addf %add3A_1392, %reduce_sum3A_1424 : f32
    %dma_start3A_1426 = arith.constant 0 : i32
    %dma_start3A_1427 = arith.constant 0 : i32
    %dma_start3A_1428 = tpu.memref_slice %arg3[%dma_start3A_1427] : memref<8x!tpu.dma_semaphore, #tpu.memory_space<semaphore_mem>> -> memref<1x!tpu.dma_semaphore, #tpu.memory_space<semaphore_mem>>
    %dma_start3A_1429 = tpu.memref_squeeze %dma_start3A_1428 : memref<1x!tpu.dma_semaphore, #tpu.memory_space<semaphore_mem>> -> memref<!tpu.dma_semaphore, #tpu.memory_space<semaphore_mem>>
    %dma_start3A_1430 = arith.constant 0 : i32
    %dma_start3A_1431 = arith.constant 0 : i32
    %dma_start3A_1432 = tpu.memref_slice %arg2[%dma_start3A_1426, %dma_start3A_1430, %dma_start3A_1431] : memref<8x1000x1024xf32, #tpu.memory_space<vmem>> -> memref<1x1000x1024xf32, #tpu.memory_space<vmem>>
    %dma_start3A_1433 = tpu.memref_squeeze %dma_start3A_1432 : memref<1x1000x1024xf32, #tpu.memory_space<vmem>> -> memref<1000x1024xf32, #tpu.memory_space<vmem>>
    %dma_start3A_1434 = arith.constant 48000 : i32
    %dma_start3A_1435 = arith.constant 0 : i32
    %dma_start3A_1436 = tpu.memref_slice %arg0[%dma_start3A_1434, %dma_start3A_1435] : memref<100000x1024xf32, #tpu.memory_space<any>> -> memref<1000x1024xf32, #tpu.memory_space<any>>
    tpu.enqueue_dma source(%dma_start3A_1436 : memref<1000x1024xf32, #tpu.memory_space<any>>) target(%dma_start3A_1433 : memref<1000x1024xf32, #tpu.memory_space<vmem>>) target_semaphore(%dma_start3A_1429 : memref<!tpu.dma_semaphore, #tpu.memory_space<semaphore_mem>>)
    %dma_wait3A_1437 = arith.constant 1 : i32
    %dma_wait3A_1438 = arith.constant 1 : i32
    %dma_wait3A_1439 = tpu.memref_slice %arg3[%dma_wait3A_1438] : memref<8x!tpu.dma_semaphore, #tpu.memory_space<semaphore_mem>> -> memref<1x!tpu.dma_semaphore, #tpu.memory_space<semaphore_mem>>
    %dma_wait3A_1440 = tpu.memref_squeeze %dma_wait3A_1439 : memref<1x!tpu.dma_semaphore, #tpu.memory_space<semaphore_mem>> -> memref<!tpu.dma_semaphore, #tpu.memory_space<semaphore_mem>>
    %dma_wait3A_1441 = arith.constant 0 : i32
    %dma_wait3A_1442 = arith.constant 0 : i32
    %dma_wait3A_1443 = tpu.memref_slice %arg2[%dma_wait3A_1437, %dma_wait3A_1441, %dma_wait3A_1442] : memref<8x1000x1024xf32, #tpu.memory_space<vmem>> -> memref<1x1000x1024xf32, #tpu.memory_space<vmem>>
    %dma_wait3A_1444 = tpu.memref_squeeze %dma_wait3A_1443 : memref<1x1000x1024xf32, #tpu.memory_space<vmem>> -> memref<1000x1024xf32, #tpu.memory_space<vmem>>
    %dma_wait3A_1445 = arith.constant 41000 : i32
    %dma_wait3A_1446 = arith.constant 0 : i32
    %dma_wait3A_1447 = tpu.memref_slice %arg0[%dma_wait3A_1445, %dma_wait3A_1446] : memref<100000x1024xf32, #tpu.memory_space<any>> -> memref<1000x1024xf32, #tpu.memory_space<any>>
    tpu.wait_dma2 semaphore(%dma_wait3A_1440 : memref<!tpu.dma_semaphore, #tpu.memory_space<semaphore_mem>>) src(%dma_wait3A_1447 : memref<1000x1024xf32, #tpu.memory_space<any>>) dst(%dma_wait3A_1444 : memref<1000x1024xf32, #tpu.memory_space<vmem>>)
    %get3A_1448 = arith.constant 1 : index
    %get3A_1449 = arith.constant 0 : index
    %get3A_1450 = arith.constant 0 : index
    %get3A_1451 = vector.load %arg2[%get3A_1448, %get3A_1449, %get3A_1450] : memref<8x1000x1024xf32, #tpu.memory_space<vmem>>, vector<1x1000x1024xf32>
    %get3A_1452 = vector.shape_cast %get3A_1451 : vector<1x1000x1024xf32> to vector<1000x1024xf32>
    %reduce_sum3A_1453 = vector.shape_cast %get3A_1452 : vector<1000x1024xf32> to vector<1x1000x1024xf32>
    %reduce_sum3A_1454 = arith.constant dense<0.000000e+00> : vector<1xf32>
    %reduce_sum3A_1455 = vector.multi_reduction <add>, %reduce_sum3A_1453, %reduce_sum3A_1454 [1, 2] : vector<1x1000x1024xf32> to vector<1xf32>
    %reduce_sum3A_1456 = vector.shape_cast %reduce_sum3A_1455 : vector<1xf32> to vector<1x1x1xf32>
    %reduce_sum3A_1457 = vector.extract %reduce_sum3A_1456[0, 0, 0] : f32 from vector<1x1x1xf32>
    %add3A_1458 = arith.addf %add3A_1425, %reduce_sum3A_1457 : f32
    %dma_start3A_1459 = arith.constant 1 : i32
    %dma_start3A_1460 = arith.constant 1 : i32
    %dma_start3A_1461 = tpu.memref_slice %arg3[%dma_start3A_1460] : memref<8x!tpu.dma_semaphore, #tpu.memory_space<semaphore_mem>> -> memref<1x!tpu.dma_semaphore, #tpu.memory_space<semaphore_mem>>
    %dma_start3A_1462 = tpu.memref_squeeze %dma_start3A_1461 : memref<1x!tpu.dma_semaphore, #tpu.memory_space<semaphore_mem>> -> memref<!tpu.dma_semaphore, #tpu.memory_space<semaphore_mem>>
    %dma_start3A_1463 = arith.constant 0 : i32
    %dma_start3A_1464 = arith.constant 0 : i32
    %dma_start3A_1465 = tpu.memref_slice %arg2[%dma_start3A_1459, %dma_start3A_1463, %dma_start3A_1464] : memref<8x1000x1024xf32, #tpu.memory_space<vmem>> -> memref<1x1000x1024xf32, #tpu.memory_space<vmem>>
    %dma_start3A_1466 = tpu.memref_squeeze %dma_start3A_1465 : memref<1x1000x1024xf32, #tpu.memory_space<vmem>> -> memref<1000x1024xf32, #tpu.memory_space<vmem>>
    %dma_start3A_1467 = arith.constant 49000 : i32
    %dma_start3A_1468 = arith.constant 0 : i32
    %dma_start3A_1469 = tpu.memref_slice %arg0[%dma_start3A_1467, %dma_start3A_1468] : memref<100000x1024xf32, #tpu.memory_space<any>> -> memref<1000x1024xf32, #tpu.memory_space<any>>
    tpu.enqueue_dma source(%dma_start3A_1469 : memref<1000x1024xf32, #tpu.memory_space<any>>) target(%dma_start3A_1466 : memref<1000x1024xf32, #tpu.memory_space<vmem>>) target_semaphore(%dma_start3A_1462 : memref<!tpu.dma_semaphore, #tpu.memory_space<semaphore_mem>>)
    %dma_wait3A_1470 = arith.constant 2 : i32
    %dma_wait3A_1471 = arith.constant 2 : i32
    %dma_wait3A_1472 = tpu.memref_slice %arg3[%dma_wait3A_1471] : memref<8x!tpu.dma_semaphore, #tpu.memory_space<semaphore_mem>> -> memref<1x!tpu.dma_semaphore, #tpu.memory_space<semaphore_mem>>
    %dma_wait3A_1473 = tpu.memref_squeeze %dma_wait3A_1472 : memref<1x!tpu.dma_semaphore, #tpu.memory_space<semaphore_mem>> -> memref<!tpu.dma_semaphore, #tpu.memory_space<semaphore_mem>>
    %dma_wait3A_1474 = arith.constant 0 : i32
    %dma_wait3A_1475 = arith.constant 0 : i32
    %dma_wait3A_1476 = tpu.memref_slice %arg2[%dma_wait3A_1470, %dma_wait3A_1474, %dma_wait3A_1475] : memref<8x1000x1024xf32, #tpu.memory_space<vmem>> -> memref<1x1000x1024xf32, #tpu.memory_space<vmem>>
    %dma_wait3A_1477 = tpu.memref_squeeze %dma_wait3A_1476 : memref<1x1000x1024xf32, #tpu.memory_space<vmem>> -> memref<1000x1024xf32, #tpu.memory_space<vmem>>
    %dma_wait3A_1478 = arith.constant 42000 : i32
    %dma_wait3A_1479 = arith.constant 0 : i32
    %dma_wait3A_1480 = tpu.memref_slice %arg0[%dma_wait3A_1478, %dma_wait3A_1479] : memref<100000x1024xf32, #tpu.memory_space<any>> -> memref<1000x1024xf32, #tpu.memory_space<any>>
    tpu.wait_dma2 semaphore(%dma_wait3A_1473 : memref<!tpu.dma_semaphore, #tpu.memory_space<semaphore_mem>>) src(%dma_wait3A_1480 : memref<1000x1024xf32, #tpu.memory_space<any>>) dst(%dma_wait3A_1477 : memref<1000x1024xf32, #tpu.memory_space<vmem>>)
    %get3A_1481 = arith.constant 2 : index
    %get3A_1482 = arith.constant 0 : index
    %get3A_1483 = arith.constant 0 : index
    %get3A_1484 = vector.load %arg2[%get3A_1481, %get3A_1482, %get3A_1483] : memref<8x1000x1024xf32, #tpu.memory_space<vmem>>, vector<1x1000x1024xf32>
    %get3A_1485 = vector.shape_cast %get3A_1484 : vector<1x1000x1024xf32> to vector<1000x1024xf32>
    %reduce_sum3A_1486 = vector.shape_cast %get3A_1485 : vector<1000x1024xf32> to vector<1x1000x1024xf32>
    %reduce_sum3A_1487 = arith.constant dense<0.000000e+00> : vector<1xf32>
    %reduce_sum3A_1488 = vector.multi_reduction <add>, %reduce_sum3A_1486, %reduce_sum3A_1487 [1, 2] : vector<1x1000x1024xf32> to vector<1xf32>
    %reduce_sum3A_1489 = vector.shape_cast %reduce_sum3A_1488 : vector<1xf32> to vector<1x1x1xf32>
    %reduce_sum3A_1490 = vector.extract %reduce_sum3A_1489[0, 0, 0] : f32 from vector<1x1x1xf32>
    %add3A_1491 = arith.addf %add3A_1458, %reduce_sum3A_1490 : f32
    %dma_start3A_1492 = arith.constant 2 : i32
    %dma_start3A_1493 = arith.constant 2 : i32
    %dma_start3A_1494 = tpu.memref_slice %arg3[%dma_start3A_1493] : memref<8x!tpu.dma_semaphore, #tpu.memory_space<semaphore_mem>> -> memref<1x!tpu.dma_semaphore, #tpu.memory_space<semaphore_mem>>
    %dma_start3A_1495 = tpu.memref_squeeze %dma_start3A_1494 : memref<1x!tpu.dma_semaphore, #tpu.memory_space<semaphore_mem>> -> memref<!tpu.dma_semaphore, #tpu.memory_space<semaphore_mem>>
    %dma_start3A_1496 = arith.constant 0 : i32
    %dma_start3A_1497 = arith.constant 0 : i32
    %dma_start3A_1498 = tpu.memref_slice %arg2[%dma_start3A_1492, %dma_start3A_1496, %dma_start3A_1497] : memref<8x1000x1024xf32, #tpu.memory_space<vmem>> -> memref<1x1000x1024xf32, #tpu.memory_space<vmem>>
    %dma_start3A_1499 = tpu.memref_squeeze %dma_start3A_1498 : memref<1x1000x1024xf32, #tpu.memory_space<vmem>> -> memref<1000x1024xf32, #tpu.memory_space<vmem>>
    %dma_start3A_1500 = arith.constant 50000 : i32
    %dma_start3A_1501 = arith.constant 0 : i32
    %dma_start3A_1502 = tpu.memref_slice %arg0[%dma_start3A_1500, %dma_start3A_1501] : memref<100000x1024xf32, #tpu.memory_space<any>> -> memref<1000x1024xf32, #tpu.memory_space<any>>
    tpu.enqueue_dma source(%dma_start3A_1502 : memref<1000x1024xf32, #tpu.memory_space<any>>) target(%dma_start3A_1499 : memref<1000x1024xf32, #tpu.memory_space<vmem>>) target_semaphore(%dma_start3A_1495 : memref<!tpu.dma_semaphore, #tpu.memory_space<semaphore_mem>>)
    %dma_wait3A_1503 = arith.constant 3 : i32
    %dma_wait3A_1504 = arith.constant 3 : i32
    %dma_wait3A_1505 = tpu.memref_slice %arg3[%dma_wait3A_1504] : memref<8x!tpu.dma_semaphore, #tpu.memory_space<semaphore_mem>> -> memref<1x!tpu.dma_semaphore, #tpu.memory_space<semaphore_mem>>
    %dma_wait3A_1506 = tpu.memref_squeeze %dma_wait3A_1505 : memref<1x!tpu.dma_semaphore, #tpu.memory_space<semaphore_mem>> -> memref<!tpu.dma_semaphore, #tpu.memory_space<semaphore_mem>>
    %dma_wait3A_1507 = arith.constant 0 : i32
    %dma_wait3A_1508 = arith.constant 0 : i32
    %dma_wait3A_1509 = tpu.memref_slice %arg2[%dma_wait3A_1503, %dma_wait3A_1507, %dma_wait3A_1508] : memref<8x1000x1024xf32, #tpu.memory_space<vmem>> -> memref<1x1000x1024xf32, #tpu.memory_space<vmem>>
    %dma_wait3A_1510 = tpu.memref_squeeze %dma_wait3A_1509 : memref<1x1000x1024xf32, #tpu.memory_space<vmem>> -> memref<1000x1024xf32, #tpu.memory_space<vmem>>
    %dma_wait3A_1511 = arith.constant 43000 : i32
    %dma_wait3A_1512 = arith.constant 0 : i32
    %dma_wait3A_1513 = tpu.memref_slice %arg0[%dma_wait3A_1511, %dma_wait3A_1512] : memref<100000x1024xf32, #tpu.memory_space<any>> -> memref<1000x1024xf32, #tpu.memory_space<any>>
    tpu.wait_dma2 semaphore(%dma_wait3A_1506 : memref<!tpu.dma_semaphore, #tpu.memory_space<semaphore_mem>>) src(%dma_wait3A_1513 : memref<1000x1024xf32, #tpu.memory_space<any>>) dst(%dma_wait3A_1510 : memref<1000x1024xf32, #tpu.memory_space<vmem>>)
    %get3A_1514 = arith.constant 3 : index
    %get3A_1515 = arith.constant 0 : index
    %get3A_1516 = arith.constant 0 : index
    %get3A_1517 = vector.load %arg2[%get3A_1514, %get3A_1515, %get3A_1516] : memref<8x1000x1024xf32, #tpu.memory_space<vmem>>, vector<1x1000x1024xf32>
    %get3A_1518 = vector.shape_cast %get3A_1517 : vector<1x1000x1024xf32> to vector<1000x1024xf32>
    %reduce_sum3A_1519 = vector.shape_cast %get3A_1518 : vector<1000x1024xf32> to vector<1x1000x1024xf32>
    %reduce_sum3A_1520 = arith.constant dense<0.000000e+00> : vector<1xf32>
    %reduce_sum3A_1521 = vector.multi_reduction <add>, %reduce_sum3A_1519, %reduce_sum3A_1520 [1, 2] : vector<1x1000x1024xf32> to vector<1xf32>
    %reduce_sum3A_1522 = vector.shape_cast %reduce_sum3A_1521 : vector<1xf32> to vector<1x1x1xf32>
    %reduce_sum3A_1523 = vector.extract %reduce_sum3A_1522[0, 0, 0] : f32 from vector<1x1x1xf32>
    %add3A_1524 = arith.addf %add3A_1491, %reduce_sum3A_1523 : f32
    %dma_start3A_1525 = arith.constant 3 : i32
    %dma_start3A_1526 = arith.constant 3 : i32
    %dma_start3A_1527 = tpu.memref_slice %arg3[%dma_start3A_1526] : memref<8x!tpu.dma_semaphore, #tpu.memory_space<semaphore_mem>> -> memref<1x!tpu.dma_semaphore, #tpu.memory_space<semaphore_mem>>
    %dma_start3A_1528 = tpu.memref_squeeze %dma_start3A_1527 : memref<1x!tpu.dma_semaphore, #tpu.memory_space<semaphore_mem>> -> memref<!tpu.dma_semaphore, #tpu.memory_space<semaphore_mem>>
    %dma_start3A_1529 = arith.constant 0 : i32
    %dma_start3A_1530 = arith.constant 0 : i32
    %dma_start3A_1531 = tpu.memref_slice %arg2[%dma_start3A_1525, %dma_start3A_1529, %dma_start3A_1530] : memref<8x1000x1024xf32, #tpu.memory_space<vmem>> -> memref<1x1000x1024xf32, #tpu.memory_space<vmem>>
    %dma_start3A_1532 = tpu.memref_squeeze %dma_start3A_1531 : memref<1x1000x1024xf32, #tpu.memory_space<vmem>> -> memref<1000x1024xf32, #tpu.memory_space<vmem>>
    %dma_start3A_1533 = arith.constant 51000 : i32
    %dma_start3A_1534 = arith.constant 0 : i32
    %dma_start3A_1535 = tpu.memref_slice %arg0[%dma_start3A_1533, %dma_start3A_1534] : memref<100000x1024xf32, #tpu.memory_space<any>> -> memref<1000x1024xf32, #tpu.memory_space<any>>
    tpu.enqueue_dma source(%dma_start3A_1535 : memref<1000x1024xf32, #tpu.memory_space<any>>) target(%dma_start3A_1532 : memref<1000x1024xf32, #tpu.memory_space<vmem>>) target_semaphore(%dma_start3A_1528 : memref<!tpu.dma_semaphore, #tpu.memory_space<semaphore_mem>>)
    %dma_wait3A_1536 = arith.constant 4 : i32
    %dma_wait3A_1537 = arith.constant 4 : i32
    %dma_wait3A_1538 = tpu.memref_slice %arg3[%dma_wait3A_1537] : memref<8x!tpu.dma_semaphore, #tpu.memory_space<semaphore_mem>> -> memref<1x!tpu.dma_semaphore, #tpu.memory_space<semaphore_mem>>
    %dma_wait3A_1539 = tpu.memref_squeeze %dma_wait3A_1538 : memref<1x!tpu.dma_semaphore, #tpu.memory_space<semaphore_mem>> -> memref<!tpu.dma_semaphore, #tpu.memory_space<semaphore_mem>>
    %dma_wait3A_1540 = arith.constant 0 : i32
    %dma_wait3A_1541 = arith.constant 0 : i32
    %dma_wait3A_1542 = tpu.memref_slice %arg2[%dma_wait3A_1536, %dma_wait3A_1540, %dma_wait3A_1541] : memref<8x1000x1024xf32, #tpu.memory_space<vmem>> -> memref<1x1000x1024xf32, #tpu.memory_space<vmem>>
    %dma_wait3A_1543 = tpu.memref_squeeze %dma_wait3A_1542 : memref<1x1000x1024xf32, #tpu.memory_space<vmem>> -> memref<1000x1024xf32, #tpu.memory_space<vmem>>
    %dma_wait3A_1544 = arith.constant 44000 : i32
    %dma_wait3A_1545 = arith.constant 0 : i32
    %dma_wait3A_1546 = tpu.memref_slice %arg0[%dma_wait3A_1544, %dma_wait3A_1545] : memref<100000x1024xf32, #tpu.memory_space<any>> -> memref<1000x1024xf32, #tpu.memory_space<any>>
    tpu.wait_dma2 semaphore(%dma_wait3A_1539 : memref<!tpu.dma_semaphore, #tpu.memory_space<semaphore_mem>>) src(%dma_wait3A_1546 : memref<1000x1024xf32, #tpu.memory_space<any>>) dst(%dma_wait3A_1543 : memref<1000x1024xf32, #tpu.memory_space<vmem>>)
    %get3A_1547 = arith.constant 4 : index
    %get3A_1548 = arith.constant 0 : index
    %get3A_1549 = arith.constant 0 : index
    %get3A_1550 = vector.load %arg2[%get3A_1547, %get3A_1548, %get3A_1549] : memref<8x1000x1024xf32, #tpu.memory_space<vmem>>, vector<1x1000x1024xf32>
    %get3A_1551 = vector.shape_cast %get3A_1550 : vector<1x1000x1024xf32> to vector<1000x1024xf32>
    %reduce_sum3A_1552 = vector.shape_cast %get3A_1551 : vector<1000x1024xf32> to vector<1x1000x1024xf32>
    %reduce_sum3A_1553 = arith.constant dense<0.000000e+00> : vector<1xf32>
    %reduce_sum3A_1554 = vector.multi_reduction <add>, %reduce_sum3A_1552, %reduce_sum3A_1553 [1, 2] : vector<1x1000x1024xf32> to vector<1xf32>
    %reduce_sum3A_1555 = vector.shape_cast %reduce_sum3A_1554 : vector<1xf32> to vector<1x1x1xf32>
    %reduce_sum3A_1556 = vector.extract %reduce_sum3A_1555[0, 0, 0] : f32 from vector<1x1x1xf32>
    %add3A_1557 = arith.addf %add3A_1524, %reduce_sum3A_1556 : f32
    %dma_start3A_1558 = arith.constant 4 : i32
    %dma_start3A_1559 = arith.constant 4 : i32
    %dma_start3A_1560 = tpu.memref_slice %arg3[%dma_start3A_1559] : memref<8x!tpu.dma_semaphore, #tpu.memory_space<semaphore_mem>> -> memref<1x!tpu.dma_semaphore, #tpu.memory_space<semaphore_mem>>
    %dma_start3A_1561 = tpu.memref_squeeze %dma_start3A_1560 : memref<1x!tpu.dma_semaphore, #tpu.memory_space<semaphore_mem>> -> memref<!tpu.dma_semaphore, #tpu.memory_space<semaphore_mem>>
    %dma_start3A_1562 = arith.constant 0 : i32
    %dma_start3A_1563 = arith.constant 0 : i32
    %dma_start3A_1564 = tpu.memref_slice %arg2[%dma_start3A_1558, %dma_start3A_1562, %dma_start3A_1563] : memref<8x1000x1024xf32, #tpu.memory_space<vmem>> -> memref<1x1000x1024xf32, #tpu.memory_space<vmem>>
    %dma_start3A_1565 = tpu.memref_squeeze %dma_start3A_1564 : memref<1x1000x1024xf32, #tpu.memory_space<vmem>> -> memref<1000x1024xf32, #tpu.memory_space<vmem>>
    %dma_start3A_1566 = arith.constant 52000 : i32
    %dma_start3A_1567 = arith.constant 0 : i32
    %dma_start3A_1568 = tpu.memref_slice %arg0[%dma_start3A_1566, %dma_start3A_1567] : memref<100000x1024xf32, #tpu.memory_space<any>> -> memref<1000x1024xf32, #tpu.memory_space<any>>
    tpu.enqueue_dma source(%dma_start3A_1568 : memref<1000x1024xf32, #tpu.memory_space<any>>) target(%dma_start3A_1565 : memref<1000x1024xf32, #tpu.memory_space<vmem>>) target_semaphore(%dma_start3A_1561 : memref<!tpu.dma_semaphore, #tpu.memory_space<semaphore_mem>>)
    %dma_wait3A_1569 = arith.constant 5 : i32
    %dma_wait3A_1570 = arith.constant 5 : i32
    %dma_wait3A_1571 = tpu.memref_slice %arg3[%dma_wait3A_1570] : memref<8x!tpu.dma_semaphore, #tpu.memory_space<semaphore_mem>> -> memref<1x!tpu.dma_semaphore, #tpu.memory_space<semaphore_mem>>
    %dma_wait3A_1572 = tpu.memref_squeeze %dma_wait3A_1571 : memref<1x!tpu.dma_semaphore, #tpu.memory_space<semaphore_mem>> -> memref<!tpu.dma_semaphore, #tpu.memory_space<semaphore_mem>>
    %dma_wait3A_1573 = arith.constant 0 : i32
    %dma_wait3A_1574 = arith.constant 0 : i32
    %dma_wait3A_1575 = tpu.memref_slice %arg2[%dma_wait3A_1569, %dma_wait3A_1573, %dma_wait3A_1574] : memref<8x1000x1024xf32, #tpu.memory_space<vmem>> -> memref<1x1000x1024xf32, #tpu.memory_space<vmem>>
    %dma_wait3A_1576 = tpu.memref_squeeze %dma_wait3A_1575 : memref<1x1000x1024xf32, #tpu.memory_space<vmem>> -> memref<1000x1024xf32, #tpu.memory_space<vmem>>
    %dma_wait3A_1577 = arith.constant 45000 : i32
    %dma_wait3A_1578 = arith.constant 0 : i32
    %dma_wait3A_1579 = tpu.memref_slice %arg0[%dma_wait3A_1577, %dma_wait3A_1578] : memref<100000x1024xf32, #tpu.memory_space<any>> -> memref<1000x1024xf32, #tpu.memory_space<any>>
    tpu.wait_dma2 semaphore(%dma_wait3A_1572 : memref<!tpu.dma_semaphore, #tpu.memory_space<semaphore_mem>>) src(%dma_wait3A_1579 : memref<1000x1024xf32, #tpu.memory_space<any>>) dst(%dma_wait3A_1576 : memref<1000x1024xf32, #tpu.memory_space<vmem>>)
    %get3A_1580 = arith.constant 5 : index
    %get3A_1581 = arith.constant 0 : index
    %get3A_1582 = arith.constant 0 : index
    %get3A_1583 = vector.load %arg2[%get3A_1580, %get3A_1581, %get3A_1582] : memref<8x1000x1024xf32, #tpu.memory_space<vmem>>, vector<1x1000x1024xf32>
    %get3A_1584 = vector.shape_cast %get3A_1583 : vector<1x1000x1024xf32> to vector<1000x1024xf32>
    %reduce_sum3A_1585 = vector.shape_cast %get3A_1584 : vector<1000x1024xf32> to vector<1x1000x1024xf32>
    %reduce_sum3A_1586 = arith.constant dense<0.000000e+00> : vector<1xf32>
    %reduce_sum3A_1587 = vector.multi_reduction <add>, %reduce_sum3A_1585, %reduce_sum3A_1586 [1, 2] : vector<1x1000x1024xf32> to vector<1xf32>
    %reduce_sum3A_1588 = vector.shape_cast %reduce_sum3A_1587 : vector<1xf32> to vector<1x1x1xf32>
    %reduce_sum3A_1589 = vector.extract %reduce_sum3A_1588[0, 0, 0] : f32 from vector<1x1x1xf32>
    %add3A_1590 = arith.addf %add3A_1557, %reduce_sum3A_1589 : f32
    %dma_start3A_1591 = arith.constant 5 : i32
    %dma_start3A_1592 = arith.constant 5 : i32
    %dma_start3A_1593 = tpu.memref_slice %arg3[%dma_start3A_1592] : memref<8x!tpu.dma_semaphore, #tpu.memory_space<semaphore_mem>> -> memref<1x!tpu.dma_semaphore, #tpu.memory_space<semaphore_mem>>
    %dma_start3A_1594 = tpu.memref_squeeze %dma_start3A_1593 : memref<1x!tpu.dma_semaphore, #tpu.memory_space<semaphore_mem>> -> memref<!tpu.dma_semaphore, #tpu.memory_space<semaphore_mem>>
    %dma_start3A_1595 = arith.constant 0 : i32
    %dma_start3A_1596 = arith.constant 0 : i32
    %dma_start3A_1597 = tpu.memref_slice %arg2[%dma_start3A_1591, %dma_start3A_1595, %dma_start3A_1596] : memref<8x1000x1024xf32, #tpu.memory_space<vmem>> -> memref<1x1000x1024xf32, #tpu.memory_space<vmem>>
    %dma_start3A_1598 = tpu.memref_squeeze %dma_start3A_1597 : memref<1x1000x1024xf32, #tpu.memory_space<vmem>> -> memref<1000x1024xf32, #tpu.memory_space<vmem>>
    %dma_start3A_1599 = arith.constant 53000 : i32
    %dma_start3A_1600 = arith.constant 0 : i32
    %dma_start3A_1601 = tpu.memref_slice %arg0[%dma_start3A_1599, %dma_start3A_1600] : memref<100000x1024xf32, #tpu.memory_space<any>> -> memref<1000x1024xf32, #tpu.memory_space<any>>
    tpu.enqueue_dma source(%dma_start3A_1601 : memref<1000x1024xf32, #tpu.memory_space<any>>) target(%dma_start3A_1598 : memref<1000x1024xf32, #tpu.memory_space<vmem>>) target_semaphore(%dma_start3A_1594 : memref<!tpu.dma_semaphore, #tpu.memory_space<semaphore_mem>>)
    %dma_wait3A_1602 = arith.constant 6 : i32
    %dma_wait3A_1603 = arith.constant 6 : i32
    %dma_wait3A_1604 = tpu.memref_slice %arg3[%dma_wait3A_1603] : memref<8x!tpu.dma_semaphore, #tpu.memory_space<semaphore_mem>> -> memref<1x!tpu.dma_semaphore, #tpu.memory_space<semaphore_mem>>
    %dma_wait3A_1605 = tpu.memref_squeeze %dma_wait3A_1604 : memref<1x!tpu.dma_semaphore, #tpu.memory_space<semaphore_mem>> -> memref<!tpu.dma_semaphore, #tpu.memory_space<semaphore_mem>>
    %dma_wait3A_1606 = arith.constant 0 : i32
    %dma_wait3A_1607 = arith.constant 0 : i32
    %dma_wait3A_1608 = tpu.memref_slice %arg2[%dma_wait3A_1602, %dma_wait3A_1606, %dma_wait3A_1607] : memref<8x1000x1024xf32, #tpu.memory_space<vmem>> -> memref<1x1000x1024xf32, #tpu.memory_space<vmem>>
    %dma_wait3A_1609 = tpu.memref_squeeze %dma_wait3A_1608 : memref<1x1000x1024xf32, #tpu.memory_space<vmem>> -> memref<1000x1024xf32, #tpu.memory_space<vmem>>
    %dma_wait3A_1610 = arith.constant 46000 : i32
    %dma_wait3A_1611 = arith.constant 0 : i32
    %dma_wait3A_1612 = tpu.memref_slice %arg0[%dma_wait3A_1610, %dma_wait3A_1611] : memref<100000x1024xf32, #tpu.memory_space<any>> -> memref<1000x1024xf32, #tpu.memory_space<any>>
    tpu.wait_dma2 semaphore(%dma_wait3A_1605 : memref<!tpu.dma_semaphore, #tpu.memory_space<semaphore_mem>>) src(%dma_wait3A_1612 : memref<1000x1024xf32, #tpu.memory_space<any>>) dst(%dma_wait3A_1609 : memref<1000x1024xf32, #tpu.memory_space<vmem>>)
    %get3A_1613 = arith.constant 6 : index
    %get3A_1614 = arith.constant 0 : index
    %get3A_1615 = arith.constant 0 : index
    %get3A_1616 = vector.load %arg2[%get3A_1613, %get3A_1614, %get3A_1615] : memref<8x1000x1024xf32, #tpu.memory_space<vmem>>, vector<1x1000x1024xf32>
    %get3A_1617 = vector.shape_cast %get3A_1616 : vector<1x1000x1024xf32> to vector<1000x1024xf32>
    %reduce_sum3A_1618 = vector.shape_cast %get3A_1617 : vector<1000x1024xf32> to vector<1x1000x1024xf32>
    %reduce_sum3A_1619 = arith.constant dense<0.000000e+00> : vector<1xf32>
    %reduce_sum3A_1620 = vector.multi_reduction <add>, %reduce_sum3A_1618, %reduce_sum3A_1619 [1, 2] : vector<1x1000x1024xf32> to vector<1xf32>
    %reduce_sum3A_1621 = vector.shape_cast %reduce_sum3A_1620 : vector<1xf32> to vector<1x1x1xf32>
    %reduce_sum3A_1622 = vector.extract %reduce_sum3A_1621[0, 0, 0] : f32 from vector<1x1x1xf32>
    %add3A_1623 = arith.addf %add3A_1590, %reduce_sum3A_1622 : f32
    %dma_start3A_1624 = arith.constant 6 : i32
    %dma_start3A_1625 = arith.constant 6 : i32
    %dma_start3A_1626 = tpu.memref_slice %arg3[%dma_start3A_1625] : memref<8x!tpu.dma_semaphore, #tpu.memory_space<semaphore_mem>> -> memref<1x!tpu.dma_semaphore, #tpu.memory_space<semaphore_mem>>
    %dma_start3A_1627 = tpu.memref_squeeze %dma_start3A_1626 : memref<1x!tpu.dma_semaphore, #tpu.memory_space<semaphore_mem>> -> memref<!tpu.dma_semaphore, #tpu.memory_space<semaphore_mem>>
    %dma_start3A_1628 = arith.constant 0 : i32
    %dma_start3A_1629 = arith.constant 0 : i32
    %dma_start3A_1630 = tpu.memref_slice %arg2[%dma_start3A_1624, %dma_start3A_1628, %dma_start3A_1629] : memref<8x1000x1024xf32, #tpu.memory_space<vmem>> -> memref<1x1000x1024xf32, #tpu.memory_space<vmem>>
    %dma_start3A_1631 = tpu.memref_squeeze %dma_start3A_1630 : memref<1x1000x1024xf32, #tpu.memory_space<vmem>> -> memref<1000x1024xf32, #tpu.memory_space<vmem>>
    %dma_start3A_1632 = arith.constant 54000 : i32
    %dma_start3A_1633 = arith.constant 0 : i32
    %dma_start3A_1634 = tpu.memref_slice %arg0[%dma_start3A_1632, %dma_start3A_1633] : memref<100000x1024xf32, #tpu.memory_space<any>> -> memref<1000x1024xf32, #tpu.memory_space<any>>
    tpu.enqueue_dma source(%dma_start3A_1634 : memref<1000x1024xf32, #tpu.memory_space<any>>) target(%dma_start3A_1631 : memref<1000x1024xf32, #tpu.memory_space<vmem>>) target_semaphore(%dma_start3A_1627 : memref<!tpu.dma_semaphore, #tpu.memory_space<semaphore_mem>>)
    %dma_wait3A_1635 = arith.constant 7 : i32
    %dma_wait3A_1636 = arith.constant 7 : i32
    %dma_wait3A_1637 = tpu.memref_slice %arg3[%dma_wait3A_1636] : memref<8x!tpu.dma_semaphore, #tpu.memory_space<semaphore_mem>> -> memref<1x!tpu.dma_semaphore, #tpu.memory_space<semaphore_mem>>
    %dma_wait3A_1638 = tpu.memref_squeeze %dma_wait3A_1637 : memref<1x!tpu.dma_semaphore, #tpu.memory_space<semaphore_mem>> -> memref<!tpu.dma_semaphore, #tpu.memory_space<semaphore_mem>>
    %dma_wait3A_1639 = arith.constant 0 : i32
    %dma_wait3A_1640 = arith.constant 0 : i32
    %dma_wait3A_1641 = tpu.memref_slice %arg2[%dma_wait3A_1635, %dma_wait3A_1639, %dma_wait3A_1640] : memref<8x1000x1024xf32, #tpu.memory_space<vmem>> -> memref<1x1000x1024xf32, #tpu.memory_space<vmem>>
    %dma_wait3A_1642 = tpu.memref_squeeze %dma_wait3A_1641 : memref<1x1000x1024xf32, #tpu.memory_space<vmem>> -> memref<1000x1024xf32, #tpu.memory_space<vmem>>
    %dma_wait3A_1643 = arith.constant 47000 : i32
    %dma_wait3A_1644 = arith.constant 0 : i32
    %dma_wait3A_1645 = tpu.memref_slice %arg0[%dma_wait3A_1643, %dma_wait3A_1644] : memref<100000x1024xf32, #tpu.memory_space<any>> -> memref<1000x1024xf32, #tpu.memory_space<any>>
    tpu.wait_dma2 semaphore(%dma_wait3A_1638 : memref<!tpu.dma_semaphore, #tpu.memory_space<semaphore_mem>>) src(%dma_wait3A_1645 : memref<1000x1024xf32, #tpu.memory_space<any>>) dst(%dma_wait3A_1642 : memref<1000x1024xf32, #tpu.memory_space<vmem>>)
    %get3A_1646 = arith.constant 7 : index
    %get3A_1647 = arith.constant 0 : index
    %get3A_1648 = arith.constant 0 : index
    %get3A_1649 = vector.load %arg2[%get3A_1646, %get3A_1647, %get3A_1648] : memref<8x1000x1024xf32, #tpu.memory_space<vmem>>, vector<1x1000x1024xf32>
    %get3A_1650 = vector.shape_cast %get3A_1649 : vector<1x1000x1024xf32> to vector<1000x1024xf32>
    %reduce_sum3A_1651 = vector.shape_cast %get3A_1650 : vector<1000x1024xf32> to vector<1x1000x1024xf32>
    %reduce_sum3A_1652 = arith.constant dense<0.000000e+00> : vector<1xf32>
    %reduce_sum3A_1653 = vector.multi_reduction <add>, %reduce_sum3A_1651, %reduce_sum3A_1652 [1, 2] : vector<1x1000x1024xf32> to vector<1xf32>
    %reduce_sum3A_1654 = vector.shape_cast %reduce_sum3A_1653 : vector<1xf32> to vector<1x1x1xf32>
    %reduce_sum3A_1655 = vector.extract %reduce_sum3A_1654[0, 0, 0] : f32 from vector<1x1x1xf32>
    %add3A_1656 = arith.addf %add3A_1623, %reduce_sum3A_1655 : f32
    %dma_start3A_1657 = arith.constant 7 : i32
    %dma_start3A_1658 = arith.constant 7 : i32
    %dma_start3A_1659 = tpu.memref_slice %arg3[%dma_start3A_1658] : memref<8x!tpu.dma_semaphore, #tpu.memory_space<semaphore_mem>> -> memref<1x!tpu.dma_semaphore, #tpu.memory_space<semaphore_mem>>
    %dma_start3A_1660 = tpu.memref_squeeze %dma_start3A_1659 : memref<1x!tpu.dma_semaphore, #tpu.memory_space<semaphore_mem>> -> memref<!tpu.dma_semaphore, #tpu.memory_space<semaphore_mem>>
    %dma_start3A_1661 = arith.constant 0 : i32
    %dma_start3A_1662 = arith.constant 0 : i32
    %dma_start3A_1663 = tpu.memref_slice %arg2[%dma_start3A_1657, %dma_start3A_1661, %dma_start3A_1662] : memref<8x1000x1024xf32, #tpu.memory_space<vmem>> -> memref<1x1000x1024xf32, #tpu.memory_space<vmem>>
    %dma_start3A_1664 = tpu.memref_squeeze %dma_start3A_1663 : memref<1x1000x1024xf32, #tpu.memory_space<vmem>> -> memref<1000x1024xf32, #tpu.memory_space<vmem>>
    %dma_start3A_1665 = arith.constant 55000 : i32
    %dma_start3A_1666 = arith.constant 0 : i32
    %dma_start3A_1667 = tpu.memref_slice %arg0[%dma_start3A_1665, %dma_start3A_1666] : memref<100000x1024xf32, #tpu.memory_space<any>> -> memref<1000x1024xf32, #tpu.memory_space<any>>
    tpu.enqueue_dma source(%dma_start3A_1667 : memref<1000x1024xf32, #tpu.memory_space<any>>) target(%dma_start3A_1664 : memref<1000x1024xf32, #tpu.memory_space<vmem>>) target_semaphore(%dma_start3A_1660 : memref<!tpu.dma_semaphore, #tpu.memory_space<semaphore_mem>>)
    %dma_wait3A_1668 = arith.constant 0 : i32
    %dma_wait3A_1669 = arith.constant 0 : i32
    %dma_wait3A_1670 = tpu.memref_slice %arg3[%dma_wait3A_1669] : memref<8x!tpu.dma_semaphore, #tpu.memory_space<semaphore_mem>> -> memref<1x!tpu.dma_semaphore, #tpu.memory_space<semaphore_mem>>
    %dma_wait3A_1671 = tpu.memref_squeeze %dma_wait3A_1670 : memref<1x!tpu.dma_semaphore, #tpu.memory_space<semaphore_mem>> -> memref<!tpu.dma_semaphore, #tpu.memory_space<semaphore_mem>>
    %dma_wait3A_1672 = arith.constant 0 : i32
    %dma_wait3A_1673 = arith.constant 0 : i32
    %dma_wait3A_1674 = tpu.memref_slice %arg2[%dma_wait3A_1668, %dma_wait3A_1672, %dma_wait3A_1673] : memref<8x1000x1024xf32, #tpu.memory_space<vmem>> -> memref<1x1000x1024xf32, #tpu.memory_space<vmem>>
    %dma_wait3A_1675 = tpu.memref_squeeze %dma_wait3A_1674 : memref<1x1000x1024xf32, #tpu.memory_space<vmem>> -> memref<1000x1024xf32, #tpu.memory_space<vmem>>
    %dma_wait3A_1676 = arith.constant 48000 : i32
    %dma_wait3A_1677 = arith.constant 0 : i32
    %dma_wait3A_1678 = tpu.memref_slice %arg0[%dma_wait3A_1676, %dma_wait3A_1677] : memref<100000x1024xf32, #tpu.memory_space<any>> -> memref<1000x1024xf32, #tpu.memory_space<any>>
    tpu.wait_dma2 semaphore(%dma_wait3A_1671 : memref<!tpu.dma_semaphore, #tpu.memory_space<semaphore_mem>>) src(%dma_wait3A_1678 : memref<1000x1024xf32, #tpu.memory_space<any>>) dst(%dma_wait3A_1675 : memref<1000x1024xf32, #tpu.memory_space<vmem>>)
    %get3A_1679 = arith.constant 0 : index
    %get3A_1680 = arith.constant 0 : index
    %get3A_1681 = arith.constant 0 : index
    %get3A_1682 = vector.load %arg2[%get3A_1679, %get3A_1680, %get3A_1681] : memref<8x1000x1024xf32, #tpu.memory_space<vmem>>, vector<1x1000x1024xf32>
    %get3A_1683 = vector.shape_cast %get3A_1682 : vector<1x1000x1024xf32> to vector<1000x1024xf32>
    %reduce_sum3A_1684 = vector.shape_cast %get3A_1683 : vector<1000x1024xf32> to vector<1x1000x1024xf32>
    %reduce_sum3A_1685 = arith.constant dense<0.000000e+00> : vector<1xf32>
    %reduce_sum3A_1686 = vector.multi_reduction <add>, %reduce_sum3A_1684, %reduce_sum3A_1685 [1, 2] : vector<1x1000x1024xf32> to vector<1xf32>
    %reduce_sum3A_1687 = vector.shape_cast %reduce_sum3A_1686 : vector<1xf32> to vector<1x1x1xf32>
    %reduce_sum3A_1688 = vector.extract %reduce_sum3A_1687[0, 0, 0] : f32 from vector<1x1x1xf32>
    %add3A_1689 = arith.addf %add3A_1656, %reduce_sum3A_1688 : f32
    %dma_start3A_1690 = arith.constant 0 : i32
    %dma_start3A_1691 = arith.constant 0 : i32
    %dma_start3A_1692 = tpu.memref_slice %arg3[%dma_start3A_1691] : memref<8x!tpu.dma_semaphore, #tpu.memory_space<semaphore_mem>> -> memref<1x!tpu.dma_semaphore, #tpu.memory_space<semaphore_mem>>
    %dma_start3A_1693 = tpu.memref_squeeze %dma_start3A_1692 : memref<1x!tpu.dma_semaphore, #tpu.memory_space<semaphore_mem>> -> memref<!tpu.dma_semaphore, #tpu.memory_space<semaphore_mem>>
    %dma_start3A_1694 = arith.constant 0 : i32
    %dma_start3A_1695 = arith.constant 0 : i32
    %dma_start3A_1696 = tpu.memref_slice %arg2[%dma_start3A_1690, %dma_start3A_1694, %dma_start3A_1695] : memref<8x1000x1024xf32, #tpu.memory_space<vmem>> -> memref<1x1000x1024xf32, #tpu.memory_space<vmem>>
    %dma_start3A_1697 = tpu.memref_squeeze %dma_start3A_1696 : memref<1x1000x1024xf32, #tpu.memory_space<vmem>> -> memref<1000x1024xf32, #tpu.memory_space<vmem>>
    %dma_start3A_1698 = arith.constant 56000 : i32
    %dma_start3A_1699 = arith.constant 0 : i32
    %dma_start3A_1700 = tpu.memref_slice %arg0[%dma_start3A_1698, %dma_start3A_1699] : memref<100000x1024xf32, #tpu.memory_space<any>> -> memref<1000x1024xf32, #tpu.memory_space<any>>
    tpu.enqueue_dma source(%dma_start3A_1700 : memref<1000x1024xf32, #tpu.memory_space<any>>) target(%dma_start3A_1697 : memref<1000x1024xf32, #tpu.memory_space<vmem>>) target_semaphore(%dma_start3A_1693 : memref<!tpu.dma_semaphore, #tpu.memory_space<semaphore_mem>>)
    %dma_wait3A_1701 = arith.constant 1 : i32
    %dma_wait3A_1702 = arith.constant 1 : i32
    %dma_wait3A_1703 = tpu.memref_slice %arg3[%dma_wait3A_1702] : memref<8x!tpu.dma_semaphore, #tpu.memory_space<semaphore_mem>> -> memref<1x!tpu.dma_semaphore, #tpu.memory_space<semaphore_mem>>
    %dma_wait3A_1704 = tpu.memref_squeeze %dma_wait3A_1703 : memref<1x!tpu.dma_semaphore, #tpu.memory_space<semaphore_mem>> -> memref<!tpu.dma_semaphore, #tpu.memory_space<semaphore_mem>>
    %dma_wait3A_1705 = arith.constant 0 : i32
    %dma_wait3A_1706 = arith.constant 0 : i32
    %dma_wait3A_1707 = tpu.memref_slice %arg2[%dma_wait3A_1701, %dma_wait3A_1705, %dma_wait3A_1706] : memref<8x1000x1024xf32, #tpu.memory_space<vmem>> -> memref<1x1000x1024xf32, #tpu.memory_space<vmem>>
    %dma_wait3A_1708 = tpu.memref_squeeze %dma_wait3A_1707 : memref<1x1000x1024xf32, #tpu.memory_space<vmem>> -> memref<1000x1024xf32, #tpu.memory_space<vmem>>
    %dma_wait3A_1709 = arith.constant 49000 : i32
    %dma_wait3A_1710 = arith.constant 0 : i32
    %dma_wait3A_1711 = tpu.memref_slice %arg0[%dma_wait3A_1709, %dma_wait3A_1710] : memref<100000x1024xf32, #tpu.memory_space<any>> -> memref<1000x1024xf32, #tpu.memory_space<any>>
    tpu.wait_dma2 semaphore(%dma_wait3A_1704 : memref<!tpu.dma_semaphore, #tpu.memory_space<semaphore_mem>>) src(%dma_wait3A_1711 : memref<1000x1024xf32, #tpu.memory_space<any>>) dst(%dma_wait3A_1708 : memref<1000x1024xf32, #tpu.memory_space<vmem>>)
    %get3A_1712 = arith.constant 1 : index
    %get3A_1713 = arith.constant 0 : index
    %get3A_1714 = arith.constant 0 : index
    %get3A_1715 = vector.load %arg2[%get3A_1712, %get3A_1713, %get3A_1714] : memref<8x1000x1024xf32, #tpu.memory_space<vmem>>, vector<1x1000x1024xf32>
    %get3A_1716 = vector.shape_cast %get3A_1715 : vector<1x1000x1024xf32> to vector<1000x1024xf32>
    %reduce_sum3A_1717 = vector.shape_cast %get3A_1716 : vector<1000x1024xf32> to vector<1x1000x1024xf32>
    %reduce_sum3A_1718 = arith.constant dense<0.000000e+00> : vector<1xf32>
    %reduce_sum3A_1719 = vector.multi_reduction <add>, %reduce_sum3A_1717, %reduce_sum3A_1718 [1, 2] : vector<1x1000x1024xf32> to vector<1xf32>
    %reduce_sum3A_1720 = vector.shape_cast %reduce_sum3A_1719 : vector<1xf32> to vector<1x1x1xf32>
    %reduce_sum3A_1721 = vector.extract %reduce_sum3A_1720[0, 0, 0] : f32 from vector<1x1x1xf32>
    %add3A_1722 = arith.addf %add3A_1689, %reduce_sum3A_1721 : f32
    %dma_start3A_1723 = arith.constant 1 : i32
    %dma_start3A_1724 = arith.constant 1 : i32
    %dma_start3A_1725 = tpu.memref_slice %arg3[%dma_start3A_1724] : memref<8x!tpu.dma_semaphore, #tpu.memory_space<semaphore_mem>> -> memref<1x!tpu.dma_semaphore, #tpu.memory_space<semaphore_mem>>
    %dma_start3A_1726 = tpu.memref_squeeze %dma_start3A_1725 : memref<1x!tpu.dma_semaphore, #tpu.memory_space<semaphore_mem>> -> memref<!tpu.dma_semaphore, #tpu.memory_space<semaphore_mem>>
    %dma_start3A_1727 = arith.constant 0 : i32
    %dma_start3A_1728 = arith.constant 0 : i32
    %dma_start3A_1729 = tpu.memref_slice %arg2[%dma_start3A_1723, %dma_start3A_1727, %dma_start3A_1728] : memref<8x1000x1024xf32, #tpu.memory_space<vmem>> -> memref<1x1000x1024xf32, #tpu.memory_space<vmem>>
    %dma_start3A_1730 = tpu.memref_squeeze %dma_start3A_1729 : memref<1x1000x1024xf32, #tpu.memory_space<vmem>> -> memref<1000x1024xf32, #tpu.memory_space<vmem>>
    %dma_start3A_1731 = arith.constant 57000 : i32
    %dma_start3A_1732 = arith.constant 0 : i32
    %dma_start3A_1733 = tpu.memref_slice %arg0[%dma_start3A_1731, %dma_start3A_1732] : memref<100000x1024xf32, #tpu.memory_space<any>> -> memref<1000x1024xf32, #tpu.memory_space<any>>
    tpu.enqueue_dma source(%dma_start3A_1733 : memref<1000x1024xf32, #tpu.memory_space<any>>) target(%dma_start3A_1730 : memref<1000x1024xf32, #tpu.memory_space<vmem>>) target_semaphore(%dma_start3A_1726 : memref<!tpu.dma_semaphore, #tpu.memory_space<semaphore_mem>>)
    %dma_wait3A_1734 = arith.constant 2 : i32
    %dma_wait3A_1735 = arith.constant 2 : i32
    %dma_wait3A_1736 = tpu.memref_slice %arg3[%dma_wait3A_1735] : memref<8x!tpu.dma_semaphore, #tpu.memory_space<semaphore_mem>> -> memref<1x!tpu.dma_semaphore, #tpu.memory_space<semaphore_mem>>
    %dma_wait3A_1737 = tpu.memref_squeeze %dma_wait3A_1736 : memref<1x!tpu.dma_semaphore, #tpu.memory_space<semaphore_mem>> -> memref<!tpu.dma_semaphore, #tpu.memory_space<semaphore_mem>>
    %dma_wait3A_1738 = arith.constant 0 : i32
    %dma_wait3A_1739 = arith.constant 0 : i32
    %dma_wait3A_1740 = tpu.memref_slice %arg2[%dma_wait3A_1734, %dma_wait3A_1738, %dma_wait3A_1739] : memref<8x1000x1024xf32, #tpu.memory_space<vmem>> -> memref<1x1000x1024xf32, #tpu.memory_space<vmem>>
    %dma_wait3A_1741 = tpu.memref_squeeze %dma_wait3A_1740 : memref<1x1000x1024xf32, #tpu.memory_space<vmem>> -> memref<1000x1024xf32, #tpu.memory_space<vmem>>
    %dma_wait3A_1742 = arith.constant 50000 : i32
    %dma_wait3A_1743 = arith.constant 0 : i32
    %dma_wait3A_1744 = tpu.memref_slice %arg0[%dma_wait3A_1742, %dma_wait3A_1743] : memref<100000x1024xf32, #tpu.memory_space<any>> -> memref<1000x1024xf32, #tpu.memory_space<any>>
    tpu.wait_dma2 semaphore(%dma_wait3A_1737 : memref<!tpu.dma_semaphore, #tpu.memory_space<semaphore_mem>>) src(%dma_wait3A_1744 : memref<1000x1024xf32, #tpu.memory_space<any>>) dst(%dma_wait3A_1741 : memref<1000x1024xf32, #tpu.memory_space<vmem>>)
    %get3A_1745 = arith.constant 2 : index
    %get3A_1746 = arith.constant 0 : index
    %get3A_1747 = arith.constant 0 : index
    %get3A_1748 = vector.load %arg2[%get3A_1745, %get3A_1746, %get3A_1747] : memref<8x1000x1024xf32, #tpu.memory_space<vmem>>, vector<1x1000x1024xf32>
    %get3A_1749 = vector.shape_cast %get3A_1748 : vector<1x1000x1024xf32> to vector<1000x1024xf32>
    %reduce_sum3A_1750 = vector.shape_cast %get3A_1749 : vector<1000x1024xf32> to vector<1x1000x1024xf32>
    %reduce_sum3A_1751 = arith.constant dense<0.000000e+00> : vector<1xf32>
    %reduce_sum3A_1752 = vector.multi_reduction <add>, %reduce_sum3A_1750, %reduce_sum3A_1751 [1, 2] : vector<1x1000x1024xf32> to vector<1xf32>
    %reduce_sum3A_1753 = vector.shape_cast %reduce_sum3A_1752 : vector<1xf32> to vector<1x1x1xf32>
    %reduce_sum3A_1754 = vector.extract %reduce_sum3A_1753[0, 0, 0] : f32 from vector<1x1x1xf32>
    %add3A_1755 = arith.addf %add3A_1722, %reduce_sum3A_1754 : f32
    %dma_start3A_1756 = arith.constant 2 : i32
    %dma_start3A_1757 = arith.constant 2 : i32
    %dma_start3A_1758 = tpu.memref_slice %arg3[%dma_start3A_1757] : memref<8x!tpu.dma_semaphore, #tpu.memory_space<semaphore_mem>> -> memref<1x!tpu.dma_semaphore, #tpu.memory_space<semaphore_mem>>
    %dma_start3A_1759 = tpu.memref_squeeze %dma_start3A_1758 : memref<1x!tpu.dma_semaphore, #tpu.memory_space<semaphore_mem>> -> memref<!tpu.dma_semaphore, #tpu.memory_space<semaphore_mem>>
    %dma_start3A_1760 = arith.constant 0 : i32
    %dma_start3A_1761 = arith.constant 0 : i32
    %dma_start3A_1762 = tpu.memref_slice %arg2[%dma_start3A_1756, %dma_start3A_1760, %dma_start3A_1761] : memref<8x1000x1024xf32, #tpu.memory_space<vmem>> -> memref<1x1000x1024xf32, #tpu.memory_space<vmem>>
    %dma_start3A_1763 = tpu.memref_squeeze %dma_start3A_1762 : memref<1x1000x1024xf32, #tpu.memory_space<vmem>> -> memref<1000x1024xf32, #tpu.memory_space<vmem>>
    %dma_start3A_1764 = arith.constant 58000 : i32
    %dma_start3A_1765 = arith.constant 0 : i32
    %dma_start3A_1766 = tpu.memref_slice %arg0[%dma_start3A_1764, %dma_start3A_1765] : memref<100000x1024xf32, #tpu.memory_space<any>> -> memref<1000x1024xf32, #tpu.memory_space<any>>
    tpu.enqueue_dma source(%dma_start3A_1766 : memref<1000x1024xf32, #tpu.memory_space<any>>) target(%dma_start3A_1763 : memref<1000x1024xf32, #tpu.memory_space<vmem>>) target_semaphore(%dma_start3A_1759 : memref<!tpu.dma_semaphore, #tpu.memory_space<semaphore_mem>>)
    %dma_wait3A_1767 = arith.constant 3 : i32
    %dma_wait3A_1768 = arith.constant 3 : i32
    %dma_wait3A_1769 = tpu.memref_slice %arg3[%dma_wait3A_1768] : memref<8x!tpu.dma_semaphore, #tpu.memory_space<semaphore_mem>> -> memref<1x!tpu.dma_semaphore, #tpu.memory_space<semaphore_mem>>
    %dma_wait3A_1770 = tpu.memref_squeeze %dma_wait3A_1769 : memref<1x!tpu.dma_semaphore, #tpu.memory_space<semaphore_mem>> -> memref<!tpu.dma_semaphore, #tpu.memory_space<semaphore_mem>>
    %dma_wait3A_1771 = arith.constant 0 : i32
    %dma_wait3A_1772 = arith.constant 0 : i32
    %dma_wait3A_1773 = tpu.memref_slice %arg2[%dma_wait3A_1767, %dma_wait3A_1771, %dma_wait3A_1772] : memref<8x1000x1024xf32, #tpu.memory_space<vmem>> -> memref<1x1000x1024xf32, #tpu.memory_space<vmem>>
    %dma_wait3A_1774 = tpu.memref_squeeze %dma_wait3A_1773 : memref<1x1000x1024xf32, #tpu.memory_space<vmem>> -> memref<1000x1024xf32, #tpu.memory_space<vmem>>
    %dma_wait3A_1775 = arith.constant 51000 : i32
    %dma_wait3A_1776 = arith.constant 0 : i32
    %dma_wait3A_1777 = tpu.memref_slice %arg0[%dma_wait3A_1775, %dma_wait3A_1776] : memref<100000x1024xf32, #tpu.memory_space<any>> -> memref<1000x1024xf32, #tpu.memory_space<any>>
    tpu.wait_dma2 semaphore(%dma_wait3A_1770 : memref<!tpu.dma_semaphore, #tpu.memory_space<semaphore_mem>>) src(%dma_wait3A_1777 : memref<1000x1024xf32, #tpu.memory_space<any>>) dst(%dma_wait3A_1774 : memref<1000x1024xf32, #tpu.memory_space<vmem>>)
    %get3A_1778 = arith.constant 3 : index
    %get3A_1779 = arith.constant 0 : index
    %get3A_1780 = arith.constant 0 : index
    %get3A_1781 = vector.load %arg2[%get3A_1778, %get3A_1779, %get3A_1780] : memref<8x1000x1024xf32, #tpu.memory_space<vmem>>, vector<1x1000x1024xf32>
    %get3A_1782 = vector.shape_cast %get3A_1781 : vector<1x1000x1024xf32> to vector<1000x1024xf32>
    %reduce_sum3A_1783 = vector.shape_cast %get3A_1782 : vector<1000x1024xf32> to vector<1x1000x1024xf32>
    %reduce_sum3A_1784 = arith.constant dense<0.000000e+00> : vector<1xf32>
    %reduce_sum3A_1785 = vector.multi_reduction <add>, %reduce_sum3A_1783, %reduce_sum3A_1784 [1, 2] : vector<1x1000x1024xf32> to vector<1xf32>
    %reduce_sum3A_1786 = vector.shape_cast %reduce_sum3A_1785 : vector<1xf32> to vector<1x1x1xf32>
    %reduce_sum3A_1787 = vector.extract %reduce_sum3A_1786[0, 0, 0] : f32 from vector<1x1x1xf32>
    %add3A_1788 = arith.addf %add3A_1755, %reduce_sum3A_1787 : f32
    %dma_start3A_1789 = arith.constant 3 : i32
    %dma_start3A_1790 = arith.constant 3 : i32
    %dma_start3A_1791 = tpu.memref_slice %arg3[%dma_start3A_1790] : memref<8x!tpu.dma_semaphore, #tpu.memory_space<semaphore_mem>> -> memref<1x!tpu.dma_semaphore, #tpu.memory_space<semaphore_mem>>
    %dma_start3A_1792 = tpu.memref_squeeze %dma_start3A_1791 : memref<1x!tpu.dma_semaphore, #tpu.memory_space<semaphore_mem>> -> memref<!tpu.dma_semaphore, #tpu.memory_space<semaphore_mem>>
    %dma_start3A_1793 = arith.constant 0 : i32
    %dma_start3A_1794 = arith.constant 0 : i32
    %dma_start3A_1795 = tpu.memref_slice %arg2[%dma_start3A_1789, %dma_start3A_1793, %dma_start3A_1794] : memref<8x1000x1024xf32, #tpu.memory_space<vmem>> -> memref<1x1000x1024xf32, #tpu.memory_space<vmem>>
    %dma_start3A_1796 = tpu.memref_squeeze %dma_start3A_1795 : memref<1x1000x1024xf32, #tpu.memory_space<vmem>> -> memref<1000x1024xf32, #tpu.memory_space<vmem>>
    %dma_start3A_1797 = arith.constant 59000 : i32
    %dma_start3A_1798 = arith.constant 0 : i32
    %dma_start3A_1799 = tpu.memref_slice %arg0[%dma_start3A_1797, %dma_start3A_1798] : memref<100000x1024xf32, #tpu.memory_space<any>> -> memref<1000x1024xf32, #tpu.memory_space<any>>
    tpu.enqueue_dma source(%dma_start3A_1799 : memref<1000x1024xf32, #tpu.memory_space<any>>) target(%dma_start3A_1796 : memref<1000x1024xf32, #tpu.memory_space<vmem>>) target_semaphore(%dma_start3A_1792 : memref<!tpu.dma_semaphore, #tpu.memory_space<semaphore_mem>>)
    %dma_wait3A_1800 = arith.constant 4 : i32
    %dma_wait3A_1801 = arith.constant 4 : i32
    %dma_wait3A_1802 = tpu.memref_slice %arg3[%dma_wait3A_1801] : memref<8x!tpu.dma_semaphore, #tpu.memory_space<semaphore_mem>> -> memref<1x!tpu.dma_semaphore, #tpu.memory_space<semaphore_mem>>
    %dma_wait3A_1803 = tpu.memref_squeeze %dma_wait3A_1802 : memref<1x!tpu.dma_semaphore, #tpu.memory_space<semaphore_mem>> -> memref<!tpu.dma_semaphore, #tpu.memory_space<semaphore_mem>>
    %dma_wait3A_1804 = arith.constant 0 : i32
    %dma_wait3A_1805 = arith.constant 0 : i32
    %dma_wait3A_1806 = tpu.memref_slice %arg2[%dma_wait3A_1800, %dma_wait3A_1804, %dma_wait3A_1805] : memref<8x1000x1024xf32, #tpu.memory_space<vmem>> -> memref<1x1000x1024xf32, #tpu.memory_space<vmem>>
    %dma_wait3A_1807 = tpu.memref_squeeze %dma_wait3A_1806 : memref<1x1000x1024xf32, #tpu.memory_space<vmem>> -> memref<1000x1024xf32, #tpu.memory_space<vmem>>
    %dma_wait3A_1808 = arith.constant 52000 : i32
    %dma_wait3A_1809 = arith.constant 0 : i32
    %dma_wait3A_1810 = tpu.memref_slice %arg0[%dma_wait3A_1808, %dma_wait3A_1809] : memref<100000x1024xf32, #tpu.memory_space<any>> -> memref<1000x1024xf32, #tpu.memory_space<any>>
    tpu.wait_dma2 semaphore(%dma_wait3A_1803 : memref<!tpu.dma_semaphore, #tpu.memory_space<semaphore_mem>>) src(%dma_wait3A_1810 : memref<1000x1024xf32, #tpu.memory_space<any>>) dst(%dma_wait3A_1807 : memref<1000x1024xf32, #tpu.memory_space<vmem>>)
    %get3A_1811 = arith.constant 4 : index
    %get3A_1812 = arith.constant 0 : index
    %get3A_1813 = arith.constant 0 : index
    %get3A_1814 = vector.load %arg2[%get3A_1811, %get3A_1812, %get3A_1813] : memref<8x1000x1024xf32, #tpu.memory_space<vmem>>, vector<1x1000x1024xf32>
    %get3A_1815 = vector.shape_cast %get3A_1814 : vector<1x1000x1024xf32> to vector<1000x1024xf32>
    %reduce_sum3A_1816 = vector.shape_cast %get3A_1815 : vector<1000x1024xf32> to vector<1x1000x1024xf32>
    %reduce_sum3A_1817 = arith.constant dense<0.000000e+00> : vector<1xf32>
    %reduce_sum3A_1818 = vector.multi_reduction <add>, %reduce_sum3A_1816, %reduce_sum3A_1817 [1, 2] : vector<1x1000x1024xf32> to vector<1xf32>
    %reduce_sum3A_1819 = vector.shape_cast %reduce_sum3A_1818 : vector<1xf32> to vector<1x1x1xf32>
    %reduce_sum3A_1820 = vector.extract %reduce_sum3A_1819[0, 0, 0] : f32 from vector<1x1x1xf32>
    %add3A_1821 = arith.addf %add3A_1788, %reduce_sum3A_1820 : f32
    %dma_start3A_1822 = arith.constant 4 : i32
    %dma_start3A_1823 = arith.constant 4 : i32
    %dma_start3A_1824 = tpu.memref_slice %arg3[%dma_start3A_1823] : memref<8x!tpu.dma_semaphore, #tpu.memory_space<semaphore_mem>> -> memref<1x!tpu.dma_semaphore, #tpu.memory_space<semaphore_mem>>
    %dma_start3A_1825 = tpu.memref_squeeze %dma_start3A_1824 : memref<1x!tpu.dma_semaphore, #tpu.memory_space<semaphore_mem>> -> memref<!tpu.dma_semaphore, #tpu.memory_space<semaphore_mem>>
    %dma_start3A_1826 = arith.constant 0 : i32
    %dma_start3A_1827 = arith.constant 0 : i32
    %dma_start3A_1828 = tpu.memref_slice %arg2[%dma_start3A_1822, %dma_start3A_1826, %dma_start3A_1827] : memref<8x1000x1024xf32, #tpu.memory_space<vmem>> -> memref<1x1000x1024xf32, #tpu.memory_space<vmem>>
    %dma_start3A_1829 = tpu.memref_squeeze %dma_start3A_1828 : memref<1x1000x1024xf32, #tpu.memory_space<vmem>> -> memref<1000x1024xf32, #tpu.memory_space<vmem>>
    %dma_start3A_1830 = arith.constant 60000 : i32
    %dma_start3A_1831 = arith.constant 0 : i32
    %dma_start3A_1832 = tpu.memref_slice %arg0[%dma_start3A_1830, %dma_start3A_1831] : memref<100000x1024xf32, #tpu.memory_space<any>> -> memref<1000x1024xf32, #tpu.memory_space<any>>
    tpu.enqueue_dma source(%dma_start3A_1832 : memref<1000x1024xf32, #tpu.memory_space<any>>) target(%dma_start3A_1829 : memref<1000x1024xf32, #tpu.memory_space<vmem>>) target_semaphore(%dma_start3A_1825 : memref<!tpu.dma_semaphore, #tpu.memory_space<semaphore_mem>>)
    %dma_wait3A_1833 = arith.constant 5 : i32
    %dma_wait3A_1834 = arith.constant 5 : i32
    %dma_wait3A_1835 = tpu.memref_slice %arg3[%dma_wait3A_1834] : memref<8x!tpu.dma_semaphore, #tpu.memory_space<semaphore_mem>> -> memref<1x!tpu.dma_semaphore, #tpu.memory_space<semaphore_mem>>
    %dma_wait3A_1836 = tpu.memref_squeeze %dma_wait3A_1835 : memref<1x!tpu.dma_semaphore, #tpu.memory_space<semaphore_mem>> -> memref<!tpu.dma_semaphore, #tpu.memory_space<semaphore_mem>>
    %dma_wait3A_1837 = arith.constant 0 : i32
    %dma_wait3A_1838 = arith.constant 0 : i32
    %dma_wait3A_1839 = tpu.memref_slice %arg2[%dma_wait3A_1833, %dma_wait3A_1837, %dma_wait3A_1838] : memref<8x1000x1024xf32, #tpu.memory_space<vmem>> -> memref<1x1000x1024xf32, #tpu.memory_space<vmem>>
    %dma_wait3A_1840 = tpu.memref_squeeze %dma_wait3A_1839 : memref<1x1000x1024xf32, #tpu.memory_space<vmem>> -> memref<1000x1024xf32, #tpu.memory_space<vmem>>
    %dma_wait3A_1841 = arith.constant 53000 : i32
    %dma_wait3A_1842 = arith.constant 0 : i32
    %dma_wait3A_1843 = tpu.memref_slice %arg0[%dma_wait3A_1841, %dma_wait3A_1842] : memref<100000x1024xf32, #tpu.memory_space<any>> -> memref<1000x1024xf32, #tpu.memory_space<any>>
    tpu.wait_dma2 semaphore(%dma_wait3A_1836 : memref<!tpu.dma_semaphore, #tpu.memory_space<semaphore_mem>>) src(%dma_wait3A_1843 : memref<1000x1024xf32, #tpu.memory_space<any>>) dst(%dma_wait3A_1840 : memref<1000x1024xf32, #tpu.memory_space<vmem>>)
    %get3A_1844 = arith.constant 5 : index
    %get3A_1845 = arith.constant 0 : index
    %get3A_1846 = arith.constant 0 : index
    %get3A_1847 = vector.load %arg2[%get3A_1844, %get3A_1845, %get3A_1846] : memref<8x1000x1024xf32, #tpu.memory_space<vmem>>, vector<1x1000x1024xf32>
    %get3A_1848 = vector.shape_cast %get3A_1847 : vector<1x1000x1024xf32> to vector<1000x1024xf32>
    %reduce_sum3A_1849 = vector.shape_cast %get3A_1848 : vector<1000x1024xf32> to vector<1x1000x1024xf32>
    %reduce_sum3A_1850 = arith.constant dense<0.000000e+00> : vector<1xf32>
    %reduce_sum3A_1851 = vector.multi_reduction <add>, %reduce_sum3A_1849, %reduce_sum3A_1850 [1, 2] : vector<1x1000x1024xf32> to vector<1xf32>
    %reduce_sum3A_1852 = vector.shape_cast %reduce_sum3A_1851 : vector<1xf32> to vector<1x1x1xf32>
    %reduce_sum3A_1853 = vector.extract %reduce_sum3A_1852[0, 0, 0] : f32 from vector<1x1x1xf32>
    %add3A_1854 = arith.addf %add3A_1821, %reduce_sum3A_1853 : f32
    %dma_start3A_1855 = arith.constant 5 : i32
    %dma_start3A_1856 = arith.constant 5 : i32
    %dma_start3A_1857 = tpu.memref_slice %arg3[%dma_start3A_1856] : memref<8x!tpu.dma_semaphore, #tpu.memory_space<semaphore_mem>> -> memref<1x!tpu.dma_semaphore, #tpu.memory_space<semaphore_mem>>
    %dma_start3A_1858 = tpu.memref_squeeze %dma_start3A_1857 : memref<1x!tpu.dma_semaphore, #tpu.memory_space<semaphore_mem>> -> memref<!tpu.dma_semaphore, #tpu.memory_space<semaphore_mem>>
    %dma_start3A_1859 = arith.constant 0 : i32
    %dma_start3A_1860 = arith.constant 0 : i32
    %dma_start3A_1861 = tpu.memref_slice %arg2[%dma_start3A_1855, %dma_start3A_1859, %dma_start3A_1860] : memref<8x1000x1024xf32, #tpu.memory_space<vmem>> -> memref<1x1000x1024xf32, #tpu.memory_space<vmem>>
    %dma_start3A_1862 = tpu.memref_squeeze %dma_start3A_1861 : memref<1x1000x1024xf32, #tpu.memory_space<vmem>> -> memref<1000x1024xf32, #tpu.memory_space<vmem>>
    %dma_start3A_1863 = arith.constant 61000 : i32
    %dma_start3A_1864 = arith.constant 0 : i32
    %dma_start3A_1865 = tpu.memref_slice %arg0[%dma_start3A_1863, %dma_start3A_1864] : memref<100000x1024xf32, #tpu.memory_space<any>> -> memref<1000x1024xf32, #tpu.memory_space<any>>
    tpu.enqueue_dma source(%dma_start3A_1865 : memref<1000x1024xf32, #tpu.memory_space<any>>) target(%dma_start3A_1862 : memref<1000x1024xf32, #tpu.memory_space<vmem>>) target_semaphore(%dma_start3A_1858 : memref<!tpu.dma_semaphore, #tpu.memory_space<semaphore_mem>>)
    %dma_wait3A_1866 = arith.constant 6 : i32
    %dma_wait3A_1867 = arith.constant 6 : i32
    %dma_wait3A_1868 = tpu.memref_slice %arg3[%dma_wait3A_1867] : memref<8x!tpu.dma_semaphore, #tpu.memory_space<semaphore_mem>> -> memref<1x!tpu.dma_semaphore, #tpu.memory_space<semaphore_mem>>
    %dma_wait3A_1869 = tpu.memref_squeeze %dma_wait3A_1868 : memref<1x!tpu.dma_semaphore, #tpu.memory_space<semaphore_mem>> -> memref<!tpu.dma_semaphore, #tpu.memory_space<semaphore_mem>>
    %dma_wait3A_1870 = arith.constant 0 : i32
    %dma_wait3A_1871 = arith.constant 0 : i32
    %dma_wait3A_1872 = tpu.memref_slice %arg2[%dma_wait3A_1866, %dma_wait3A_1870, %dma_wait3A_1871] : memref<8x1000x1024xf32, #tpu.memory_space<vmem>> -> memref<1x1000x1024xf32, #tpu.memory_space<vmem>>
    %dma_wait3A_1873 = tpu.memref_squeeze %dma_wait3A_1872 : memref<1x1000x1024xf32, #tpu.memory_space<vmem>> -> memref<1000x1024xf32, #tpu.memory_space<vmem>>
    %dma_wait3A_1874 = arith.constant 54000 : i32
    %dma_wait3A_1875 = arith.constant 0 : i32
    %dma_wait3A_1876 = tpu.memref_slice %arg0[%dma_wait3A_1874, %dma_wait3A_1875] : memref<100000x1024xf32, #tpu.memory_space<any>> -> memref<1000x1024xf32, #tpu.memory_space<any>>
    tpu.wait_dma2 semaphore(%dma_wait3A_1869 : memref<!tpu.dma_semaphore, #tpu.memory_space<semaphore_mem>>) src(%dma_wait3A_1876 : memref<1000x1024xf32, #tpu.memory_space<any>>) dst(%dma_wait3A_1873 : memref<1000x1024xf32, #tpu.memory_space<vmem>>)
    %get3A_1877 = arith.constant 6 : index
    %get3A_1878 = arith.constant 0 : index
    %get3A_1879 = arith.constant 0 : index
    %get3A_1880 = vector.load %arg2[%get3A_1877, %get3A_1878, %get3A_1879] : memref<8x1000x1024xf32, #tpu.memory_space<vmem>>, vector<1x1000x1024xf32>
    %get3A_1881 = vector.shape_cast %get3A_1880 : vector<1x1000x1024xf32> to vector<1000x1024xf32>
    %reduce_sum3A_1882 = vector.shape_cast %get3A_1881 : vector<1000x1024xf32> to vector<1x1000x1024xf32>
    %reduce_sum3A_1883 = arith.constant dense<0.000000e+00> : vector<1xf32>
    %reduce_sum3A_1884 = vector.multi_reduction <add>, %reduce_sum3A_1882, %reduce_sum3A_1883 [1, 2] : vector<1x1000x1024xf32> to vector<1xf32>
    %reduce_sum3A_1885 = vector.shape_cast %reduce_sum3A_1884 : vector<1xf32> to vector<1x1x1xf32>
    %reduce_sum3A_1886 = vector.extract %reduce_sum3A_1885[0, 0, 0] : f32 from vector<1x1x1xf32>
    %add3A_1887 = arith.addf %add3A_1854, %reduce_sum3A_1886 : f32
    %dma_start3A_1888 = arith.constant 6 : i32
    %dma_start3A_1889 = arith.constant 6 : i32
    %dma_start3A_1890 = tpu.memref_slice %arg3[%dma_start3A_1889] : memref<8x!tpu.dma_semaphore, #tpu.memory_space<semaphore_mem>> -> memref<1x!tpu.dma_semaphore, #tpu.memory_space<semaphore_mem>>
    %dma_start3A_1891 = tpu.memref_squeeze %dma_start3A_1890 : memref<1x!tpu.dma_semaphore, #tpu.memory_space<semaphore_mem>> -> memref<!tpu.dma_semaphore, #tpu.memory_space<semaphore_mem>>
    %dma_start3A_1892 = arith.constant 0 : i32
    %dma_start3A_1893 = arith.constant 0 : i32
    %dma_start3A_1894 = tpu.memref_slice %arg2[%dma_start3A_1888, %dma_start3A_1892, %dma_start3A_1893] : memref<8x1000x1024xf32, #tpu.memory_space<vmem>> -> memref<1x1000x1024xf32, #tpu.memory_space<vmem>>
    %dma_start3A_1895 = tpu.memref_squeeze %dma_start3A_1894 : memref<1x1000x1024xf32, #tpu.memory_space<vmem>> -> memref<1000x1024xf32, #tpu.memory_space<vmem>>
    %dma_start3A_1896 = arith.constant 62000 : i32
    %dma_start3A_1897 = arith.constant 0 : i32
    %dma_start3A_1898 = tpu.memref_slice %arg0[%dma_start3A_1896, %dma_start3A_1897] : memref<100000x1024xf32, #tpu.memory_space<any>> -> memref<1000x1024xf32, #tpu.memory_space<any>>
    tpu.enqueue_dma source(%dma_start3A_1898 : memref<1000x1024xf32, #tpu.memory_space<any>>) target(%dma_start3A_1895 : memref<1000x1024xf32, #tpu.memory_space<vmem>>) target_semaphore(%dma_start3A_1891 : memref<!tpu.dma_semaphore, #tpu.memory_space<semaphore_mem>>)
    %dma_wait3A_1899 = arith.constant 7 : i32
    %dma_wait3A_1900 = arith.constant 7 : i32
    %dma_wait3A_1901 = tpu.memref_slice %arg3[%dma_wait3A_1900] : memref<8x!tpu.dma_semaphore, #tpu.memory_space<semaphore_mem>> -> memref<1x!tpu.dma_semaphore, #tpu.memory_space<semaphore_mem>>
    %dma_wait3A_1902 = tpu.memref_squeeze %dma_wait3A_1901 : memref<1x!tpu.dma_semaphore, #tpu.memory_space<semaphore_mem>> -> memref<!tpu.dma_semaphore, #tpu.memory_space<semaphore_mem>>
    %dma_wait3A_1903 = arith.constant 0 : i32
    %dma_wait3A_1904 = arith.constant 0 : i32
    %dma_wait3A_1905 = tpu.memref_slice %arg2[%dma_wait3A_1899, %dma_wait3A_1903, %dma_wait3A_1904] : memref<8x1000x1024xf32, #tpu.memory_space<vmem>> -> memref<1x1000x1024xf32, #tpu.memory_space<vmem>>
    %dma_wait3A_1906 = tpu.memref_squeeze %dma_wait3A_1905 : memref<1x1000x1024xf32, #tpu.memory_space<vmem>> -> memref<1000x1024xf32, #tpu.memory_space<vmem>>
    %dma_wait3A_1907 = arith.constant 55000 : i32
    %dma_wait3A_1908 = arith.constant 0 : i32
    %dma_wait3A_1909 = tpu.memref_slice %arg0[%dma_wait3A_1907, %dma_wait3A_1908] : memref<100000x1024xf32, #tpu.memory_space<any>> -> memref<1000x1024xf32, #tpu.memory_space<any>>
    tpu.wait_dma2 semaphore(%dma_wait3A_1902 : memref<!tpu.dma_semaphore, #tpu.memory_space<semaphore_mem>>) src(%dma_wait3A_1909 : memref<1000x1024xf32, #tpu.memory_space<any>>) dst(%dma_wait3A_1906 : memref<1000x1024xf32, #tpu.memory_space<vmem>>)
    %get3A_1910 = arith.constant 7 : index
    %get3A_1911 = arith.constant 0 : index
    %get3A_1912 = arith.constant 0 : index
    %get3A_1913 = vector.load %arg2[%get3A_1910, %get3A_1911, %get3A_1912] : memref<8x1000x1024xf32, #tpu.memory_space<vmem>>, vector<1x1000x1024xf32>
    %get3A_1914 = vector.shape_cast %get3A_1913 : vector<1x1000x1024xf32> to vector<1000x1024xf32>
    %reduce_sum3A_1915 = vector.shape_cast %get3A_1914 : vector<1000x1024xf32> to vector<1x1000x1024xf32>
    %reduce_sum3A_1916 = arith.constant dense<0.000000e+00> : vector<1xf32>
    %reduce_sum3A_1917 = vector.multi_reduction <add>, %reduce_sum3A_1915, %reduce_sum3A_1916 [1, 2] : vector<1x1000x1024xf32> to vector<1xf32>
    %reduce_sum3A_1918 = vector.shape_cast %reduce_sum3A_1917 : vector<1xf32> to vector<1x1x1xf32>
    %reduce_sum3A_1919 = vector.extract %reduce_sum3A_1918[0, 0, 0] : f32 from vector<1x1x1xf32>
    %add3A_1920 = arith.addf %add3A_1887, %reduce_sum3A_1919 : f32
    %dma_start3A_1921 = arith.constant 7 : i32
    %dma_start3A_1922 = arith.constant 7 : i32
    %dma_start3A_1923 = tpu.memref_slice %arg3[%dma_start3A_1922] : memref<8x!tpu.dma_semaphore, #tpu.memory_space<semaphore_mem>> -> memref<1x!tpu.dma_semaphore, #tpu.memory_space<semaphore_mem>>
    %dma_start3A_1924 = tpu.memref_squeeze %dma_start3A_1923 : memref<1x!tpu.dma_semaphore, #tpu.memory_space<semaphore_mem>> -> memref<!tpu.dma_semaphore, #tpu.memory_space<semaphore_mem>>
    %dma_start3A_1925 = arith.constant 0 : i32
    %dma_start3A_1926 = arith.constant 0 : i32
    %dma_start3A_1927 = tpu.memref_slice %arg2[%dma_start3A_1921, %dma_start3A_1925, %dma_start3A_1926] : memref<8x1000x1024xf32, #tpu.memory_space<vmem>> -> memref<1x1000x1024xf32, #tpu.memory_space<vmem>>
    %dma_start3A_1928 = tpu.memref_squeeze %dma_start3A_1927 : memref<1x1000x1024xf32, #tpu.memory_space<vmem>> -> memref<1000x1024xf32, #tpu.memory_space<vmem>>
    %dma_start3A_1929 = arith.constant 63000 : i32
    %dma_start3A_1930 = arith.constant 0 : i32
    %dma_start3A_1931 = tpu.memref_slice %arg0[%dma_start3A_1929, %dma_start3A_1930] : memref<100000x1024xf32, #tpu.memory_space<any>> -> memref<1000x1024xf32, #tpu.memory_space<any>>
    tpu.enqueue_dma source(%dma_start3A_1931 : memref<1000x1024xf32, #tpu.memory_space<any>>) target(%dma_start3A_1928 : memref<1000x1024xf32, #tpu.memory_space<vmem>>) target_semaphore(%dma_start3A_1924 : memref<!tpu.dma_semaphore, #tpu.memory_space<semaphore_mem>>)
    %dma_wait3A_1932 = arith.constant 0 : i32
    %dma_wait3A_1933 = arith.constant 0 : i32
    %dma_wait3A_1934 = tpu.memref_slice %arg3[%dma_wait3A_1933] : memref<8x!tpu.dma_semaphore, #tpu.memory_space<semaphore_mem>> -> memref<1x!tpu.dma_semaphore, #tpu.memory_space<semaphore_mem>>
    %dma_wait3A_1935 = tpu.memref_squeeze %dma_wait3A_1934 : memref<1x!tpu.dma_semaphore, #tpu.memory_space<semaphore_mem>> -> memref<!tpu.dma_semaphore, #tpu.memory_space<semaphore_mem>>
    %dma_wait3A_1936 = arith.constant 0 : i32
    %dma_wait3A_1937 = arith.constant 0 : i32
    %dma_wait3A_1938 = tpu.memref_slice %arg2[%dma_wait3A_1932, %dma_wait3A_1936, %dma_wait3A_1937] : memref<8x1000x1024xf32, #tpu.memory_space<vmem>> -> memref<1x1000x1024xf32, #tpu.memory_space<vmem>>
    %dma_wait3A_1939 = tpu.memref_squeeze %dma_wait3A_1938 : memref<1x1000x1024xf32, #tpu.memory_space<vmem>> -> memref<1000x1024xf32, #tpu.memory_space<vmem>>
    %dma_wait3A_1940 = arith.constant 56000 : i32
    %dma_wait3A_1941 = arith.constant 0 : i32
    %dma_wait3A_1942 = tpu.memref_slice %arg0[%dma_wait3A_1940, %dma_wait3A_1941] : memref<100000x1024xf32, #tpu.memory_space<any>> -> memref<1000x1024xf32, #tpu.memory_space<any>>
    tpu.wait_dma2 semaphore(%dma_wait3A_1935 : memref<!tpu.dma_semaphore, #tpu.memory_space<semaphore_mem>>) src(%dma_wait3A_1942 : memref<1000x1024xf32, #tpu.memory_space<any>>) dst(%dma_wait3A_1939 : memref<1000x1024xf32, #tpu.memory_space<vmem>>)
    %get3A_1943 = arith.constant 0 : index
    %get3A_1944 = arith.constant 0 : index
    %get3A_1945 = arith.constant 0 : index
    %get3A_1946 = vector.load %arg2[%get3A_1943, %get3A_1944, %get3A_1945] : memref<8x1000x1024xf32, #tpu.memory_space<vmem>>, vector<1x1000x1024xf32>
    %get3A_1947 = vector.shape_cast %get3A_1946 : vector<1x1000x1024xf32> to vector<1000x1024xf32>
    %reduce_sum3A_1948 = vector.shape_cast %get3A_1947 : vector<1000x1024xf32> to vector<1x1000x1024xf32>
    %reduce_sum3A_1949 = arith.constant dense<0.000000e+00> : vector<1xf32>
    %reduce_sum3A_1950 = vector.multi_reduction <add>, %reduce_sum3A_1948, %reduce_sum3A_1949 [1, 2] : vector<1x1000x1024xf32> to vector<1xf32>
    %reduce_sum3A_1951 = vector.shape_cast %reduce_sum3A_1950 : vector<1xf32> to vector<1x1x1xf32>
    %reduce_sum3A_1952 = vector.extract %reduce_sum3A_1951[0, 0, 0] : f32 from vector<1x1x1xf32>
    %add3A_1953 = arith.addf %add3A_1920, %reduce_sum3A_1952 : f32
    %dma_start3A_1954 = arith.constant 0 : i32
    %dma_start3A_1955 = arith.constant 0 : i32
    %dma_start3A_1956 = tpu.memref_slice %arg3[%dma_start3A_1955] : memref<8x!tpu.dma_semaphore, #tpu.memory_space<semaphore_mem>> -> memref<1x!tpu.dma_semaphore, #tpu.memory_space<semaphore_mem>>
    %dma_start3A_1957 = tpu.memref_squeeze %dma_start3A_1956 : memref<1x!tpu.dma_semaphore, #tpu.memory_space<semaphore_mem>> -> memref<!tpu.dma_semaphore, #tpu.memory_space<semaphore_mem>>
    %dma_start3A_1958 = arith.constant 0 : i32
    %dma_start3A_1959 = arith.constant 0 : i32
    %dma_start3A_1960 = tpu.memref_slice %arg2[%dma_start3A_1954, %dma_start3A_1958, %dma_start3A_1959] : memref<8x1000x1024xf32, #tpu.memory_space<vmem>> -> memref<1x1000x1024xf32, #tpu.memory_space<vmem>>
    %dma_start3A_1961 = tpu.memref_squeeze %dma_start3A_1960 : memref<1x1000x1024xf32, #tpu.memory_space<vmem>> -> memref<1000x1024xf32, #tpu.memory_space<vmem>>
    %dma_start3A_1962 = arith.constant 64000 : i32
    %dma_start3A_1963 = arith.constant 0 : i32
    %dma_start3A_1964 = tpu.memref_slice %arg0[%dma_start3A_1962, %dma_start3A_1963] : memref<100000x1024xf32, #tpu.memory_space<any>> -> memref<1000x1024xf32, #tpu.memory_space<any>>
    tpu.enqueue_dma source(%dma_start3A_1964 : memref<1000x1024xf32, #tpu.memory_space<any>>) target(%dma_start3A_1961 : memref<1000x1024xf32, #tpu.memory_space<vmem>>) target_semaphore(%dma_start3A_1957 : memref<!tpu.dma_semaphore, #tpu.memory_space<semaphore_mem>>)
    %dma_wait3A_1965 = arith.constant 1 : i32
    %dma_wait3A_1966 = arith.constant 1 : i32
    %dma_wait3A_1967 = tpu.memref_slice %arg3[%dma_wait3A_1966] : memref<8x!tpu.dma_semaphore, #tpu.memory_space<semaphore_mem>> -> memref<1x!tpu.dma_semaphore, #tpu.memory_space<semaphore_mem>>
    %dma_wait3A_1968 = tpu.memref_squeeze %dma_wait3A_1967 : memref<1x!tpu.dma_semaphore, #tpu.memory_space<semaphore_mem>> -> memref<!tpu.dma_semaphore, #tpu.memory_space<semaphore_mem>>
    %dma_wait3A_1969 = arith.constant 0 : i32
    %dma_wait3A_1970 = arith.constant 0 : i32
    %dma_wait3A_1971 = tpu.memref_slice %arg2[%dma_wait3A_1965, %dma_wait3A_1969, %dma_wait3A_1970] : memref<8x1000x1024xf32, #tpu.memory_space<vmem>> -> memref<1x1000x1024xf32, #tpu.memory_space<vmem>>
    %dma_wait3A_1972 = tpu.memref_squeeze %dma_wait3A_1971 : memref<1x1000x1024xf32, #tpu.memory_space<vmem>> -> memref<1000x1024xf32, #tpu.memory_space<vmem>>
    %dma_wait3A_1973 = arith.constant 57000 : i32
    %dma_wait3A_1974 = arith.constant 0 : i32
    %dma_wait3A_1975 = tpu.memref_slice %arg0[%dma_wait3A_1973, %dma_wait3A_1974] : memref<100000x1024xf32, #tpu.memory_space<any>> -> memref<1000x1024xf32, #tpu.memory_space<any>>
    tpu.wait_dma2 semaphore(%dma_wait3A_1968 : memref<!tpu.dma_semaphore, #tpu.memory_space<semaphore_mem>>) src(%dma_wait3A_1975 : memref<1000x1024xf32, #tpu.memory_space<any>>) dst(%dma_wait3A_1972 : memref<1000x1024xf32, #tpu.memory_space<vmem>>)
    %get3A_1976 = arith.constant 1 : index
    %get3A_1977 = arith.constant 0 : index
    %get3A_1978 = arith.constant 0 : index
    %get3A_1979 = vector.load %arg2[%get3A_1976, %get3A_1977, %get3A_1978] : memref<8x1000x1024xf32, #tpu.memory_space<vmem>>, vector<1x1000x1024xf32>
    %get3A_1980 = vector.shape_cast %get3A_1979 : vector<1x1000x1024xf32> to vector<1000x1024xf32>
    %reduce_sum3A_1981 = vector.shape_cast %get3A_1980 : vector<1000x1024xf32> to vector<1x1000x1024xf32>
    %reduce_sum3A_1982 = arith.constant dense<0.000000e+00> : vector<1xf32>
    %reduce_sum3A_1983 = vector.multi_reduction <add>, %reduce_sum3A_1981, %reduce_sum3A_1982 [1, 2] : vector<1x1000x1024xf32> to vector<1xf32>
    %reduce_sum3A_1984 = vector.shape_cast %reduce_sum3A_1983 : vector<1xf32> to vector<1x1x1xf32>
    %reduce_sum3A_1985 = vector.extract %reduce_sum3A_1984[0, 0, 0] : f32 from vector<1x1x1xf32>
    %add3A_1986 = arith.addf %add3A_1953, %reduce_sum3A_1985 : f32
    %dma_start3A_1987 = arith.constant 1 : i32
    %dma_start3A_1988 = arith.constant 1 : i32
    %dma_start3A_1989 = tpu.memref_slice %arg3[%dma_start3A_1988] : memref<8x!tpu.dma_semaphore, #tpu.memory_space<semaphore_mem>> -> memref<1x!tpu.dma_semaphore, #tpu.memory_space<semaphore_mem>>
    %dma_start3A_1990 = tpu.memref_squeeze %dma_start3A_1989 : memref<1x!tpu.dma_semaphore, #tpu.memory_space<semaphore_mem>> -> memref<!tpu.dma_semaphore, #tpu.memory_space<semaphore_mem>>
    %dma_start3A_1991 = arith.constant 0 : i32
    %dma_start3A_1992 = arith.constant 0 : i32
    %dma_start3A_1993 = tpu.memref_slice %arg2[%dma_start3A_1987, %dma_start3A_1991, %dma_start3A_1992] : memref<8x1000x1024xf32, #tpu.memory_space<vmem>> -> memref<1x1000x1024xf32, #tpu.memory_space<vmem>>
    %dma_start3A_1994 = tpu.memref_squeeze %dma_start3A_1993 : memref<1x1000x1024xf32, #tpu.memory_space<vmem>> -> memref<1000x1024xf32, #tpu.memory_space<vmem>>
    %dma_start3A_1995 = arith.constant 65000 : i32
    %dma_start3A_1996 = arith.constant 0 : i32
    %dma_start3A_1997 = tpu.memref_slice %arg0[%dma_start3A_1995, %dma_start3A_1996] : memref<100000x1024xf32, #tpu.memory_space<any>> -> memref<1000x1024xf32, #tpu.memory_space<any>>
    tpu.enqueue_dma source(%dma_start3A_1997 : memref<1000x1024xf32, #tpu.memory_space<any>>) target(%dma_start3A_1994 : memref<1000x1024xf32, #tpu.memory_space<vmem>>) target_semaphore(%dma_start3A_1990 : memref<!tpu.dma_semaphore, #tpu.memory_space<semaphore_mem>>)
    %dma_wait3A_1998 = arith.constant 2 : i32
    %dma_wait3A_1999 = arith.constant 2 : i32
    %dma_wait3A_2000 = tpu.memref_slice %arg3[%dma_wait3A_1999] : memref<8x!tpu.dma_semaphore, #tpu.memory_space<semaphore_mem>> -> memref<1x!tpu.dma_semaphore, #tpu.memory_space<semaphore_mem>>
    %dma_wait3A_2001 = tpu.memref_squeeze %dma_wait3A_2000 : memref<1x!tpu.dma_semaphore, #tpu.memory_space<semaphore_mem>> -> memref<!tpu.dma_semaphore, #tpu.memory_space<semaphore_mem>>
    %dma_wait3A_2002 = arith.constant 0 : i32
    %dma_wait3A_2003 = arith.constant 0 : i32
    %dma_wait3A_2004 = tpu.memref_slice %arg2[%dma_wait3A_1998, %dma_wait3A_2002, %dma_wait3A_2003] : memref<8x1000x1024xf32, #tpu.memory_space<vmem>> -> memref<1x1000x1024xf32, #tpu.memory_space<vmem>>
    %dma_wait3A_2005 = tpu.memref_squeeze %dma_wait3A_2004 : memref<1x1000x1024xf32, #tpu.memory_space<vmem>> -> memref<1000x1024xf32, #tpu.memory_space<vmem>>
    %dma_wait3A_2006 = arith.constant 58000 : i32
    %dma_wait3A_2007 = arith.constant 0 : i32
    %dma_wait3A_2008 = tpu.memref_slice %arg0[%dma_wait3A_2006, %dma_wait3A_2007] : memref<100000x1024xf32, #tpu.memory_space<any>> -> memref<1000x1024xf32, #tpu.memory_space<any>>
    tpu.wait_dma2 semaphore(%dma_wait3A_2001 : memref<!tpu.dma_semaphore, #tpu.memory_space<semaphore_mem>>) src(%dma_wait3A_2008 : memref<1000x1024xf32, #tpu.memory_space<any>>) dst(%dma_wait3A_2005 : memref<1000x1024xf32, #tpu.memory_space<vmem>>)
    %get3A_2009 = arith.constant 2 : index
    %get3A_2010 = arith.constant 0 : index
    %get3A_2011 = arith.constant 0 : index
    %get3A_2012 = vector.load %arg2[%get3A_2009, %get3A_2010, %get3A_2011] : memref<8x1000x1024xf32, #tpu.memory_space<vmem>>, vector<1x1000x1024xf32>
    %get3A_2013 = vector.shape_cast %get3A_2012 : vector<1x1000x1024xf32> to vector<1000x1024xf32>
    %reduce_sum3A_2014 = vector.shape_cast %get3A_2013 : vector<1000x1024xf32> to vector<1x1000x1024xf32>
    %reduce_sum3A_2015 = arith.constant dense<0.000000e+00> : vector<1xf32>
    %reduce_sum3A_2016 = vector.multi_reduction <add>, %reduce_sum3A_2014, %reduce_sum3A_2015 [1, 2] : vector<1x1000x1024xf32> to vector<1xf32>
    %reduce_sum3A_2017 = vector.shape_cast %reduce_sum3A_2016 : vector<1xf32> to vector<1x1x1xf32>
    %reduce_sum3A_2018 = vector.extract %reduce_sum3A_2017[0, 0, 0] : f32 from vector<1x1x1xf32>
    %add3A_2019 = arith.addf %add3A_1986, %reduce_sum3A_2018 : f32
    %dma_start3A_2020 = arith.constant 2 : i32
    %dma_start3A_2021 = arith.constant 2 : i32
    %dma_start3A_2022 = tpu.memref_slice %arg3[%dma_start3A_2021] : memref<8x!tpu.dma_semaphore, #tpu.memory_space<semaphore_mem>> -> memref<1x!tpu.dma_semaphore, #tpu.memory_space<semaphore_mem>>
    %dma_start3A_2023 = tpu.memref_squeeze %dma_start3A_2022 : memref<1x!tpu.dma_semaphore, #tpu.memory_space<semaphore_mem>> -> memref<!tpu.dma_semaphore, #tpu.memory_space<semaphore_mem>>
    %dma_start3A_2024 = arith.constant 0 : i32
    %dma_start3A_2025 = arith.constant 0 : i32
    %dma_start3A_2026 = tpu.memref_slice %arg2[%dma_start3A_2020, %dma_start3A_2024, %dma_start3A_2025] : memref<8x1000x1024xf32, #tpu.memory_space<vmem>> -> memref<1x1000x1024xf32, #tpu.memory_space<vmem>>
    %dma_start3A_2027 = tpu.memref_squeeze %dma_start3A_2026 : memref<1x1000x1024xf32, #tpu.memory_space<vmem>> -> memref<1000x1024xf32, #tpu.memory_space<vmem>>
    %dma_start3A_2028 = arith.constant 66000 : i32
    %dma_start3A_2029 = arith.constant 0 : i32
    %dma_start3A_2030 = tpu.memref_slice %arg0[%dma_start3A_2028, %dma_start3A_2029] : memref<100000x1024xf32, #tpu.memory_space<any>> -> memref<1000x1024xf32, #tpu.memory_space<any>>
    tpu.enqueue_dma source(%dma_start3A_2030 : memref<1000x1024xf32, #tpu.memory_space<any>>) target(%dma_start3A_2027 : memref<1000x1024xf32, #tpu.memory_space<vmem>>) target_semaphore(%dma_start3A_2023 : memref<!tpu.dma_semaphore, #tpu.memory_space<semaphore_mem>>)
    %dma_wait3A_2031 = arith.constant 3 : i32
    %dma_wait3A_2032 = arith.constant 3 : i32
    %dma_wait3A_2033 = tpu.memref_slice %arg3[%dma_wait3A_2032] : memref<8x!tpu.dma_semaphore, #tpu.memory_space<semaphore_mem>> -> memref<1x!tpu.dma_semaphore, #tpu.memory_space<semaphore_mem>>
    %dma_wait3A_2034 = tpu.memref_squeeze %dma_wait3A_2033 : memref<1x!tpu.dma_semaphore, #tpu.memory_space<semaphore_mem>> -> memref<!tpu.dma_semaphore, #tpu.memory_space<semaphore_mem>>
    %dma_wait3A_2035 = arith.constant 0 : i32
    %dma_wait3A_2036 = arith.constant 0 : i32
    %dma_wait3A_2037 = tpu.memref_slice %arg2[%dma_wait3A_2031, %dma_wait3A_2035, %dma_wait3A_2036] : memref<8x1000x1024xf32, #tpu.memory_space<vmem>> -> memref<1x1000x1024xf32, #tpu.memory_space<vmem>>
    %dma_wait3A_2038 = tpu.memref_squeeze %dma_wait3A_2037 : memref<1x1000x1024xf32, #tpu.memory_space<vmem>> -> memref<1000x1024xf32, #tpu.memory_space<vmem>>
    %dma_wait3A_2039 = arith.constant 59000 : i32
    %dma_wait3A_2040 = arith.constant 0 : i32
    %dma_wait3A_2041 = tpu.memref_slice %arg0[%dma_wait3A_2039, %dma_wait3A_2040] : memref<100000x1024xf32, #tpu.memory_space<any>> -> memref<1000x1024xf32, #tpu.memory_space<any>>
    tpu.wait_dma2 semaphore(%dma_wait3A_2034 : memref<!tpu.dma_semaphore, #tpu.memory_space<semaphore_mem>>) src(%dma_wait3A_2041 : memref<1000x1024xf32, #tpu.memory_space<any>>) dst(%dma_wait3A_2038 : memref<1000x1024xf32, #tpu.memory_space<vmem>>)
    %get3A_2042 = arith.constant 3 : index
    %get3A_2043 = arith.constant 0 : index
    %get3A_2044 = arith.constant 0 : index
    %get3A_2045 = vector.load %arg2[%get3A_2042, %get3A_2043, %get3A_2044] : memref<8x1000x1024xf32, #tpu.memory_space<vmem>>, vector<1x1000x1024xf32>
    %get3A_2046 = vector.shape_cast %get3A_2045 : vector<1x1000x1024xf32> to vector<1000x1024xf32>
    %reduce_sum3A_2047 = vector.shape_cast %get3A_2046 : vector<1000x1024xf32> to vector<1x1000x1024xf32>
    %reduce_sum3A_2048 = arith.constant dense<0.000000e+00> : vector<1xf32>
    %reduce_sum3A_2049 = vector.multi_reduction <add>, %reduce_sum3A_2047, %reduce_sum3A_2048 [1, 2] : vector<1x1000x1024xf32> to vector<1xf32>
    %reduce_sum3A_2050 = vector.shape_cast %reduce_sum3A_2049 : vector<1xf32> to vector<1x1x1xf32>
    %reduce_sum3A_2051 = vector.extract %reduce_sum3A_2050[0, 0, 0] : f32 from vector<1x1x1xf32>
    %add3A_2052 = arith.addf %add3A_2019, %reduce_sum3A_2051 : f32
    %dma_start3A_2053 = arith.constant 3 : i32
    %dma_start3A_2054 = arith.constant 3 : i32
    %dma_start3A_2055 = tpu.memref_slice %arg3[%dma_start3A_2054] : memref<8x!tpu.dma_semaphore, #tpu.memory_space<semaphore_mem>> -> memref<1x!tpu.dma_semaphore, #tpu.memory_space<semaphore_mem>>
    %dma_start3A_2056 = tpu.memref_squeeze %dma_start3A_2055 : memref<1x!tpu.dma_semaphore, #tpu.memory_space<semaphore_mem>> -> memref<!tpu.dma_semaphore, #tpu.memory_space<semaphore_mem>>
    %dma_start3A_2057 = arith.constant 0 : i32
    %dma_start3A_2058 = arith.constant 0 : i32
    %dma_start3A_2059 = tpu.memref_slice %arg2[%dma_start3A_2053, %dma_start3A_2057, %dma_start3A_2058] : memref<8x1000x1024xf32, #tpu.memory_space<vmem>> -> memref<1x1000x1024xf32, #tpu.memory_space<vmem>>
    %dma_start3A_2060 = tpu.memref_squeeze %dma_start3A_2059 : memref<1x1000x1024xf32, #tpu.memory_space<vmem>> -> memref<1000x1024xf32, #tpu.memory_space<vmem>>
    %dma_start3A_2061 = arith.constant 67000 : i32
    %dma_start3A_2062 = arith.constant 0 : i32
    %dma_start3A_2063 = tpu.memref_slice %arg0[%dma_start3A_2061, %dma_start3A_2062] : memref<100000x1024xf32, #tpu.memory_space<any>> -> memref<1000x1024xf32, #tpu.memory_space<any>>
    tpu.enqueue_dma source(%dma_start3A_2063 : memref<1000x1024xf32, #tpu.memory_space<any>>) target(%dma_start3A_2060 : memref<1000x1024xf32, #tpu.memory_space<vmem>>) target_semaphore(%dma_start3A_2056 : memref<!tpu.dma_semaphore, #tpu.memory_space<semaphore_mem>>)
    %dma_wait3A_2064 = arith.constant 4 : i32
    %dma_wait3A_2065 = arith.constant 4 : i32
    %dma_wait3A_2066 = tpu.memref_slice %arg3[%dma_wait3A_2065] : memref<8x!tpu.dma_semaphore, #tpu.memory_space<semaphore_mem>> -> memref<1x!tpu.dma_semaphore, #tpu.memory_space<semaphore_mem>>
    %dma_wait3A_2067 = tpu.memref_squeeze %dma_wait3A_2066 : memref<1x!tpu.dma_semaphore, #tpu.memory_space<semaphore_mem>> -> memref<!tpu.dma_semaphore, #tpu.memory_space<semaphore_mem>>
    %dma_wait3A_2068 = arith.constant 0 : i32
    %dma_wait3A_2069 = arith.constant 0 : i32
    %dma_wait3A_2070 = tpu.memref_slice %arg2[%dma_wait3A_2064, %dma_wait3A_2068, %dma_wait3A_2069] : memref<8x1000x1024xf32, #tpu.memory_space<vmem>> -> memref<1x1000x1024xf32, #tpu.memory_space<vmem>>
    %dma_wait3A_2071 = tpu.memref_squeeze %dma_wait3A_2070 : memref<1x1000x1024xf32, #tpu.memory_space<vmem>> -> memref<1000x1024xf32, #tpu.memory_space<vmem>>
    %dma_wait3A_2072 = arith.constant 60000 : i32
    %dma_wait3A_2073 = arith.constant 0 : i32
    %dma_wait3A_2074 = tpu.memref_slice %arg0[%dma_wait3A_2072, %dma_wait3A_2073] : memref<100000x1024xf32, #tpu.memory_space<any>> -> memref<1000x1024xf32, #tpu.memory_space<any>>
    tpu.wait_dma2 semaphore(%dma_wait3A_2067 : memref<!tpu.dma_semaphore, #tpu.memory_space<semaphore_mem>>) src(%dma_wait3A_2074 : memref<1000x1024xf32, #tpu.memory_space<any>>) dst(%dma_wait3A_2071 : memref<1000x1024xf32, #tpu.memory_space<vmem>>)
    %get3A_2075 = arith.constant 4 : index
    %get3A_2076 = arith.constant 0 : index
    %get3A_2077 = arith.constant 0 : index
    %get3A_2078 = vector.load %arg2[%get3A_2075, %get3A_2076, %get3A_2077] : memref<8x1000x1024xf32, #tpu.memory_space<vmem>>, vector<1x1000x1024xf32>
    %get3A_2079 = vector.shape_cast %get3A_2078 : vector<1x1000x1024xf32> to vector<1000x1024xf32>
    %reduce_sum3A_2080 = vector.shape_cast %get3A_2079 : vector<1000x1024xf32> to vector<1x1000x1024xf32>
    %reduce_sum3A_2081 = arith.constant dense<0.000000e+00> : vector<1xf32>
    %reduce_sum3A_2082 = vector.multi_reduction <add>, %reduce_sum3A_2080, %reduce_sum3A_2081 [1, 2] : vector<1x1000x1024xf32> to vector<1xf32>
    %reduce_sum3A_2083 = vector.shape_cast %reduce_sum3A_2082 : vector<1xf32> to vector<1x1x1xf32>
    %reduce_sum3A_2084 = vector.extract %reduce_sum3A_2083[0, 0, 0] : f32 from vector<1x1x1xf32>
    %add3A_2085 = arith.addf %add3A_2052, %reduce_sum3A_2084 : f32
    %dma_start3A_2086 = arith.constant 4 : i32
    %dma_start3A_2087 = arith.constant 4 : i32
    %dma_start3A_2088 = tpu.memref_slice %arg3[%dma_start3A_2087] : memref<8x!tpu.dma_semaphore, #tpu.memory_space<semaphore_mem>> -> memref<1x!tpu.dma_semaphore, #tpu.memory_space<semaphore_mem>>
    %dma_start3A_2089 = tpu.memref_squeeze %dma_start3A_2088 : memref<1x!tpu.dma_semaphore, #tpu.memory_space<semaphore_mem>> -> memref<!tpu.dma_semaphore, #tpu.memory_space<semaphore_mem>>
    %dma_start3A_2090 = arith.constant 0 : i32
    %dma_start3A_2091 = arith.constant 0 : i32
    %dma_start3A_2092 = tpu.memref_slice %arg2[%dma_start3A_2086, %dma_start3A_2090, %dma_start3A_2091] : memref<8x1000x1024xf32, #tpu.memory_space<vmem>> -> memref<1x1000x1024xf32, #tpu.memory_space<vmem>>
    %dma_start3A_2093 = tpu.memref_squeeze %dma_start3A_2092 : memref<1x1000x1024xf32, #tpu.memory_space<vmem>> -> memref<1000x1024xf32, #tpu.memory_space<vmem>>
    %dma_start3A_2094 = arith.constant 68000 : i32
    %dma_start3A_2095 = arith.constant 0 : i32
    %dma_start3A_2096 = tpu.memref_slice %arg0[%dma_start3A_2094, %dma_start3A_2095] : memref<100000x1024xf32, #tpu.memory_space<any>> -> memref<1000x1024xf32, #tpu.memory_space<any>>
    tpu.enqueue_dma source(%dma_start3A_2096 : memref<1000x1024xf32, #tpu.memory_space<any>>) target(%dma_start3A_2093 : memref<1000x1024xf32, #tpu.memory_space<vmem>>) target_semaphore(%dma_start3A_2089 : memref<!tpu.dma_semaphore, #tpu.memory_space<semaphore_mem>>)
    %dma_wait3A_2097 = arith.constant 5 : i32
    %dma_wait3A_2098 = arith.constant 5 : i32
    %dma_wait3A_2099 = tpu.memref_slice %arg3[%dma_wait3A_2098] : memref<8x!tpu.dma_semaphore, #tpu.memory_space<semaphore_mem>> -> memref<1x!tpu.dma_semaphore, #tpu.memory_space<semaphore_mem>>
    %dma_wait3A_2100 = tpu.memref_squeeze %dma_wait3A_2099 : memref<1x!tpu.dma_semaphore, #tpu.memory_space<semaphore_mem>> -> memref<!tpu.dma_semaphore, #tpu.memory_space<semaphore_mem>>
    %dma_wait3A_2101 = arith.constant 0 : i32
    %dma_wait3A_2102 = arith.constant 0 : i32
    %dma_wait3A_2103 = tpu.memref_slice %arg2[%dma_wait3A_2097, %dma_wait3A_2101, %dma_wait3A_2102] : memref<8x1000x1024xf32, #tpu.memory_space<vmem>> -> memref<1x1000x1024xf32, #tpu.memory_space<vmem>>
    %dma_wait3A_2104 = tpu.memref_squeeze %dma_wait3A_2103 : memref<1x1000x1024xf32, #tpu.memory_space<vmem>> -> memref<1000x1024xf32, #tpu.memory_space<vmem>>
    %dma_wait3A_2105 = arith.constant 61000 : i32
    %dma_wait3A_2106 = arith.constant 0 : i32
    %dma_wait3A_2107 = tpu.memref_slice %arg0[%dma_wait3A_2105, %dma_wait3A_2106] : memref<100000x1024xf32, #tpu.memory_space<any>> -> memref<1000x1024xf32, #tpu.memory_space<any>>
    tpu.wait_dma2 semaphore(%dma_wait3A_2100 : memref<!tpu.dma_semaphore, #tpu.memory_space<semaphore_mem>>) src(%dma_wait3A_2107 : memref<1000x1024xf32, #tpu.memory_space<any>>) dst(%dma_wait3A_2104 : memref<1000x1024xf32, #tpu.memory_space<vmem>>)
    %get3A_2108 = arith.constant 5 : index
    %get3A_2109 = arith.constant 0 : index
    %get3A_2110 = arith.constant 0 : index
    %get3A_2111 = vector.load %arg2[%get3A_2108, %get3A_2109, %get3A_2110] : memref<8x1000x1024xf32, #tpu.memory_space<vmem>>, vector<1x1000x1024xf32>
    %get3A_2112 = vector.shape_cast %get3A_2111 : vector<1x1000x1024xf32> to vector<1000x1024xf32>
    %reduce_sum3A_2113 = vector.shape_cast %get3A_2112 : vector<1000x1024xf32> to vector<1x1000x1024xf32>
    %reduce_sum3A_2114 = arith.constant dense<0.000000e+00> : vector<1xf32>
    %reduce_sum3A_2115 = vector.multi_reduction <add>, %reduce_sum3A_2113, %reduce_sum3A_2114 [1, 2] : vector<1x1000x1024xf32> to vector<1xf32>
    %reduce_sum3A_2116 = vector.shape_cast %reduce_sum3A_2115 : vector<1xf32> to vector<1x1x1xf32>
    %reduce_sum3A_2117 = vector.extract %reduce_sum3A_2116[0, 0, 0] : f32 from vector<1x1x1xf32>
    %add3A_2118 = arith.addf %add3A_2085, %reduce_sum3A_2117 : f32
    %dma_start3A_2119 = arith.constant 5 : i32
    %dma_start3A_2120 = arith.constant 5 : i32
    %dma_start3A_2121 = tpu.memref_slice %arg3[%dma_start3A_2120] : memref<8x!tpu.dma_semaphore, #tpu.memory_space<semaphore_mem>> -> memref<1x!tpu.dma_semaphore, #tpu.memory_space<semaphore_mem>>
    %dma_start3A_2122 = tpu.memref_squeeze %dma_start3A_2121 : memref<1x!tpu.dma_semaphore, #tpu.memory_space<semaphore_mem>> -> memref<!tpu.dma_semaphore, #tpu.memory_space<semaphore_mem>>
    %dma_start3A_2123 = arith.constant 0 : i32
    %dma_start3A_2124 = arith.constant 0 : i32
    %dma_start3A_2125 = tpu.memref_slice %arg2[%dma_start3A_2119, %dma_start3A_2123, %dma_start3A_2124] : memref<8x1000x1024xf32, #tpu.memory_space<vmem>> -> memref<1x1000x1024xf32, #tpu.memory_space<vmem>>
    %dma_start3A_2126 = tpu.memref_squeeze %dma_start3A_2125 : memref<1x1000x1024xf32, #tpu.memory_space<vmem>> -> memref<1000x1024xf32, #tpu.memory_space<vmem>>
    %dma_start3A_2127 = arith.constant 69000 : i32
    %dma_start3A_2128 = arith.constant 0 : i32
    %dma_start3A_2129 = tpu.memref_slice %arg0[%dma_start3A_2127, %dma_start3A_2128] : memref<100000x1024xf32, #tpu.memory_space<any>> -> memref<1000x1024xf32, #tpu.memory_space<any>>
    tpu.enqueue_dma source(%dma_start3A_2129 : memref<1000x1024xf32, #tpu.memory_space<any>>) target(%dma_start3A_2126 : memref<1000x1024xf32, #tpu.memory_space<vmem>>) target_semaphore(%dma_start3A_2122 : memref<!tpu.dma_semaphore, #tpu.memory_space<semaphore_mem>>)
    %dma_wait3A_2130 = arith.constant 6 : i32
    %dma_wait3A_2131 = arith.constant 6 : i32
    %dma_wait3A_2132 = tpu.memref_slice %arg3[%dma_wait3A_2131] : memref<8x!tpu.dma_semaphore, #tpu.memory_space<semaphore_mem>> -> memref<1x!tpu.dma_semaphore, #tpu.memory_space<semaphore_mem>>
    %dma_wait3A_2133 = tpu.memref_squeeze %dma_wait3A_2132 : memref<1x!tpu.dma_semaphore, #tpu.memory_space<semaphore_mem>> -> memref<!tpu.dma_semaphore, #tpu.memory_space<semaphore_mem>>
    %dma_wait3A_2134 = arith.constant 0 : i32
    %dma_wait3A_2135 = arith.constant 0 : i32
    %dma_wait3A_2136 = tpu.memref_slice %arg2[%dma_wait3A_2130, %dma_wait3A_2134, %dma_wait3A_2135] : memref<8x1000x1024xf32, #tpu.memory_space<vmem>> -> memref<1x1000x1024xf32, #tpu.memory_space<vmem>>
    %dma_wait3A_2137 = tpu.memref_squeeze %dma_wait3A_2136 : memref<1x1000x1024xf32, #tpu.memory_space<vmem>> -> memref<1000x1024xf32, #tpu.memory_space<vmem>>
    %dma_wait3A_2138 = arith.constant 62000 : i32
    %dma_wait3A_2139 = arith.constant 0 : i32
    %dma_wait3A_2140 = tpu.memref_slice %arg0[%dma_wait3A_2138, %dma_wait3A_2139] : memref<100000x1024xf32, #tpu.memory_space<any>> -> memref<1000x1024xf32, #tpu.memory_space<any>>
    tpu.wait_dma2 semaphore(%dma_wait3A_2133 : memref<!tpu.dma_semaphore, #tpu.memory_space<semaphore_mem>>) src(%dma_wait3A_2140 : memref<1000x1024xf32, #tpu.memory_space<any>>) dst(%dma_wait3A_2137 : memref<1000x1024xf32, #tpu.memory_space<vmem>>)
    %get3A_2141 = arith.constant 6 : index
    %get3A_2142 = arith.constant 0 : index
    %get3A_2143 = arith.constant 0 : index
    %get3A_2144 = vector.load %arg2[%get3A_2141, %get3A_2142, %get3A_2143] : memref<8x1000x1024xf32, #tpu.memory_space<vmem>>, vector<1x1000x1024xf32>
    %get3A_2145 = vector.shape_cast %get3A_2144 : vector<1x1000x1024xf32> to vector<1000x1024xf32>
    %reduce_sum3A_2146 = vector.shape_cast %get3A_2145 : vector<1000x1024xf32> to vector<1x1000x1024xf32>
    %reduce_sum3A_2147 = arith.constant dense<0.000000e+00> : vector<1xf32>
    %reduce_sum3A_2148 = vector.multi_reduction <add>, %reduce_sum3A_2146, %reduce_sum3A_2147 [1, 2] : vector<1x1000x1024xf32> to vector<1xf32>
    %reduce_sum3A_2149 = vector.shape_cast %reduce_sum3A_2148 : vector<1xf32> to vector<1x1x1xf32>
    %reduce_sum3A_2150 = vector.extract %reduce_sum3A_2149[0, 0, 0] : f32 from vector<1x1x1xf32>
    %add3A_2151 = arith.addf %add3A_2118, %reduce_sum3A_2150 : f32
    %dma_start3A_2152 = arith.constant 6 : i32
    %dma_start3A_2153 = arith.constant 6 : i32
    %dma_start3A_2154 = tpu.memref_slice %arg3[%dma_start3A_2153] : memref<8x!tpu.dma_semaphore, #tpu.memory_space<semaphore_mem>> -> memref<1x!tpu.dma_semaphore, #tpu.memory_space<semaphore_mem>>
    %dma_start3A_2155 = tpu.memref_squeeze %dma_start3A_2154 : memref<1x!tpu.dma_semaphore, #tpu.memory_space<semaphore_mem>> -> memref<!tpu.dma_semaphore, #tpu.memory_space<semaphore_mem>>
    %dma_start3A_2156 = arith.constant 0 : i32
    %dma_start3A_2157 = arith.constant 0 : i32
    %dma_start3A_2158 = tpu.memref_slice %arg2[%dma_start3A_2152, %dma_start3A_2156, %dma_start3A_2157] : memref<8x1000x1024xf32, #tpu.memory_space<vmem>> -> memref<1x1000x1024xf32, #tpu.memory_space<vmem>>
    %dma_start3A_2159 = tpu.memref_squeeze %dma_start3A_2158 : memref<1x1000x1024xf32, #tpu.memory_space<vmem>> -> memref<1000x1024xf32, #tpu.memory_space<vmem>>
    %dma_start3A_2160 = arith.constant 70000 : i32
    %dma_start3A_2161 = arith.constant 0 : i32
    %dma_start3A_2162 = tpu.memref_slice %arg0[%dma_start3A_2160, %dma_start3A_2161] : memref<100000x1024xf32, #tpu.memory_space<any>> -> memref<1000x1024xf32, #tpu.memory_space<any>>
    tpu.enqueue_dma source(%dma_start3A_2162 : memref<1000x1024xf32, #tpu.memory_space<any>>) target(%dma_start3A_2159 : memref<1000x1024xf32, #tpu.memory_space<vmem>>) target_semaphore(%dma_start3A_2155 : memref<!tpu.dma_semaphore, #tpu.memory_space<semaphore_mem>>)
    %dma_wait3A_2163 = arith.constant 7 : i32
    %dma_wait3A_2164 = arith.constant 7 : i32
    %dma_wait3A_2165 = tpu.memref_slice %arg3[%dma_wait3A_2164] : memref<8x!tpu.dma_semaphore, #tpu.memory_space<semaphore_mem>> -> memref<1x!tpu.dma_semaphore, #tpu.memory_space<semaphore_mem>>
    %dma_wait3A_2166 = tpu.memref_squeeze %dma_wait3A_2165 : memref<1x!tpu.dma_semaphore, #tpu.memory_space<semaphore_mem>> -> memref<!tpu.dma_semaphore, #tpu.memory_space<semaphore_mem>>
    %dma_wait3A_2167 = arith.constant 0 : i32
    %dma_wait3A_2168 = arith.constant 0 : i32
    %dma_wait3A_2169 = tpu.memref_slice %arg2[%dma_wait3A_2163, %dma_wait3A_2167, %dma_wait3A_2168] : memref<8x1000x1024xf32, #tpu.memory_space<vmem>> -> memref<1x1000x1024xf32, #tpu.memory_space<vmem>>
    %dma_wait3A_2170 = tpu.memref_squeeze %dma_wait3A_2169 : memref<1x1000x1024xf32, #tpu.memory_space<vmem>> -> memref<1000x1024xf32, #tpu.memory_space<vmem>>
    %dma_wait3A_2171 = arith.constant 63000 : i32
    %dma_wait3A_2172 = arith.constant 0 : i32
    %dma_wait3A_2173 = tpu.memref_slice %arg0[%dma_wait3A_2171, %dma_wait3A_2172] : memref<100000x1024xf32, #tpu.memory_space<any>> -> memref<1000x1024xf32, #tpu.memory_space<any>>
    tpu.wait_dma2 semaphore(%dma_wait3A_2166 : memref<!tpu.dma_semaphore, #tpu.memory_space<semaphore_mem>>) src(%dma_wait3A_2173 : memref<1000x1024xf32, #tpu.memory_space<any>>) dst(%dma_wait3A_2170 : memref<1000x1024xf32, #tpu.memory_space<vmem>>)
    %get3A_2174 = arith.constant 7 : index
    %get3A_2175 = arith.constant 0 : index
    %get3A_2176 = arith.constant 0 : index
    %get3A_2177 = vector.load %arg2[%get3A_2174, %get3A_2175, %get3A_2176] : memref<8x1000x1024xf32, #tpu.memory_space<vmem>>, vector<1x1000x1024xf32>
    %get3A_2178 = vector.shape_cast %get3A_2177 : vector<1x1000x1024xf32> to vector<1000x1024xf32>
    %reduce_sum3A_2179 = vector.shape_cast %get3A_2178 : vector<1000x1024xf32> to vector<1x1000x1024xf32>
    %reduce_sum3A_2180 = arith.constant dense<0.000000e+00> : vector<1xf32>
    %reduce_sum3A_2181 = vector.multi_reduction <add>, %reduce_sum3A_2179, %reduce_sum3A_2180 [1, 2] : vector<1x1000x1024xf32> to vector<1xf32>
    %reduce_sum3A_2182 = vector.shape_cast %reduce_sum3A_2181 : vector<1xf32> to vector<1x1x1xf32>
    %reduce_sum3A_2183 = vector.extract %reduce_sum3A_2182[0, 0, 0] : f32 from vector<1x1x1xf32>
    %add3A_2184 = arith.addf %add3A_2151, %reduce_sum3A_2183 : f32
    %dma_start3A_2185 = arith.constant 7 : i32
    %dma_start3A_2186 = arith.constant 7 : i32
    %dma_start3A_2187 = tpu.memref_slice %arg3[%dma_start3A_2186] : memref<8x!tpu.dma_semaphore, #tpu.memory_space<semaphore_mem>> -> memref<1x!tpu.dma_semaphore, #tpu.memory_space<semaphore_mem>>
    %dma_start3A_2188 = tpu.memref_squeeze %dma_start3A_2187 : memref<1x!tpu.dma_semaphore, #tpu.memory_space<semaphore_mem>> -> memref<!tpu.dma_semaphore, #tpu.memory_space<semaphore_mem>>
    %dma_start3A_2189 = arith.constant 0 : i32
    %dma_start3A_2190 = arith.constant 0 : i32
    %dma_start3A_2191 = tpu.memref_slice %arg2[%dma_start3A_2185, %dma_start3A_2189, %dma_start3A_2190] : memref<8x1000x1024xf32, #tpu.memory_space<vmem>> -> memref<1x1000x1024xf32, #tpu.memory_space<vmem>>
    %dma_start3A_2192 = tpu.memref_squeeze %dma_start3A_2191 : memref<1x1000x1024xf32, #tpu.memory_space<vmem>> -> memref<1000x1024xf32, #tpu.memory_space<vmem>>
    %dma_start3A_2193 = arith.constant 71000 : i32
    %dma_start3A_2194 = arith.constant 0 : i32
    %dma_start3A_2195 = tpu.memref_slice %arg0[%dma_start3A_2193, %dma_start3A_2194] : memref<100000x1024xf32, #tpu.memory_space<any>> -> memref<1000x1024xf32, #tpu.memory_space<any>>
    tpu.enqueue_dma source(%dma_start3A_2195 : memref<1000x1024xf32, #tpu.memory_space<any>>) target(%dma_start3A_2192 : memref<1000x1024xf32, #tpu.memory_space<vmem>>) target_semaphore(%dma_start3A_2188 : memref<!tpu.dma_semaphore, #tpu.memory_space<semaphore_mem>>)
    %dma_wait3A_2196 = arith.constant 0 : i32
    %dma_wait3A_2197 = arith.constant 0 : i32
    %dma_wait3A_2198 = tpu.memref_slice %arg3[%dma_wait3A_2197] : memref<8x!tpu.dma_semaphore, #tpu.memory_space<semaphore_mem>> -> memref<1x!tpu.dma_semaphore, #tpu.memory_space<semaphore_mem>>
    %dma_wait3A_2199 = tpu.memref_squeeze %dma_wait3A_2198 : memref<1x!tpu.dma_semaphore, #tpu.memory_space<semaphore_mem>> -> memref<!tpu.dma_semaphore, #tpu.memory_space<semaphore_mem>>
    %dma_wait3A_2200 = arith.constant 0 : i32
    %dma_wait3A_2201 = arith.constant 0 : i32
    %dma_wait3A_2202 = tpu.memref_slice %arg2[%dma_wait3A_2196, %dma_wait3A_2200, %dma_wait3A_2201] : memref<8x1000x1024xf32, #tpu.memory_space<vmem>> -> memref<1x1000x1024xf32, #tpu.memory_space<vmem>>
    %dma_wait3A_2203 = tpu.memref_squeeze %dma_wait3A_2202 : memref<1x1000x1024xf32, #tpu.memory_space<vmem>> -> memref<1000x1024xf32, #tpu.memory_space<vmem>>
    %dma_wait3A_2204 = arith.constant 64000 : i32
    %dma_wait3A_2205 = arith.constant 0 : i32
    %dma_wait3A_2206 = tpu.memref_slice %arg0[%dma_wait3A_2204, %dma_wait3A_2205] : memref<100000x1024xf32, #tpu.memory_space<any>> -> memref<1000x1024xf32, #tpu.memory_space<any>>
    tpu.wait_dma2 semaphore(%dma_wait3A_2199 : memref<!tpu.dma_semaphore, #tpu.memory_space<semaphore_mem>>) src(%dma_wait3A_2206 : memref<1000x1024xf32, #tpu.memory_space<any>>) dst(%dma_wait3A_2203 : memref<1000x1024xf32, #tpu.memory_space<vmem>>)
    %get3A_2207 = arith.constant 0 : index
    %get3A_2208 = arith.constant 0 : index
    %get3A_2209 = arith.constant 0 : index
    %get3A_2210 = vector.load %arg2[%get3A_2207, %get3A_2208, %get3A_2209] : memref<8x1000x1024xf32, #tpu.memory_space<vmem>>, vector<1x1000x1024xf32>
    %get3A_2211 = vector.shape_cast %get3A_2210 : vector<1x1000x1024xf32> to vector<1000x1024xf32>
    %reduce_sum3A_2212 = vector.shape_cast %get3A_2211 : vector<1000x1024xf32> to vector<1x1000x1024xf32>
    %reduce_sum3A_2213 = arith.constant dense<0.000000e+00> : vector<1xf32>
    %reduce_sum3A_2214 = vector.multi_reduction <add>, %reduce_sum3A_2212, %reduce_sum3A_2213 [1, 2] : vector<1x1000x1024xf32> to vector<1xf32>
    %reduce_sum3A_2215 = vector.shape_cast %reduce_sum3A_2214 : vector<1xf32> to vector<1x1x1xf32>
    %reduce_sum3A_2216 = vector.extract %reduce_sum3A_2215[0, 0, 0] : f32 from vector<1x1x1xf32>
    %add3A_2217 = arith.addf %add3A_2184, %reduce_sum3A_2216 : f32
    %dma_start3A_2218 = arith.constant 0 : i32
    %dma_start3A_2219 = arith.constant 0 : i32
    %dma_start3A_2220 = tpu.memref_slice %arg3[%dma_start3A_2219] : memref<8x!tpu.dma_semaphore, #tpu.memory_space<semaphore_mem>> -> memref<1x!tpu.dma_semaphore, #tpu.memory_space<semaphore_mem>>
    %dma_start3A_2221 = tpu.memref_squeeze %dma_start3A_2220 : memref<1x!tpu.dma_semaphore, #tpu.memory_space<semaphore_mem>> -> memref<!tpu.dma_semaphore, #tpu.memory_space<semaphore_mem>>
    %dma_start3A_2222 = arith.constant 0 : i32
    %dma_start3A_2223 = arith.constant 0 : i32
    %dma_start3A_2224 = tpu.memref_slice %arg2[%dma_start3A_2218, %dma_start3A_2222, %dma_start3A_2223] : memref<8x1000x1024xf32, #tpu.memory_space<vmem>> -> memref<1x1000x1024xf32, #tpu.memory_space<vmem>>
    %dma_start3A_2225 = tpu.memref_squeeze %dma_start3A_2224 : memref<1x1000x1024xf32, #tpu.memory_space<vmem>> -> memref<1000x1024xf32, #tpu.memory_space<vmem>>
    %dma_start3A_2226 = arith.constant 72000 : i32
    %dma_start3A_2227 = arith.constant 0 : i32
    %dma_start3A_2228 = tpu.memref_slice %arg0[%dma_start3A_2226, %dma_start3A_2227] : memref<100000x1024xf32, #tpu.memory_space<any>> -> memref<1000x1024xf32, #tpu.memory_space<any>>
    tpu.enqueue_dma source(%dma_start3A_2228 : memref<1000x1024xf32, #tpu.memory_space<any>>) target(%dma_start3A_2225 : memref<1000x1024xf32, #tpu.memory_space<vmem>>) target_semaphore(%dma_start3A_2221 : memref<!tpu.dma_semaphore, #tpu.memory_space<semaphore_mem>>)
    %dma_wait3A_2229 = arith.constant 1 : i32
    %dma_wait3A_2230 = arith.constant 1 : i32
    %dma_wait3A_2231 = tpu.memref_slice %arg3[%dma_wait3A_2230] : memref<8x!tpu.dma_semaphore, #tpu.memory_space<semaphore_mem>> -> memref<1x!tpu.dma_semaphore, #tpu.memory_space<semaphore_mem>>
    %dma_wait3A_2232 = tpu.memref_squeeze %dma_wait3A_2231 : memref<1x!tpu.dma_semaphore, #tpu.memory_space<semaphore_mem>> -> memref<!tpu.dma_semaphore, #tpu.memory_space<semaphore_mem>>
    %dma_wait3A_2233 = arith.constant 0 : i32
    %dma_wait3A_2234 = arith.constant 0 : i32
    %dma_wait3A_2235 = tpu.memref_slice %arg2[%dma_wait3A_2229, %dma_wait3A_2233, %dma_wait3A_2234] : memref<8x1000x1024xf32, #tpu.memory_space<vmem>> -> memref<1x1000x1024xf32, #tpu.memory_space<vmem>>
    %dma_wait3A_2236 = tpu.memref_squeeze %dma_wait3A_2235 : memref<1x1000x1024xf32, #tpu.memory_space<vmem>> -> memref<1000x1024xf32, #tpu.memory_space<vmem>>
    %dma_wait3A_2237 = arith.constant 65000 : i32
    %dma_wait3A_2238 = arith.constant 0 : i32
    %dma_wait3A_2239 = tpu.memref_slice %arg0[%dma_wait3A_2237, %dma_wait3A_2238] : memref<100000x1024xf32, #tpu.memory_space<any>> -> memref<1000x1024xf32, #tpu.memory_space<any>>
    tpu.wait_dma2 semaphore(%dma_wait3A_2232 : memref<!tpu.dma_semaphore, #tpu.memory_space<semaphore_mem>>) src(%dma_wait3A_2239 : memref<1000x1024xf32, #tpu.memory_space<any>>) dst(%dma_wait3A_2236 : memref<1000x1024xf32, #tpu.memory_space<vmem>>)
    %get3A_2240 = arith.constant 1 : index
    %get3A_2241 = arith.constant 0 : index
    %get3A_2242 = arith.constant 0 : index
    %get3A_2243 = vector.load %arg2[%get3A_2240, %get3A_2241, %get3A_2242] : memref<8x1000x1024xf32, #tpu.memory_space<vmem>>, vector<1x1000x1024xf32>
    %get3A_2244 = vector.shape_cast %get3A_2243 : vector<1x1000x1024xf32> to vector<1000x1024xf32>
    %reduce_sum3A_2245 = vector.shape_cast %get3A_2244 : vector<1000x1024xf32> to vector<1x1000x1024xf32>
    %reduce_sum3A_2246 = arith.constant dense<0.000000e+00> : vector<1xf32>
    %reduce_sum3A_2247 = vector.multi_reduction <add>, %reduce_sum3A_2245, %reduce_sum3A_2246 [1, 2] : vector<1x1000x1024xf32> to vector<1xf32>
    %reduce_sum3A_2248 = vector.shape_cast %reduce_sum3A_2247 : vector<1xf32> to vector<1x1x1xf32>
    %reduce_sum3A_2249 = vector.extract %reduce_sum3A_2248[0, 0, 0] : f32 from vector<1x1x1xf32>
    %add3A_2250 = arith.addf %add3A_2217, %reduce_sum3A_2249 : f32
    %dma_start3A_2251 = arith.constant 1 : i32
    %dma_start3A_2252 = arith.constant 1 : i32
    %dma_start3A_2253 = tpu.memref_slice %arg3[%dma_start3A_2252] : memref<8x!tpu.dma_semaphore, #tpu.memory_space<semaphore_mem>> -> memref<1x!tpu.dma_semaphore, #tpu.memory_space<semaphore_mem>>
    %dma_start3A_2254 = tpu.memref_squeeze %dma_start3A_2253 : memref<1x!tpu.dma_semaphore, #tpu.memory_space<semaphore_mem>> -> memref<!tpu.dma_semaphore, #tpu.memory_space<semaphore_mem>>
    %dma_start3A_2255 = arith.constant 0 : i32
    %dma_start3A_2256 = arith.constant 0 : i32
    %dma_start3A_2257 = tpu.memref_slice %arg2[%dma_start3A_2251, %dma_start3A_2255, %dma_start3A_2256] : memref<8x1000x1024xf32, #tpu.memory_space<vmem>> -> memref<1x1000x1024xf32, #tpu.memory_space<vmem>>
    %dma_start3A_2258 = tpu.memref_squeeze %dma_start3A_2257 : memref<1x1000x1024xf32, #tpu.memory_space<vmem>> -> memref<1000x1024xf32, #tpu.memory_space<vmem>>
    %dma_start3A_2259 = arith.constant 73000 : i32
    %dma_start3A_2260 = arith.constant 0 : i32
    %dma_start3A_2261 = tpu.memref_slice %arg0[%dma_start3A_2259, %dma_start3A_2260] : memref<100000x1024xf32, #tpu.memory_space<any>> -> memref<1000x1024xf32, #tpu.memory_space<any>>
    tpu.enqueue_dma source(%dma_start3A_2261 : memref<1000x1024xf32, #tpu.memory_space<any>>) target(%dma_start3A_2258 : memref<1000x1024xf32, #tpu.memory_space<vmem>>) target_semaphore(%dma_start3A_2254 : memref<!tpu.dma_semaphore, #tpu.memory_space<semaphore_mem>>)
    %dma_wait3A_2262 = arith.constant 2 : i32
    %dma_wait3A_2263 = arith.constant 2 : i32
    %dma_wait3A_2264 = tpu.memref_slice %arg3[%dma_wait3A_2263] : memref<8x!tpu.dma_semaphore, #tpu.memory_space<semaphore_mem>> -> memref<1x!tpu.dma_semaphore, #tpu.memory_space<semaphore_mem>>
    %dma_wait3A_2265 = tpu.memref_squeeze %dma_wait3A_2264 : memref<1x!tpu.dma_semaphore, #tpu.memory_space<semaphore_mem>> -> memref<!tpu.dma_semaphore, #tpu.memory_space<semaphore_mem>>
    %dma_wait3A_2266 = arith.constant 0 : i32
    %dma_wait3A_2267 = arith.constant 0 : i32
    %dma_wait3A_2268 = tpu.memref_slice %arg2[%dma_wait3A_2262, %dma_wait3A_2266, %dma_wait3A_2267] : memref<8x1000x1024xf32, #tpu.memory_space<vmem>> -> memref<1x1000x1024xf32, #tpu.memory_space<vmem>>
    %dma_wait3A_2269 = tpu.memref_squeeze %dma_wait3A_2268 : memref<1x1000x1024xf32, #tpu.memory_space<vmem>> -> memref<1000x1024xf32, #tpu.memory_space<vmem>>
    %dma_wait3A_2270 = arith.constant 66000 : i32
    %dma_wait3A_2271 = arith.constant 0 : i32
    %dma_wait3A_2272 = tpu.memref_slice %arg0[%dma_wait3A_2270, %dma_wait3A_2271] : memref<100000x1024xf32, #tpu.memory_space<any>> -> memref<1000x1024xf32, #tpu.memory_space<any>>
    tpu.wait_dma2 semaphore(%dma_wait3A_2265 : memref<!tpu.dma_semaphore, #tpu.memory_space<semaphore_mem>>) src(%dma_wait3A_2272 : memref<1000x1024xf32, #tpu.memory_space<any>>) dst(%dma_wait3A_2269 : memref<1000x1024xf32, #tpu.memory_space<vmem>>)
    %get3A_2273 = arith.constant 2 : index
    %get3A_2274 = arith.constant 0 : index
    %get3A_2275 = arith.constant 0 : index
    %get3A_2276 = vector.load %arg2[%get3A_2273, %get3A_2274, %get3A_2275] : memref<8x1000x1024xf32, #tpu.memory_space<vmem>>, vector<1x1000x1024xf32>
    %get3A_2277 = vector.shape_cast %get3A_2276 : vector<1x1000x1024xf32> to vector<1000x1024xf32>
    %reduce_sum3A_2278 = vector.shape_cast %get3A_2277 : vector<1000x1024xf32> to vector<1x1000x1024xf32>
    %reduce_sum3A_2279 = arith.constant dense<0.000000e+00> : vector<1xf32>
    %reduce_sum3A_2280 = vector.multi_reduction <add>, %reduce_sum3A_2278, %reduce_sum3A_2279 [1, 2] : vector<1x1000x1024xf32> to vector<1xf32>
    %reduce_sum3A_2281 = vector.shape_cast %reduce_sum3A_2280 : vector<1xf32> to vector<1x1x1xf32>
    %reduce_sum3A_2282 = vector.extract %reduce_sum3A_2281[0, 0, 0] : f32 from vector<1x1x1xf32>
    %add3A_2283 = arith.addf %add3A_2250, %reduce_sum3A_2282 : f32
    %dma_start3A_2284 = arith.constant 2 : i32
    %dma_start3A_2285 = arith.constant 2 : i32
    %dma_start3A_2286 = tpu.memref_slice %arg3[%dma_start3A_2285] : memref<8x!tpu.dma_semaphore, #tpu.memory_space<semaphore_mem>> -> memref<1x!tpu.dma_semaphore, #tpu.memory_space<semaphore_mem>>
    %dma_start3A_2287 = tpu.memref_squeeze %dma_start3A_2286 : memref<1x!tpu.dma_semaphore, #tpu.memory_space<semaphore_mem>> -> memref<!tpu.dma_semaphore, #tpu.memory_space<semaphore_mem>>
    %dma_start3A_2288 = arith.constant 0 : i32
    %dma_start3A_2289 = arith.constant 0 : i32
    %dma_start3A_2290 = tpu.memref_slice %arg2[%dma_start3A_2284, %dma_start3A_2288, %dma_start3A_2289] : memref<8x1000x1024xf32, #tpu.memory_space<vmem>> -> memref<1x1000x1024xf32, #tpu.memory_space<vmem>>
    %dma_start3A_2291 = tpu.memref_squeeze %dma_start3A_2290 : memref<1x1000x1024xf32, #tpu.memory_space<vmem>> -> memref<1000x1024xf32, #tpu.memory_space<vmem>>
    %dma_start3A_2292 = arith.constant 74000 : i32
    %dma_start3A_2293 = arith.constant 0 : i32
    %dma_start3A_2294 = tpu.memref_slice %arg0[%dma_start3A_2292, %dma_start3A_2293] : memref<100000x1024xf32, #tpu.memory_space<any>> -> memref<1000x1024xf32, #tpu.memory_space<any>>
    tpu.enqueue_dma source(%dma_start3A_2294 : memref<1000x1024xf32, #tpu.memory_space<any>>) target(%dma_start3A_2291 : memref<1000x1024xf32, #tpu.memory_space<vmem>>) target_semaphore(%dma_start3A_2287 : memref<!tpu.dma_semaphore, #tpu.memory_space<semaphore_mem>>)
    %dma_wait3A_2295 = arith.constant 3 : i32
    %dma_wait3A_2296 = arith.constant 3 : i32
    %dma_wait3A_2297 = tpu.memref_slice %arg3[%dma_wait3A_2296] : memref<8x!tpu.dma_semaphore, #tpu.memory_space<semaphore_mem>> -> memref<1x!tpu.dma_semaphore, #tpu.memory_space<semaphore_mem>>
    %dma_wait3A_2298 = tpu.memref_squeeze %dma_wait3A_2297 : memref<1x!tpu.dma_semaphore, #tpu.memory_space<semaphore_mem>> -> memref<!tpu.dma_semaphore, #tpu.memory_space<semaphore_mem>>
    %dma_wait3A_2299 = arith.constant 0 : i32
    %dma_wait3A_2300 = arith.constant 0 : i32
    %dma_wait3A_2301 = tpu.memref_slice %arg2[%dma_wait3A_2295, %dma_wait3A_2299, %dma_wait3A_2300] : memref<8x1000x1024xf32, #tpu.memory_space<vmem>> -> memref<1x1000x1024xf32, #tpu.memory_space<vmem>>
    %dma_wait3A_2302 = tpu.memref_squeeze %dma_wait3A_2301 : memref<1x1000x1024xf32, #tpu.memory_space<vmem>> -> memref<1000x1024xf32, #tpu.memory_space<vmem>>
    %dma_wait3A_2303 = arith.constant 67000 : i32
    %dma_wait3A_2304 = arith.constant 0 : i32
    %dma_wait3A_2305 = tpu.memref_slice %arg0[%dma_wait3A_2303, %dma_wait3A_2304] : memref<100000x1024xf32, #tpu.memory_space<any>> -> memref<1000x1024xf32, #tpu.memory_space<any>>
    tpu.wait_dma2 semaphore(%dma_wait3A_2298 : memref<!tpu.dma_semaphore, #tpu.memory_space<semaphore_mem>>) src(%dma_wait3A_2305 : memref<1000x1024xf32, #tpu.memory_space<any>>) dst(%dma_wait3A_2302 : memref<1000x1024xf32, #tpu.memory_space<vmem>>)
    %get3A_2306 = arith.constant 3 : index
    %get3A_2307 = arith.constant 0 : index
    %get3A_2308 = arith.constant 0 : index
    %get3A_2309 = vector.load %arg2[%get3A_2306, %get3A_2307, %get3A_2308] : memref<8x1000x1024xf32, #tpu.memory_space<vmem>>, vector<1x1000x1024xf32>
    %get3A_2310 = vector.shape_cast %get3A_2309 : vector<1x1000x1024xf32> to vector<1000x1024xf32>
    %reduce_sum3A_2311 = vector.shape_cast %get3A_2310 : vector<1000x1024xf32> to vector<1x1000x1024xf32>
    %reduce_sum3A_2312 = arith.constant dense<0.000000e+00> : vector<1xf32>
    %reduce_sum3A_2313 = vector.multi_reduction <add>, %reduce_sum3A_2311, %reduce_sum3A_2312 [1, 2] : vector<1x1000x1024xf32> to vector<1xf32>
    %reduce_sum3A_2314 = vector.shape_cast %reduce_sum3A_2313 : vector<1xf32> to vector<1x1x1xf32>
    %reduce_sum3A_2315 = vector.extract %reduce_sum3A_2314[0, 0, 0] : f32 from vector<1x1x1xf32>
    %add3A_2316 = arith.addf %add3A_2283, %reduce_sum3A_2315 : f32
    %dma_start3A_2317 = arith.constant 3 : i32
    %dma_start3A_2318 = arith.constant 3 : i32
    %dma_start3A_2319 = tpu.memref_slice %arg3[%dma_start3A_2318] : memref<8x!tpu.dma_semaphore, #tpu.memory_space<semaphore_mem>> -> memref<1x!tpu.dma_semaphore, #tpu.memory_space<semaphore_mem>>
    %dma_start3A_2320 = tpu.memref_squeeze %dma_start3A_2319 : memref<1x!tpu.dma_semaphore, #tpu.memory_space<semaphore_mem>> -> memref<!tpu.dma_semaphore, #tpu.memory_space<semaphore_mem>>
    %dma_start3A_2321 = arith.constant 0 : i32
    %dma_start3A_2322 = arith.constant 0 : i32
    %dma_start3A_2323 = tpu.memref_slice %arg2[%dma_start3A_2317, %dma_start3A_2321, %dma_start3A_2322] : memref<8x1000x1024xf32, #tpu.memory_space<vmem>> -> memref<1x1000x1024xf32, #tpu.memory_space<vmem>>
    %dma_start3A_2324 = tpu.memref_squeeze %dma_start3A_2323 : memref<1x1000x1024xf32, #tpu.memory_space<vmem>> -> memref<1000x1024xf32, #tpu.memory_space<vmem>>
    %dma_start3A_2325 = arith.constant 75000 : i32
    %dma_start3A_2326 = arith.constant 0 : i32
    %dma_start3A_2327 = tpu.memref_slice %arg0[%dma_start3A_2325, %dma_start3A_2326] : memref<100000x1024xf32, #tpu.memory_space<any>> -> memref<1000x1024xf32, #tpu.memory_space<any>>
    tpu.enqueue_dma source(%dma_start3A_2327 : memref<1000x1024xf32, #tpu.memory_space<any>>) target(%dma_start3A_2324 : memref<1000x1024xf32, #tpu.memory_space<vmem>>) target_semaphore(%dma_start3A_2320 : memref<!tpu.dma_semaphore, #tpu.memory_space<semaphore_mem>>)
    %dma_wait3A_2328 = arith.constant 4 : i32
    %dma_wait3A_2329 = arith.constant 4 : i32
    %dma_wait3A_2330 = tpu.memref_slice %arg3[%dma_wait3A_2329] : memref<8x!tpu.dma_semaphore, #tpu.memory_space<semaphore_mem>> -> memref<1x!tpu.dma_semaphore, #tpu.memory_space<semaphore_mem>>
    %dma_wait3A_2331 = tpu.memref_squeeze %dma_wait3A_2330 : memref<1x!tpu.dma_semaphore, #tpu.memory_space<semaphore_mem>> -> memref<!tpu.dma_semaphore, #tpu.memory_space<semaphore_mem>>
    %dma_wait3A_2332 = arith.constant 0 : i32
    %dma_wait3A_2333 = arith.constant 0 : i32
    %dma_wait3A_2334 = tpu.memref_slice %arg2[%dma_wait3A_2328, %dma_wait3A_2332, %dma_wait3A_2333] : memref<8x1000x1024xf32, #tpu.memory_space<vmem>> -> memref<1x1000x1024xf32, #tpu.memory_space<vmem>>
    %dma_wait3A_2335 = tpu.memref_squeeze %dma_wait3A_2334 : memref<1x1000x1024xf32, #tpu.memory_space<vmem>> -> memref<1000x1024xf32, #tpu.memory_space<vmem>>
    %dma_wait3A_2336 = arith.constant 68000 : i32
    %dma_wait3A_2337 = arith.constant 0 : i32
    %dma_wait3A_2338 = tpu.memref_slice %arg0[%dma_wait3A_2336, %dma_wait3A_2337] : memref<100000x1024xf32, #tpu.memory_space<any>> -> memref<1000x1024xf32, #tpu.memory_space<any>>
    tpu.wait_dma2 semaphore(%dma_wait3A_2331 : memref<!tpu.dma_semaphore, #tpu.memory_space<semaphore_mem>>) src(%dma_wait3A_2338 : memref<1000x1024xf32, #tpu.memory_space<any>>) dst(%dma_wait3A_2335 : memref<1000x1024xf32, #tpu.memory_space<vmem>>)
    %get3A_2339 = arith.constant 4 : index
    %get3A_2340 = arith.constant 0 : index
    %get3A_2341 = arith.constant 0 : index
    %get3A_2342 = vector.load %arg2[%get3A_2339, %get3A_2340, %get3A_2341] : memref<8x1000x1024xf32, #tpu.memory_space<vmem>>, vector<1x1000x1024xf32>
    %get3A_2343 = vector.shape_cast %get3A_2342 : vector<1x1000x1024xf32> to vector<1000x1024xf32>
    %reduce_sum3A_2344 = vector.shape_cast %get3A_2343 : vector<1000x1024xf32> to vector<1x1000x1024xf32>
    %reduce_sum3A_2345 = arith.constant dense<0.000000e+00> : vector<1xf32>
    %reduce_sum3A_2346 = vector.multi_reduction <add>, %reduce_sum3A_2344, %reduce_sum3A_2345 [1, 2] : vector<1x1000x1024xf32> to vector<1xf32>
    %reduce_sum3A_2347 = vector.shape_cast %reduce_sum3A_2346 : vector<1xf32> to vector<1x1x1xf32>
    %reduce_sum3A_2348 = vector.extract %reduce_sum3A_2347[0, 0, 0] : f32 from vector<1x1x1xf32>
    %add3A_2349 = arith.addf %add3A_2316, %reduce_sum3A_2348 : f32
    %dma_start3A_2350 = arith.constant 4 : i32
    %dma_start3A_2351 = arith.constant 4 : i32
    %dma_start3A_2352 = tpu.memref_slice %arg3[%dma_start3A_2351] : memref<8x!tpu.dma_semaphore, #tpu.memory_space<semaphore_mem>> -> memref<1x!tpu.dma_semaphore, #tpu.memory_space<semaphore_mem>>
    %dma_start3A_2353 = tpu.memref_squeeze %dma_start3A_2352 : memref<1x!tpu.dma_semaphore, #tpu.memory_space<semaphore_mem>> -> memref<!tpu.dma_semaphore, #tpu.memory_space<semaphore_mem>>
    %dma_start3A_2354 = arith.constant 0 : i32
    %dma_start3A_2355 = arith.constant 0 : i32
    %dma_start3A_2356 = tpu.memref_slice %arg2[%dma_start3A_2350, %dma_start3A_2354, %dma_start3A_2355] : memref<8x1000x1024xf32, #tpu.memory_space<vmem>> -> memref<1x1000x1024xf32, #tpu.memory_space<vmem>>
    %dma_start3A_2357 = tpu.memref_squeeze %dma_start3A_2356 : memref<1x1000x1024xf32, #tpu.memory_space<vmem>> -> memref<1000x1024xf32, #tpu.memory_space<vmem>>
    %dma_start3A_2358 = arith.constant 76000 : i32
    %dma_start3A_2359 = arith.constant 0 : i32
    %dma_start3A_2360 = tpu.memref_slice %arg0[%dma_start3A_2358, %dma_start3A_2359] : memref<100000x1024xf32, #tpu.memory_space<any>> -> memref<1000x1024xf32, #tpu.memory_space<any>>
    tpu.enqueue_dma source(%dma_start3A_2360 : memref<1000x1024xf32, #tpu.memory_space<any>>) target(%dma_start3A_2357 : memref<1000x1024xf32, #tpu.memory_space<vmem>>) target_semaphore(%dma_start3A_2353 : memref<!tpu.dma_semaphore, #tpu.memory_space<semaphore_mem>>)
    %dma_wait3A_2361 = arith.constant 5 : i32
    %dma_wait3A_2362 = arith.constant 5 : i32
    %dma_wait3A_2363 = tpu.memref_slice %arg3[%dma_wait3A_2362] : memref<8x!tpu.dma_semaphore, #tpu.memory_space<semaphore_mem>> -> memref<1x!tpu.dma_semaphore, #tpu.memory_space<semaphore_mem>>
    %dma_wait3A_2364 = tpu.memref_squeeze %dma_wait3A_2363 : memref<1x!tpu.dma_semaphore, #tpu.memory_space<semaphore_mem>> -> memref<!tpu.dma_semaphore, #tpu.memory_space<semaphore_mem>>
    %dma_wait3A_2365 = arith.constant 0 : i32
    %dma_wait3A_2366 = arith.constant 0 : i32
    %dma_wait3A_2367 = tpu.memref_slice %arg2[%dma_wait3A_2361, %dma_wait3A_2365, %dma_wait3A_2366] : memref<8x1000x1024xf32, #tpu.memory_space<vmem>> -> memref<1x1000x1024xf32, #tpu.memory_space<vmem>>
    %dma_wait3A_2368 = tpu.memref_squeeze %dma_wait3A_2367 : memref<1x1000x1024xf32, #tpu.memory_space<vmem>> -> memref<1000x1024xf32, #tpu.memory_space<vmem>>
    %dma_wait3A_2369 = arith.constant 69000 : i32
    %dma_wait3A_2370 = arith.constant 0 : i32
    %dma_wait3A_2371 = tpu.memref_slice %arg0[%dma_wait3A_2369, %dma_wait3A_2370] : memref<100000x1024xf32, #tpu.memory_space<any>> -> memref<1000x1024xf32, #tpu.memory_space<any>>
    tpu.wait_dma2 semaphore(%dma_wait3A_2364 : memref<!tpu.dma_semaphore, #tpu.memory_space<semaphore_mem>>) src(%dma_wait3A_2371 : memref<1000x1024xf32, #tpu.memory_space<any>>) dst(%dma_wait3A_2368 : memref<1000x1024xf32, #tpu.memory_space<vmem>>)
    %get3A_2372 = arith.constant 5 : index
    %get3A_2373 = arith.constant 0 : index
    %get3A_2374 = arith.constant 0 : index
    %get3A_2375 = vector.load %arg2[%get3A_2372, %get3A_2373, %get3A_2374] : memref<8x1000x1024xf32, #tpu.memory_space<vmem>>, vector<1x1000x1024xf32>
    %get3A_2376 = vector.shape_cast %get3A_2375 : vector<1x1000x1024xf32> to vector<1000x1024xf32>
    %reduce_sum3A_2377 = vector.shape_cast %get3A_2376 : vector<1000x1024xf32> to vector<1x1000x1024xf32>
    %reduce_sum3A_2378 = arith.constant dense<0.000000e+00> : vector<1xf32>
    %reduce_sum3A_2379 = vector.multi_reduction <add>, %reduce_sum3A_2377, %reduce_sum3A_2378 [1, 2] : vector<1x1000x1024xf32> to vector<1xf32>
    %reduce_sum3A_2380 = vector.shape_cast %reduce_sum3A_2379 : vector<1xf32> to vector<1x1x1xf32>
    %reduce_sum3A_2381 = vector.extract %reduce_sum3A_2380[0, 0, 0] : f32 from vector<1x1x1xf32>
    %add3A_2382 = arith.addf %add3A_2349, %reduce_sum3A_2381 : f32
    %dma_start3A_2383 = arith.constant 5 : i32
    %dma_start3A_2384 = arith.constant 5 : i32
    %dma_start3A_2385 = tpu.memref_slice %arg3[%dma_start3A_2384] : memref<8x!tpu.dma_semaphore, #tpu.memory_space<semaphore_mem>> -> memref<1x!tpu.dma_semaphore, #tpu.memory_space<semaphore_mem>>
    %dma_start3A_2386 = tpu.memref_squeeze %dma_start3A_2385 : memref<1x!tpu.dma_semaphore, #tpu.memory_space<semaphore_mem>> -> memref<!tpu.dma_semaphore, #tpu.memory_space<semaphore_mem>>
    %dma_start3A_2387 = arith.constant 0 : i32
    %dma_start3A_2388 = arith.constant 0 : i32
    %dma_start3A_2389 = tpu.memref_slice %arg2[%dma_start3A_2383, %dma_start3A_2387, %dma_start3A_2388] : memref<8x1000x1024xf32, #tpu.memory_space<vmem>> -> memref<1x1000x1024xf32, #tpu.memory_space<vmem>>
    %dma_start3A_2390 = tpu.memref_squeeze %dma_start3A_2389 : memref<1x1000x1024xf32, #tpu.memory_space<vmem>> -> memref<1000x1024xf32, #tpu.memory_space<vmem>>
    %dma_start3A_2391 = arith.constant 77000 : i32
    %dma_start3A_2392 = arith.constant 0 : i32
    %dma_start3A_2393 = tpu.memref_slice %arg0[%dma_start3A_2391, %dma_start3A_2392] : memref<100000x1024xf32, #tpu.memory_space<any>> -> memref<1000x1024xf32, #tpu.memory_space<any>>
    tpu.enqueue_dma source(%dma_start3A_2393 : memref<1000x1024xf32, #tpu.memory_space<any>>) target(%dma_start3A_2390 : memref<1000x1024xf32, #tpu.memory_space<vmem>>) target_semaphore(%dma_start3A_2386 : memref<!tpu.dma_semaphore, #tpu.memory_space<semaphore_mem>>)
    %dma_wait3A_2394 = arith.constant 6 : i32
    %dma_wait3A_2395 = arith.constant 6 : i32
    %dma_wait3A_2396 = tpu.memref_slice %arg3[%dma_wait3A_2395] : memref<8x!tpu.dma_semaphore, #tpu.memory_space<semaphore_mem>> -> memref<1x!tpu.dma_semaphore, #tpu.memory_space<semaphore_mem>>
    %dma_wait3A_2397 = tpu.memref_squeeze %dma_wait3A_2396 : memref<1x!tpu.dma_semaphore, #tpu.memory_space<semaphore_mem>> -> memref<!tpu.dma_semaphore, #tpu.memory_space<semaphore_mem>>
    %dma_wait3A_2398 = arith.constant 0 : i32
    %dma_wait3A_2399 = arith.constant 0 : i32
    %dma_wait3A_2400 = tpu.memref_slice %arg2[%dma_wait3A_2394, %dma_wait3A_2398, %dma_wait3A_2399] : memref<8x1000x1024xf32, #tpu.memory_space<vmem>> -> memref<1x1000x1024xf32, #tpu.memory_space<vmem>>
    %dma_wait3A_2401 = tpu.memref_squeeze %dma_wait3A_2400 : memref<1x1000x1024xf32, #tpu.memory_space<vmem>> -> memref<1000x1024xf32, #tpu.memory_space<vmem>>
    %dma_wait3A_2402 = arith.constant 70000 : i32
    %dma_wait3A_2403 = arith.constant 0 : i32
    %dma_wait3A_2404 = tpu.memref_slice %arg0[%dma_wait3A_2402, %dma_wait3A_2403] : memref<100000x1024xf32, #tpu.memory_space<any>> -> memref<1000x1024xf32, #tpu.memory_space<any>>
    tpu.wait_dma2 semaphore(%dma_wait3A_2397 : memref<!tpu.dma_semaphore, #tpu.memory_space<semaphore_mem>>) src(%dma_wait3A_2404 : memref<1000x1024xf32, #tpu.memory_space<any>>) dst(%dma_wait3A_2401 : memref<1000x1024xf32, #tpu.memory_space<vmem>>)
    %get3A_2405 = arith.constant 6 : index
    %get3A_2406 = arith.constant 0 : index
    %get3A_2407 = arith.constant 0 : index
    %get3A_2408 = vector.load %arg2[%get3A_2405, %get3A_2406, %get3A_2407] : memref<8x1000x1024xf32, #tpu.memory_space<vmem>>, vector<1x1000x1024xf32>
    %get3A_2409 = vector.shape_cast %get3A_2408 : vector<1x1000x1024xf32> to vector<1000x1024xf32>
    %reduce_sum3A_2410 = vector.shape_cast %get3A_2409 : vector<1000x1024xf32> to vector<1x1000x1024xf32>
    %reduce_sum3A_2411 = arith.constant dense<0.000000e+00> : vector<1xf32>
    %reduce_sum3A_2412 = vector.multi_reduction <add>, %reduce_sum3A_2410, %reduce_sum3A_2411 [1, 2] : vector<1x1000x1024xf32> to vector<1xf32>
    %reduce_sum3A_2413 = vector.shape_cast %reduce_sum3A_2412 : vector<1xf32> to vector<1x1x1xf32>
    %reduce_sum3A_2414 = vector.extract %reduce_sum3A_2413[0, 0, 0] : f32 from vector<1x1x1xf32>
    %add3A_2415 = arith.addf %add3A_2382, %reduce_sum3A_2414 : f32
    %dma_start3A_2416 = arith.constant 6 : i32
    %dma_start3A_2417 = arith.constant 6 : i32
    %dma_start3A_2418 = tpu.memref_slice %arg3[%dma_start3A_2417] : memref<8x!tpu.dma_semaphore, #tpu.memory_space<semaphore_mem>> -> memref<1x!tpu.dma_semaphore, #tpu.memory_space<semaphore_mem>>
    %dma_start3A_2419 = tpu.memref_squeeze %dma_start3A_2418 : memref<1x!tpu.dma_semaphore, #tpu.memory_space<semaphore_mem>> -> memref<!tpu.dma_semaphore, #tpu.memory_space<semaphore_mem>>
    %dma_start3A_2420 = arith.constant 0 : i32
    %dma_start3A_2421 = arith.constant 0 : i32
    %dma_start3A_2422 = tpu.memref_slice %arg2[%dma_start3A_2416, %dma_start3A_2420, %dma_start3A_2421] : memref<8x1000x1024xf32, #tpu.memory_space<vmem>> -> memref<1x1000x1024xf32, #tpu.memory_space<vmem>>
    %dma_start3A_2423 = tpu.memref_squeeze %dma_start3A_2422 : memref<1x1000x1024xf32, #tpu.memory_space<vmem>> -> memref<1000x1024xf32, #tpu.memory_space<vmem>>
    %dma_start3A_2424 = arith.constant 78000 : i32
    %dma_start3A_2425 = arith.constant 0 : i32
    %dma_start3A_2426 = tpu.memref_slice %arg0[%dma_start3A_2424, %dma_start3A_2425] : memref<100000x1024xf32, #tpu.memory_space<any>> -> memref<1000x1024xf32, #tpu.memory_space<any>>
    tpu.enqueue_dma source(%dma_start3A_2426 : memref<1000x1024xf32, #tpu.memory_space<any>>) target(%dma_start3A_2423 : memref<1000x1024xf32, #tpu.memory_space<vmem>>) target_semaphore(%dma_start3A_2419 : memref<!tpu.dma_semaphore, #tpu.memory_space<semaphore_mem>>)
    %dma_wait3A_2427 = arith.constant 7 : i32
    %dma_wait3A_2428 = arith.constant 7 : i32
    %dma_wait3A_2429 = tpu.memref_slice %arg3[%dma_wait3A_2428] : memref<8x!tpu.dma_semaphore, #tpu.memory_space<semaphore_mem>> -> memref<1x!tpu.dma_semaphore, #tpu.memory_space<semaphore_mem>>
    %dma_wait3A_2430 = tpu.memref_squeeze %dma_wait3A_2429 : memref<1x!tpu.dma_semaphore, #tpu.memory_space<semaphore_mem>> -> memref<!tpu.dma_semaphore, #tpu.memory_space<semaphore_mem>>
    %dma_wait3A_2431 = arith.constant 0 : i32
    %dma_wait3A_2432 = arith.constant 0 : i32
    %dma_wait3A_2433 = tpu.memref_slice %arg2[%dma_wait3A_2427, %dma_wait3A_2431, %dma_wait3A_2432] : memref<8x1000x1024xf32, #tpu.memory_space<vmem>> -> memref<1x1000x1024xf32, #tpu.memory_space<vmem>>
    %dma_wait3A_2434 = tpu.memref_squeeze %dma_wait3A_2433 : memref<1x1000x1024xf32, #tpu.memory_space<vmem>> -> memref<1000x1024xf32, #tpu.memory_space<vmem>>
    %dma_wait3A_2435 = arith.constant 71000 : i32
    %dma_wait3A_2436 = arith.constant 0 : i32
    %dma_wait3A_2437 = tpu.memref_slice %arg0[%dma_wait3A_2435, %dma_wait3A_2436] : memref<100000x1024xf32, #tpu.memory_space<any>> -> memref<1000x1024xf32, #tpu.memory_space<any>>
    tpu.wait_dma2 semaphore(%dma_wait3A_2430 : memref<!tpu.dma_semaphore, #tpu.memory_space<semaphore_mem>>) src(%dma_wait3A_2437 : memref<1000x1024xf32, #tpu.memory_space<any>>) dst(%dma_wait3A_2434 : memref<1000x1024xf32, #tpu.memory_space<vmem>>)
    %get3A_2438 = arith.constant 7 : index
    %get3A_2439 = arith.constant 0 : index
    %get3A_2440 = arith.constant 0 : index
    %get3A_2441 = vector.load %arg2[%get3A_2438, %get3A_2439, %get3A_2440] : memref<8x1000x1024xf32, #tpu.memory_space<vmem>>, vector<1x1000x1024xf32>
    %get3A_2442 = vector.shape_cast %get3A_2441 : vector<1x1000x1024xf32> to vector<1000x1024xf32>
    %reduce_sum3A_2443 = vector.shape_cast %get3A_2442 : vector<1000x1024xf32> to vector<1x1000x1024xf32>
    %reduce_sum3A_2444 = arith.constant dense<0.000000e+00> : vector<1xf32>
    %reduce_sum3A_2445 = vector.multi_reduction <add>, %reduce_sum3A_2443, %reduce_sum3A_2444 [1, 2] : vector<1x1000x1024xf32> to vector<1xf32>
    %reduce_sum3A_2446 = vector.shape_cast %reduce_sum3A_2445 : vector<1xf32> to vector<1x1x1xf32>
    %reduce_sum3A_2447 = vector.extract %reduce_sum3A_2446[0, 0, 0] : f32 from vector<1x1x1xf32>
    %add3A_2448 = arith.addf %add3A_2415, %reduce_sum3A_2447 : f32
    %dma_start3A_2449 = arith.constant 7 : i32
    %dma_start3A_2450 = arith.constant 7 : i32
    %dma_start3A_2451 = tpu.memref_slice %arg3[%dma_start3A_2450] : memref<8x!tpu.dma_semaphore, #tpu.memory_space<semaphore_mem>> -> memref<1x!tpu.dma_semaphore, #tpu.memory_space<semaphore_mem>>
    %dma_start3A_2452 = tpu.memref_squeeze %dma_start3A_2451 : memref<1x!tpu.dma_semaphore, #tpu.memory_space<semaphore_mem>> -> memref<!tpu.dma_semaphore, #tpu.memory_space<semaphore_mem>>
    %dma_start3A_2453 = arith.constant 0 : i32
    %dma_start3A_2454 = arith.constant 0 : i32
    %dma_start3A_2455 = tpu.memref_slice %arg2[%dma_start3A_2449, %dma_start3A_2453, %dma_start3A_2454] : memref<8x1000x1024xf32, #tpu.memory_space<vmem>> -> memref<1x1000x1024xf32, #tpu.memory_space<vmem>>
    %dma_start3A_2456 = tpu.memref_squeeze %dma_start3A_2455 : memref<1x1000x1024xf32, #tpu.memory_space<vmem>> -> memref<1000x1024xf32, #tpu.memory_space<vmem>>
    %dma_start3A_2457 = arith.constant 79000 : i32
    %dma_start3A_2458 = arith.constant 0 : i32
    %dma_start3A_2459 = tpu.memref_slice %arg0[%dma_start3A_2457, %dma_start3A_2458] : memref<100000x1024xf32, #tpu.memory_space<any>> -> memref<1000x1024xf32, #tpu.memory_space<any>>
    tpu.enqueue_dma source(%dma_start3A_2459 : memref<1000x1024xf32, #tpu.memory_space<any>>) target(%dma_start3A_2456 : memref<1000x1024xf32, #tpu.memory_space<vmem>>) target_semaphore(%dma_start3A_2452 : memref<!tpu.dma_semaphore, #tpu.memory_space<semaphore_mem>>)
    %dma_wait3A_2460 = arith.constant 0 : i32
    %dma_wait3A_2461 = arith.constant 0 : i32
    %dma_wait3A_2462 = tpu.memref_slice %arg3[%dma_wait3A_2461] : memref<8x!tpu.dma_semaphore, #tpu.memory_space<semaphore_mem>> -> memref<1x!tpu.dma_semaphore, #tpu.memory_space<semaphore_mem>>
    %dma_wait3A_2463 = tpu.memref_squeeze %dma_wait3A_2462 : memref<1x!tpu.dma_semaphore, #tpu.memory_space<semaphore_mem>> -> memref<!tpu.dma_semaphore, #tpu.memory_space<semaphore_mem>>
    %dma_wait3A_2464 = arith.constant 0 : i32
    %dma_wait3A_2465 = arith.constant 0 : i32
    %dma_wait3A_2466 = tpu.memref_slice %arg2[%dma_wait3A_2460, %dma_wait3A_2464, %dma_wait3A_2465] : memref<8x1000x1024xf32, #tpu.memory_space<vmem>> -> memref<1x1000x1024xf32, #tpu.memory_space<vmem>>
    %dma_wait3A_2467 = tpu.memref_squeeze %dma_wait3A_2466 : memref<1x1000x1024xf32, #tpu.memory_space<vmem>> -> memref<1000x1024xf32, #tpu.memory_space<vmem>>
    %dma_wait3A_2468 = arith.constant 72000 : i32
    %dma_wait3A_2469 = arith.constant 0 : i32
    %dma_wait3A_2470 = tpu.memref_slice %arg0[%dma_wait3A_2468, %dma_wait3A_2469] : memref<100000x1024xf32, #tpu.memory_space<any>> -> memref<1000x1024xf32, #tpu.memory_space<any>>
    tpu.wait_dma2 semaphore(%dma_wait3A_2463 : memref<!tpu.dma_semaphore, #tpu.memory_space<semaphore_mem>>) src(%dma_wait3A_2470 : memref<1000x1024xf32, #tpu.memory_space<any>>) dst(%dma_wait3A_2467 : memref<1000x1024xf32, #tpu.memory_space<vmem>>)
    %get3A_2471 = arith.constant 0 : index
    %get3A_2472 = arith.constant 0 : index
    %get3A_2473 = arith.constant 0 : index
    %get3A_2474 = vector.load %arg2[%get3A_2471, %get3A_2472, %get3A_2473] : memref<8x1000x1024xf32, #tpu.memory_space<vmem>>, vector<1x1000x1024xf32>
    %get3A_2475 = vector.shape_cast %get3A_2474 : vector<1x1000x1024xf32> to vector<1000x1024xf32>
    %reduce_sum3A_2476 = vector.shape_cast %get3A_2475 : vector<1000x1024xf32> to vector<1x1000x1024xf32>
    %reduce_sum3A_2477 = arith.constant dense<0.000000e+00> : vector<1xf32>
    %reduce_sum3A_2478 = vector.multi_reduction <add>, %reduce_sum3A_2476, %reduce_sum3A_2477 [1, 2] : vector<1x1000x1024xf32> to vector<1xf32>
    %reduce_sum3A_2479 = vector.shape_cast %reduce_sum3A_2478 : vector<1xf32> to vector<1x1x1xf32>
    %reduce_sum3A_2480 = vector.extract %reduce_sum3A_2479[0, 0, 0] : f32 from vector<1x1x1xf32>
    %add3A_2481 = arith.addf %add3A_2448, %reduce_sum3A_2480 : f32
    %dma_start3A_2482 = arith.constant 0 : i32
    %dma_start3A_2483 = arith.constant 0 : i32
    %dma_start3A_2484 = tpu.memref_slice %arg3[%dma_start3A_2483] : memref<8x!tpu.dma_semaphore, #tpu.memory_space<semaphore_mem>> -> memref<1x!tpu.dma_semaphore, #tpu.memory_space<semaphore_mem>>
    %dma_start3A_2485 = tpu.memref_squeeze %dma_start3A_2484 : memref<1x!tpu.dma_semaphore, #tpu.memory_space<semaphore_mem>> -> memref<!tpu.dma_semaphore, #tpu.memory_space<semaphore_mem>>
    %dma_start3A_2486 = arith.constant 0 : i32
    %dma_start3A_2487 = arith.constant 0 : i32
    %dma_start3A_2488 = tpu.memref_slice %arg2[%dma_start3A_2482, %dma_start3A_2486, %dma_start3A_2487] : memref<8x1000x1024xf32, #tpu.memory_space<vmem>> -> memref<1x1000x1024xf32, #tpu.memory_space<vmem>>
    %dma_start3A_2489 = tpu.memref_squeeze %dma_start3A_2488 : memref<1x1000x1024xf32, #tpu.memory_space<vmem>> -> memref<1000x1024xf32, #tpu.memory_space<vmem>>
    %dma_start3A_2490 = arith.constant 80000 : i32
    %dma_start3A_2491 = arith.constant 0 : i32
    %dma_start3A_2492 = tpu.memref_slice %arg0[%dma_start3A_2490, %dma_start3A_2491] : memref<100000x1024xf32, #tpu.memory_space<any>> -> memref<1000x1024xf32, #tpu.memory_space<any>>
    tpu.enqueue_dma source(%dma_start3A_2492 : memref<1000x1024xf32, #tpu.memory_space<any>>) target(%dma_start3A_2489 : memref<1000x1024xf32, #tpu.memory_space<vmem>>) target_semaphore(%dma_start3A_2485 : memref<!tpu.dma_semaphore, #tpu.memory_space<semaphore_mem>>)
    %dma_wait3A_2493 = arith.constant 1 : i32
    %dma_wait3A_2494 = arith.constant 1 : i32
    %dma_wait3A_2495 = tpu.memref_slice %arg3[%dma_wait3A_2494] : memref<8x!tpu.dma_semaphore, #tpu.memory_space<semaphore_mem>> -> memref<1x!tpu.dma_semaphore, #tpu.memory_space<semaphore_mem>>
    %dma_wait3A_2496 = tpu.memref_squeeze %dma_wait3A_2495 : memref<1x!tpu.dma_semaphore, #tpu.memory_space<semaphore_mem>> -> memref<!tpu.dma_semaphore, #tpu.memory_space<semaphore_mem>>
    %dma_wait3A_2497 = arith.constant 0 : i32
    %dma_wait3A_2498 = arith.constant 0 : i32
    %dma_wait3A_2499 = tpu.memref_slice %arg2[%dma_wait3A_2493, %dma_wait3A_2497, %dma_wait3A_2498] : memref<8x1000x1024xf32, #tpu.memory_space<vmem>> -> memref<1x1000x1024xf32, #tpu.memory_space<vmem>>
    %dma_wait3A_2500 = tpu.memref_squeeze %dma_wait3A_2499 : memref<1x1000x1024xf32, #tpu.memory_space<vmem>> -> memref<1000x1024xf32, #tpu.memory_space<vmem>>
    %dma_wait3A_2501 = arith.constant 73000 : i32
    %dma_wait3A_2502 = arith.constant 0 : i32
    %dma_wait3A_2503 = tpu.memref_slice %arg0[%dma_wait3A_2501, %dma_wait3A_2502] : memref<100000x1024xf32, #tpu.memory_space<any>> -> memref<1000x1024xf32, #tpu.memory_space<any>>
    tpu.wait_dma2 semaphore(%dma_wait3A_2496 : memref<!tpu.dma_semaphore, #tpu.memory_space<semaphore_mem>>) src(%dma_wait3A_2503 : memref<1000x1024xf32, #tpu.memory_space<any>>) dst(%dma_wait3A_2500 : memref<1000x1024xf32, #tpu.memory_space<vmem>>)
    %get3A_2504 = arith.constant 1 : index
    %get3A_2505 = arith.constant 0 : index
    %get3A_2506 = arith.constant 0 : index
    %get3A_2507 = vector.load %arg2[%get3A_2504, %get3A_2505, %get3A_2506] : memref<8x1000x1024xf32, #tpu.memory_space<vmem>>, vector<1x1000x1024xf32>
    %get3A_2508 = vector.shape_cast %get3A_2507 : vector<1x1000x1024xf32> to vector<1000x1024xf32>
    %reduce_sum3A_2509 = vector.shape_cast %get3A_2508 : vector<1000x1024xf32> to vector<1x1000x1024xf32>
    %reduce_sum3A_2510 = arith.constant dense<0.000000e+00> : vector<1xf32>
    %reduce_sum3A_2511 = vector.multi_reduction <add>, %reduce_sum3A_2509, %reduce_sum3A_2510 [1, 2] : vector<1x1000x1024xf32> to vector<1xf32>
    %reduce_sum3A_2512 = vector.shape_cast %reduce_sum3A_2511 : vector<1xf32> to vector<1x1x1xf32>
    %reduce_sum3A_2513 = vector.extract %reduce_sum3A_2512[0, 0, 0] : f32 from vector<1x1x1xf32>
    %add3A_2514 = arith.addf %add3A_2481, %reduce_sum3A_2513 : f32
    %dma_start3A_2515 = arith.constant 1 : i32
    %dma_start3A_2516 = arith.constant 1 : i32
    %dma_start3A_2517 = tpu.memref_slice %arg3[%dma_start3A_2516] : memref<8x!tpu.dma_semaphore, #tpu.memory_space<semaphore_mem>> -> memref<1x!tpu.dma_semaphore, #tpu.memory_space<semaphore_mem>>
    %dma_start3A_2518 = tpu.memref_squeeze %dma_start3A_2517 : memref<1x!tpu.dma_semaphore, #tpu.memory_space<semaphore_mem>> -> memref<!tpu.dma_semaphore, #tpu.memory_space<semaphore_mem>>
    %dma_start3A_2519 = arith.constant 0 : i32
    %dma_start3A_2520 = arith.constant 0 : i32
    %dma_start3A_2521 = tpu.memref_slice %arg2[%dma_start3A_2515, %dma_start3A_2519, %dma_start3A_2520] : memref<8x1000x1024xf32, #tpu.memory_space<vmem>> -> memref<1x1000x1024xf32, #tpu.memory_space<vmem>>
    %dma_start3A_2522 = tpu.memref_squeeze %dma_start3A_2521 : memref<1x1000x1024xf32, #tpu.memory_space<vmem>> -> memref<1000x1024xf32, #tpu.memory_space<vmem>>
    %dma_start3A_2523 = arith.constant 81000 : i32
    %dma_start3A_2524 = arith.constant 0 : i32
    %dma_start3A_2525 = tpu.memref_slice %arg0[%dma_start3A_2523, %dma_start3A_2524] : memref<100000x1024xf32, #tpu.memory_space<any>> -> memref<1000x1024xf32, #tpu.memory_space<any>>
    tpu.enqueue_dma source(%dma_start3A_2525 : memref<1000x1024xf32, #tpu.memory_space<any>>) target(%dma_start3A_2522 : memref<1000x1024xf32, #tpu.memory_space<vmem>>) target_semaphore(%dma_start3A_2518 : memref<!tpu.dma_semaphore, #tpu.memory_space<semaphore_mem>>)
    %dma_wait3A_2526 = arith.constant 2 : i32
    %dma_wait3A_2527 = arith.constant 2 : i32
    %dma_wait3A_2528 = tpu.memref_slice %arg3[%dma_wait3A_2527] : memref<8x!tpu.dma_semaphore, #tpu.memory_space<semaphore_mem>> -> memref<1x!tpu.dma_semaphore, #tpu.memory_space<semaphore_mem>>
    %dma_wait3A_2529 = tpu.memref_squeeze %dma_wait3A_2528 : memref<1x!tpu.dma_semaphore, #tpu.memory_space<semaphore_mem>> -> memref<!tpu.dma_semaphore, #tpu.memory_space<semaphore_mem>>
    %dma_wait3A_2530 = arith.constant 0 : i32
    %dma_wait3A_2531 = arith.constant 0 : i32
    %dma_wait3A_2532 = tpu.memref_slice %arg2[%dma_wait3A_2526, %dma_wait3A_2530, %dma_wait3A_2531] : memref<8x1000x1024xf32, #tpu.memory_space<vmem>> -> memref<1x1000x1024xf32, #tpu.memory_space<vmem>>
    %dma_wait3A_2533 = tpu.memref_squeeze %dma_wait3A_2532 : memref<1x1000x1024xf32, #tpu.memory_space<vmem>> -> memref<1000x1024xf32, #tpu.memory_space<vmem>>
    %dma_wait3A_2534 = arith.constant 74000 : i32
    %dma_wait3A_2535 = arith.constant 0 : i32
    %dma_wait3A_2536 = tpu.memref_slice %arg0[%dma_wait3A_2534, %dma_wait3A_2535] : memref<100000x1024xf32, #tpu.memory_space<any>> -> memref<1000x1024xf32, #tpu.memory_space<any>>
    tpu.wait_dma2 semaphore(%dma_wait3A_2529 : memref<!tpu.dma_semaphore, #tpu.memory_space<semaphore_mem>>) src(%dma_wait3A_2536 : memref<1000x1024xf32, #tpu.memory_space<any>>) dst(%dma_wait3A_2533 : memref<1000x1024xf32, #tpu.memory_space<vmem>>)
    %get3A_2537 = arith.constant 2 : index
    %get3A_2538 = arith.constant 0 : index
    %get3A_2539 = arith.constant 0 : index
    %get3A_2540 = vector.load %arg2[%get3A_2537, %get3A_2538, %get3A_2539] : memref<8x1000x1024xf32, #tpu.memory_space<vmem>>, vector<1x1000x1024xf32>
    %get3A_2541 = vector.shape_cast %get3A_2540 : vector<1x1000x1024xf32> to vector<1000x1024xf32>
    %reduce_sum3A_2542 = vector.shape_cast %get3A_2541 : vector<1000x1024xf32> to vector<1x1000x1024xf32>
    %reduce_sum3A_2543 = arith.constant dense<0.000000e+00> : vector<1xf32>
    %reduce_sum3A_2544 = vector.multi_reduction <add>, %reduce_sum3A_2542, %reduce_sum3A_2543 [1, 2] : vector<1x1000x1024xf32> to vector<1xf32>
    %reduce_sum3A_2545 = vector.shape_cast %reduce_sum3A_2544 : vector<1xf32> to vector<1x1x1xf32>
    %reduce_sum3A_2546 = vector.extract %reduce_sum3A_2545[0, 0, 0] : f32 from vector<1x1x1xf32>
    %add3A_2547 = arith.addf %add3A_2514, %reduce_sum3A_2546 : f32
    %dma_start3A_2548 = arith.constant 2 : i32
    %dma_start3A_2549 = arith.constant 2 : i32
    %dma_start3A_2550 = tpu.memref_slice %arg3[%dma_start3A_2549] : memref<8x!tpu.dma_semaphore, #tpu.memory_space<semaphore_mem>> -> memref<1x!tpu.dma_semaphore, #tpu.memory_space<semaphore_mem>>
    %dma_start3A_2551 = tpu.memref_squeeze %dma_start3A_2550 : memref<1x!tpu.dma_semaphore, #tpu.memory_space<semaphore_mem>> -> memref<!tpu.dma_semaphore, #tpu.memory_space<semaphore_mem>>
    %dma_start3A_2552 = arith.constant 0 : i32
    %dma_start3A_2553 = arith.constant 0 : i32
    %dma_start3A_2554 = tpu.memref_slice %arg2[%dma_start3A_2548, %dma_start3A_2552, %dma_start3A_2553] : memref<8x1000x1024xf32, #tpu.memory_space<vmem>> -> memref<1x1000x1024xf32, #tpu.memory_space<vmem>>
    %dma_start3A_2555 = tpu.memref_squeeze %dma_start3A_2554 : memref<1x1000x1024xf32, #tpu.memory_space<vmem>> -> memref<1000x1024xf32, #tpu.memory_space<vmem>>
    %dma_start3A_2556 = arith.constant 82000 : i32
    %dma_start3A_2557 = arith.constant 0 : i32
    %dma_start3A_2558 = tpu.memref_slice %arg0[%dma_start3A_2556, %dma_start3A_2557] : memref<100000x1024xf32, #tpu.memory_space<any>> -> memref<1000x1024xf32, #tpu.memory_space<any>>
    tpu.enqueue_dma source(%dma_start3A_2558 : memref<1000x1024xf32, #tpu.memory_space<any>>) target(%dma_start3A_2555 : memref<1000x1024xf32, #tpu.memory_space<vmem>>) target_semaphore(%dma_start3A_2551 : memref<!tpu.dma_semaphore, #tpu.memory_space<semaphore_mem>>)
    %dma_wait3A_2559 = arith.constant 3 : i32
    %dma_wait3A_2560 = arith.constant 3 : i32
    %dma_wait3A_2561 = tpu.memref_slice %arg3[%dma_wait3A_2560] : memref<8x!tpu.dma_semaphore, #tpu.memory_space<semaphore_mem>> -> memref<1x!tpu.dma_semaphore, #tpu.memory_space<semaphore_mem>>
    %dma_wait3A_2562 = tpu.memref_squeeze %dma_wait3A_2561 : memref<1x!tpu.dma_semaphore, #tpu.memory_space<semaphore_mem>> -> memref<!tpu.dma_semaphore, #tpu.memory_space<semaphore_mem>>
    %dma_wait3A_2563 = arith.constant 0 : i32
    %dma_wait3A_2564 = arith.constant 0 : i32
    %dma_wait3A_2565 = tpu.memref_slice %arg2[%dma_wait3A_2559, %dma_wait3A_2563, %dma_wait3A_2564] : memref<8x1000x1024xf32, #tpu.memory_space<vmem>> -> memref<1x1000x1024xf32, #tpu.memory_space<vmem>>
    %dma_wait3A_2566 = tpu.memref_squeeze %dma_wait3A_2565 : memref<1x1000x1024xf32, #tpu.memory_space<vmem>> -> memref<1000x1024xf32, #tpu.memory_space<vmem>>
    %dma_wait3A_2567 = arith.constant 75000 : i32
    %dma_wait3A_2568 = arith.constant 0 : i32
    %dma_wait3A_2569 = tpu.memref_slice %arg0[%dma_wait3A_2567, %dma_wait3A_2568] : memref<100000x1024xf32, #tpu.memory_space<any>> -> memref<1000x1024xf32, #tpu.memory_space<any>>
    tpu.wait_dma2 semaphore(%dma_wait3A_2562 : memref<!tpu.dma_semaphore, #tpu.memory_space<semaphore_mem>>) src(%dma_wait3A_2569 : memref<1000x1024xf32, #tpu.memory_space<any>>) dst(%dma_wait3A_2566 : memref<1000x1024xf32, #tpu.memory_space<vmem>>)
    %get3A_2570 = arith.constant 3 : index
    %get3A_2571 = arith.constant 0 : index
    %get3A_2572 = arith.constant 0 : index
    %get3A_2573 = vector.load %arg2[%get3A_2570, %get3A_2571, %get3A_2572] : memref<8x1000x1024xf32, #tpu.memory_space<vmem>>, vector<1x1000x1024xf32>
    %get3A_2574 = vector.shape_cast %get3A_2573 : vector<1x1000x1024xf32> to vector<1000x1024xf32>
    %reduce_sum3A_2575 = vector.shape_cast %get3A_2574 : vector<1000x1024xf32> to vector<1x1000x1024xf32>
    %reduce_sum3A_2576 = arith.constant dense<0.000000e+00> : vector<1xf32>
    %reduce_sum3A_2577 = vector.multi_reduction <add>, %reduce_sum3A_2575, %reduce_sum3A_2576 [1, 2] : vector<1x1000x1024xf32> to vector<1xf32>
    %reduce_sum3A_2578 = vector.shape_cast %reduce_sum3A_2577 : vector<1xf32> to vector<1x1x1xf32>
    %reduce_sum3A_2579 = vector.extract %reduce_sum3A_2578[0, 0, 0] : f32 from vector<1x1x1xf32>
    %add3A_2580 = arith.addf %add3A_2547, %reduce_sum3A_2579 : f32
    %dma_start3A_2581 = arith.constant 3 : i32
    %dma_start3A_2582 = arith.constant 3 : i32
    %dma_start3A_2583 = tpu.memref_slice %arg3[%dma_start3A_2582] : memref<8x!tpu.dma_semaphore, #tpu.memory_space<semaphore_mem>> -> memref<1x!tpu.dma_semaphore, #tpu.memory_space<semaphore_mem>>
    %dma_start3A_2584 = tpu.memref_squeeze %dma_start3A_2583 : memref<1x!tpu.dma_semaphore, #tpu.memory_space<semaphore_mem>> -> memref<!tpu.dma_semaphore, #tpu.memory_space<semaphore_mem>>
    %dma_start3A_2585 = arith.constant 0 : i32
    %dma_start3A_2586 = arith.constant 0 : i32
    %dma_start3A_2587 = tpu.memref_slice %arg2[%dma_start3A_2581, %dma_start3A_2585, %dma_start3A_2586] : memref<8x1000x1024xf32, #tpu.memory_space<vmem>> -> memref<1x1000x1024xf32, #tpu.memory_space<vmem>>
    %dma_start3A_2588 = tpu.memref_squeeze %dma_start3A_2587 : memref<1x1000x1024xf32, #tpu.memory_space<vmem>> -> memref<1000x1024xf32, #tpu.memory_space<vmem>>
    %dma_start3A_2589 = arith.constant 83000 : i32
    %dma_start3A_2590 = arith.constant 0 : i32
    %dma_start3A_2591 = tpu.memref_slice %arg0[%dma_start3A_2589, %dma_start3A_2590] : memref<100000x1024xf32, #tpu.memory_space<any>> -> memref<1000x1024xf32, #tpu.memory_space<any>>
    tpu.enqueue_dma source(%dma_start3A_2591 : memref<1000x1024xf32, #tpu.memory_space<any>>) target(%dma_start3A_2588 : memref<1000x1024xf32, #tpu.memory_space<vmem>>) target_semaphore(%dma_start3A_2584 : memref<!tpu.dma_semaphore, #tpu.memory_space<semaphore_mem>>)
    %dma_wait3A_2592 = arith.constant 4 : i32
    %dma_wait3A_2593 = arith.constant 4 : i32
    %dma_wait3A_2594 = tpu.memref_slice %arg3[%dma_wait3A_2593] : memref<8x!tpu.dma_semaphore, #tpu.memory_space<semaphore_mem>> -> memref<1x!tpu.dma_semaphore, #tpu.memory_space<semaphore_mem>>
    %dma_wait3A_2595 = tpu.memref_squeeze %dma_wait3A_2594 : memref<1x!tpu.dma_semaphore, #tpu.memory_space<semaphore_mem>> -> memref<!tpu.dma_semaphore, #tpu.memory_space<semaphore_mem>>
    %dma_wait3A_2596 = arith.constant 0 : i32
    %dma_wait3A_2597 = arith.constant 0 : i32
    %dma_wait3A_2598 = tpu.memref_slice %arg2[%dma_wait3A_2592, %dma_wait3A_2596, %dma_wait3A_2597] : memref<8x1000x1024xf32, #tpu.memory_space<vmem>> -> memref<1x1000x1024xf32, #tpu.memory_space<vmem>>
    %dma_wait3A_2599 = tpu.memref_squeeze %dma_wait3A_2598 : memref<1x1000x1024xf32, #tpu.memory_space<vmem>> -> memref<1000x1024xf32, #tpu.memory_space<vmem>>
    %dma_wait3A_2600 = arith.constant 76000 : i32
    %dma_wait3A_2601 = arith.constant 0 : i32
    %dma_wait3A_2602 = tpu.memref_slice %arg0[%dma_wait3A_2600, %dma_wait3A_2601] : memref<100000x1024xf32, #tpu.memory_space<any>> -> memref<1000x1024xf32, #tpu.memory_space<any>>
    tpu.wait_dma2 semaphore(%dma_wait3A_2595 : memref<!tpu.dma_semaphore, #tpu.memory_space<semaphore_mem>>) src(%dma_wait3A_2602 : memref<1000x1024xf32, #tpu.memory_space<any>>) dst(%dma_wait3A_2599 : memref<1000x1024xf32, #tpu.memory_space<vmem>>)
    %get3A_2603 = arith.constant 4 : index
    %get3A_2604 = arith.constant 0 : index
    %get3A_2605 = arith.constant 0 : index
    %get3A_2606 = vector.load %arg2[%get3A_2603, %get3A_2604, %get3A_2605] : memref<8x1000x1024xf32, #tpu.memory_space<vmem>>, vector<1x1000x1024xf32>
    %get3A_2607 = vector.shape_cast %get3A_2606 : vector<1x1000x1024xf32> to vector<1000x1024xf32>
    %reduce_sum3A_2608 = vector.shape_cast %get3A_2607 : vector<1000x1024xf32> to vector<1x1000x1024xf32>
    %reduce_sum3A_2609 = arith.constant dense<0.000000e+00> : vector<1xf32>
    %reduce_sum3A_2610 = vector.multi_reduction <add>, %reduce_sum3A_2608, %reduce_sum3A_2609 [1, 2] : vector<1x1000x1024xf32> to vector<1xf32>
    %reduce_sum3A_2611 = vector.shape_cast %reduce_sum3A_2610 : vector<1xf32> to vector<1x1x1xf32>
    %reduce_sum3A_2612 = vector.extract %reduce_sum3A_2611[0, 0, 0] : f32 from vector<1x1x1xf32>
    %add3A_2613 = arith.addf %add3A_2580, %reduce_sum3A_2612 : f32
    %dma_start3A_2614 = arith.constant 4 : i32
    %dma_start3A_2615 = arith.constant 4 : i32
    %dma_start3A_2616 = tpu.memref_slice %arg3[%dma_start3A_2615] : memref<8x!tpu.dma_semaphore, #tpu.memory_space<semaphore_mem>> -> memref<1x!tpu.dma_semaphore, #tpu.memory_space<semaphore_mem>>
    %dma_start3A_2617 = tpu.memref_squeeze %dma_start3A_2616 : memref<1x!tpu.dma_semaphore, #tpu.memory_space<semaphore_mem>> -> memref<!tpu.dma_semaphore, #tpu.memory_space<semaphore_mem>>
    %dma_start3A_2618 = arith.constant 0 : i32
    %dma_start3A_2619 = arith.constant 0 : i32
    %dma_start3A_2620 = tpu.memref_slice %arg2[%dma_start3A_2614, %dma_start3A_2618, %dma_start3A_2619] : memref<8x1000x1024xf32, #tpu.memory_space<vmem>> -> memref<1x1000x1024xf32, #tpu.memory_space<vmem>>
    %dma_start3A_2621 = tpu.memref_squeeze %dma_start3A_2620 : memref<1x1000x1024xf32, #tpu.memory_space<vmem>> -> memref<1000x1024xf32, #tpu.memory_space<vmem>>
    %dma_start3A_2622 = arith.constant 84000 : i32
    %dma_start3A_2623 = arith.constant 0 : i32
    %dma_start3A_2624 = tpu.memref_slice %arg0[%dma_start3A_2622, %dma_start3A_2623] : memref<100000x1024xf32, #tpu.memory_space<any>> -> memref<1000x1024xf32, #tpu.memory_space<any>>
    tpu.enqueue_dma source(%dma_start3A_2624 : memref<1000x1024xf32, #tpu.memory_space<any>>) target(%dma_start3A_2621 : memref<1000x1024xf32, #tpu.memory_space<vmem>>) target_semaphore(%dma_start3A_2617 : memref<!tpu.dma_semaphore, #tpu.memory_space<semaphore_mem>>)
    %dma_wait3A_2625 = arith.constant 5 : i32
    %dma_wait3A_2626 = arith.constant 5 : i32
    %dma_wait3A_2627 = tpu.memref_slice %arg3[%dma_wait3A_2626] : memref<8x!tpu.dma_semaphore, #tpu.memory_space<semaphore_mem>> -> memref<1x!tpu.dma_semaphore, #tpu.memory_space<semaphore_mem>>
    %dma_wait3A_2628 = tpu.memref_squeeze %dma_wait3A_2627 : memref<1x!tpu.dma_semaphore, #tpu.memory_space<semaphore_mem>> -> memref<!tpu.dma_semaphore, #tpu.memory_space<semaphore_mem>>
    %dma_wait3A_2629 = arith.constant 0 : i32
    %dma_wait3A_2630 = arith.constant 0 : i32
    %dma_wait3A_2631 = tpu.memref_slice %arg2[%dma_wait3A_2625, %dma_wait3A_2629, %dma_wait3A_2630] : memref<8x1000x1024xf32, #tpu.memory_space<vmem>> -> memref<1x1000x1024xf32, #tpu.memory_space<vmem>>
    %dma_wait3A_2632 = tpu.memref_squeeze %dma_wait3A_2631 : memref<1x1000x1024xf32, #tpu.memory_space<vmem>> -> memref<1000x1024xf32, #tpu.memory_space<vmem>>
    %dma_wait3A_2633 = arith.constant 77000 : i32
    %dma_wait3A_2634 = arith.constant 0 : i32
    %dma_wait3A_2635 = tpu.memref_slice %arg0[%dma_wait3A_2633, %dma_wait3A_2634] : memref<100000x1024xf32, #tpu.memory_space<any>> -> memref<1000x1024xf32, #tpu.memory_space<any>>
    tpu.wait_dma2 semaphore(%dma_wait3A_2628 : memref<!tpu.dma_semaphore, #tpu.memory_space<semaphore_mem>>) src(%dma_wait3A_2635 : memref<1000x1024xf32, #tpu.memory_space<any>>) dst(%dma_wait3A_2632 : memref<1000x1024xf32, #tpu.memory_space<vmem>>)
    %get3A_2636 = arith.constant 5 : index
    %get3A_2637 = arith.constant 0 : index
    %get3A_2638 = arith.constant 0 : index
    %get3A_2639 = vector.load %arg2[%get3A_2636, %get3A_2637, %get3A_2638] : memref<8x1000x1024xf32, #tpu.memory_space<vmem>>, vector<1x1000x1024xf32>
    %get3A_2640 = vector.shape_cast %get3A_2639 : vector<1x1000x1024xf32> to vector<1000x1024xf32>
    %reduce_sum3A_2641 = vector.shape_cast %get3A_2640 : vector<1000x1024xf32> to vector<1x1000x1024xf32>
    %reduce_sum3A_2642 = arith.constant dense<0.000000e+00> : vector<1xf32>
    %reduce_sum3A_2643 = vector.multi_reduction <add>, %reduce_sum3A_2641, %reduce_sum3A_2642 [1, 2] : vector<1x1000x1024xf32> to vector<1xf32>
    %reduce_sum3A_2644 = vector.shape_cast %reduce_sum3A_2643 : vector<1xf32> to vector<1x1x1xf32>
    %reduce_sum3A_2645 = vector.extract %reduce_sum3A_2644[0, 0, 0] : f32 from vector<1x1x1xf32>
    %add3A_2646 = arith.addf %add3A_2613, %reduce_sum3A_2645 : f32
    %dma_start3A_2647 = arith.constant 5 : i32
    %dma_start3A_2648 = arith.constant 5 : i32
    %dma_start3A_2649 = tpu.memref_slice %arg3[%dma_start3A_2648] : memref<8x!tpu.dma_semaphore, #tpu.memory_space<semaphore_mem>> -> memref<1x!tpu.dma_semaphore, #tpu.memory_space<semaphore_mem>>
    %dma_start3A_2650 = tpu.memref_squeeze %dma_start3A_2649 : memref<1x!tpu.dma_semaphore, #tpu.memory_space<semaphore_mem>> -> memref<!tpu.dma_semaphore, #tpu.memory_space<semaphore_mem>>
    %dma_start3A_2651 = arith.constant 0 : i32
    %dma_start3A_2652 = arith.constant 0 : i32
    %dma_start3A_2653 = tpu.memref_slice %arg2[%dma_start3A_2647, %dma_start3A_2651, %dma_start3A_2652] : memref<8x1000x1024xf32, #tpu.memory_space<vmem>> -> memref<1x1000x1024xf32, #tpu.memory_space<vmem>>
    %dma_start3A_2654 = tpu.memref_squeeze %dma_start3A_2653 : memref<1x1000x1024xf32, #tpu.memory_space<vmem>> -> memref<1000x1024xf32, #tpu.memory_space<vmem>>
    %dma_start3A_2655 = arith.constant 85000 : i32
    %dma_start3A_2656 = arith.constant 0 : i32
    %dma_start3A_2657 = tpu.memref_slice %arg0[%dma_start3A_2655, %dma_start3A_2656] : memref<100000x1024xf32, #tpu.memory_space<any>> -> memref<1000x1024xf32, #tpu.memory_space<any>>
    tpu.enqueue_dma source(%dma_start3A_2657 : memref<1000x1024xf32, #tpu.memory_space<any>>) target(%dma_start3A_2654 : memref<1000x1024xf32, #tpu.memory_space<vmem>>) target_semaphore(%dma_start3A_2650 : memref<!tpu.dma_semaphore, #tpu.memory_space<semaphore_mem>>)
    %dma_wait3A_2658 = arith.constant 6 : i32
    %dma_wait3A_2659 = arith.constant 6 : i32
    %dma_wait3A_2660 = tpu.memref_slice %arg3[%dma_wait3A_2659] : memref<8x!tpu.dma_semaphore, #tpu.memory_space<semaphore_mem>> -> memref<1x!tpu.dma_semaphore, #tpu.memory_space<semaphore_mem>>
    %dma_wait3A_2661 = tpu.memref_squeeze %dma_wait3A_2660 : memref<1x!tpu.dma_semaphore, #tpu.memory_space<semaphore_mem>> -> memref<!tpu.dma_semaphore, #tpu.memory_space<semaphore_mem>>
    %dma_wait3A_2662 = arith.constant 0 : i32
    %dma_wait3A_2663 = arith.constant 0 : i32
    %dma_wait3A_2664 = tpu.memref_slice %arg2[%dma_wait3A_2658, %dma_wait3A_2662, %dma_wait3A_2663] : memref<8x1000x1024xf32, #tpu.memory_space<vmem>> -> memref<1x1000x1024xf32, #tpu.memory_space<vmem>>
    %dma_wait3A_2665 = tpu.memref_squeeze %dma_wait3A_2664 : memref<1x1000x1024xf32, #tpu.memory_space<vmem>> -> memref<1000x1024xf32, #tpu.memory_space<vmem>>
    %dma_wait3A_2666 = arith.constant 78000 : i32
    %dma_wait3A_2667 = arith.constant 0 : i32
    %dma_wait3A_2668 = tpu.memref_slice %arg0[%dma_wait3A_2666, %dma_wait3A_2667] : memref<100000x1024xf32, #tpu.memory_space<any>> -> memref<1000x1024xf32, #tpu.memory_space<any>>
    tpu.wait_dma2 semaphore(%dma_wait3A_2661 : memref<!tpu.dma_semaphore, #tpu.memory_space<semaphore_mem>>) src(%dma_wait3A_2668 : memref<1000x1024xf32, #tpu.memory_space<any>>) dst(%dma_wait3A_2665 : memref<1000x1024xf32, #tpu.memory_space<vmem>>)
    %get3A_2669 = arith.constant 6 : index
    %get3A_2670 = arith.constant 0 : index
    %get3A_2671 = arith.constant 0 : index
    %get3A_2672 = vector.load %arg2[%get3A_2669, %get3A_2670, %get3A_2671] : memref<8x1000x1024xf32, #tpu.memory_space<vmem>>, vector<1x1000x1024xf32>
    %get3A_2673 = vector.shape_cast %get3A_2672 : vector<1x1000x1024xf32> to vector<1000x1024xf32>
    %reduce_sum3A_2674 = vector.shape_cast %get3A_2673 : vector<1000x1024xf32> to vector<1x1000x1024xf32>
    %reduce_sum3A_2675 = arith.constant dense<0.000000e+00> : vector<1xf32>
    %reduce_sum3A_2676 = vector.multi_reduction <add>, %reduce_sum3A_2674, %reduce_sum3A_2675 [1, 2] : vector<1x1000x1024xf32> to vector<1xf32>
    %reduce_sum3A_2677 = vector.shape_cast %reduce_sum3A_2676 : vector<1xf32> to vector<1x1x1xf32>
    %reduce_sum3A_2678 = vector.extract %reduce_sum3A_2677[0, 0, 0] : f32 from vector<1x1x1xf32>
    %add3A_2679 = arith.addf %add3A_2646, %reduce_sum3A_2678 : f32
    %dma_start3A_2680 = arith.constant 6 : i32
    %dma_start3A_2681 = arith.constant 6 : i32
    %dma_start3A_2682 = tpu.memref_slice %arg3[%dma_start3A_2681] : memref<8x!tpu.dma_semaphore, #tpu.memory_space<semaphore_mem>> -> memref<1x!tpu.dma_semaphore, #tpu.memory_space<semaphore_mem>>
    %dma_start3A_2683 = tpu.memref_squeeze %dma_start3A_2682 : memref<1x!tpu.dma_semaphore, #tpu.memory_space<semaphore_mem>> -> memref<!tpu.dma_semaphore, #tpu.memory_space<semaphore_mem>>
    %dma_start3A_2684 = arith.constant 0 : i32
    %dma_start3A_2685 = arith.constant 0 : i32
    %dma_start3A_2686 = tpu.memref_slice %arg2[%dma_start3A_2680, %dma_start3A_2684, %dma_start3A_2685] : memref<8x1000x1024xf32, #tpu.memory_space<vmem>> -> memref<1x1000x1024xf32, #tpu.memory_space<vmem>>
    %dma_start3A_2687 = tpu.memref_squeeze %dma_start3A_2686 : memref<1x1000x1024xf32, #tpu.memory_space<vmem>> -> memref<1000x1024xf32, #tpu.memory_space<vmem>>
    %dma_start3A_2688 = arith.constant 86000 : i32
    %dma_start3A_2689 = arith.constant 0 : i32
    %dma_start3A_2690 = tpu.memref_slice %arg0[%dma_start3A_2688, %dma_start3A_2689] : memref<100000x1024xf32, #tpu.memory_space<any>> -> memref<1000x1024xf32, #tpu.memory_space<any>>
    tpu.enqueue_dma source(%dma_start3A_2690 : memref<1000x1024xf32, #tpu.memory_space<any>>) target(%dma_start3A_2687 : memref<1000x1024xf32, #tpu.memory_space<vmem>>) target_semaphore(%dma_start3A_2683 : memref<!tpu.dma_semaphore, #tpu.memory_space<semaphore_mem>>)
    %dma_wait3A_2691 = arith.constant 7 : i32
    %dma_wait3A_2692 = arith.constant 7 : i32
    %dma_wait3A_2693 = tpu.memref_slice %arg3[%dma_wait3A_2692] : memref<8x!tpu.dma_semaphore, #tpu.memory_space<semaphore_mem>> -> memref<1x!tpu.dma_semaphore, #tpu.memory_space<semaphore_mem>>
    %dma_wait3A_2694 = tpu.memref_squeeze %dma_wait3A_2693 : memref<1x!tpu.dma_semaphore, #tpu.memory_space<semaphore_mem>> -> memref<!tpu.dma_semaphore, #tpu.memory_space<semaphore_mem>>
    %dma_wait3A_2695 = arith.constant 0 : i32
    %dma_wait3A_2696 = arith.constant 0 : i32
    %dma_wait3A_2697 = tpu.memref_slice %arg2[%dma_wait3A_2691, %dma_wait3A_2695, %dma_wait3A_2696] : memref<8x1000x1024xf32, #tpu.memory_space<vmem>> -> memref<1x1000x1024xf32, #tpu.memory_space<vmem>>
    %dma_wait3A_2698 = tpu.memref_squeeze %dma_wait3A_2697 : memref<1x1000x1024xf32, #tpu.memory_space<vmem>> -> memref<1000x1024xf32, #tpu.memory_space<vmem>>
    %dma_wait3A_2699 = arith.constant 79000 : i32
    %dma_wait3A_2700 = arith.constant 0 : i32
    %dma_wait3A_2701 = tpu.memref_slice %arg0[%dma_wait3A_2699, %dma_wait3A_2700] : memref<100000x1024xf32, #tpu.memory_space<any>> -> memref<1000x1024xf32, #tpu.memory_space<any>>
    tpu.wait_dma2 semaphore(%dma_wait3A_2694 : memref<!tpu.dma_semaphore, #tpu.memory_space<semaphore_mem>>) src(%dma_wait3A_2701 : memref<1000x1024xf32, #tpu.memory_space<any>>) dst(%dma_wait3A_2698 : memref<1000x1024xf32, #tpu.memory_space<vmem>>)
    %get3A_2702 = arith.constant 7 : index
    %get3A_2703 = arith.constant 0 : index
    %get3A_2704 = arith.constant 0 : index
    %get3A_2705 = vector.load %arg2[%get3A_2702, %get3A_2703, %get3A_2704] : memref<8x1000x1024xf32, #tpu.memory_space<vmem>>, vector<1x1000x1024xf32>
    %get3A_2706 = vector.shape_cast %get3A_2705 : vector<1x1000x1024xf32> to vector<1000x1024xf32>
    %reduce_sum3A_2707 = vector.shape_cast %get3A_2706 : vector<1000x1024xf32> to vector<1x1000x1024xf32>
    %reduce_sum3A_2708 = arith.constant dense<0.000000e+00> : vector<1xf32>
    %reduce_sum3A_2709 = vector.multi_reduction <add>, %reduce_sum3A_2707, %reduce_sum3A_2708 [1, 2] : vector<1x1000x1024xf32> to vector<1xf32>
    %reduce_sum3A_2710 = vector.shape_cast %reduce_sum3A_2709 : vector<1xf32> to vector<1x1x1xf32>
    %reduce_sum3A_2711 = vector.extract %reduce_sum3A_2710[0, 0, 0] : f32 from vector<1x1x1xf32>
    %add3A_2712 = arith.addf %add3A_2679, %reduce_sum3A_2711 : f32
    %dma_start3A_2713 = arith.constant 7 : i32
    %dma_start3A_2714 = arith.constant 7 : i32
    %dma_start3A_2715 = tpu.memref_slice %arg3[%dma_start3A_2714] : memref<8x!tpu.dma_semaphore, #tpu.memory_space<semaphore_mem>> -> memref<1x!tpu.dma_semaphore, #tpu.memory_space<semaphore_mem>>
    %dma_start3A_2716 = tpu.memref_squeeze %dma_start3A_2715 : memref<1x!tpu.dma_semaphore, #tpu.memory_space<semaphore_mem>> -> memref<!tpu.dma_semaphore, #tpu.memory_space<semaphore_mem>>
    %dma_start3A_2717 = arith.constant 0 : i32
    %dma_start3A_2718 = arith.constant 0 : i32
    %dma_start3A_2719 = tpu.memref_slice %arg2[%dma_start3A_2713, %dma_start3A_2717, %dma_start3A_2718] : memref<8x1000x1024xf32, #tpu.memory_space<vmem>> -> memref<1x1000x1024xf32, #tpu.memory_space<vmem>>
    %dma_start3A_2720 = tpu.memref_squeeze %dma_start3A_2719 : memref<1x1000x1024xf32, #tpu.memory_space<vmem>> -> memref<1000x1024xf32, #tpu.memory_space<vmem>>
    %dma_start3A_2721 = arith.constant 87000 : i32
    %dma_start3A_2722 = arith.constant 0 : i32
    %dma_start3A_2723 = tpu.memref_slice %arg0[%dma_start3A_2721, %dma_start3A_2722] : memref<100000x1024xf32, #tpu.memory_space<any>> -> memref<1000x1024xf32, #tpu.memory_space<any>>
    tpu.enqueue_dma source(%dma_start3A_2723 : memref<1000x1024xf32, #tpu.memory_space<any>>) target(%dma_start3A_2720 : memref<1000x1024xf32, #tpu.memory_space<vmem>>) target_semaphore(%dma_start3A_2716 : memref<!tpu.dma_semaphore, #tpu.memory_space<semaphore_mem>>)
    %dma_wait3A_2724 = arith.constant 0 : i32
    %dma_wait3A_2725 = arith.constant 0 : i32
    %dma_wait3A_2726 = tpu.memref_slice %arg3[%dma_wait3A_2725] : memref<8x!tpu.dma_semaphore, #tpu.memory_space<semaphore_mem>> -> memref<1x!tpu.dma_semaphore, #tpu.memory_space<semaphore_mem>>
    %dma_wait3A_2727 = tpu.memref_squeeze %dma_wait3A_2726 : memref<1x!tpu.dma_semaphore, #tpu.memory_space<semaphore_mem>> -> memref<!tpu.dma_semaphore, #tpu.memory_space<semaphore_mem>>
    %dma_wait3A_2728 = arith.constant 0 : i32
    %dma_wait3A_2729 = arith.constant 0 : i32
    %dma_wait3A_2730 = tpu.memref_slice %arg2[%dma_wait3A_2724, %dma_wait3A_2728, %dma_wait3A_2729] : memref<8x1000x1024xf32, #tpu.memory_space<vmem>> -> memref<1x1000x1024xf32, #tpu.memory_space<vmem>>
    %dma_wait3A_2731 = tpu.memref_squeeze %dma_wait3A_2730 : memref<1x1000x1024xf32, #tpu.memory_space<vmem>> -> memref<1000x1024xf32, #tpu.memory_space<vmem>>
    %dma_wait3A_2732 = arith.constant 80000 : i32
    %dma_wait3A_2733 = arith.constant 0 : i32
    %dma_wait3A_2734 = tpu.memref_slice %arg0[%dma_wait3A_2732, %dma_wait3A_2733] : memref<100000x1024xf32, #tpu.memory_space<any>> -> memref<1000x1024xf32, #tpu.memory_space<any>>
    tpu.wait_dma2 semaphore(%dma_wait3A_2727 : memref<!tpu.dma_semaphore, #tpu.memory_space<semaphore_mem>>) src(%dma_wait3A_2734 : memref<1000x1024xf32, #tpu.memory_space<any>>) dst(%dma_wait3A_2731 : memref<1000x1024xf32, #tpu.memory_space<vmem>>)
    %get3A_2735 = arith.constant 0 : index
    %get3A_2736 = arith.constant 0 : index
    %get3A_2737 = arith.constant 0 : index
    %get3A_2738 = vector.load %arg2[%get3A_2735, %get3A_2736, %get3A_2737] : memref<8x1000x1024xf32, #tpu.memory_space<vmem>>, vector<1x1000x1024xf32>
    %get3A_2739 = vector.shape_cast %get3A_2738 : vector<1x1000x1024xf32> to vector<1000x1024xf32>
    %reduce_sum3A_2740 = vector.shape_cast %get3A_2739 : vector<1000x1024xf32> to vector<1x1000x1024xf32>
    %reduce_sum3A_2741 = arith.constant dense<0.000000e+00> : vector<1xf32>
    %reduce_sum3A_2742 = vector.multi_reduction <add>, %reduce_sum3A_2740, %reduce_sum3A_2741 [1, 2] : vector<1x1000x1024xf32> to vector<1xf32>
    %reduce_sum3A_2743 = vector.shape_cast %reduce_sum3A_2742 : vector<1xf32> to vector<1x1x1xf32>
    %reduce_sum3A_2744 = vector.extract %reduce_sum3A_2743[0, 0, 0] : f32 from vector<1x1x1xf32>
    %add3A_2745 = arith.addf %add3A_2712, %reduce_sum3A_2744 : f32
    %dma_start3A_2746 = arith.constant 0 : i32
    %dma_start3A_2747 = arith.constant 0 : i32
    %dma_start3A_2748 = tpu.memref_slice %arg3[%dma_start3A_2747] : memref<8x!tpu.dma_semaphore, #tpu.memory_space<semaphore_mem>> -> memref<1x!tpu.dma_semaphore, #tpu.memory_space<semaphore_mem>>
    %dma_start3A_2749 = tpu.memref_squeeze %dma_start3A_2748 : memref<1x!tpu.dma_semaphore, #tpu.memory_space<semaphore_mem>> -> memref<!tpu.dma_semaphore, #tpu.memory_space<semaphore_mem>>
    %dma_start3A_2750 = arith.constant 0 : i32
    %dma_start3A_2751 = arith.constant 0 : i32
    %dma_start3A_2752 = tpu.memref_slice %arg2[%dma_start3A_2746, %dma_start3A_2750, %dma_start3A_2751] : memref<8x1000x1024xf32, #tpu.memory_space<vmem>> -> memref<1x1000x1024xf32, #tpu.memory_space<vmem>>
    %dma_start3A_2753 = tpu.memref_squeeze %dma_start3A_2752 : memref<1x1000x1024xf32, #tpu.memory_space<vmem>> -> memref<1000x1024xf32, #tpu.memory_space<vmem>>
    %dma_start3A_2754 = arith.constant 88000 : i32
    %dma_start3A_2755 = arith.constant 0 : i32
    %dma_start3A_2756 = tpu.memref_slice %arg0[%dma_start3A_2754, %dma_start3A_2755] : memref<100000x1024xf32, #tpu.memory_space<any>> -> memref<1000x1024xf32, #tpu.memory_space<any>>
    tpu.enqueue_dma source(%dma_start3A_2756 : memref<1000x1024xf32, #tpu.memory_space<any>>) target(%dma_start3A_2753 : memref<1000x1024xf32, #tpu.memory_space<vmem>>) target_semaphore(%dma_start3A_2749 : memref<!tpu.dma_semaphore, #tpu.memory_space<semaphore_mem>>)
    %dma_wait3A_2757 = arith.constant 1 : i32
    %dma_wait3A_2758 = arith.constant 1 : i32
    %dma_wait3A_2759 = tpu.memref_slice %arg3[%dma_wait3A_2758] : memref<8x!tpu.dma_semaphore, #tpu.memory_space<semaphore_mem>> -> memref<1x!tpu.dma_semaphore, #tpu.memory_space<semaphore_mem>>
    %dma_wait3A_2760 = tpu.memref_squeeze %dma_wait3A_2759 : memref<1x!tpu.dma_semaphore, #tpu.memory_space<semaphore_mem>> -> memref<!tpu.dma_semaphore, #tpu.memory_space<semaphore_mem>>
    %dma_wait3A_2761 = arith.constant 0 : i32
    %dma_wait3A_2762 = arith.constant 0 : i32
    %dma_wait3A_2763 = tpu.memref_slice %arg2[%dma_wait3A_2757, %dma_wait3A_2761, %dma_wait3A_2762] : memref<8x1000x1024xf32, #tpu.memory_space<vmem>> -> memref<1x1000x1024xf32, #tpu.memory_space<vmem>>
    %dma_wait3A_2764 = tpu.memref_squeeze %dma_wait3A_2763 : memref<1x1000x1024xf32, #tpu.memory_space<vmem>> -> memref<1000x1024xf32, #tpu.memory_space<vmem>>
    %dma_wait3A_2765 = arith.constant 81000 : i32
    %dma_wait3A_2766 = arith.constant 0 : i32
    %dma_wait3A_2767 = tpu.memref_slice %arg0[%dma_wait3A_2765, %dma_wait3A_2766] : memref<100000x1024xf32, #tpu.memory_space<any>> -> memref<1000x1024xf32, #tpu.memory_space<any>>
    tpu.wait_dma2 semaphore(%dma_wait3A_2760 : memref<!tpu.dma_semaphore, #tpu.memory_space<semaphore_mem>>) src(%dma_wait3A_2767 : memref<1000x1024xf32, #tpu.memory_space<any>>) dst(%dma_wait3A_2764 : memref<1000x1024xf32, #tpu.memory_space<vmem>>)
    %get3A_2768 = arith.constant 1 : index
    %get3A_2769 = arith.constant 0 : index
    %get3A_2770 = arith.constant 0 : index
    %get3A_2771 = vector.load %arg2[%get3A_2768, %get3A_2769, %get3A_2770] : memref<8x1000x1024xf32, #tpu.memory_space<vmem>>, vector<1x1000x1024xf32>
    %get3A_2772 = vector.shape_cast %get3A_2771 : vector<1x1000x1024xf32> to vector<1000x1024xf32>
    %reduce_sum3A_2773 = vector.shape_cast %get3A_2772 : vector<1000x1024xf32> to vector<1x1000x1024xf32>
    %reduce_sum3A_2774 = arith.constant dense<0.000000e+00> : vector<1xf32>
    %reduce_sum3A_2775 = vector.multi_reduction <add>, %reduce_sum3A_2773, %reduce_sum3A_2774 [1, 2] : vector<1x1000x1024xf32> to vector<1xf32>
    %reduce_sum3A_2776 = vector.shape_cast %reduce_sum3A_2775 : vector<1xf32> to vector<1x1x1xf32>
    %reduce_sum3A_2777 = vector.extract %reduce_sum3A_2776[0, 0, 0] : f32 from vector<1x1x1xf32>
    %add3A_2778 = arith.addf %add3A_2745, %reduce_sum3A_2777 : f32
    %dma_start3A_2779 = arith.constant 1 : i32
    %dma_start3A_2780 = arith.constant 1 : i32
    %dma_start3A_2781 = tpu.memref_slice %arg3[%dma_start3A_2780] : memref<8x!tpu.dma_semaphore, #tpu.memory_space<semaphore_mem>> -> memref<1x!tpu.dma_semaphore, #tpu.memory_space<semaphore_mem>>
    %dma_start3A_2782 = tpu.memref_squeeze %dma_start3A_2781 : memref<1x!tpu.dma_semaphore, #tpu.memory_space<semaphore_mem>> -> memref<!tpu.dma_semaphore, #tpu.memory_space<semaphore_mem>>
    %dma_start3A_2783 = arith.constant 0 : i32
    %dma_start3A_2784 = arith.constant 0 : i32
    %dma_start3A_2785 = tpu.memref_slice %arg2[%dma_start3A_2779, %dma_start3A_2783, %dma_start3A_2784] : memref<8x1000x1024xf32, #tpu.memory_space<vmem>> -> memref<1x1000x1024xf32, #tpu.memory_space<vmem>>
    %dma_start3A_2786 = tpu.memref_squeeze %dma_start3A_2785 : memref<1x1000x1024xf32, #tpu.memory_space<vmem>> -> memref<1000x1024xf32, #tpu.memory_space<vmem>>
    %dma_start3A_2787 = arith.constant 89000 : i32
    %dma_start3A_2788 = arith.constant 0 : i32
    %dma_start3A_2789 = tpu.memref_slice %arg0[%dma_start3A_2787, %dma_start3A_2788] : memref<100000x1024xf32, #tpu.memory_space<any>> -> memref<1000x1024xf32, #tpu.memory_space<any>>
    tpu.enqueue_dma source(%dma_start3A_2789 : memref<1000x1024xf32, #tpu.memory_space<any>>) target(%dma_start3A_2786 : memref<1000x1024xf32, #tpu.memory_space<vmem>>) target_semaphore(%dma_start3A_2782 : memref<!tpu.dma_semaphore, #tpu.memory_space<semaphore_mem>>)
    %dma_wait3A_2790 = arith.constant 2 : i32
    %dma_wait3A_2791 = arith.constant 2 : i32
    %dma_wait3A_2792 = tpu.memref_slice %arg3[%dma_wait3A_2791] : memref<8x!tpu.dma_semaphore, #tpu.memory_space<semaphore_mem>> -> memref<1x!tpu.dma_semaphore, #tpu.memory_space<semaphore_mem>>
    %dma_wait3A_2793 = tpu.memref_squeeze %dma_wait3A_2792 : memref<1x!tpu.dma_semaphore, #tpu.memory_space<semaphore_mem>> -> memref<!tpu.dma_semaphore, #tpu.memory_space<semaphore_mem>>
    %dma_wait3A_2794 = arith.constant 0 : i32
    %dma_wait3A_2795 = arith.constant 0 : i32
    %dma_wait3A_2796 = tpu.memref_slice %arg2[%dma_wait3A_2790, %dma_wait3A_2794, %dma_wait3A_2795] : memref<8x1000x1024xf32, #tpu.memory_space<vmem>> -> memref<1x1000x1024xf32, #tpu.memory_space<vmem>>
    %dma_wait3A_2797 = tpu.memref_squeeze %dma_wait3A_2796 : memref<1x1000x1024xf32, #tpu.memory_space<vmem>> -> memref<1000x1024xf32, #tpu.memory_space<vmem>>
    %dma_wait3A_2798 = arith.constant 82000 : i32
    %dma_wait3A_2799 = arith.constant 0 : i32
    %dma_wait3A_2800 = tpu.memref_slice %arg0[%dma_wait3A_2798, %dma_wait3A_2799] : memref<100000x1024xf32, #tpu.memory_space<any>> -> memref<1000x1024xf32, #tpu.memory_space<any>>
    tpu.wait_dma2 semaphore(%dma_wait3A_2793 : memref<!tpu.dma_semaphore, #tpu.memory_space<semaphore_mem>>) src(%dma_wait3A_2800 : memref<1000x1024xf32, #tpu.memory_space<any>>) dst(%dma_wait3A_2797 : memref<1000x1024xf32, #tpu.memory_space<vmem>>)
    %get3A_2801 = arith.constant 2 : index
    %get3A_2802 = arith.constant 0 : index
    %get3A_2803 = arith.constant 0 : index
    %get3A_2804 = vector.load %arg2[%get3A_2801, %get3A_2802, %get3A_2803] : memref<8x1000x1024xf32, #tpu.memory_space<vmem>>, vector<1x1000x1024xf32>
    %get3A_2805 = vector.shape_cast %get3A_2804 : vector<1x1000x1024xf32> to vector<1000x1024xf32>
    %reduce_sum3A_2806 = vector.shape_cast %get3A_2805 : vector<1000x1024xf32> to vector<1x1000x1024xf32>
    %reduce_sum3A_2807 = arith.constant dense<0.000000e+00> : vector<1xf32>
    %reduce_sum3A_2808 = vector.multi_reduction <add>, %reduce_sum3A_2806, %reduce_sum3A_2807 [1, 2] : vector<1x1000x1024xf32> to vector<1xf32>
    %reduce_sum3A_2809 = vector.shape_cast %reduce_sum3A_2808 : vector<1xf32> to vector<1x1x1xf32>
    %reduce_sum3A_2810 = vector.extract %reduce_sum3A_2809[0, 0, 0] : f32 from vector<1x1x1xf32>
    %add3A_2811 = arith.addf %add3A_2778, %reduce_sum3A_2810 : f32
    %dma_start3A_2812 = arith.constant 2 : i32
    %dma_start3A_2813 = arith.constant 2 : i32
    %dma_start3A_2814 = tpu.memref_slice %arg3[%dma_start3A_2813] : memref<8x!tpu.dma_semaphore, #tpu.memory_space<semaphore_mem>> -> memref<1x!tpu.dma_semaphore, #tpu.memory_space<semaphore_mem>>
    %dma_start3A_2815 = tpu.memref_squeeze %dma_start3A_2814 : memref<1x!tpu.dma_semaphore, #tpu.memory_space<semaphore_mem>> -> memref<!tpu.dma_semaphore, #tpu.memory_space<semaphore_mem>>
    %dma_start3A_2816 = arith.constant 0 : i32
    %dma_start3A_2817 = arith.constant 0 : i32
    %dma_start3A_2818 = tpu.memref_slice %arg2[%dma_start3A_2812, %dma_start3A_2816, %dma_start3A_2817] : memref<8x1000x1024xf32, #tpu.memory_space<vmem>> -> memref<1x1000x1024xf32, #tpu.memory_space<vmem>>
    %dma_start3A_2819 = tpu.memref_squeeze %dma_start3A_2818 : memref<1x1000x1024xf32, #tpu.memory_space<vmem>> -> memref<1000x1024xf32, #tpu.memory_space<vmem>>
    %dma_start3A_2820 = arith.constant 90000 : i32
    %dma_start3A_2821 = arith.constant 0 : i32
    %dma_start3A_2822 = tpu.memref_slice %arg0[%dma_start3A_2820, %dma_start3A_2821] : memref<100000x1024xf32, #tpu.memory_space<any>> -> memref<1000x1024xf32, #tpu.memory_space<any>>
    tpu.enqueue_dma source(%dma_start3A_2822 : memref<1000x1024xf32, #tpu.memory_space<any>>) target(%dma_start3A_2819 : memref<1000x1024xf32, #tpu.memory_space<vmem>>) target_semaphore(%dma_start3A_2815 : memref<!tpu.dma_semaphore, #tpu.memory_space<semaphore_mem>>)
    %dma_wait3A_2823 = arith.constant 3 : i32
    %dma_wait3A_2824 = arith.constant 3 : i32
    %dma_wait3A_2825 = tpu.memref_slice %arg3[%dma_wait3A_2824] : memref<8x!tpu.dma_semaphore, #tpu.memory_space<semaphore_mem>> -> memref<1x!tpu.dma_semaphore, #tpu.memory_space<semaphore_mem>>
    %dma_wait3A_2826 = tpu.memref_squeeze %dma_wait3A_2825 : memref<1x!tpu.dma_semaphore, #tpu.memory_space<semaphore_mem>> -> memref<!tpu.dma_semaphore, #tpu.memory_space<semaphore_mem>>
    %dma_wait3A_2827 = arith.constant 0 : i32
    %dma_wait3A_2828 = arith.constant 0 : i32
    %dma_wait3A_2829 = tpu.memref_slice %arg2[%dma_wait3A_2823, %dma_wait3A_2827, %dma_wait3A_2828] : memref<8x1000x1024xf32, #tpu.memory_space<vmem>> -> memref<1x1000x1024xf32, #tpu.memory_space<vmem>>
    %dma_wait3A_2830 = tpu.memref_squeeze %dma_wait3A_2829 : memref<1x1000x1024xf32, #tpu.memory_space<vmem>> -> memref<1000x1024xf32, #tpu.memory_space<vmem>>
    %dma_wait3A_2831 = arith.constant 83000 : i32
    %dma_wait3A_2832 = arith.constant 0 : i32
    %dma_wait3A_2833 = tpu.memref_slice %arg0[%dma_wait3A_2831, %dma_wait3A_2832] : memref<100000x1024xf32, #tpu.memory_space<any>> -> memref<1000x1024xf32, #tpu.memory_space<any>>
    tpu.wait_dma2 semaphore(%dma_wait3A_2826 : memref<!tpu.dma_semaphore, #tpu.memory_space<semaphore_mem>>) src(%dma_wait3A_2833 : memref<1000x1024xf32, #tpu.memory_space<any>>) dst(%dma_wait3A_2830 : memref<1000x1024xf32, #tpu.memory_space<vmem>>)
    %get3A_2834 = arith.constant 3 : index
    %get3A_2835 = arith.constant 0 : index
    %get3A_2836 = arith.constant 0 : index
    %get3A_2837 = vector.load %arg2[%get3A_2834, %get3A_2835, %get3A_2836] : memref<8x1000x1024xf32, #tpu.memory_space<vmem>>, vector<1x1000x1024xf32>
    %get3A_2838 = vector.shape_cast %get3A_2837 : vector<1x1000x1024xf32> to vector<1000x1024xf32>
    %reduce_sum3A_2839 = vector.shape_cast %get3A_2838 : vector<1000x1024xf32> to vector<1x1000x1024xf32>
    %reduce_sum3A_2840 = arith.constant dense<0.000000e+00> : vector<1xf32>
    %reduce_sum3A_2841 = vector.multi_reduction <add>, %reduce_sum3A_2839, %reduce_sum3A_2840 [1, 2] : vector<1x1000x1024xf32> to vector<1xf32>
    %reduce_sum3A_2842 = vector.shape_cast %reduce_sum3A_2841 : vector<1xf32> to vector<1x1x1xf32>
    %reduce_sum3A_2843 = vector.extract %reduce_sum3A_2842[0, 0, 0] : f32 from vector<1x1x1xf32>
    %add3A_2844 = arith.addf %add3A_2811, %reduce_sum3A_2843 : f32
    %dma_start3A_2845 = arith.constant 3 : i32
    %dma_start3A_2846 = arith.constant 3 : i32
    %dma_start3A_2847 = tpu.memref_slice %arg3[%dma_start3A_2846] : memref<8x!tpu.dma_semaphore, #tpu.memory_space<semaphore_mem>> -> memref<1x!tpu.dma_semaphore, #tpu.memory_space<semaphore_mem>>
    %dma_start3A_2848 = tpu.memref_squeeze %dma_start3A_2847 : memref<1x!tpu.dma_semaphore, #tpu.memory_space<semaphore_mem>> -> memref<!tpu.dma_semaphore, #tpu.memory_space<semaphore_mem>>
    %dma_start3A_2849 = arith.constant 0 : i32
    %dma_start3A_2850 = arith.constant 0 : i32
    %dma_start3A_2851 = tpu.memref_slice %arg2[%dma_start3A_2845, %dma_start3A_2849, %dma_start3A_2850] : memref<8x1000x1024xf32, #tpu.memory_space<vmem>> -> memref<1x1000x1024xf32, #tpu.memory_space<vmem>>
    %dma_start3A_2852 = tpu.memref_squeeze %dma_start3A_2851 : memref<1x1000x1024xf32, #tpu.memory_space<vmem>> -> memref<1000x1024xf32, #tpu.memory_space<vmem>>
    %dma_start3A_2853 = arith.constant 91000 : i32
    %dma_start3A_2854 = arith.constant 0 : i32
    %dma_start3A_2855 = tpu.memref_slice %arg0[%dma_start3A_2853, %dma_start3A_2854] : memref<100000x1024xf32, #tpu.memory_space<any>> -> memref<1000x1024xf32, #tpu.memory_space<any>>
    tpu.enqueue_dma source(%dma_start3A_2855 : memref<1000x1024xf32, #tpu.memory_space<any>>) target(%dma_start3A_2852 : memref<1000x1024xf32, #tpu.memory_space<vmem>>) target_semaphore(%dma_start3A_2848 : memref<!tpu.dma_semaphore, #tpu.memory_space<semaphore_mem>>)
    %dma_wait3A_2856 = arith.constant 4 : i32
    %dma_wait3A_2857 = arith.constant 4 : i32
    %dma_wait3A_2858 = tpu.memref_slice %arg3[%dma_wait3A_2857] : memref<8x!tpu.dma_semaphore, #tpu.memory_space<semaphore_mem>> -> memref<1x!tpu.dma_semaphore, #tpu.memory_space<semaphore_mem>>
    %dma_wait3A_2859 = tpu.memref_squeeze %dma_wait3A_2858 : memref<1x!tpu.dma_semaphore, #tpu.memory_space<semaphore_mem>> -> memref<!tpu.dma_semaphore, #tpu.memory_space<semaphore_mem>>
    %dma_wait3A_2860 = arith.constant 0 : i32
    %dma_wait3A_2861 = arith.constant 0 : i32
    %dma_wait3A_2862 = tpu.memref_slice %arg2[%dma_wait3A_2856, %dma_wait3A_2860, %dma_wait3A_2861] : memref<8x1000x1024xf32, #tpu.memory_space<vmem>> -> memref<1x1000x1024xf32, #tpu.memory_space<vmem>>
    %dma_wait3A_2863 = tpu.memref_squeeze %dma_wait3A_2862 : memref<1x1000x1024xf32, #tpu.memory_space<vmem>> -> memref<1000x1024xf32, #tpu.memory_space<vmem>>
    %dma_wait3A_2864 = arith.constant 84000 : i32
    %dma_wait3A_2865 = arith.constant 0 : i32
    %dma_wait3A_2866 = tpu.memref_slice %arg0[%dma_wait3A_2864, %dma_wait3A_2865] : memref<100000x1024xf32, #tpu.memory_space<any>> -> memref<1000x1024xf32, #tpu.memory_space<any>>
    tpu.wait_dma2 semaphore(%dma_wait3A_2859 : memref<!tpu.dma_semaphore, #tpu.memory_space<semaphore_mem>>) src(%dma_wait3A_2866 : memref<1000x1024xf32, #tpu.memory_space<any>>) dst(%dma_wait3A_2863 : memref<1000x1024xf32, #tpu.memory_space<vmem>>)
    %get3A_2867 = arith.constant 4 : index
    %get3A_2868 = arith.constant 0 : index
    %get3A_2869 = arith.constant 0 : index
    %get3A_2870 = vector.load %arg2[%get3A_2867, %get3A_2868, %get3A_2869] : memref<8x1000x1024xf32, #tpu.memory_space<vmem>>, vector<1x1000x1024xf32>
    %get3A_2871 = vector.shape_cast %get3A_2870 : vector<1x1000x1024xf32> to vector<1000x1024xf32>
    %reduce_sum3A_2872 = vector.shape_cast %get3A_2871 : vector<1000x1024xf32> to vector<1x1000x1024xf32>
    %reduce_sum3A_2873 = arith.constant dense<0.000000e+00> : vector<1xf32>
    %reduce_sum3A_2874 = vector.multi_reduction <add>, %reduce_sum3A_2872, %reduce_sum3A_2873 [1, 2] : vector<1x1000x1024xf32> to vector<1xf32>
    %reduce_sum3A_2875 = vector.shape_cast %reduce_sum3A_2874 : vector<1xf32> to vector<1x1x1xf32>
    %reduce_sum3A_2876 = vector.extract %reduce_sum3A_2875[0, 0, 0] : f32 from vector<1x1x1xf32>
    %add3A_2877 = arith.addf %add3A_2844, %reduce_sum3A_2876 : f32
    %dma_start3A_2878 = arith.constant 4 : i32
    %dma_start3A_2879 = arith.constant 4 : i32
    %dma_start3A_2880 = tpu.memref_slice %arg3[%dma_start3A_2879] : memref<8x!tpu.dma_semaphore, #tpu.memory_space<semaphore_mem>> -> memref<1x!tpu.dma_semaphore, #tpu.memory_space<semaphore_mem>>
    %dma_start3A_2881 = tpu.memref_squeeze %dma_start3A_2880 : memref<1x!tpu.dma_semaphore, #tpu.memory_space<semaphore_mem>> -> memref<!tpu.dma_semaphore, #tpu.memory_space<semaphore_mem>>
    %dma_start3A_2882 = arith.constant 0 : i32
    %dma_start3A_2883 = arith.constant 0 : i32
    %dma_start3A_2884 = tpu.memref_slice %arg2[%dma_start3A_2878, %dma_start3A_2882, %dma_start3A_2883] : memref<8x1000x1024xf32, #tpu.memory_space<vmem>> -> memref<1x1000x1024xf32, #tpu.memory_space<vmem>>
    %dma_start3A_2885 = tpu.memref_squeeze %dma_start3A_2884 : memref<1x1000x1024xf32, #tpu.memory_space<vmem>> -> memref<1000x1024xf32, #tpu.memory_space<vmem>>
    %dma_start3A_2886 = arith.constant 92000 : i32
    %dma_start3A_2887 = arith.constant 0 : i32
    %dma_start3A_2888 = tpu.memref_slice %arg0[%dma_start3A_2886, %dma_start3A_2887] : memref<100000x1024xf32, #tpu.memory_space<any>> -> memref<1000x1024xf32, #tpu.memory_space<any>>
    tpu.enqueue_dma source(%dma_start3A_2888 : memref<1000x1024xf32, #tpu.memory_space<any>>) target(%dma_start3A_2885 : memref<1000x1024xf32, #tpu.memory_space<vmem>>) target_semaphore(%dma_start3A_2881 : memref<!tpu.dma_semaphore, #tpu.memory_space<semaphore_mem>>)
    %dma_wait3A_2889 = arith.constant 5 : i32
    %dma_wait3A_2890 = arith.constant 5 : i32
    %dma_wait3A_2891 = tpu.memref_slice %arg3[%dma_wait3A_2890] : memref<8x!tpu.dma_semaphore, #tpu.memory_space<semaphore_mem>> -> memref<1x!tpu.dma_semaphore, #tpu.memory_space<semaphore_mem>>
    %dma_wait3A_2892 = tpu.memref_squeeze %dma_wait3A_2891 : memref<1x!tpu.dma_semaphore, #tpu.memory_space<semaphore_mem>> -> memref<!tpu.dma_semaphore, #tpu.memory_space<semaphore_mem>>
    %dma_wait3A_2893 = arith.constant 0 : i32
    %dma_wait3A_2894 = arith.constant 0 : i32
    %dma_wait3A_2895 = tpu.memref_slice %arg2[%dma_wait3A_2889, %dma_wait3A_2893, %dma_wait3A_2894] : memref<8x1000x1024xf32, #tpu.memory_space<vmem>> -> memref<1x1000x1024xf32, #tpu.memory_space<vmem>>
    %dma_wait3A_2896 = tpu.memref_squeeze %dma_wait3A_2895 : memref<1x1000x1024xf32, #tpu.memory_space<vmem>> -> memref<1000x1024xf32, #tpu.memory_space<vmem>>
    %dma_wait3A_2897 = arith.constant 85000 : i32
    %dma_wait3A_2898 = arith.constant 0 : i32
    %dma_wait3A_2899 = tpu.memref_slice %arg0[%dma_wait3A_2897, %dma_wait3A_2898] : memref<100000x1024xf32, #tpu.memory_space<any>> -> memref<1000x1024xf32, #tpu.memory_space<any>>
    tpu.wait_dma2 semaphore(%dma_wait3A_2892 : memref<!tpu.dma_semaphore, #tpu.memory_space<semaphore_mem>>) src(%dma_wait3A_2899 : memref<1000x1024xf32, #tpu.memory_space<any>>) dst(%dma_wait3A_2896 : memref<1000x1024xf32, #tpu.memory_space<vmem>>)
    %get3A_2900 = arith.constant 5 : index
    %get3A_2901 = arith.constant 0 : index
    %get3A_2902 = arith.constant 0 : index
    %get3A_2903 = vector.load %arg2[%get3A_2900, %get3A_2901, %get3A_2902] : memref<8x1000x1024xf32, #tpu.memory_space<vmem>>, vector<1x1000x1024xf32>
    %get3A_2904 = vector.shape_cast %get3A_2903 : vector<1x1000x1024xf32> to vector<1000x1024xf32>
    %reduce_sum3A_2905 = vector.shape_cast %get3A_2904 : vector<1000x1024xf32> to vector<1x1000x1024xf32>
    %reduce_sum3A_2906 = arith.constant dense<0.000000e+00> : vector<1xf32>
    %reduce_sum3A_2907 = vector.multi_reduction <add>, %reduce_sum3A_2905, %reduce_sum3A_2906 [1, 2] : vector<1x1000x1024xf32> to vector<1xf32>
    %reduce_sum3A_2908 = vector.shape_cast %reduce_sum3A_2907 : vector<1xf32> to vector<1x1x1xf32>
    %reduce_sum3A_2909 = vector.extract %reduce_sum3A_2908[0, 0, 0] : f32 from vector<1x1x1xf32>
    %add3A_2910 = arith.addf %add3A_2877, %reduce_sum3A_2909 : f32
    %dma_start3A_2911 = arith.constant 5 : i32
    %dma_start3A_2912 = arith.constant 5 : i32
    %dma_start3A_2913 = tpu.memref_slice %arg3[%dma_start3A_2912] : memref<8x!tpu.dma_semaphore, #tpu.memory_space<semaphore_mem>> -> memref<1x!tpu.dma_semaphore, #tpu.memory_space<semaphore_mem>>
    %dma_start3A_2914 = tpu.memref_squeeze %dma_start3A_2913 : memref<1x!tpu.dma_semaphore, #tpu.memory_space<semaphore_mem>> -> memref<!tpu.dma_semaphore, #tpu.memory_space<semaphore_mem>>
    %dma_start3A_2915 = arith.constant 0 : i32
    %dma_start3A_2916 = arith.constant 0 : i32
    %dma_start3A_2917 = tpu.memref_slice %arg2[%dma_start3A_2911, %dma_start3A_2915, %dma_start3A_2916] : memref<8x1000x1024xf32, #tpu.memory_space<vmem>> -> memref<1x1000x1024xf32, #tpu.memory_space<vmem>>
    %dma_start3A_2918 = tpu.memref_squeeze %dma_start3A_2917 : memref<1x1000x1024xf32, #tpu.memory_space<vmem>> -> memref<1000x1024xf32, #tpu.memory_space<vmem>>
    %dma_start3A_2919 = arith.constant 93000 : i32
    %dma_start3A_2920 = arith.constant 0 : i32
    %dma_start3A_2921 = tpu.memref_slice %arg0[%dma_start3A_2919, %dma_start3A_2920] : memref<100000x1024xf32, #tpu.memory_space<any>> -> memref<1000x1024xf32, #tpu.memory_space<any>>
    tpu.enqueue_dma source(%dma_start3A_2921 : memref<1000x1024xf32, #tpu.memory_space<any>>) target(%dma_start3A_2918 : memref<1000x1024xf32, #tpu.memory_space<vmem>>) target_semaphore(%dma_start3A_2914 : memref<!tpu.dma_semaphore, #tpu.memory_space<semaphore_mem>>)
    %dma_wait3A_2922 = arith.constant 6 : i32
    %dma_wait3A_2923 = arith.constant 6 : i32
    %dma_wait3A_2924 = tpu.memref_slice %arg3[%dma_wait3A_2923] : memref<8x!tpu.dma_semaphore, #tpu.memory_space<semaphore_mem>> -> memref<1x!tpu.dma_semaphore, #tpu.memory_space<semaphore_mem>>
    %dma_wait3A_2925 = tpu.memref_squeeze %dma_wait3A_2924 : memref<1x!tpu.dma_semaphore, #tpu.memory_space<semaphore_mem>> -> memref<!tpu.dma_semaphore, #tpu.memory_space<semaphore_mem>>
    %dma_wait3A_2926 = arith.constant 0 : i32
    %dma_wait3A_2927 = arith.constant 0 : i32
    %dma_wait3A_2928 = tpu.memref_slice %arg2[%dma_wait3A_2922, %dma_wait3A_2926, %dma_wait3A_2927] : memref<8x1000x1024xf32, #tpu.memory_space<vmem>> -> memref<1x1000x1024xf32, #tpu.memory_space<vmem>>
    %dma_wait3A_2929 = tpu.memref_squeeze %dma_wait3A_2928 : memref<1x1000x1024xf32, #tpu.memory_space<vmem>> -> memref<1000x1024xf32, #tpu.memory_space<vmem>>
    %dma_wait3A_2930 = arith.constant 86000 : i32
    %dma_wait3A_2931 = arith.constant 0 : i32
    %dma_wait3A_2932 = tpu.memref_slice %arg0[%dma_wait3A_2930, %dma_wait3A_2931] : memref<100000x1024xf32, #tpu.memory_space<any>> -> memref<1000x1024xf32, #tpu.memory_space<any>>
    tpu.wait_dma2 semaphore(%dma_wait3A_2925 : memref<!tpu.dma_semaphore, #tpu.memory_space<semaphore_mem>>) src(%dma_wait3A_2932 : memref<1000x1024xf32, #tpu.memory_space<any>>) dst(%dma_wait3A_2929 : memref<1000x1024xf32, #tpu.memory_space<vmem>>)
    %get3A_2933 = arith.constant 6 : index
    %get3A_2934 = arith.constant 0 : index
    %get3A_2935 = arith.constant 0 : index
    %get3A_2936 = vector.load %arg2[%get3A_2933, %get3A_2934, %get3A_2935] : memref<8x1000x1024xf32, #tpu.memory_space<vmem>>, vector<1x1000x1024xf32>
    %get3A_2937 = vector.shape_cast %get3A_2936 : vector<1x1000x1024xf32> to vector<1000x1024xf32>
    %reduce_sum3A_2938 = vector.shape_cast %get3A_2937 : vector<1000x1024xf32> to vector<1x1000x1024xf32>
    %reduce_sum3A_2939 = arith.constant dense<0.000000e+00> : vector<1xf32>
    %reduce_sum3A_2940 = vector.multi_reduction <add>, %reduce_sum3A_2938, %reduce_sum3A_2939 [1, 2] : vector<1x1000x1024xf32> to vector<1xf32>
    %reduce_sum3A_2941 = vector.shape_cast %reduce_sum3A_2940 : vector<1xf32> to vector<1x1x1xf32>
    %reduce_sum3A_2942 = vector.extract %reduce_sum3A_2941[0, 0, 0] : f32 from vector<1x1x1xf32>
    %add3A_2943 = arith.addf %add3A_2910, %reduce_sum3A_2942 : f32
    %dma_start3A_2944 = arith.constant 6 : i32
    %dma_start3A_2945 = arith.constant 6 : i32
    %dma_start3A_2946 = tpu.memref_slice %arg3[%dma_start3A_2945] : memref<8x!tpu.dma_semaphore, #tpu.memory_space<semaphore_mem>> -> memref<1x!tpu.dma_semaphore, #tpu.memory_space<semaphore_mem>>
    %dma_start3A_2947 = tpu.memref_squeeze %dma_start3A_2946 : memref<1x!tpu.dma_semaphore, #tpu.memory_space<semaphore_mem>> -> memref<!tpu.dma_semaphore, #tpu.memory_space<semaphore_mem>>
    %dma_start3A_2948 = arith.constant 0 : i32
    %dma_start3A_2949 = arith.constant 0 : i32
    %dma_start3A_2950 = tpu.memref_slice %arg2[%dma_start3A_2944, %dma_start3A_2948, %dma_start3A_2949] : memref<8x1000x1024xf32, #tpu.memory_space<vmem>> -> memref<1x1000x1024xf32, #tpu.memory_space<vmem>>
    %dma_start3A_2951 = tpu.memref_squeeze %dma_start3A_2950 : memref<1x1000x1024xf32, #tpu.memory_space<vmem>> -> memref<1000x1024xf32, #tpu.memory_space<vmem>>
    %dma_start3A_2952 = arith.constant 94000 : i32
    %dma_start3A_2953 = arith.constant 0 : i32
    %dma_start3A_2954 = tpu.memref_slice %arg0[%dma_start3A_2952, %dma_start3A_2953] : memref<100000x1024xf32, #tpu.memory_space<any>> -> memref<1000x1024xf32, #tpu.memory_space<any>>
    tpu.enqueue_dma source(%dma_start3A_2954 : memref<1000x1024xf32, #tpu.memory_space<any>>) target(%dma_start3A_2951 : memref<1000x1024xf32, #tpu.memory_space<vmem>>) target_semaphore(%dma_start3A_2947 : memref<!tpu.dma_semaphore, #tpu.memory_space<semaphore_mem>>)
    %dma_wait3A_2955 = arith.constant 7 : i32
    %dma_wait3A_2956 = arith.constant 7 : i32
    %dma_wait3A_2957 = tpu.memref_slice %arg3[%dma_wait3A_2956] : memref<8x!tpu.dma_semaphore, #tpu.memory_space<semaphore_mem>> -> memref<1x!tpu.dma_semaphore, #tpu.memory_space<semaphore_mem>>
    %dma_wait3A_2958 = tpu.memref_squeeze %dma_wait3A_2957 : memref<1x!tpu.dma_semaphore, #tpu.memory_space<semaphore_mem>> -> memref<!tpu.dma_semaphore, #tpu.memory_space<semaphore_mem>>
    %dma_wait3A_2959 = arith.constant 0 : i32
    %dma_wait3A_2960 = arith.constant 0 : i32
    %dma_wait3A_2961 = tpu.memref_slice %arg2[%dma_wait3A_2955, %dma_wait3A_2959, %dma_wait3A_2960] : memref<8x1000x1024xf32, #tpu.memory_space<vmem>> -> memref<1x1000x1024xf32, #tpu.memory_space<vmem>>
    %dma_wait3A_2962 = tpu.memref_squeeze %dma_wait3A_2961 : memref<1x1000x1024xf32, #tpu.memory_space<vmem>> -> memref<1000x1024xf32, #tpu.memory_space<vmem>>
    %dma_wait3A_2963 = arith.constant 87000 : i32
    %dma_wait3A_2964 = arith.constant 0 : i32
    %dma_wait3A_2965 = tpu.memref_slice %arg0[%dma_wait3A_2963, %dma_wait3A_2964] : memref<100000x1024xf32, #tpu.memory_space<any>> -> memref<1000x1024xf32, #tpu.memory_space<any>>
    tpu.wait_dma2 semaphore(%dma_wait3A_2958 : memref<!tpu.dma_semaphore, #tpu.memory_space<semaphore_mem>>) src(%dma_wait3A_2965 : memref<1000x1024xf32, #tpu.memory_space<any>>) dst(%dma_wait3A_2962 : memref<1000x1024xf32, #tpu.memory_space<vmem>>)
    %get3A_2966 = arith.constant 7 : index
    %get3A_2967 = arith.constant 0 : index
    %get3A_2968 = arith.constant 0 : index
    %get3A_2969 = vector.load %arg2[%get3A_2966, %get3A_2967, %get3A_2968] : memref<8x1000x1024xf32, #tpu.memory_space<vmem>>, vector<1x1000x1024xf32>
    %get3A_2970 = vector.shape_cast %get3A_2969 : vector<1x1000x1024xf32> to vector<1000x1024xf32>
    %reduce_sum3A_2971 = vector.shape_cast %get3A_2970 : vector<1000x1024xf32> to vector<1x1000x1024xf32>
    %reduce_sum3A_2972 = arith.constant dense<0.000000e+00> : vector<1xf32>
    %reduce_sum3A_2973 = vector.multi_reduction <add>, %reduce_sum3A_2971, %reduce_sum3A_2972 [1, 2] : vector<1x1000x1024xf32> to vector<1xf32>
    %reduce_sum3A_2974 = vector.shape_cast %reduce_sum3A_2973 : vector<1xf32> to vector<1x1x1xf32>
    %reduce_sum3A_2975 = vector.extract %reduce_sum3A_2974[0, 0, 0] : f32 from vector<1x1x1xf32>
    %add3A_2976 = arith.addf %add3A_2943, %reduce_sum3A_2975 : f32
    %dma_start3A_2977 = arith.constant 7 : i32
    %dma_start3A_2978 = arith.constant 7 : i32
    %dma_start3A_2979 = tpu.memref_slice %arg3[%dma_start3A_2978] : memref<8x!tpu.dma_semaphore, #tpu.memory_space<semaphore_mem>> -> memref<1x!tpu.dma_semaphore, #tpu.memory_space<semaphore_mem>>
    %dma_start3A_2980 = tpu.memref_squeeze %dma_start3A_2979 : memref<1x!tpu.dma_semaphore, #tpu.memory_space<semaphore_mem>> -> memref<!tpu.dma_semaphore, #tpu.memory_space<semaphore_mem>>
    %dma_start3A_2981 = arith.constant 0 : i32
    %dma_start3A_2982 = arith.constant 0 : i32
    %dma_start3A_2983 = tpu.memref_slice %arg2[%dma_start3A_2977, %dma_start3A_2981, %dma_start3A_2982] : memref<8x1000x1024xf32, #tpu.memory_space<vmem>> -> memref<1x1000x1024xf32, #tpu.memory_space<vmem>>
    %dma_start3A_2984 = tpu.memref_squeeze %dma_start3A_2983 : memref<1x1000x1024xf32, #tpu.memory_space<vmem>> -> memref<1000x1024xf32, #tpu.memory_space<vmem>>
    %dma_start3A_2985 = arith.constant 95000 : i32
    %dma_start3A_2986 = arith.constant 0 : i32
    %dma_start3A_2987 = tpu.memref_slice %arg0[%dma_start3A_2985, %dma_start3A_2986] : memref<100000x1024xf32, #tpu.memory_space<any>> -> memref<1000x1024xf32, #tpu.memory_space<any>>
    tpu.enqueue_dma source(%dma_start3A_2987 : memref<1000x1024xf32, #tpu.memory_space<any>>) target(%dma_start3A_2984 : memref<1000x1024xf32, #tpu.memory_space<vmem>>) target_semaphore(%dma_start3A_2980 : memref<!tpu.dma_semaphore, #tpu.memory_space<semaphore_mem>>)
    %dma_wait3A_2988 = arith.constant 0 : i32
    %dma_wait3A_2989 = arith.constant 0 : i32
    %dma_wait3A_2990 = tpu.memref_slice %arg3[%dma_wait3A_2989] : memref<8x!tpu.dma_semaphore, #tpu.memory_space<semaphore_mem>> -> memref<1x!tpu.dma_semaphore, #tpu.memory_space<semaphore_mem>>
    %dma_wait3A_2991 = tpu.memref_squeeze %dma_wait3A_2990 : memref<1x!tpu.dma_semaphore, #tpu.memory_space<semaphore_mem>> -> memref<!tpu.dma_semaphore, #tpu.memory_space<semaphore_mem>>
    %dma_wait3A_2992 = arith.constant 0 : i32
    %dma_wait3A_2993 = arith.constant 0 : i32
    %dma_wait3A_2994 = tpu.memref_slice %arg2[%dma_wait3A_2988, %dma_wait3A_2992, %dma_wait3A_2993] : memref<8x1000x1024xf32, #tpu.memory_space<vmem>> -> memref<1x1000x1024xf32, #tpu.memory_space<vmem>>
    %dma_wait3A_2995 = tpu.memref_squeeze %dma_wait3A_2994 : memref<1x1000x1024xf32, #tpu.memory_space<vmem>> -> memref<1000x1024xf32, #tpu.memory_space<vmem>>
    %dma_wait3A_2996 = arith.constant 88000 : i32
    %dma_wait3A_2997 = arith.constant 0 : i32
    %dma_wait3A_2998 = tpu.memref_slice %arg0[%dma_wait3A_2996, %dma_wait3A_2997] : memref<100000x1024xf32, #tpu.memory_space<any>> -> memref<1000x1024xf32, #tpu.memory_space<any>>
    tpu.wait_dma2 semaphore(%dma_wait3A_2991 : memref<!tpu.dma_semaphore, #tpu.memory_space<semaphore_mem>>) src(%dma_wait3A_2998 : memref<1000x1024xf32, #tpu.memory_space<any>>) dst(%dma_wait3A_2995 : memref<1000x1024xf32, #tpu.memory_space<vmem>>)
    %get3A_2999 = arith.constant 0 : index
    %get3A_3000 = arith.constant 0 : index
    %get3A_3001 = arith.constant 0 : index
    %get3A_3002 = vector.load %arg2[%get3A_2999, %get3A_3000, %get3A_3001] : memref<8x1000x1024xf32, #tpu.memory_space<vmem>>, vector<1x1000x1024xf32>
    %get3A_3003 = vector.shape_cast %get3A_3002 : vector<1x1000x1024xf32> to vector<1000x1024xf32>
    %reduce_sum3A_3004 = vector.shape_cast %get3A_3003 : vector<1000x1024xf32> to vector<1x1000x1024xf32>
    %reduce_sum3A_3005 = arith.constant dense<0.000000e+00> : vector<1xf32>
    %reduce_sum3A_3006 = vector.multi_reduction <add>, %reduce_sum3A_3004, %reduce_sum3A_3005 [1, 2] : vector<1x1000x1024xf32> to vector<1xf32>
    %reduce_sum3A_3007 = vector.shape_cast %reduce_sum3A_3006 : vector<1xf32> to vector<1x1x1xf32>
    %reduce_sum3A_3008 = vector.extract %reduce_sum3A_3007[0, 0, 0] : f32 from vector<1x1x1xf32>
    %add3A_3009 = arith.addf %add3A_2976, %reduce_sum3A_3008 : f32
    %dma_start3A_3010 = arith.constant 0 : i32
    %dma_start3A_3011 = arith.constant 0 : i32
    %dma_start3A_3012 = tpu.memref_slice %arg3[%dma_start3A_3011] : memref<8x!tpu.dma_semaphore, #tpu.memory_space<semaphore_mem>> -> memref<1x!tpu.dma_semaphore, #tpu.memory_space<semaphore_mem>>
    %dma_start3A_3013 = tpu.memref_squeeze %dma_start3A_3012 : memref<1x!tpu.dma_semaphore, #tpu.memory_space<semaphore_mem>> -> memref<!tpu.dma_semaphore, #tpu.memory_space<semaphore_mem>>
    %dma_start3A_3014 = arith.constant 0 : i32
    %dma_start3A_3015 = arith.constant 0 : i32
    %dma_start3A_3016 = tpu.memref_slice %arg2[%dma_start3A_3010, %dma_start3A_3014, %dma_start3A_3015] : memref<8x1000x1024xf32, #tpu.memory_space<vmem>> -> memref<1x1000x1024xf32, #tpu.memory_space<vmem>>
    %dma_start3A_3017 = tpu.memref_squeeze %dma_start3A_3016 : memref<1x1000x1024xf32, #tpu.memory_space<vmem>> -> memref<1000x1024xf32, #tpu.memory_space<vmem>>
    %dma_start3A_3018 = arith.constant 96000 : i32
    %dma_start3A_3019 = arith.constant 0 : i32
    %dma_start3A_3020 = tpu.memref_slice %arg0[%dma_start3A_3018, %dma_start3A_3019] : memref<100000x1024xf32, #tpu.memory_space<any>> -> memref<1000x1024xf32, #tpu.memory_space<any>>
    tpu.enqueue_dma source(%dma_start3A_3020 : memref<1000x1024xf32, #tpu.memory_space<any>>) target(%dma_start3A_3017 : memref<1000x1024xf32, #tpu.memory_space<vmem>>) target_semaphore(%dma_start3A_3013 : memref<!tpu.dma_semaphore, #tpu.memory_space<semaphore_mem>>)
    %dma_wait3A_3021 = arith.constant 1 : i32
    %dma_wait3A_3022 = arith.constant 1 : i32
    %dma_wait3A_3023 = tpu.memref_slice %arg3[%dma_wait3A_3022] : memref<8x!tpu.dma_semaphore, #tpu.memory_space<semaphore_mem>> -> memref<1x!tpu.dma_semaphore, #tpu.memory_space<semaphore_mem>>
    %dma_wait3A_3024 = tpu.memref_squeeze %dma_wait3A_3023 : memref<1x!tpu.dma_semaphore, #tpu.memory_space<semaphore_mem>> -> memref<!tpu.dma_semaphore, #tpu.memory_space<semaphore_mem>>
    %dma_wait3A_3025 = arith.constant 0 : i32
    %dma_wait3A_3026 = arith.constant 0 : i32
    %dma_wait3A_3027 = tpu.memref_slice %arg2[%dma_wait3A_3021, %dma_wait3A_3025, %dma_wait3A_3026] : memref<8x1000x1024xf32, #tpu.memory_space<vmem>> -> memref<1x1000x1024xf32, #tpu.memory_space<vmem>>
    %dma_wait3A_3028 = tpu.memref_squeeze %dma_wait3A_3027 : memref<1x1000x1024xf32, #tpu.memory_space<vmem>> -> memref<1000x1024xf32, #tpu.memory_space<vmem>>
    %dma_wait3A_3029 = arith.constant 89000 : i32
    %dma_wait3A_3030 = arith.constant 0 : i32
    %dma_wait3A_3031 = tpu.memref_slice %arg0[%dma_wait3A_3029, %dma_wait3A_3030] : memref<100000x1024xf32, #tpu.memory_space<any>> -> memref<1000x1024xf32, #tpu.memory_space<any>>
    tpu.wait_dma2 semaphore(%dma_wait3A_3024 : memref<!tpu.dma_semaphore, #tpu.memory_space<semaphore_mem>>) src(%dma_wait3A_3031 : memref<1000x1024xf32, #tpu.memory_space<any>>) dst(%dma_wait3A_3028 : memref<1000x1024xf32, #tpu.memory_space<vmem>>)
    %get3A_3032 = arith.constant 1 : index
    %get3A_3033 = arith.constant 0 : index
    %get3A_3034 = arith.constant 0 : index
    %get3A_3035 = vector.load %arg2[%get3A_3032, %get3A_3033, %get3A_3034] : memref<8x1000x1024xf32, #tpu.memory_space<vmem>>, vector<1x1000x1024xf32>
    %get3A_3036 = vector.shape_cast %get3A_3035 : vector<1x1000x1024xf32> to vector<1000x1024xf32>
    %reduce_sum3A_3037 = vector.shape_cast %get3A_3036 : vector<1000x1024xf32> to vector<1x1000x1024xf32>
    %reduce_sum3A_3038 = arith.constant dense<0.000000e+00> : vector<1xf32>
    %reduce_sum3A_3039 = vector.multi_reduction <add>, %reduce_sum3A_3037, %reduce_sum3A_3038 [1, 2] : vector<1x1000x1024xf32> to vector<1xf32>
    %reduce_sum3A_3040 = vector.shape_cast %reduce_sum3A_3039 : vector<1xf32> to vector<1x1x1xf32>
    %reduce_sum3A_3041 = vector.extract %reduce_sum3A_3040[0, 0, 0] : f32 from vector<1x1x1xf32>
    %add3A_3042 = arith.addf %add3A_3009, %reduce_sum3A_3041 : f32
    %dma_start3A_3043 = arith.constant 1 : i32
    %dma_start3A_3044 = arith.constant 1 : i32
    %dma_start3A_3045 = tpu.memref_slice %arg3[%dma_start3A_3044] : memref<8x!tpu.dma_semaphore, #tpu.memory_space<semaphore_mem>> -> memref<1x!tpu.dma_semaphore, #tpu.memory_space<semaphore_mem>>
    %dma_start3A_3046 = tpu.memref_squeeze %dma_start3A_3045 : memref<1x!tpu.dma_semaphore, #tpu.memory_space<semaphore_mem>> -> memref<!tpu.dma_semaphore, #tpu.memory_space<semaphore_mem>>
    %dma_start3A_3047 = arith.constant 0 : i32
    %dma_start3A_3048 = arith.constant 0 : i32
    %dma_start3A_3049 = tpu.memref_slice %arg2[%dma_start3A_3043, %dma_start3A_3047, %dma_start3A_3048] : memref<8x1000x1024xf32, #tpu.memory_space<vmem>> -> memref<1x1000x1024xf32, #tpu.memory_space<vmem>>
    %dma_start3A_3050 = tpu.memref_squeeze %dma_start3A_3049 : memref<1x1000x1024xf32, #tpu.memory_space<vmem>> -> memref<1000x1024xf32, #tpu.memory_space<vmem>>
    %dma_start3A_3051 = arith.constant 97000 : i32
    %dma_start3A_3052 = arith.constant 0 : i32
    %dma_start3A_3053 = tpu.memref_slice %arg0[%dma_start3A_3051, %dma_start3A_3052] : memref<100000x1024xf32, #tpu.memory_space<any>> -> memref<1000x1024xf32, #tpu.memory_space<any>>
    tpu.enqueue_dma source(%dma_start3A_3053 : memref<1000x1024xf32, #tpu.memory_space<any>>) target(%dma_start3A_3050 : memref<1000x1024xf32, #tpu.memory_space<vmem>>) target_semaphore(%dma_start3A_3046 : memref<!tpu.dma_semaphore, #tpu.memory_space<semaphore_mem>>)
    %dma_wait3A_3054 = arith.constant 2 : i32
    %dma_wait3A_3055 = arith.constant 2 : i32
    %dma_wait3A_3056 = tpu.memref_slice %arg3[%dma_wait3A_3055] : memref<8x!tpu.dma_semaphore, #tpu.memory_space<semaphore_mem>> -> memref<1x!tpu.dma_semaphore, #tpu.memory_space<semaphore_mem>>
    %dma_wait3A_3057 = tpu.memref_squeeze %dma_wait3A_3056 : memref<1x!tpu.dma_semaphore, #tpu.memory_space<semaphore_mem>> -> memref<!tpu.dma_semaphore, #tpu.memory_space<semaphore_mem>>
    %dma_wait3A_3058 = arith.constant 0 : i32
    %dma_wait3A_3059 = arith.constant 0 : i32
    %dma_wait3A_3060 = tpu.memref_slice %arg2[%dma_wait3A_3054, %dma_wait3A_3058, %dma_wait3A_3059] : memref<8x1000x1024xf32, #tpu.memory_space<vmem>> -> memref<1x1000x1024xf32, #tpu.memory_space<vmem>>
    %dma_wait3A_3061 = tpu.memref_squeeze %dma_wait3A_3060 : memref<1x1000x1024xf32, #tpu.memory_space<vmem>> -> memref<1000x1024xf32, #tpu.memory_space<vmem>>
    %dma_wait3A_3062 = arith.constant 90000 : i32
    %dma_wait3A_3063 = arith.constant 0 : i32
    %dma_wait3A_3064 = tpu.memref_slice %arg0[%dma_wait3A_3062, %dma_wait3A_3063] : memref<100000x1024xf32, #tpu.memory_space<any>> -> memref<1000x1024xf32, #tpu.memory_space<any>>
    tpu.wait_dma2 semaphore(%dma_wait3A_3057 : memref<!tpu.dma_semaphore, #tpu.memory_space<semaphore_mem>>) src(%dma_wait3A_3064 : memref<1000x1024xf32, #tpu.memory_space<any>>) dst(%dma_wait3A_3061 : memref<1000x1024xf32, #tpu.memory_space<vmem>>)
    %get3A_3065 = arith.constant 2 : index
    %get3A_3066 = arith.constant 0 : index
    %get3A_3067 = arith.constant 0 : index
    %get3A_3068 = vector.load %arg2[%get3A_3065, %get3A_3066, %get3A_3067] : memref<8x1000x1024xf32, #tpu.memory_space<vmem>>, vector<1x1000x1024xf32>
    %get3A_3069 = vector.shape_cast %get3A_3068 : vector<1x1000x1024xf32> to vector<1000x1024xf32>
    %reduce_sum3A_3070 = vector.shape_cast %get3A_3069 : vector<1000x1024xf32> to vector<1x1000x1024xf32>
    %reduce_sum3A_3071 = arith.constant dense<0.000000e+00> : vector<1xf32>
    %reduce_sum3A_3072 = vector.multi_reduction <add>, %reduce_sum3A_3070, %reduce_sum3A_3071 [1, 2] : vector<1x1000x1024xf32> to vector<1xf32>
    %reduce_sum3A_3073 = vector.shape_cast %reduce_sum3A_3072 : vector<1xf32> to vector<1x1x1xf32>
    %reduce_sum3A_3074 = vector.extract %reduce_sum3A_3073[0, 0, 0] : f32 from vector<1x1x1xf32>
    %add3A_3075 = arith.addf %add3A_3042, %reduce_sum3A_3074 : f32
    %dma_start3A_3076 = arith.constant 2 : i32
    %dma_start3A_3077 = arith.constant 2 : i32
    %dma_start3A_3078 = tpu.memref_slice %arg3[%dma_start3A_3077] : memref<8x!tpu.dma_semaphore, #tpu.memory_space<semaphore_mem>> -> memref<1x!tpu.dma_semaphore, #tpu.memory_space<semaphore_mem>>
    %dma_start3A_3079 = tpu.memref_squeeze %dma_start3A_3078 : memref<1x!tpu.dma_semaphore, #tpu.memory_space<semaphore_mem>> -> memref<!tpu.dma_semaphore, #tpu.memory_space<semaphore_mem>>
    %dma_start3A_3080 = arith.constant 0 : i32
    %dma_start3A_3081 = arith.constant 0 : i32
    %dma_start3A_3082 = tpu.memref_slice %arg2[%dma_start3A_3076, %dma_start3A_3080, %dma_start3A_3081] : memref<8x1000x1024xf32, #tpu.memory_space<vmem>> -> memref<1x1000x1024xf32, #tpu.memory_space<vmem>>
    %dma_start3A_3083 = tpu.memref_squeeze %dma_start3A_3082 : memref<1x1000x1024xf32, #tpu.memory_space<vmem>> -> memref<1000x1024xf32, #tpu.memory_space<vmem>>
    %dma_start3A_3084 = arith.constant 98000 : i32
    %dma_start3A_3085 = arith.constant 0 : i32
    %dma_start3A_3086 = tpu.memref_slice %arg0[%dma_start3A_3084, %dma_start3A_3085] : memref<100000x1024xf32, #tpu.memory_space<any>> -> memref<1000x1024xf32, #tpu.memory_space<any>>
    tpu.enqueue_dma source(%dma_start3A_3086 : memref<1000x1024xf32, #tpu.memory_space<any>>) target(%dma_start3A_3083 : memref<1000x1024xf32, #tpu.memory_space<vmem>>) target_semaphore(%dma_start3A_3079 : memref<!tpu.dma_semaphore, #tpu.memory_space<semaphore_mem>>)
    %dma_wait3A_3087 = arith.constant 3 : i32
    %dma_wait3A_3088 = arith.constant 3 : i32
    %dma_wait3A_3089 = tpu.memref_slice %arg3[%dma_wait3A_3088] : memref<8x!tpu.dma_semaphore, #tpu.memory_space<semaphore_mem>> -> memref<1x!tpu.dma_semaphore, #tpu.memory_space<semaphore_mem>>
    %dma_wait3A_3090 = tpu.memref_squeeze %dma_wait3A_3089 : memref<1x!tpu.dma_semaphore, #tpu.memory_space<semaphore_mem>> -> memref<!tpu.dma_semaphore, #tpu.memory_space<semaphore_mem>>
    %dma_wait3A_3091 = arith.constant 0 : i32
    %dma_wait3A_3092 = arith.constant 0 : i32
    %dma_wait3A_3093 = tpu.memref_slice %arg2[%dma_wait3A_3087, %dma_wait3A_3091, %dma_wait3A_3092] : memref<8x1000x1024xf32, #tpu.memory_space<vmem>> -> memref<1x1000x1024xf32, #tpu.memory_space<vmem>>
    %dma_wait3A_3094 = tpu.memref_squeeze %dma_wait3A_3093 : memref<1x1000x1024xf32, #tpu.memory_space<vmem>> -> memref<1000x1024xf32, #tpu.memory_space<vmem>>
    %dma_wait3A_3095 = arith.constant 91000 : i32
    %dma_wait3A_3096 = arith.constant 0 : i32
    %dma_wait3A_3097 = tpu.memref_slice %arg0[%dma_wait3A_3095, %dma_wait3A_3096] : memref<100000x1024xf32, #tpu.memory_space<any>> -> memref<1000x1024xf32, #tpu.memory_space<any>>
    tpu.wait_dma2 semaphore(%dma_wait3A_3090 : memref<!tpu.dma_semaphore, #tpu.memory_space<semaphore_mem>>) src(%dma_wait3A_3097 : memref<1000x1024xf32, #tpu.memory_space<any>>) dst(%dma_wait3A_3094 : memref<1000x1024xf32, #tpu.memory_space<vmem>>)
    %get3A_3098 = arith.constant 3 : index
    %get3A_3099 = arith.constant 0 : index
    %get3A_3100 = arith.constant 0 : index
    %get3A_3101 = vector.load %arg2[%get3A_3098, %get3A_3099, %get3A_3100] : memref<8x1000x1024xf32, #tpu.memory_space<vmem>>, vector<1x1000x1024xf32>
    %get3A_3102 = vector.shape_cast %get3A_3101 : vector<1x1000x1024xf32> to vector<1000x1024xf32>
    %reduce_sum3A_3103 = vector.shape_cast %get3A_3102 : vector<1000x1024xf32> to vector<1x1000x1024xf32>
    %reduce_sum3A_3104 = arith.constant dense<0.000000e+00> : vector<1xf32>
    %reduce_sum3A_3105 = vector.multi_reduction <add>, %reduce_sum3A_3103, %reduce_sum3A_3104 [1, 2] : vector<1x1000x1024xf32> to vector<1xf32>
    %reduce_sum3A_3106 = vector.shape_cast %reduce_sum3A_3105 : vector<1xf32> to vector<1x1x1xf32>
    %reduce_sum3A_3107 = vector.extract %reduce_sum3A_3106[0, 0, 0] : f32 from vector<1x1x1xf32>
    %add3A_3108 = arith.addf %add3A_3075, %reduce_sum3A_3107 : f32
    %dma_start3A_3109 = arith.constant 3 : i32
    %dma_start3A_3110 = arith.constant 3 : i32
    %dma_start3A_3111 = tpu.memref_slice %arg3[%dma_start3A_3110] : memref<8x!tpu.dma_semaphore, #tpu.memory_space<semaphore_mem>> -> memref<1x!tpu.dma_semaphore, #tpu.memory_space<semaphore_mem>>
    %dma_start3A_3112 = tpu.memref_squeeze %dma_start3A_3111 : memref<1x!tpu.dma_semaphore, #tpu.memory_space<semaphore_mem>> -> memref<!tpu.dma_semaphore, #tpu.memory_space<semaphore_mem>>
    %dma_start3A_3113 = arith.constant 0 : i32
    %dma_start3A_3114 = arith.constant 0 : i32
    %dma_start3A_3115 = tpu.memref_slice %arg2[%dma_start3A_3109, %dma_start3A_3113, %dma_start3A_3114] : memref<8x1000x1024xf32, #tpu.memory_space<vmem>> -> memref<1x1000x1024xf32, #tpu.memory_space<vmem>>
    %dma_start3A_3116 = tpu.memref_squeeze %dma_start3A_3115 : memref<1x1000x1024xf32, #tpu.memory_space<vmem>> -> memref<1000x1024xf32, #tpu.memory_space<vmem>>
    %dma_start3A_3117 = arith.constant 99000 : i32
    %dma_start3A_3118 = arith.constant 0 : i32
    %dma_start3A_3119 = tpu.memref_slice %arg0[%dma_start3A_3117, %dma_start3A_3118] : memref<100000x1024xf32, #tpu.memory_space<any>> -> memref<1000x1024xf32, #tpu.memory_space<any>>
    tpu.enqueue_dma source(%dma_start3A_3119 : memref<1000x1024xf32, #tpu.memory_space<any>>) target(%dma_start3A_3116 : memref<1000x1024xf32, #tpu.memory_space<vmem>>) target_semaphore(%dma_start3A_3112 : memref<!tpu.dma_semaphore, #tpu.memory_space<semaphore_mem>>)
    %dma_wait3A_3120 = arith.constant 4 : i32
    %dma_wait3A_3121 = arith.constant 4 : i32
    %dma_wait3A_3122 = tpu.memref_slice %arg3[%dma_wait3A_3121] : memref<8x!tpu.dma_semaphore, #tpu.memory_space<semaphore_mem>> -> memref<1x!tpu.dma_semaphore, #tpu.memory_space<semaphore_mem>>
    %dma_wait3A_3123 = tpu.memref_squeeze %dma_wait3A_3122 : memref<1x!tpu.dma_semaphore, #tpu.memory_space<semaphore_mem>> -> memref<!tpu.dma_semaphore, #tpu.memory_space<semaphore_mem>>
    %dma_wait3A_3124 = arith.constant 0 : i32
    %dma_wait3A_3125 = arith.constant 0 : i32
    %dma_wait3A_3126 = tpu.memref_slice %arg2[%dma_wait3A_3120, %dma_wait3A_3124, %dma_wait3A_3125] : memref<8x1000x1024xf32, #tpu.memory_space<vmem>> -> memref<1x1000x1024xf32, #tpu.memory_space<vmem>>
    %dma_wait3A_3127 = tpu.memref_squeeze %dma_wait3A_3126 : memref<1x1000x1024xf32, #tpu.memory_space<vmem>> -> memref<1000x1024xf32, #tpu.memory_space<vmem>>
    %dma_wait3A_3128 = arith.constant 92000 : i32
    %dma_wait3A_3129 = arith.constant 0 : i32
    %dma_wait3A_3130 = tpu.memref_slice %arg0[%dma_wait3A_3128, %dma_wait3A_3129] : memref<100000x1024xf32, #tpu.memory_space<any>> -> memref<1000x1024xf32, #tpu.memory_space<any>>
    tpu.wait_dma2 semaphore(%dma_wait3A_3123 : memref<!tpu.dma_semaphore, #tpu.memory_space<semaphore_mem>>) src(%dma_wait3A_3130 : memref<1000x1024xf32, #tpu.memory_space<any>>) dst(%dma_wait3A_3127 : memref<1000x1024xf32, #tpu.memory_space<vmem>>)
    %get3A_3131 = arith.constant 4 : index
    %get3A_3132 = arith.constant 0 : index
    %get3A_3133 = arith.constant 0 : index
    %get3A_3134 = vector.load %arg2[%get3A_3131, %get3A_3132, %get3A_3133] : memref<8x1000x1024xf32, #tpu.memory_space<vmem>>, vector<1x1000x1024xf32>
    %get3A_3135 = vector.shape_cast %get3A_3134 : vector<1x1000x1024xf32> to vector<1000x1024xf32>
    %reduce_sum3A_3136 = vector.shape_cast %get3A_3135 : vector<1000x1024xf32> to vector<1x1000x1024xf32>
    %reduce_sum3A_3137 = arith.constant dense<0.000000e+00> : vector<1xf32>
    %reduce_sum3A_3138 = vector.multi_reduction <add>, %reduce_sum3A_3136, %reduce_sum3A_3137 [1, 2] : vector<1x1000x1024xf32> to vector<1xf32>
    %reduce_sum3A_3139 = vector.shape_cast %reduce_sum3A_3138 : vector<1xf32> to vector<1x1x1xf32>
    %reduce_sum3A_3140 = vector.extract %reduce_sum3A_3139[0, 0, 0] : f32 from vector<1x1x1xf32>
    %add3A_3141 = arith.addf %add3A_3108, %reduce_sum3A_3140 : f32
    %dma_wait3A_3142 = arith.constant 5 : i32
    %dma_wait3A_3143 = arith.constant 5 : i32
    %dma_wait3A_3144 = tpu.memref_slice %arg3[%dma_wait3A_3143] : memref<8x!tpu.dma_semaphore, #tpu.memory_space<semaphore_mem>> -> memref<1x!tpu.dma_semaphore, #tpu.memory_space<semaphore_mem>>
    %dma_wait3A_3145 = tpu.memref_squeeze %dma_wait3A_3144 : memref<1x!tpu.dma_semaphore, #tpu.memory_space<semaphore_mem>> -> memref<!tpu.dma_semaphore, #tpu.memory_space<semaphore_mem>>
    %dma_wait3A_3146 = arith.constant 0 : i32
    %dma_wait3A_3147 = arith.constant 0 : i32
    %dma_wait3A_3148 = tpu.memref_slice %arg2[%dma_wait3A_3142, %dma_wait3A_3146, %dma_wait3A_3147] : memref<8x1000x1024xf32, #tpu.memory_space<vmem>> -> memref<1x1000x1024xf32, #tpu.memory_space<vmem>>
    %dma_wait3A_3149 = tpu.memref_squeeze %dma_wait3A_3148 : memref<1x1000x1024xf32, #tpu.memory_space<vmem>> -> memref<1000x1024xf32, #tpu.memory_space<vmem>>
    %dma_wait3A_3150 = arith.constant 93000 : i32
    %dma_wait3A_3151 = arith.constant 0 : i32
    %dma_wait3A_3152 = tpu.memref_slice %arg0[%dma_wait3A_3150, %dma_wait3A_3151] : memref<100000x1024xf32, #tpu.memory_space<any>> -> memref<1000x1024xf32, #tpu.memory_space<any>>
    tpu.wait_dma2 semaphore(%dma_wait3A_3145 : memref<!tpu.dma_semaphore, #tpu.memory_space<semaphore_mem>>) src(%dma_wait3A_3152 : memref<1000x1024xf32, #tpu.memory_space<any>>) dst(%dma_wait3A_3149 : memref<1000x1024xf32, #tpu.memory_space<vmem>>)
    %get3A_3153 = arith.constant 5 : index
    %get3A_3154 = arith.constant 0 : index
    %get3A_3155 = arith.constant 0 : index
    %get3A_3156 = vector.load %arg2[%get3A_3153, %get3A_3154, %get3A_3155] : memref<8x1000x1024xf32, #tpu.memory_space<vmem>>, vector<1x1000x1024xf32>
    %get3A_3157 = vector.shape_cast %get3A_3156 : vector<1x1000x1024xf32> to vector<1000x1024xf32>
    %reduce_sum3A_3158 = vector.shape_cast %get3A_3157 : vector<1000x1024xf32> to vector<1x1000x1024xf32>
    %reduce_sum3A_3159 = arith.constant dense<0.000000e+00> : vector<1xf32>
    %reduce_sum3A_3160 = vector.multi_reduction <add>, %reduce_sum3A_3158, %reduce_sum3A_3159 [1, 2] : vector<1x1000x1024xf32> to vector<1xf32>
    %reduce_sum3A_3161 = vector.shape_cast %reduce_sum3A_3160 : vector<1xf32> to vector<1x1x1xf32>
    %reduce_sum3A_3162 = vector.extract %reduce_sum3A_3161[0, 0, 0] : f32 from vector<1x1x1xf32>
    %add3A_3163 = arith.addf %add3A_3141, %reduce_sum3A_3162 : f32
    %dma_wait3A_3164 = arith.constant 6 : i32
    %dma_wait3A_3165 = arith.constant 6 : i32
    %dma_wait3A_3166 = tpu.memref_slice %arg3[%dma_wait3A_3165] : memref<8x!tpu.dma_semaphore, #tpu.memory_space<semaphore_mem>> -> memref<1x!tpu.dma_semaphore, #tpu.memory_space<semaphore_mem>>
    %dma_wait3A_3167 = tpu.memref_squeeze %dma_wait3A_3166 : memref<1x!tpu.dma_semaphore, #tpu.memory_space<semaphore_mem>> -> memref<!tpu.dma_semaphore, #tpu.memory_space<semaphore_mem>>
    %dma_wait3A_3168 = arith.constant 0 : i32
    %dma_wait3A_3169 = arith.constant 0 : i32
    %dma_wait3A_3170 = tpu.memref_slice %arg2[%dma_wait3A_3164, %dma_wait3A_3168, %dma_wait3A_3169] : memref<8x1000x1024xf32, #tpu.memory_space<vmem>> -> memref<1x1000x1024xf32, #tpu.memory_space<vmem>>
    %dma_wait3A_3171 = tpu.memref_squeeze %dma_wait3A_3170 : memref<1x1000x1024xf32, #tpu.memory_space<vmem>> -> memref<1000x1024xf32, #tpu.memory_space<vmem>>
    %dma_wait3A_3172 = arith.constant 94000 : i32
    %dma_wait3A_3173 = arith.constant 0 : i32
    %dma_wait3A_3174 = tpu.memref_slice %arg0[%dma_wait3A_3172, %dma_wait3A_3173] : memref<100000x1024xf32, #tpu.memory_space<any>> -> memref<1000x1024xf32, #tpu.memory_space<any>>
    tpu.wait_dma2 semaphore(%dma_wait3A_3167 : memref<!tpu.dma_semaphore, #tpu.memory_space<semaphore_mem>>) src(%dma_wait3A_3174 : memref<1000x1024xf32, #tpu.memory_space<any>>) dst(%dma_wait3A_3171 : memref<1000x1024xf32, #tpu.memory_space<vmem>>)
    %get3A_3175 = arith.constant 6 : index
    %get3A_3176 = arith.constant 0 : index
    %get3A_3177 = arith.constant 0 : index
    %get3A_3178 = vector.load %arg2[%get3A_3175, %get3A_3176, %get3A_3177] : memref<8x1000x1024xf32, #tpu.memory_space<vmem>>, vector<1x1000x1024xf32>
    %get3A_3179 = vector.shape_cast %get3A_3178 : vector<1x1000x1024xf32> to vector<1000x1024xf32>
    %reduce_sum3A_3180 = vector.shape_cast %get3A_3179 : vector<1000x1024xf32> to vector<1x1000x1024xf32>
    %reduce_sum3A_3181 = arith.constant dense<0.000000e+00> : vector<1xf32>
    %reduce_sum3A_3182 = vector.multi_reduction <add>, %reduce_sum3A_3180, %reduce_sum3A_3181 [1, 2] : vector<1x1000x1024xf32> to vector<1xf32>
    %reduce_sum3A_3183 = vector.shape_cast %reduce_sum3A_3182 : vector<1xf32> to vector<1x1x1xf32>
    %reduce_sum3A_3184 = vector.extract %reduce_sum3A_3183[0, 0, 0] : f32 from vector<1x1x1xf32>
    %add3A_3185 = arith.addf %add3A_3163, %reduce_sum3A_3184 : f32
    %dma_wait3A_3186 = arith.constant 7 : i32
    %dma_wait3A_3187 = arith.constant 7 : i32
    %dma_wait3A_3188 = tpu.memref_slice %arg3[%dma_wait3A_3187] : memref<8x!tpu.dma_semaphore, #tpu.memory_space<semaphore_mem>> -> memref<1x!tpu.dma_semaphore, #tpu.memory_space<semaphore_mem>>
    %dma_wait3A_3189 = tpu.memref_squeeze %dma_wait3A_3188 : memref<1x!tpu.dma_semaphore, #tpu.memory_space<semaphore_mem>> -> memref<!tpu.dma_semaphore, #tpu.memory_space<semaphore_mem>>
    %dma_wait3A_3190 = arith.constant 0 : i32
    %dma_wait3A_3191 = arith.constant 0 : i32
    %dma_wait3A_3192 = tpu.memref_slice %arg2[%dma_wait3A_3186, %dma_wait3A_3190, %dma_wait3A_3191] : memref<8x1000x1024xf32, #tpu.memory_space<vmem>> -> memref<1x1000x1024xf32, #tpu.memory_space<vmem>>
    %dma_wait3A_3193 = tpu.memref_squeeze %dma_wait3A_3192 : memref<1x1000x1024xf32, #tpu.memory_space<vmem>> -> memref<1000x1024xf32, #tpu.memory_space<vmem>>
    %dma_wait3A_3194 = arith.constant 95000 : i32
    %dma_wait3A_3195 = arith.constant 0 : i32
    %dma_wait3A_3196 = tpu.memref_slice %arg0[%dma_wait3A_3194, %dma_wait3A_3195] : memref<100000x1024xf32, #tpu.memory_space<any>> -> memref<1000x1024xf32, #tpu.memory_space<any>>
    tpu.wait_dma2 semaphore(%dma_wait3A_3189 : memref<!tpu.dma_semaphore, #tpu.memory_space<semaphore_mem>>) src(%dma_wait3A_3196 : memref<1000x1024xf32, #tpu.memory_space<any>>) dst(%dma_wait3A_3193 : memref<1000x1024xf32, #tpu.memory_space<vmem>>)
    %get3A_3197 = arith.constant 7 : index
    %get3A_3198 = arith.constant 0 : index
    %get3A_3199 = arith.constant 0 : index
    %get3A_3200 = vector.load %arg2[%get3A_3197, %get3A_3198, %get3A_3199] : memref<8x1000x1024xf32, #tpu.memory_space<vmem>>, vector<1x1000x1024xf32>
    %get3A_3201 = vector.shape_cast %get3A_3200 : vector<1x1000x1024xf32> to vector<1000x1024xf32>
    %reduce_sum3A_3202 = vector.shape_cast %get3A_3201 : vector<1000x1024xf32> to vector<1x1000x1024xf32>
    %reduce_sum3A_3203 = arith.constant dense<0.000000e+00> : vector<1xf32>
    %reduce_sum3A_3204 = vector.multi_reduction <add>, %reduce_sum3A_3202, %reduce_sum3A_3203 [1, 2] : vector<1x1000x1024xf32> to vector<1xf32>
    %reduce_sum3A_3205 = vector.shape_cast %reduce_sum3A_3204 : vector<1xf32> to vector<1x1x1xf32>
    %reduce_sum3A_3206 = vector.extract %reduce_sum3A_3205[0, 0, 0] : f32 from vector<1x1x1xf32>
    %add3A_3207 = arith.addf %add3A_3185, %reduce_sum3A_3206 : f32
    %dma_wait3A_3208 = arith.constant 0 : i32
    %dma_wait3A_3209 = arith.constant 0 : i32
    %dma_wait3A_3210 = tpu.memref_slice %arg3[%dma_wait3A_3209] : memref<8x!tpu.dma_semaphore, #tpu.memory_space<semaphore_mem>> -> memref<1x!tpu.dma_semaphore, #tpu.memory_space<semaphore_mem>>
    %dma_wait3A_3211 = tpu.memref_squeeze %dma_wait3A_3210 : memref<1x!tpu.dma_semaphore, #tpu.memory_space<semaphore_mem>> -> memref<!tpu.dma_semaphore, #tpu.memory_space<semaphore_mem>>
    %dma_wait3A_3212 = arith.constant 0 : i32
    %dma_wait3A_3213 = arith.constant 0 : i32
    %dma_wait3A_3214 = tpu.memref_slice %arg2[%dma_wait3A_3208, %dma_wait3A_3212, %dma_wait3A_3213] : memref<8x1000x1024xf32, #tpu.memory_space<vmem>> -> memref<1x1000x1024xf32, #tpu.memory_space<vmem>>
    %dma_wait3A_3215 = tpu.memref_squeeze %dma_wait3A_3214 : memref<1x1000x1024xf32, #tpu.memory_space<vmem>> -> memref<1000x1024xf32, #tpu.memory_space<vmem>>
    %dma_wait3A_3216 = arith.constant 96000 : i32
    %dma_wait3A_3217 = arith.constant 0 : i32
    %dma_wait3A_3218 = tpu.memref_slice %arg0[%dma_wait3A_3216, %dma_wait3A_3217] : memref<100000x1024xf32, #tpu.memory_space<any>> -> memref<1000x1024xf32, #tpu.memory_space<any>>
    tpu.wait_dma2 semaphore(%dma_wait3A_3211 : memref<!tpu.dma_semaphore, #tpu.memory_space<semaphore_mem>>) src(%dma_wait3A_3218 : memref<1000x1024xf32, #tpu.memory_space<any>>) dst(%dma_wait3A_3215 : memref<1000x1024xf32, #tpu.memory_space<vmem>>)
    %get3A_3219 = arith.constant 0 : index
    %get3A_3220 = arith.constant 0 : index
    %get3A_3221 = arith.constant 0 : index
    %get3A_3222 = vector.load %arg2[%get3A_3219, %get3A_3220, %get3A_3221] : memref<8x1000x1024xf32, #tpu.memory_space<vmem>>, vector<1x1000x1024xf32>
    %get3A_3223 = vector.shape_cast %get3A_3222 : vector<1x1000x1024xf32> to vector<1000x1024xf32>
    %reduce_sum3A_3224 = vector.shape_cast %get3A_3223 : vector<1000x1024xf32> to vector<1x1000x1024xf32>
    %reduce_sum3A_3225 = arith.constant dense<0.000000e+00> : vector<1xf32>
    %reduce_sum3A_3226 = vector.multi_reduction <add>, %reduce_sum3A_3224, %reduce_sum3A_3225 [1, 2] : vector<1x1000x1024xf32> to vector<1xf32>
    %reduce_sum3A_3227 = vector.shape_cast %reduce_sum3A_3226 : vector<1xf32> to vector<1x1x1xf32>
    %reduce_sum3A_3228 = vector.extract %reduce_sum3A_3227[0, 0, 0] : f32 from vector<1x1x1xf32>
    %add3A_3229 = arith.addf %add3A_3207, %reduce_sum3A_3228 : f32
    %dma_wait3A_3230 = arith.constant 1 : i32
    %dma_wait3A_3231 = arith.constant 1 : i32
    %dma_wait3A_3232 = tpu.memref_slice %arg3[%dma_wait3A_3231] : memref<8x!tpu.dma_semaphore, #tpu.memory_space<semaphore_mem>> -> memref<1x!tpu.dma_semaphore, #tpu.memory_space<semaphore_mem>>
    %dma_wait3A_3233 = tpu.memref_squeeze %dma_wait3A_3232 : memref<1x!tpu.dma_semaphore, #tpu.memory_space<semaphore_mem>> -> memref<!tpu.dma_semaphore, #tpu.memory_space<semaphore_mem>>
    %dma_wait3A_3234 = arith.constant 0 : i32
    %dma_wait3A_3235 = arith.constant 0 : i32
    %dma_wait3A_3236 = tpu.memref_slice %arg2[%dma_wait3A_3230, %dma_wait3A_3234, %dma_wait3A_3235] : memref<8x1000x1024xf32, #tpu.memory_space<vmem>> -> memref<1x1000x1024xf32, #tpu.memory_space<vmem>>
    %dma_wait3A_3237 = tpu.memref_squeeze %dma_wait3A_3236 : memref<1x1000x1024xf32, #tpu.memory_space<vmem>> -> memref<1000x1024xf32, #tpu.memory_space<vmem>>
    %dma_wait3A_3238 = arith.constant 97000 : i32
    %dma_wait3A_3239 = arith.constant 0 : i32
    %dma_wait3A_3240 = tpu.memref_slice %arg0[%dma_wait3A_3238, %dma_wait3A_3239] : memref<100000x1024xf32, #tpu.memory_space<any>> -> memref<1000x1024xf32, #tpu.memory_space<any>>
    tpu.wait_dma2 semaphore(%dma_wait3A_3233 : memref<!tpu.dma_semaphore, #tpu.memory_space<semaphore_mem>>) src(%dma_wait3A_3240 : memref<1000x1024xf32, #tpu.memory_space<any>>) dst(%dma_wait3A_3237 : memref<1000x1024xf32, #tpu.memory_space<vmem>>)
    %get3A_3241 = arith.constant 1 : index
    %get3A_3242 = arith.constant 0 : index
    %get3A_3243 = arith.constant 0 : index
    %get3A_3244 = vector.load %arg2[%get3A_3241, %get3A_3242, %get3A_3243] : memref<8x1000x1024xf32, #tpu.memory_space<vmem>>, vector<1x1000x1024xf32>
    %get3A_3245 = vector.shape_cast %get3A_3244 : vector<1x1000x1024xf32> to vector<1000x1024xf32>
    %reduce_sum3A_3246 = vector.shape_cast %get3A_3245 : vector<1000x1024xf32> to vector<1x1000x1024xf32>
    %reduce_sum3A_3247 = arith.constant dense<0.000000e+00> : vector<1xf32>
    %reduce_sum3A_3248 = vector.multi_reduction <add>, %reduce_sum3A_3246, %reduce_sum3A_3247 [1, 2] : vector<1x1000x1024xf32> to vector<1xf32>
    %reduce_sum3A_3249 = vector.shape_cast %reduce_sum3A_3248 : vector<1xf32> to vector<1x1x1xf32>
    %reduce_sum3A_3250 = vector.extract %reduce_sum3A_3249[0, 0, 0] : f32 from vector<1x1x1xf32>
    %add3A_3251 = arith.addf %add3A_3229, %reduce_sum3A_3250 : f32
    %dma_wait3A_3252 = arith.constant 2 : i32
    %dma_wait3A_3253 = arith.constant 2 : i32
    %dma_wait3A_3254 = tpu.memref_slice %arg3[%dma_wait3A_3253] : memref<8x!tpu.dma_semaphore, #tpu.memory_space<semaphore_mem>> -> memref<1x!tpu.dma_semaphore, #tpu.memory_space<semaphore_mem>>
    %dma_wait3A_3255 = tpu.memref_squeeze %dma_wait3A_3254 : memref<1x!tpu.dma_semaphore, #tpu.memory_space<semaphore_mem>> -> memref<!tpu.dma_semaphore, #tpu.memory_space<semaphore_mem>>
    %dma_wait3A_3256 = arith.constant 0 : i32
    %dma_wait3A_3257 = arith.constant 0 : i32
    %dma_wait3A_3258 = tpu.memref_slice %arg2[%dma_wait3A_3252, %dma_wait3A_3256, %dma_wait3A_3257] : memref<8x1000x1024xf32, #tpu.memory_space<vmem>> -> memref<1x1000x1024xf32, #tpu.memory_space<vmem>>
    %dma_wait3A_3259 = tpu.memref_squeeze %dma_wait3A_3258 : memref<1x1000x1024xf32, #tpu.memory_space<vmem>> -> memref<1000x1024xf32, #tpu.memory_space<vmem>>
    %dma_wait3A_3260 = arith.constant 98000 : i32
    %dma_wait3A_3261 = arith.constant 0 : i32
    %dma_wait3A_3262 = tpu.memref_slice %arg0[%dma_wait3A_3260, %dma_wait3A_3261] : memref<100000x1024xf32, #tpu.memory_space<any>> -> memref<1000x1024xf32, #tpu.memory_space<any>>
    tpu.wait_dma2 semaphore(%dma_wait3A_3255 : memref<!tpu.dma_semaphore, #tpu.memory_space<semaphore_mem>>) src(%dma_wait3A_3262 : memref<1000x1024xf32, #tpu.memory_space<any>>) dst(%dma_wait3A_3259 : memref<1000x1024xf32, #tpu.memory_space<vmem>>)
    %get3A_3263 = arith.constant 2 : index
    %get3A_3264 = arith.constant 0 : index
    %get3A_3265 = arith.constant 0 : index
    %get3A_3266 = vector.load %arg2[%get3A_3263, %get3A_3264, %get3A_3265] : memref<8x1000x1024xf32, #tpu.memory_space<vmem>>, vector<1x1000x1024xf32>
    %get3A_3267 = vector.shape_cast %get3A_3266 : vector<1x1000x1024xf32> to vector<1000x1024xf32>
    %reduce_sum3A_3268 = vector.shape_cast %get3A_3267 : vector<1000x1024xf32> to vector<1x1000x1024xf32>
    %reduce_sum3A_3269 = arith.constant dense<0.000000e+00> : vector<1xf32>
    %reduce_sum3A_3270 = vector.multi_reduction <add>, %reduce_sum3A_3268, %reduce_sum3A_3269 [1, 2] : vector<1x1000x1024xf32> to vector<1xf32>
    %reduce_sum3A_3271 = vector.shape_cast %reduce_sum3A_3270 : vector<1xf32> to vector<1x1x1xf32>
    %reduce_sum3A_3272 = vector.extract %reduce_sum3A_3271[0, 0, 0] : f32 from vector<1x1x1xf32>
    %add3A_3273 = arith.addf %add3A_3251, %reduce_sum3A_3272 : f32
    %dma_wait3A_3274 = arith.constant 3 : i32
    %dma_wait3A_3275 = arith.constant 3 : i32
    %dma_wait3A_3276 = tpu.memref_slice %arg3[%dma_wait3A_3275] : memref<8x!tpu.dma_semaphore, #tpu.memory_space<semaphore_mem>> -> memref<1x!tpu.dma_semaphore, #tpu.memory_space<semaphore_mem>>
    %dma_wait3A_3277 = tpu.memref_squeeze %dma_wait3A_3276 : memref<1x!tpu.dma_semaphore, #tpu.memory_space<semaphore_mem>> -> memref<!tpu.dma_semaphore, #tpu.memory_space<semaphore_mem>>
    %dma_wait3A_3278 = arith.constant 0 : i32
    %dma_wait3A_3279 = arith.constant 0 : i32
    %dma_wait3A_3280 = tpu.memref_slice %arg2[%dma_wait3A_3274, %dma_wait3A_3278, %dma_wait3A_3279] : memref<8x1000x1024xf32, #tpu.memory_space<vmem>> -> memref<1x1000x1024xf32, #tpu.memory_space<vmem>>
    %dma_wait3A_3281 = tpu.memref_squeeze %dma_wait3A_3280 : memref<1x1000x1024xf32, #tpu.memory_space<vmem>> -> memref<1000x1024xf32, #tpu.memory_space<vmem>>
    %dma_wait3A_3282 = arith.constant 99000 : i32
    %dma_wait3A_3283 = arith.constant 0 : i32
    %dma_wait3A_3284 = tpu.memref_slice %arg0[%dma_wait3A_3282, %dma_wait3A_3283] : memref<100000x1024xf32, #tpu.memory_space<any>> -> memref<1000x1024xf32, #tpu.memory_space<any>>
    tpu.wait_dma2 semaphore(%dma_wait3A_3277 : memref<!tpu.dma_semaphore, #tpu.memory_space<semaphore_mem>>) src(%dma_wait3A_3284 : memref<1000x1024xf32, #tpu.memory_space<any>>) dst(%dma_wait3A_3281 : memref<1000x1024xf32, #tpu.memory_space<vmem>>)
    %get3A_3285 = arith.constant 3 : index
    %get3A_3286 = arith.constant 0 : index
    %get3A_3287 = arith.constant 0 : index
    %get3A_3288 = vector.load %arg2[%get3A_3285, %get3A_3286, %get3A_3287] : memref<8x1000x1024xf32, #tpu.memory_space<vmem>>, vector<1x1000x1024xf32>
    %get3A_3289 = vector.shape_cast %get3A_3288 : vector<1x1000x1024xf32> to vector<1000x1024xf32>
    %reduce_sum3A_3290 = vector.shape_cast %get3A_3289 : vector<1000x1024xf32> to vector<1x1000x1024xf32>
    %reduce_sum3A_3291 = arith.constant dense<0.000000e+00> : vector<1xf32>
    %reduce_sum3A_3292 = vector.multi_reduction <add>, %reduce_sum3A_3290, %reduce_sum3A_3291 [1, 2] : vector<1x1000x1024xf32> to vector<1xf32>
    %reduce_sum3A_3293 = vector.shape_cast %reduce_sum3A_3292 : vector<1xf32> to vector<1x1x1xf32>
    %reduce_sum3A_3294 = vector.extract %reduce_sum3A_3293[0, 0, 0] : f32 from vector<1x1x1xf32>
    %add3A_3295 = arith.addf %add3A_3273, %reduce_sum3A_3294 : f32
    %swap3A = arith.constant 0 : index
    %swap3A_3296 = memref.load %arg1[%swap3A] : memref<1xf32, #tpu.memory_space<smem>>
    memref.store %add3A_3295, %arg1[%swap3A] : memref<1xf32, #tpu.memory_space<smem>>
    return
  }
}

</mosaic_0001>

<sc_bundles>
// kernel: kernel.4.cloned.1.call-start
scs
__scs_entry_jumppad:
0x0: {  	(pc) =	sbr.rel $0x88, $3  }
0x1: {  	(tag) =	ssettag $0x0;
	lr =	simm.s32 $0x1  }
0x2: {  	[smem:$0x3F9F] =	sst lr;
	_ =	strace $0xD0000000  }
0x3: {  	_ = 	snop  }
0x4: {  	_ = 	snop  }
0x5: {  	_ = 	snop  }
0x6: {  	_ = 	snop  }
0x7: {  	_ = 	snop  }
__scs_overlays_trampoline_lowered:
0x8: {  	[smem:$0x3FAE] =	sst s0  }
0x9: {  	[smem:$0x3FAF] =	sst s1  }
0xa: {  	[smem:$0x3FB0] =	sst s2  }
0xb: {  	[smem:$0x3FB1] =	sst s3  }
0xc: {  	[smem:$0x3FB2] =	sst s4  }
0xd: {  	[smem:$0x3FB3] =	sst s5  }
0xe: {  	[smem:$0x3FB4] =	sst s6  }
0xf: {  	[smem:$0x3FB5] =	sst s7  }
0x10: {  	[smem:$0x3FB6] =	sst s8  }
0x11: {  	[smem:$0x3FB7] =	sst s9;
	s0 =	simm.s32 @!p0 $0x0  }
0x12: {  	s1 =	sld [smem:$0x3F9D];
	s0 =	simm.s32 @p0 $0x1  }
0x13: {  	[smem:$0x3FB8] =	sst s0;
	s0 =	simm.s32 @!p1 $0x0  }
0x14: {  	s2 =	sld [smem:$0x3F9C];
	s0 =	simm.s32 @p1 $0x1  }
0x15: {  	[smem:$0x3FB9] =	sst s0;
	s0 =	simm.s32 @!p2 $0x0  }
0x16: {  	s3 =	sld [smem:$0x3FDB];
	s0 =	simm.s32 @p2 $0x1  }
0x17: {  	s4 =	simm.s32 $0x1BF5;
	[smem:$0x3FBB] =	sst s0  }
0x18: {  	s0 =	sld [smem:$0x3F9E];
	_ =	swait.ge [sflag:s4], $0x0  }
0x19: {  	s7 =	sld [smem:$0x3F9F]  }
0x1a: {  	s8 =	sadd.s32 $0xFFFFE003, lr  }
0x1b: {  	s9 =	sadd.s32 $0xFFFFFEF7, lr;
	s5 =	simm.s32 $0xFFFFFFFF;
	p2 =	slt.u32 s8, $0xFFFFF086  }
0x1c: {  	p1 =	slt.u32 s9, $0xF7A;
	s5 =	simm.s32 @!p2 $0x0  }
0x1d: {  	s5 =	simm.s32 @p1 $0x1;
	p0 =	seq.s32 s7, s2  }
0x1e: {  	s7 =	smul.u32 @!p0 $0xF7A, s2;
	p2 =	seq.s32 @!p0 s5, $0x0  }
0x1f: {  	s9 =	smul.u32 $0xF7A, s1;
	s8 =	simm.s32 @!p0 $0x1BF5;
	p2 =	por !p2, p0  }
0x20: {  	[sflag:s8] =	ssyncset.s32 @!p0 $0xFFFFF086;
	s6 =	sadd.s32 @!p0 s3, s7;
	s7 =	simm.s32 @!p0 $0x108  }
0x21: {  	s3 =	sadd.s32 s3, s9;
	s6 =	sadd.s32 @!p0 $0x88, s6;
	s7 =	simm.s32 @p2 $0x1082  }
0x22: {  	[simem:s7], [sflag:s8] =	dma.local @!p0 [hbm:s6], $0xF7A  }
0x23: {  	s9 =	sor.u32 $0xD0000000, s2;
	s6 =	simm.s32 $0x108;
	_ =	swait.ge @!p0 [sflag:s8], $0x0  }
0x24: {  	s3 =	sadd.s32 $0x88, s3;
	s6 =	simm.s32 @!p1 $0x1082;
	[sflag:s4] =	ssyncset.s32 $0xFFFFF086  }
0x25: {  	[simem:s6], [sflag:s4] =	dma.local [hbm:s3], $0xF7A  }
0x26: {  	[smem:$0x3F9F] =	sst s1;
	(tag) =	ssettag s2;
	_ =	strace s9  }
0x27: {  	s1 =	sld [smem:$0x3FAF]  }
0x28: {  	s2 =	sld [smem:$0x3FB0]  }
0x29: {  	s4 =	sld [smem:$0x3FB2]  }
0x2a: {  	p0 =	seq.s32 s5, $0x0;
	s5 =	sld [smem:$0x3FB3]  }
0x2b: {  	s6 =	sld [smem:$0x3FB4]  }
0x2c: {  	s7 =	sld [smem:$0x3FB5]  }
0x2d: {  	s3 =	simm.s32 $0x108;
	s8 =	sld [smem:$0x3FB6]  }
0x2e: {  	s3 =	simm.s32 @!p0 $0x1082;
	s9 =	sld [smem:$0x3FB7]  }
0x2f: {  	lr =	sadd.s32 s0, s3;
	s0 =	sld [smem:$0x3FAE]  }
0x30: {  	s3 =	sld [smem:$0x3FB1]  }
0x31: {  	[smem:$0x3FBA] =	sst s10  }
0x32: {  	s10 =	sld [smem:$0x3FB8];
	_ =	sdelay $0x3  }
0x33: {  	p0 =	seq.s32 s10, $0x1;
	s10 =	sld [smem:$0x3FBA];
	_ =	sdelay $0x3  }
0x34: {  	[smem:$0x3FBA] =	sst s10  }
0x35: {  	s10 =	sld [smem:$0x3FB9];
	_ =	sdelay $0x3  }
0x36: {  	p1 =	seq.s32 s10, $0x1;
	s10 =	sld [smem:$0x3FBA];
	_ =	sdelay $0x3  }
0x37: {  	[smem:$0x3FBA] =	sst s10  }
0x38: {  	s10 =	sld [smem:$0x3FBB]  }
0x39: {  	_ = 	snop;
	(pc) =	sbr.ind lr, $3  }
0x3a: {  	_ = 	snop  }
0x3b: {  	_ = 	snop  }
0x3c: {  	p2 =	seq.s32 s10, $0x1;
	s10 =	sld [smem:$0x3FBA]  }
0x3d: {  	_ =	shalt  }
0x3e: {  	_ =	shalt  }
0x3f: {  	_ =	shalt  }
0x40: {  	_ =	shalt  }
0x41: {  	_ =	shalt  }
0x42: {  	_ =	shalt  }
0x43: {  	_ =	shalt  }
0x44: {  	_ =	shalt  }
0x45: {  	_ =	shalt  }
0x46: {  	_ =	shalt  }
0x47: {  	_ =	shalt  }
0x48: {  	_ =	shalt  }
0x49: {  	_ =	shalt  }
0x4a: {  	_ =	shalt  }
0x4b: {  	_ =	shalt  }
0x4c: {  	_ =	shalt  }
0x4d: {  	_ =	shalt  }
0x4e: {  	_ =	shalt  }
0x4f: {  	_ =	shalt  }
0x50: {  	_ =	shalt  }
0x51: {  	_ =	shalt  }
0x52: {  	_ =	shalt  }
0x53: {  	_ =	shalt  }
0x54: {  	_ =	shalt  }
0x55: {  	_ =	shalt  }
0x56: {  	_ =	shalt  }
0x57: {  	_ =	shalt  }
0x58: {  	_ =	shalt  }
0x59: {  	_ =	shalt  }
0x5a: {  	_ =	shalt  }
0x5b: {  	_ =	shalt  }
0x5c: {  	_ =	shalt  }
0x5d: {  	_ =	shalt  }
0x5e: {  	_ =	shalt  }
0x5f: {  	_ =	shalt  }
0x60: {  	_ =	shalt  }
0x61: {  	_ =	shalt  }
0x62: {  	_ =	shalt  }
0x63: {  	_ =	shalt  }
0x64: {  	_ =	shalt  }
0x65: {  	_ =	shalt  }
0x66: {  	_ =	shalt  }
0x67: {  	_ =	shalt  }
0x68: {  	_ =	shalt  }
0x69: {  	_ =	shalt  }
0x6a: {  	_ =	shalt  }
0x6b: {  	_ =	shalt  }
0x6c: {  	_ =	shalt  }
0x6d: {  	_ =	shalt  }
0x6e: {  	_ =	shalt  }
0x6f: {  	_ =	shalt  }
0x70: {  	_ =	shalt  }
0x71: {  	_ =	shalt  }
0x72: {  	_ =	shalt  }
0x73: {  	_ =	shalt  }
0x74: {  	_ =	shalt  }
0x75: {  	_ =	shalt  }
0x76: {  	_ =	shalt  }
0x77: {  	_ =	shalt  }
0x78: {  	_ =	shalt  }
0x79: {  	_ =	shalt  }
0x7a: {  	_ =	shalt  }
0x7b: {  	_ =	shalt  }
0x7c: {  	_ =	shalt  }
0x7d: {  	_ =	shalt  }
0x7e: {  	_ =	shalt  }
0x7f: {  	_ =	shalt  }
0x80: {  	_ =	shalt  }
0x81: {  	_ =	shalt  }
0x82: {  	_ =	shalt  }
0x83: {  	_ =	shalt  }
0x84: {  	_ =	shalt  }
0x85: {  	_ =	shalt  }
0x86: {  	_ =	shalt  }
0x87: {  	_ =	shalt  }
.Lfunc_end0:
.L_simem_size_0:
called_computation_lowered:
.L_overlay_start_0:
0x88: {  	s2 =	sld [smem:$0x3FD9]  }
0x89: {  	s3 =	sld [smem:$0x3FFE];
	_ =	sdelay $0x1  }
0x8a: {  	s1 =	srdreg.scid  }
0x8b: {  	s0 =	sand.u32 $0x1, s1  }
0x8c: {  	s17 =	sshll.u32 s0, $0xA;
	s2 =	sadd.s32 s3, s2  }
0x8d: {  	s2 =	sadd.s32 s2, s17  }
0x8e: {  	[smem:$0x3FC6] =	sst s2  }
0x8f: {  	_ = 	snop  }
0x90: {  	s2 =	sld [smem:$0x3FC9]  }
0x91: {  	s18 =	sld [smem:$0x3FC8];
	(tm) =	ssettm $0x1  }
0x92: {  	s4 =	sld [smem:$0x3FFB];
	_ =	sdelay $0x3  }
0x93: {  	_ =	strace s4  }
0x94: {  	s4 =	sld [smem:$0x3FFC];
	_ =	sdelay $0x3  }
0x95: {  	_ =	strace s4  }
0x96: {  	s4 =	sld [smem:$0x3FFD];
	_ =	sdelay $0x3  }
0x97: {  	_ =	strace s4  }
0x98: {  	_ =	strace $0x8FFFFFFF  }
0x99: {  	s19 =	sld [smem:$0x3FDB];
	_ =	sdelay $0x1  }
0x9a: {  	s5 =	simm.s32 $_scs_section_size  }
0x9b: {  	s6 =	simm.s32 $_size__tile_overlayer_lowered;
	s7 =	simm.s32 $_tile_overlayer_lowered  }
0x9c: {  	s22 =	simm.s32 $0x1BFF;
	s21 =	sshll.u32 s7, $0x1;
	s4 =	sadd.s32 s5, s19  }
0x9d: {  	s8 =	simm.s32 $0x0;
	s20 =	sshll.u32 s6, $0x1;
	s6 =	sadd.s32 s21, s4  }
0x9e: {  	[timem:s8], [sflag:s22] =	dma.local [hbm:s6], s20  }
0x9f: {  	_ =	swait.ge [sflag:s22], s20  }
0xa0: {  	s5 =	ssub.s32 $0x0, s20;
	[sflag:s22] =	ssyncset.done $0x0  }
0xa1: {  	[sflag:s22] =	ssyncadd.s32 s5;
	_ =	sdelay $0x1  }
0xa2: {  	s23 =	simm.s32 $0x1B8B  }
0xa3: {  	_ =	swait.ge [sflag:s23], $0x1  }
0xa4: {  	[sflag:s23] =	ssyncset.done $0x0  }
0xa5: {  	s25 =	simm.s32 $0x1B8E;
	s24 =	sld [smem:$0x3FFE];
	[sflag:s23] =	ssyncadd.s32 $0xFFFFFFFF  }
0xa6: {  	s26 =	simm.s32 $execute0_lowered;
	[smem:$0x3FD2] =	sst s25  }
0xa7: {  	s6 =	sshll.u32 s26, $0x1;
	_ =	strace $0x80000046;
	[dreg:$0x1] =	wrdreg $0xFFFFFFFF  }
0xa8: {  	s28 =	simm.s32 $_size_execute0_lowered;
	s4 =	sadd.s32 s4, s6;
	[dreg:$0x0] =	wrdreg $0x0  }
0xa9: {  	s6 =	sshll.u32 s28, $0x1;
	[dreg:$0x2] =	wrdreg s4  }
0xaa: {  	[dreg:$0x3] =	wrdreg s6  }
0xab: {  	[dreg:$0x4] =	wrdreg $0xC0  }
0xac: {  	_ =	task [dreg:s8], $0x5FFFF  }
0xad: {  	[dreg:$0x1] =	wrdreg $0xFFFFFFFF  }
0xae: {  	[dreg:$0x0] =	wrdreg $0x60  }
0xaf: {  	[dreg:$0x2] =	wrdreg s2  }
0xb0: {  	[dreg:$0x3] =	wrdreg s18  }
0xb1: {  	[dreg:$0x4] =	wrdreg s24  }
0xb2: {  	[dreg:$0x5] =	wrdreg $0x9  }
0xb3: {  	_ =	task.clear_ibuf [dreg:s8], $0x6FFFF;
	_ =	strace $0x90000046  }
0xb4: {  	s29 =	simm.s32 $0x9;
	_ =	strace $0x80000048  }
0xb5: {  	_ =	swait.ge [sflag:s29], $0x1  }
0xb6: {  	[sflag:s29] =	ssyncadd.s32 $0xFFFFFFFF  }
0xb7: {  	_ =	strace $0x90000048  }
0xb8: {  	_ =	sfence  }
0xb9: {  	s30 =	sld [smem:$0x0];
	_ =	sdelay $0x2  }
0xba: {  	s31 =	sshll.u32 s1, $0xD;
	s1 =	sshrl.u32 s1, $0x2  }
0xbb: {  	s3 =	sand.u32 $0x4000, s31;
	s1 =	sadd.s32 s1, s30  }
0xbc: {  	s0 =	sor.u32 s3, s0;
	s1 =	sshll.u32 s1, $0x11  }
0xbd: {  	s0 =	sor.u32 s1, s0  }
0xbe: {  	s0 =	sadd.s32 $0x8F2B, s0  }
0xbf: {  	[sflag:s0] =	ssyncadd.remote.s32 $0x1  }
0xc0: {  	_ =	sfence.sel $0xFFFF  }
0xc1: {  	[dreg:$0x0] =	wrdreg $0xFFFFFFFF;
	(pc) =	sbr.abs _section_cstart, $3  }
0xc2: {  	[dreg:$0x1] =	wrdreg $0xFFFFFFFF  }
0xc3: {  	_ =	task.clear_ibuf [dreg:s8], $0x2FFFF;
	_ =	strace $0x9FFFFFFF  }
0xc4: {  	(tm) =	ssettm $0x7FFFFFFF  }
0xc5: {  	_ =	shalt  }
tec
execute0_lowered:
.L_overlay_start_1:
0x0: {  	(tag) =	ssettag $0x1  }
0x1: {  	s0 =	srdreg.scid  }
0x2: {  	s4 =	sand.u32 $0x1, s0  }
0x3: {  	s0 =	stileid.u32;
	s1 =	sshll.u32 s4, $0x4  }
0x4: {  	s6 =	sor.u32 s0, s1  }
0x5: {  	v4 =	vlaneseq.u32;
	vm0 =	vcmask $0x300;
	s13 =	sshll.u32 s6, $0x5  }
0x6: {  	vm1 =	vcmask $0x704;
	v3 =	vimm.s32 $0x6380;
	v0 =	vmov s13  }
0x7: {  	vm2 =	vcmask $0xB08;
	v3 =	vsel vm0, $0x4000, v3;
	v0 =	vshll.u32 v0, $0x3  }
0x8: {  	v3 =	vsel vm1, $0x4080, v3;
	v2 =	vand.u32 $0x7FFFFC00, v0;
	v0 =	vimm.s32 $0x2380  }
0x9: {  	vm3 =	vcmask $0xF0C;
	v3 =	vsel vm2, $0x4100, v3;
	v0 =	vsel vm0, $0x0, v0  }
0xa: {  	v5 =	vor.u32 $0x10, v4;
	v3 =	vsel vm3, $0x4180, v3;
	v0 =	vsel vm1, $0x80, v0  }
0xb: {  	v1 =	vor.u32 s13, v4;
	v5 =	vor.u32 s13, v5;
	v0 =	vsel vm2, $0x100, v0  }
0xc: {  	s5 =	rddreg [dreg:$0x1];
	v1 =	vand.u32 $0x6F, v1;
	vm0 =	vcmask $0x1310;
	v0 =	vsel vm3, $0x180, v0  }
0xd: {  	s7 =	rddreg [dreg:$0x2];
	v5 =	vand.u32 $0x7F, v5;
	vm1 =	vcmask $0x1714;
	v0 =	vsel vm0, $0x200, v0  }
0xe: {  	s2 =	rddreg [dreg:$0x3];
	s3 =	simm.s32 $0x0;
	v3 =	vsel vm0, $0x4200, v3;
	vm2 =	vcmask $0x1B18;
	v0 =	vsel vm1, $0x280, v0  }
0xf: {  	s11 =	simm.s32 $0x80;
	s12 =	simm.s32 $0x880;
	s14 =	simm.s32 $0x1880;
	v3 =	vsel vm1, $0x4280, v3;
	vm3 =	vcmask $0x1F1C;
	v0 =	vsel vm2, $0x300, v0  }
0x10: {  	s15 =	simm.s32 $0x2080;
	s16 =	simm.s32 $0x2880;
	s17 =	simm.s32 $0x3080;
	v3 =	vsel vm2, $0x4300, v3;
	vm0 =	vcmask $0x2320;
	v0 =	vsel vm3, $0x380, v0  }
0x11: {  	s18 =	simm.s32 $0x3880;
	s19 =	simm.s32 $0x4080;
	s20 =	simm.s32 $0x4880;
	v3 =	vsel vm3, $0x4380, v3;
	vm1 =	vcmask $0x2724;
	v0 =	vsel vm0, $0x2000, v0  }
0x12: {  	s21 =	simm.s32 $0x5080;
	s22 =	simm.s32 $0x5880;
	s23 =	simm.s32 $0x6080;
	v3 =	vsel vm0, $0x6000, v3;
	vm2 =	vcmask $0x2B28;
	v0 =	vsel vm1, $0x2080, v0  }
0x13: {  	s24 =	simm.s32 $0x6880;
	s25 =	simm.s32 $0x7080;
	s26 =	simm.s32 $0x7880;
	v3 =	vsel vm1, $0x6080, v3;
	vm3 =	vcmask $0x2F2C;
	v0 =	vsel vm2, $0x2100, v0  }
0x14: {  	s28 =	simm.s32 $0x8080;
	[smem:$0x7FF] =	sst s3;
	s4 =	ssub.s32 $0x2, s4;
	v3 =	vsel vm2, $0x6100, v3;
	vm0 =	vcmask $0x3330;
	v0 =	vsel vm3, $0x2180, v0  }
0x15: {  	s30 =	sshll.u32 s0, $0x4;
	s1 =	rddreg [dreg:$0x0];
	s8 =	sshrl.u32 s4, $0x1;
	v3 =	vsel vm3, $0x6180, v3;
	vm1 =	vcmask $0x3734;
	v0 =	vsel vm0, $0x2200, v0  }
0x16: {  	_ =	strace $0x80000047;
	s9 =	sshll.u32 s6, $0x2;
	s10 =	ssub.s32 s4, s8;
	v3 =	vsel vm0, $0x6200, v3;
	vm2 =	vcmask $0x3B38;
	v0 =	vsel vm1, $0x2280, v0  }
0x17: {  	s31 =	sshll.u32 s6, $0x4;
	s8 =	sand.u32 $0x70, s30;
	s6 =	sadd.s32 $0x200, s1;
	v1 =	vor.u32 v1, v2;
	v3 =	vsel vm1, $0x6280, v3;
	v0 =	vsel vm2, $0x2300, v0  }
0x18: {  	s4 =	sadd.s32 s5, s9;
	s5 =	sadd.s32 $0x100, s1;
	s9 =	sand.u32 $0x180, s31;
	v0 =	vadd.s32 v0, v1;
	v1 =	vor.u32 v5, v2;
	v2 =	vsel vm2, $0x6300, v3  }
0x19: {  	s8 =	sadd.s32 s7, s8;
	s7 =	sadd.s32 $0x300, s1;
	s13 =	simm.s32 $0x1080;
	vm0 =	vmmov $0xffff;
	v3 =	vshrl.u32 v4, $0x3;
	v1 =	vadd.s32 v2, v1  }
0x1a: {  	s8 =	sadd.s32 s9, s8;
	s9 =	smax.u32 s10, $0x1;
	s10 =	simm.s32 $0x1;
	v2 =	vand.u32 $0x7, v4;
	v3 =	vmul.u32 $0x8, v3;
	v4 =	vor.u32 $0x8, v4  }
.LBB2_1:
0x1b: {  	[tilespmem:s3], [sflag:$0x1] =	stream.linear.gather [hbm4b:s4+s3], $0x20, $0x38;
	[tilespmem:$0x8100] =	vst v63  }
0x1c: {  	_ =	swait.ge [sflag:s10], $0x20  }
0x1d: {  	[sflag:s10] =	ssyncset.done $0x0  }
0x1e: {  	[sflag:s10] =	ssyncadd.s32 $0xFFFFFFE0  }
0x1f: {  	v5 =	vld [tilespmem:$0x0];
	_ =	sdelay $0x4  }
0x20: {  	v6 =	vshll.u32 v5, $0x3  }
0x21: {  	v5 =	vand.u32 $0x7, v5;
	v6 =	vand.u32 $0xFFFFFFC0, v6  }
0x22: {  	v5 =	vor.u32 v5, v6  }
0x23: {  	v6 =	vperm.xlane v5, v2;
	_ =	sdelay $0x1  }
0x24: {  	v6 =	vadd.s32 v3, v6;
	_ =	sdelay $0x4  }
0x25: {  	[tilespmem:s11], [sflag:$0x1] =	stream.indirect_vreg.gather [hbm4b:s1+s3], $0x80, v6, vm0, $0xb8;
	[tilespmem:$0x8100] =	vst v63  }
0x26: {  	v5 =	vperm.xlane v5, v4  }
0x27: {  	[tilespmem:s12], [sflag:$0x1] =	stream.indirect_vreg.gather [hbm4b:s5+s3], $0x80, v6, vm0, $0xb8;
	[tilespmem:$0x8100] =	vst v63  }
0x28: {  	v5 =	vadd.s32 v3, v5  }
0x29: {  	[tilespmem:s13], [sflag:$0x1] =	stream.indirect_vreg.gather [hbm4b:s6+s3], $0x80, v6, vm0, $0xb8;
	[tilespmem:$0x8100] =	vst v63  }
0x2a: {  	_ = 	snop  }
0x2b: {  	[tilespmem:s14], [sflag:$0x1] =	stream.indirect_vreg.gather [hbm4b:s7+s3], $0x80, v6, vm0, $0xb8;
	[tilespmem:$0x8100] =	vst v63  }
0x2c: {  	_ = 	snop  }
0x2d: {  	[tilespmem:s15], [sflag:$0x1] =	stream.indirect_vreg.gather [hbm4b:s1+s3], $0x80, v5, vm0, $0xb8;
	[tilespmem:$0x8100] =	vst v63  }
0x2e: {  	_ = 	snop  }
0x2f: {  	[tilespmem:s16], [sflag:$0x1] =	stream.indirect_vreg.gather [hbm4b:s5+s3], $0x80, v5, vm0, $0xb8;
	[tilespmem:$0x8100] =	vst v63  }
0x30: {  	_ = 	snop  }
0x31: {  	[tilespmem:s17], [sflag:$0x1] =	stream.indirect_vreg.gather [hbm4b:s6+s3], $0x80, v5, vm0, $0xb8;
	[tilespmem:$0x8100] =	vst v63  }
0x32: {  	_ = 	snop  }
0x33: {  	[tilespmem:s18], [sflag:$0x1] =	stream.indirect_vreg.gather [hbm4b:s7+s3], $0x80, v5, vm0, $0xb8;
	[tilespmem:$0x8100] =	vst v63  }
0x34: {  	v5 =	vld [tilespmem:$0x10];
	_ =	sdelay $0x4  }
0x35: {  	v6 =	vshll.u32 v5, $0x3  }
0x36: {  	v5 =	vand.u32 $0x7, v5;
	v6 =	vand.u32 $0xFFFFFFC0, v6  }
0x37: {  	v5 =	vor.u32 v5, v6  }
0x38: {  	v6 =	vperm.xlane v5, v2;
	_ =	sdelay $0x1  }
0x39: {  	v6 =	vadd.s32 v3, v6;
	_ =	sdelay $0x4  }
0x3a: {  	[tilespmem:s19], [sflag:$0x1] =	stream.indirect_vreg.gather [hbm4b:s1+s3], $0x80, v6, vm0, $0xb8;
	[tilespmem:$0x8100] =	vst v63  }
0x3b: {  	v5 =	vperm.xlane v5, v4  }
0x3c: {  	[tilespmem:s20], [sflag:$0x1] =	stream.indirect_vreg.gather [hbm4b:s5+s3], $0x80, v6, vm0, $0xb8;
	[tilespmem:$0x8100] =	vst v63  }
0x3d: {  	v5 =	vadd.s32 v3, v5  }
0x3e: {  	[tilespmem:s21], [sflag:$0x1] =	stream.indirect_vreg.gather [hbm4b:s6+s3], $0x80, v6, vm0, $0xb8;
	[tilespmem:$0x8100] =	vst v63  }
0x3f: {  	_ = 	snop  }
0x40: {  	[tilespmem:s22], [sflag:$0x1] =	stream.indirect_vreg.gather [hbm4b:s7+s3], $0x80, v6, vm0, $0xb8;
	[tilespmem:$0x8100] =	vst v63  }
0x41: {  	_ = 	snop  }
0x42: {  	[tilespmem:s23], [sflag:$0x1] =	stream.indirect_vreg.gather [hbm4b:s1+s3], $0x80, v5, vm0, $0xb8;
	[tilespmem:$0x8100] =	vst v63  }
0x43: {  	_ = 	snop  }
0x44: {  	[tilespmem:s24], [sflag:$0x1] =	stream.indirect_vreg.gather [hbm4b:s5+s3], $0x80, v5, vm0, $0xb8;
	[tilespmem:$0x8100] =	vst v63  }
0x45: {  	_ = 	snop  }
0x46: {  	[tilespmem:s25], [sflag:$0x1] =	stream.indirect_vreg.gather [hbm4b:s6+s3], $0x80, v5, vm0, $0xb8;
	[tilespmem:$0x8100] =	vst v63  }
0x47: {  	_ = 	snop  }
0x48: {  	[tilespmem:s26], [sflag:$0x1] =	stream.indirect_vreg.gather [hbm4b:s7+s3], $0x80, v5, vm0, $0xb8;
	[tilespmem:$0x8100] =	vst v63  }
0x49: {  	_ =	swait.ge [sflag:s10], $0x8000  }
0x4a: {  	[sflag:s10] =	ssyncset.done $0x0  }
0x4b: {  	[sflag:s10] =	ssyncadd.s32 $0xFFFF8000  }
0x4c: {  	v5 =	vld.idx.msk [tilespmem:v0+s11+$0x0], $0xffff;
	_ =	sdelay $0x1  }
0x4d: {  	v6 =	vld.idx.msk [tilespmem:v1+s11+$0x0], $0xffff;
	_ =	sdelay $0x2  }
0x4e: {  	v5 =	vadd.f32 $0.0e+00, v5;
	_ =	sdelay $0x1  }
0x4f: {  	v5 =	vadd.f32 v6, v5;
	_ =	sdelay $0x1  }
0x50: {  	(xrf2) =	vadd.scan.msk.f32 $0xffff, v5;
	_ =	sdelay $0x9  }
0x51: {  	v5, _, _ =	vpop (xrf2)  }
0x52: {  	v5 =	vbroadcast v5, $0xF  }
0x53: {  	p0 =	sne.s32 s9, $0x1  }
.Ltmp0:
0x54: {  	[tilespmem:$0x8080] =	vst v5;
	(pc) =	sbr.rel @p0 .LBB2_1-.Ltmp0, $4  }
0x55: {  	[hbm4b:s8+s3] =	stream.linear.scatter [tilespmem:s28], [sflag:$0x1], $0x80, $0x38;
	[tilespmem:$0x8100] =	vst v63  }
0x56: {  	_ =	swait.ge [sflag:s10], $0x80  }
0x57: {  	[sflag:s10] =	ssyncset.done $0x0  }
0x58: {  	s9 =	sadd.s32 $0xFFFFFFFF, s9;
	[sflag:s10] =	ssyncadd.s32 $0xFFFFFF80  }
0x59: {  	_ =	sfence.sel $0x180000  }
0x5a: {  	[bflag:$0x0] =	sbarrier.arrive $0xFFFF  }
0x5b: {  	p0 =	sne.s32 s0, $0x0;
	_ =	strace $0x90000047  }
0x5c: {  	s0 =	sadd.s32 @!p0 $0x100000, s2;
	[bflag:$0x2] =	sbarrier.arrive $0xFFFF  }
0x5d: {  	[sflag:s0] =	ssyncadd.tile.s32 @!p0 $0x1;
	_ =	shalt  }
.Lfunc_end2:
_tile_overlayer_lowered:
.L_overlay_start_2:
0x5e: {  	(tag) =	ssettag $0x2  }
0x5f: {  	s0 =	rddreg [dreg:$0x0];
	s2 =	stileid.u32  }
0x60: {  	s1 =	rddreg [dreg:$0x1];
	p0 =	sne.s32 s2, $0x0  }
0x61: {  	s3 =	rddreg [dreg:$0x2];
	[bflag:$0x3] =	sbarrier.arrive $0xFFFF;
	s2 =	simm.s32 @!p0 $0x1C01  }
0x62: {  	[timem:s3], [sflag:s2] =	dma.local @!p0 [hbm:s0], s1  }
0x63: {  	s0 =	simm.s32 @!p0 $0x1  }
0x64: {  	_ =	swait.ge @!p0 [sflag:s0], s1  }
0x65: {  	s1 =	ssub.s32 @!p0 $0x0, s1;
	[sflag:s0] =	ssyncset.done @!p0 $0x0  }
0x66: {  	[sflag:s0] =	ssyncadd.s32 @!p0 s1  }
0x67: {  	[bflag:$0x3] =	sbarrier.arrive $0xFFFF  }
0x68: {  	_ =	shalt  }

</sc_bundles>
